<compile_context>
chip_gen: v7x
topology: tpu7x:2x2x1
jax: 0.10.2.dev20260603
libtpu: 0.0.44.dev20260713+nightly
codegen_flags: <defaults>
</compile_context>

<pallas_src>
import functools

import jax
import jax.numpy as jnp
from jax import lax
from jax.experimental import pallas as pl
from jax.experimental.pallas import tpu as pltpu
from jax.experimental.pallas import tpu_sc as plsc

N = 50000
DF = 70
DH = 32
DR = 16
EP = 811008
CHA = 384
CHR = 2112
NACC = 50048
NSC = 2
NTILE = 16
ZR = NACC // NTILE
EPT = EP // NTILE
EPW = EP // (NSC * NTILE)

_mesh = plsc.VectorSubcoreMesh(core_axis_name="c", subcore_axis_name="s")
_sc_params = pltpu.CompilerParams(use_tc_tiling_on_sc=False)


def _edge_pipeline(npairs, ch, ebase, srcp, dstp, table, idx_s, idx_d,
                   rows, acc, sems):
    semg = sems[:2]

    def load_idx(k, b):
        off = pl.multiple_of(ebase + k * ch, ch)
        pltpu.sync_copy(srcp.at[pl.ds(off, ch)], idx_s[b])
        pltpu.sync_copy(dstp.at[pl.ds(off, ch)], idx_d[b])

    def gdesc(b):
        return pltpu.make_async_copy(table.at[idx_s[b]], rows[b], semg[b])

    load_idx(0, 0)
    gdesc(0).start()

    def pair(i, carry):
        k0 = 2 * i
        load_idx(k0 + 1, 1)
        gdesc(0).wait()
        gdesc(1).start()
        pltpu.async_copy(rows[0], acc.at[idx_d[0]], sems[2],
                         add=True).wait()

        @pl.when(i < npairs - 1)
        def _():
            load_idx(k0 + 2, 0)
            gdesc(0).start()

        gdesc(1).wait()
        pltpu.async_copy(rows[1], acc.at[idx_d[1]], sems[3],
                         add=True).wait()
        return carry

    lax.fori_loop(0, npairs, pair, 0)


@functools.partial(
    pl.kernel,
    mesh=_mesh,
    out_type=jax.ShapeDtypeStruct((NSC, NACC, DH), jnp.float32),
    scratch_types=[
        [pltpu.VMEM((CHA,), jnp.int32)] * 2,
        [pltpu.VMEM((CHA,), jnp.int32)] * 2,
        [pltpu.VMEM((CHA, DH), jnp.float32)] * 2,
        pltpu.VMEM_SHARED((NACC, DH), jnp.float32),
        [pltpu.SemaphoreType.DMA] * 4,
    ],
    compiler_params=_sc_params,
)
def _sc_agg(h0, h1, srcp, dstp, zrows, out, idx_s, idx_d, rows, acc, sems):
    c = lax.axis_index("c")
    s = lax.axis_index("s")
    pltpu.sync_copy(zrows, acc.at[pl.ds(s * ZR, ZR)])
    plsc.subcore_barrier()
    ebase = s * EPT
    npairs = EPT // CHA // 2

    @pl.when(c == 0)
    def _():
        _edge_pipeline(npairs, CHA, ebase, srcp, dstp, h0,
                       idx_s, idx_d, rows, acc, sems)

    @pl.when(c == 1)
    def _():
        _edge_pipeline(npairs, CHA, ebase, srcp, dstp, h1,
                       idx_s, idx_d, rows, acc, sems)

    plsc.subcore_barrier()
    pltpu.sync_copy(acc.at[pl.ds(s * ZR, ZR)], out.at[c, pl.ds(s * ZR, ZR)])


@functools.partial(
    pl.kernel,
    mesh=_mesh,
    out_type=jax.ShapeDtypeStruct((NSC, NACC, DR), jnp.float32),
    scratch_types=[
        [pltpu.VMEM((CHR,), jnp.int32)] * 2,
        [pltpu.VMEM((CHR,), jnp.int32)] * 2,
        [pltpu.VMEM((CHR, DR), jnp.float32)] * 2,
        pltpu.VMEM_SHARED((NACC, DR), jnp.float32),
        [pltpu.SemaphoreType.DMA] * 4,
    ],
    compiler_params=_sc_params,
)
def _sc_rest(hr, srcp, dstp, zrows, out, idx_s, idx_d, rows, acc, sems):
    c = lax.axis_index("c")
    s = lax.axis_index("s")
    pltpu.sync_copy(zrows, acc.at[pl.ds(s * ZR, ZR)])
    plsc.subcore_barrier()
    ebase = (c * NTILE + s) * EPW
    _edge_pipeline(EPW // CHR // 2, CHR, ebase, srcp, dstp, hr,
                   idx_s, idx_d, rows, acc, sems)
    plsc.subcore_barrier()
    pltpu.sync_copy(acc.at[pl.ds(s * ZR, ZR)], out.at[c, pl.ds(s * ZR, ZR)])


@functools.partial(
    pl.kernel,
    mesh=_mesh,
    out_type=jax.ShapeDtypeStruct((NSC, NACC, 8), jnp.float32),
    scratch_types=[
        [pltpu.VMEM((CHR,), jnp.int32)] * 2,
        [pltpu.VMEM((CHR, 8), jnp.float32)] * 2,
        pltpu.VMEM_SHARED((NACC, 8), jnp.float32),
        [pltpu.SemaphoreType.DMA] * 4,
    ],
    compiler_params=_sc_params,
)
def _sc_aug(eap, dstp, zrows8, out, idx_d, rows, acc, sems):
    c = lax.axis_index("c")
    s = lax.axis_index("s")
    semgA, semgB, semsA, semsB = sems
    pltpu.sync_copy(zrows8, acc.at[pl.ds(s * ZR, ZR)])
    plsc.subcore_barrier()
    ebase = (c * NTILE + s) * EPW
    npairs = EPW // CHR // 2

    def load(k, b, sem):
        off = pl.multiple_of(ebase + k * CHR, CHR)
        pltpu.sync_copy(dstp.at[pl.ds(off, CHR)], idx_d[b])
        pltpu.async_copy(eap.at[pl.ds(off, CHR)], rows[b], sem)

    def lwait(b, sem):
        pltpu.make_async_copy(eap.at[pl.ds(0, CHR)], rows[b], sem).wait()

    load(0, 0, semgA)

    def pair(i, carry):
        k0 = 2 * i
        load(k0 + 1, 1, semgB)
        lwait(0, semgA)
        pltpu.async_copy(rows[0], acc.at[idx_d[0]], semsA, add=True).wait()

        @pl.when(i < npairs - 1)
        def _():
            load(k0 + 2, 0, semgA)

        lwait(1, semgB)
        pltpu.async_copy(rows[1], acc.at[idx_d[1]], semsB, add=True).wait()
        return carry

    lax.fori_loop(0, npairs, pair, 0)
    plsc.subcore_barrier()
    pltpu.sync_copy(acc.at[pl.ds(s * ZR, ZR)], out.at[c, pl.ds(s * ZR, ZR)])


_RB = 2000
_NBLK = N // _RB
_PREC = lax.Precision.HIGHEST


def _dot(a, b):
    return jnp.dot(a, b, precision=_PREC, preferred_element_type=jnp.float32)


def _z_block(h0, h1, hr, p, r, g, A0, A1, A2, B0, B1, B2, Wc, bU):
    pp = p[...]
    z = _dot(h0[...], A0[...]) + _dot(h1[...], A1[...])
    z += _dot(hr[...], A2[...])
    z += _dot(pp[0], B0[...]) + _dot(pp[1], B1[...])
    z += _dot(r[...][0] + r[...][1], B2[...])
    z += _dot(g[...][0] + g[...][1], Wc[...])
    return jnp.maximum(z + bU[...], 0.0)


def _upd_body(h0, h1, hr, p, r, g, A0, A1, A2, B0, B1, B2, Wc, bU,
              o0, o1, orr):
    h = _z_block(h0, h1, hr, p, r, g, A0, A1, A2, B0, B1, B2, Wc, bU)
    o0[...] = h[:, :DH]
    o1[...] = h[:, DH:2 * DH]
    orr[...] = jnp.concatenate(
        [h[:, 2 * DH:DF],
         jnp.zeros((h.shape[0], 2 * DH + DR - DF), jnp.float32)], axis=1)


def _final_body(h0, h1, hr, p, r, g, x, A0, A1, A2, B0, B1, B2, Wc, bU,
                Rh, Rx, bR, Wa, ba, Wb, bb, Wd, bd, Wo, bo, out, fm):
    i = pl.program_id(0)

    @pl.when(i == 0)
    def _():
        fm[...] = jnp.zeros_like(fm)

    h = _z_block(h0, h1, hr, p, r, g, A0, A1, A2, B0, B1, B2, Wc, bU)
    rr = _dot(h, Rh[...]) + _dot(x[...], Rx[...])
    rr = jnp.maximum(rr + bR[...], 0.0)
    fm[...] += jnp.sum(rr, axis=0, keepdims=True)

    @pl.when(i == _NBLK - 1)
    def _():
        t = jnp.maximum(_dot(fm[...], Wa[...]) + ba[...], 0.0)
        t = _dot(t, Wb[...]) + bb[...]
        t = jnp.maximum(_dot(t, Wd[...]) + bd[...], 0.0)
        out[...] = _dot(t, Wo[...]) + bo[...]


def _row_spec(cols):
    return pl.BlockSpec((_RB, cols), lambda i: (i, 0))


def _pair_spec(cols):
    return pl.BlockSpec((2, _RB, cols), lambda i: (0, i, 0))


def _full_spec(r, c):
    return pl.BlockSpec((r, c), lambda i: (0, 0))


_node_specs = [_row_spec(DH), _row_spec(DH), _row_spec(DR),
               _pair_spec(DH), _pair_spec(DR), _pair_spec(8)]
_w_specs = [_full_spec(DH, DF), _full_spec(DH, DF), _full_spec(DR, DF),
            _full_spec(DH, DF), _full_spec(DH, DF), _full_spec(DR, DF),
            _full_spec(8, DF), _full_spec(1, DF)]


def _tc_update(*args):
    return pl.pallas_call(
        _upd_body,
        grid=(_NBLK,),
        in_specs=_node_specs + _w_specs,
        out_specs=[_row_spec(DH), _row_spec(DH), _row_spec(DR)],
        out_shape=[jax.ShapeDtypeStruct((N, DH), jnp.float32),
                   jax.ShapeDtypeStruct((N, DH), jnp.float32),
                   jax.ShapeDtypeStruct((N, DR), jnp.float32)],
    )(*args)


def _tc_final(*args):
    specs = (_node_specs + [_row_spec(DF)] + _w_specs +
             [_full_spec(DF, 128), _full_spec(DF, 128), _full_spec(1, 128),
              _full_spec(128, 128), _full_spec(1, 128),
              _full_spec(128, 100), _full_spec(1, 100),
              _full_spec(100, 100), _full_spec(1, 100),
              _full_spec(100, 1), _full_spec(1, 1)])
    return pl.pallas_call(
        _final_body,
        grid=(_NBLK,),
        in_specs=specs,
        out_specs=pl.BlockSpec((1, 1), lambda i: (0, 0)),
        out_shape=jax.ShapeDtypeStruct((1, 1), jnp.float32),
        scratch_shapes=[pltpu.VMEM((1, 128), jnp.float32)],
    )(*args)


def kernel(x, edge_index, edge_attr, W_V, b_V, W_E, b_E, W_U, b_U, W_R, b_R,
           W_h1, b_h1, W_h2, b_h2, W_hid, b_hid, W_out, b_out):
    f32 = jnp.float32
    E = edge_index.shape[1]
    dst = edge_index[0]
    src = edge_index[1]
    pad = EP - E
    srcp = jnp.concatenate([src, jnp.zeros((pad,), jnp.int32)])
    dstp = jnp.concatenate([dst, jnp.full((pad,), N, jnp.int32)])
    eap = jnp.concatenate(
        [edge_attr, jnp.ones((E, 1), f32), jnp.zeros((E, 1), f32)], axis=1)
    eap = jnp.concatenate([eap, jnp.zeros((pad, 8), f32)], axis=0)

    W1 = W_U[0:DF]
    W2 = W_V @ W_U[DF:2 * DF]
    rpad = ((0, 2 * DH + DR - DF), (0, 0))
    A0, A1, A2 = W1[0:DH], W1[DH:2 * DH], jnp.pad(W1[2 * DH:DF], rpad)
    B0, B1, B2 = W2[0:DH], W2[DH:2 * DH], jnp.pad(W2[2 * DH:DF], rpad)
    Wc = jnp.concatenate(
        [W_E @ W_U[2 * DF:2 * DF + 6],
         (b_V @ W_U[DF:2 * DF] + b_E @ W_U[2 * DF:2 * DF + 6])[None, :],
         jnp.zeros((1, DF), f32)], axis=0)
    bU = b_U[None, :]
    Rh, Rx, bR = W_R[0:DF], W_R[DF:2 * DF], b_R[None, :]
    ba, bb, bd = b_h1[None, :], b_h2[None, :], b_hid[None, :]
    bo = b_out[None, :]

    zeros32 = jnp.zeros((ZR, DH), f32)
    zeros16 = jnp.zeros((ZR, DR), f32)
    zeros8 = jnp.zeros((ZR, 8), f32)

    g = _sc_aug(eap, dstp, zeros8)

    cpad = ((0, 0), (0, 2 * DH + DR - DF))
    h0 = x[:, :DH]
    h1 = x[:, DH:2 * DH]
    hr = jnp.pad(x[:, 2 * DH:DF], cpad)
    for step in range(3):
        P = _sc_agg(h0, h1, srcp, dstp, zeros32)
        R = _sc_rest(hr, srcp, dstp, zeros16)
        node_args = (h0, h1, hr, P, R, g)
        w_args = (A0, A1, A2, B0, B1, B2, Wc, bU)
        if step < 2:
            h0, h1, hr = _tc_update(*node_args, *w_args)
        else:
            out = _tc_final(h0, h1, hr, P, R, g, x, *w_args,
                            Rh, Rx, bR, W_h1, ba, W_h2, bb,
                            W_hid, bd, W_out, bo)
    return out.reshape((1,))

# --- scband reference (transcript-rebuilt; emitter-appended) ---
"""Pipeline reference for scband-mpnn-20684562498181 (READ-ONLY COPY).

The authoritative reference and input builder live on the scoring server;
editing this copy changes nothing except your own understanding.
"""

import jax, jax.numpy as jnp
import numpy as np

N = 50000
E = 800000
DF = 70   # n_atom_feats
DE = 6    # bond feature dim fed to self.E
DB = 146  # n_bond_feats = 70 + 70 + 6 (cat input to U)
T = 3


def _linear_params(key, fan_in, fan_out):
    k1, k2 = jax.random.split(key)
    bound = 1.0 / np.sqrt(fan_in)
    W = jax.random.uniform(k1, (fan_in, fan_out), minval=-bound, maxval=bound, dtype=jnp.float32)
    b = jax.random.uniform(k2, (fan_out,), minval=-bound, maxval=bound, dtype=jnp.float32)
    return W, b


def setup_inputs(seed: int = 0) -> dict:
    key = jax.random.key(seed)
    ks = jax.random.split(key, 12)
    inp = {}
    inp["x"] = jax.random.normal(ks[0], (N, DF), dtype=jnp.float32)
    inp["edge_index"] = jax.random.randint(ks[1], (2, E), 0, N, dtype=jnp.int32)
    inp["edge_attr"] = jax.random.normal(ks[2], (E, DE), dtype=jnp.float32)
    # Learned parameters. Note: nn.ModuleList([Linear]*T) aliases ONE Linear across
    # all T steps, so V and U each have a single shared weight set.
    inp["W_V"], inp["b_V"] = _linear_params(ks[3], DF, DF)        # V: 70 -> 70
    inp["W_E"], inp["b_E"] = _linear_params(ks[4], DE, DE)        # E: 6 -> 6
    inp["W_U"], inp["b_U"] = _linear_params(ks[5], DB, DF)        # U: 146 -> 70
    inp["W_R"], inp["b_R"] = _linear_params(ks[6], 140, 128)      # R: 140 -> 128
    inp["W_h1"], inp["b_h1"] = _linear_params(ks[7], 128, 128)    # shared_hidden1
    inp["W_h2"], inp["b_h2"] = _linear_params(ks[8], 128, 100)    # shared_hidden2
    inp["W_hid"], inp["b_hid"] = _linear_params(ks[9], 100, 100)  # hidden_layer (n_tasks=1)
    inp["W_out"], inp["b_out"] = _linear_params(ks[10], 100, 1)   # output_layer
    return inp


def reference(x, edge_index, edge_attr,
              W_V, b_V, W_E, b_E, W_U, b_U, W_R, b_R,
              W_h1, b_h1, W_h2, b_h2, W_hid, b_hid, W_out, b_out):
    dst = edge_index[0]  # node v receiving messages
    src = edge_index[1]  # neighbor w sending messages
    h2 = x
    h = x
    # T rounds of message passing (V, E, U weights are shared across rounds,
    # matching the [Linear]*T aliasing in the torch module). The per-neighbor
    # sequential dict update is vectorized with gather + scatter-add (segment_sum).
    for _ in range(T):
        m_w = jnp.take(h, src, axis=0) @ W_V + b_V          # [E, 70] gather + V
        m_e = edge_attr @ W_E + b_E                          # [E, 6]  E(e_vw)
        agg_w = jax.ops.segment_sum(m_w, dst, num_segments=N)
        agg_e = jax.ops.segment_sum(m_e, dst, num_segments=N)
        z = jnp.concatenate([h, agg_w, agg_e], axis=1)       # [N, 146]
        h = jax.nn.relu(z @ W_U + b_U)                       # [N, 70]
    # readout: per-node cat(h[v], h2[v]) -> R -> ReLU, summed over all nodes
    catted = jnp.concatenate([h, h2], axis=1)                # [N, 140]
    feature_map = jnp.sum(jax.nn.relu(catted @ W_R + b_R), axis=0)  # [128]
    t = jax.nn.relu(jax.nn.relu(feature_map @ W_h1 + b_h1))
    t = t @ W_h2 + b_h2
    t = jax.nn.relu(t @ W_hid + b_hid)
    out = t @ W_out + b_out                                  # [1] (n_tasks=1)
    return out

if __name__ == "__main__":
    import jax
    _d = setup_inputs()
    print(jax.jit(kernel)(*tuple(_d.values())))

</pallas_src>

<mosaic_0001>
#map = affine_map<(d0, d1) -> (0, 0)>
#map1 = affine_map<(d0, d1) -> (0)>
#map2 = affine_map<(d0, d1) -> (0, 0, 0)>
module attributes {stable_mosaic.version = 14 : i64} {
  func.func @_sc_rest(%arg0: i32, %arg1: i32, %arg2: memref<50000x16xf32, #tpu.memory_space<hbm>>, %arg3: memref<811008xi32, #tpu.memory_space<hbm>>, %arg4: memref<811008xi32, #tpu.memory_space<hbm>>, %arg5: memref<3128x16xf32, #tpu.memory_space<hbm>>, %arg6: memref<2x50048x16xf32, #tpu.memory_space<hbm>>, %arg7: memref<2112xi32, #tpu.memory_space<vmem>>, %arg8: memref<2112xi32, #tpu.memory_space<vmem>>, %arg9: memref<2112xi32, #tpu.memory_space<vmem>>, %arg10: memref<2112xi32, #tpu.memory_space<vmem>>, %arg11: memref<2112x16xf32, #tpu.memory_space<vmem>>, %arg12: memref<2112x16xf32, #tpu.memory_space<vmem>>, %arg13: memref<50048x16xf32, #tpu.memory_space<vmem_shared>>, %arg14: memref<!tpu.dma_semaphore, #tpu.memory_space<semaphore_mem>>, %arg15: memref<!tpu.dma_semaphore, #tpu.memory_space<semaphore_mem>>, %arg16: memref<!tpu.dma_semaphore, #tpu.memory_space<semaphore_mem>>, %arg17: memref<!tpu.dma_semaphore, #tpu.memory_space<semaphore_mem>>) attributes {dimension_semantics = [#tpu.dimension_semantics<core_parallel>, #tpu.dimension_semantics<subcore_parallel>], iteration_bounds = array<i64: 2, 16>, scalar_prefetch = 0 : i64, scratch_operands = 11 : i64, tpu.core_type = #tpu.core_type<sc_vector_subcore>, window_params = [{transform_indices = #map}, {transform_indices = #map1}, {transform_indices = #map1}, {transform_indices = #map}, {transform_indices = #map2}]} {
    %mul3A = arith.constant 3128 : i32
    %mul3A_0 = arith.muli %arg1, %mul3A : i32
    "tpu.region"() ({
      %run_scoped3A = tpu.sem_alloc : memref<!tpu.dma_semaphore, #tpu.memory_space<semaphore_mem>>
      %dma_start3A_19 = arith.constant 0 : i32
      %dma_start3A_20 = tpu.memref_slice %arg13[%mul3A_0, %dma_start3A_19] : memref<50048x16xf32, #tpu.memory_space<vmem_shared>> -> memref<3128x16xf32, #tpu.memory_space<vmem_shared>>
      tpu.enqueue_dma source(%arg5 : memref<3128x16xf32, #tpu.memory_space<hbm>>) target(%dma_start3A_20 : memref<3128x16xf32, #tpu.memory_space<vmem_shared>>) target_semaphore(%run_scoped3A : memref<!tpu.dma_semaphore, #tpu.memory_space<semaphore_mem>>)
      %dma_wait3A = arith.constant 0 : i32
      %dma_wait3A_21 = tpu.memref_slice %arg13[%mul3A_0, %dma_wait3A] : memref<50048x16xf32, #tpu.memory_space<vmem_shared>> -> memref<3128x16xf32, #tpu.memory_space<vmem_shared>>
      tpu.wait_dma2 semaphore(%run_scoped3A : memref<!tpu.dma_semaphore, #tpu.memory_space<semaphore_mem>>) src(%arg5 : memref<3128x16xf32, #tpu.memory_space<hbm>>) dst(%dma_wait3A_21 : memref<3128x16xf32, #tpu.memory_space<vmem_shared>>)
      tpu.yield
    }) : () -> ()
    %barrier3A = arith.constant 0 : index
    tpu.barrier barrier_id(%barrier3A)
    %mul3A_1 = arith.constant 16 : i32
    %mul3A_2 = arith.muli %arg0, %mul3A_1 : i32
    %add3A = arith.addi %mul3A_2, %arg1 : i32
    %mul3A_3 = arith.constant 25344 : i32
    %mul3A_4 = arith.muli %add3A, %mul3A_3 : i32
    %add3A_5 = arith.constant 0 : i32
    %add3A_6 = arith.addi %mul3A_4, %add3A_5 : i32
    %multiple_of3A = tpu.assume_multiple %add3A_6, 2112 : i32
    "tpu.region"() ({
      %run_scoped3A = tpu.sem_alloc : memref<!tpu.dma_semaphore, #tpu.memory_space<semaphore_mem>>
      %dma_start3A_19 = tpu.memref_slice %arg3[%multiple_of3A] : memref<811008xi32, #tpu.memory_space<hbm>> -> memref<2112xi32, #tpu.memory_space<hbm>>
      %dma_start3A_20 = tpu.memref_slice %arg3[%multiple_of3A] : memref<811008xi32, #tpu.memory_space<hbm>> -> memref<2112xi32, #tpu.memory_space<hbm>>
      tpu.enqueue_dma source(%dma_start3A_20 : memref<2112xi32, #tpu.memory_space<hbm>>) target(%arg7 : memref<2112xi32, #tpu.memory_space<vmem>>) target_semaphore(%run_scoped3A : memref<!tpu.dma_semaphore, #tpu.memory_space<semaphore_mem>>)
      %dma_wait3A = tpu.memref_slice %arg3[%multiple_of3A] : memref<811008xi32, #tpu.memory_space<hbm>> -> memref<2112xi32, #tpu.memory_space<hbm>>
      %dma_wait3A_21 = tpu.memref_slice %arg3[%multiple_of3A] : memref<811008xi32, #tpu.memory_space<hbm>> -> memref<2112xi32, #tpu.memory_space<hbm>>
      tpu.wait_dma2 semaphore(%run_scoped3A : memref<!tpu.dma_semaphore, #tpu.memory_space<semaphore_mem>>) src(%dma_wait3A_21 : memref<2112xi32, #tpu.memory_space<hbm>>) dst(%arg7 : memref<2112xi32, #tpu.memory_space<vmem>>)
      tpu.yield
    }) : () -> ()
    "tpu.region"() ({
      %run_scoped3A = tpu.sem_alloc : memref<!tpu.dma_semaphore, #tpu.memory_space<semaphore_mem>>
      %dma_start3A_19 = tpu.memref_slice %arg4[%multiple_of3A] : memref<811008xi32, #tpu.memory_space<hbm>> -> memref<2112xi32, #tpu.memory_space<hbm>>
      %dma_start3A_20 = tpu.memref_slice %arg4[%multiple_of3A] : memref<811008xi32, #tpu.memory_space<hbm>> -> memref<2112xi32, #tpu.memory_space<hbm>>
      tpu.enqueue_dma source(%dma_start3A_20 : memref<2112xi32, #tpu.memory_space<hbm>>) target(%arg9 : memref<2112xi32, #tpu.memory_space<vmem>>) target_semaphore(%run_scoped3A : memref<!tpu.dma_semaphore, #tpu.memory_space<semaphore_mem>>)
      %dma_wait3A = tpu.memref_slice %arg4[%multiple_of3A] : memref<811008xi32, #tpu.memory_space<hbm>> -> memref<2112xi32, #tpu.memory_space<hbm>>
      %dma_wait3A_21 = tpu.memref_slice %arg4[%multiple_of3A] : memref<811008xi32, #tpu.memory_space<hbm>> -> memref<2112xi32, #tpu.memory_space<hbm>>
      tpu.wait_dma2 semaphore(%run_scoped3A : memref<!tpu.dma_semaphore, #tpu.memory_space<semaphore_mem>>) src(%dma_wait3A_21 : memref<2112xi32, #tpu.memory_space<hbm>>) dst(%arg9 : memref<2112xi32, #tpu.memory_space<vmem>>)
      tpu.yield
    }) : () -> ()
    %dma_start3A = arith.constant 0 : i32
    %dma_start3A_7 = arith.constant 0 : i32
    %dma_start3A_8 = tpu.memref_slice %arg2[%dma_start3A, %dma_start3A_7] : memref<50000x16xf32, #tpu.memory_space<hbm>> -> memref<50000x16xf32, #tpu.memory_space<hbm>>
    tpu.enqueue_indirect_dma source(%dma_start3A_8 : memref<50000x16xf32, #tpu.memory_space<hbm>>) target(%arg11 : memref<2112x16xf32, #tpu.memory_space<vmem>>) offsets(%arg7 : memref<2112xi32, #tpu.memory_space<vmem>>) semaphore(%arg14 : memref<!tpu.dma_semaphore, #tpu.memory_space<semaphore_mem>>)
    %scan3A = arith.constant 0 : i32
    %scan3A_9 = arith.constant 0 : i32
    %scan3A_10 = arith.constant 6 : i32
    %scan3A_11 = arith.addi %scan3A_9, %scan3A_10 : i32
    %scan3A_12 = arith.constant 1 : i32
    scf.for %scan3A_19 = %scan3A_9 to %scan3A_11 step %scan3A_12  : i32 {
      %mul3A_20 = arith.constant 2 : i32
      %mul3A_21 = arith.muli %mul3A_20, %scan3A_19 : i32
      %add3A_22 = arith.constant 1 : i32
      %add3A_23 = arith.addi %mul3A_21, %add3A_22 : i32
      %mul3A_24 = arith.constant 2112 : i32
      %mul3A_25 = arith.muli %add3A_23, %mul3A_24 : i32
      %add3A_26 = arith.addi %mul3A_4, %mul3A_25 : i32
      %multiple_of3A_27 = tpu.assume_multiple %add3A_26, 2112 : i32
      "tpu.region"() ({
        %run_scoped3A = tpu.sem_alloc : memref<!tpu.dma_semaphore, #tpu.memory_space<semaphore_mem>>
        %dma_start3A_50 = tpu.memref_slice %arg3[%multiple_of3A_27] : memref<811008xi32, #tpu.memory_space<hbm>> -> memref<2112xi32, #tpu.memory_space<hbm>>
        %dma_start3A_51 = tpu.memref_slice %arg3[%multiple_of3A_27] : memref<811008xi32, #tpu.memory_space<hbm>> -> memref<2112xi32, #tpu.memory_space<hbm>>
        tpu.enqueue_dma source(%dma_start3A_51 : memref<2112xi32, #tpu.memory_space<hbm>>) target(%arg8 : memref<2112xi32, #tpu.memory_space<vmem>>) target_semaphore(%run_scoped3A : memref<!tpu.dma_semaphore, #tpu.memory_space<semaphore_mem>>)
        %dma_wait3A_52 = tpu.memref_slice %arg3[%multiple_of3A_27] : memref<811008xi32, #tpu.memory_space<hbm>> -> memref<2112xi32, #tpu.memory_space<hbm>>
        %dma_wait3A_53 = tpu.memref_slice %arg3[%multiple_of3A_27] : memref<811008xi32, #tpu.memory_space<hbm>> -> memref<2112xi32, #tpu.memory_space<hbm>>
        tpu.wait_dma2 semaphore(%run_scoped3A : memref<!tpu.dma_semaphore, #tpu.memory_space<semaphore_mem>>) src(%dma_wait3A_53 : memref<2112xi32, #tpu.memory_space<hbm>>) dst(%arg8 : memref<2112xi32, #tpu.memory_space<vmem>>)
        tpu.yield
      }) : () -> ()
      "tpu.region"() ({
        %run_scoped3A = tpu.sem_alloc : memref<!tpu.dma_semaphore, #tpu.memory_space<semaphore_mem>>
        %dma_start3A_50 = tpu.memref_slice %arg4[%multiple_of3A_27] : memref<811008xi32, #tpu.memory_space<hbm>> -> memref<2112xi32, #tpu.memory_space<hbm>>
        %dma_start3A_51 = tpu.memref_slice %arg4[%multiple_of3A_27] : memref<811008xi32, #tpu.memory_space<hbm>> -> memref<2112xi32, #tpu.memory_space<hbm>>
        tpu.enqueue_dma source(%dma_start3A_51 : memref<2112xi32, #tpu.memory_space<hbm>>) target(%arg10 : memref<2112xi32, #tpu.memory_space<vmem>>) target_semaphore(%run_scoped3A : memref<!tpu.dma_semaphore, #tpu.memory_space<semaphore_mem>>)
        %dma_wait3A_52 = tpu.memref_slice %arg4[%multiple_of3A_27] : memref<811008xi32, #tpu.memory_space<hbm>> -> memref<2112xi32, #tpu.memory_space<hbm>>
        %dma_wait3A_53 = tpu.memref_slice %arg4[%multiple_of3A_27] : memref<811008xi32, #tpu.memory_space<hbm>> -> memref<2112xi32, #tpu.memory_space<hbm>>
        tpu.wait_dma2 semaphore(%run_scoped3A : memref<!tpu.dma_semaphore, #tpu.memory_space<semaphore_mem>>) src(%dma_wait3A_53 : memref<2112xi32, #tpu.memory_space<hbm>>) dst(%arg10 : memref<2112xi32, #tpu.memory_space<vmem>>)
        tpu.yield
      }) : () -> ()
      %dma_wait3A = arith.constant 0 : i32
      %dma_wait3A_28 = arith.constant 0 : i32
      %dma_wait3A_29 = tpu.memref_slice %arg2[%dma_wait3A, %dma_wait3A_28] : memref<50000x16xf32, #tpu.memory_space<hbm>> -> memref<50000x16xf32, #tpu.memory_space<hbm>>
      tpu.wait_indirect_dma semaphore(%arg14 : memref<!tpu.dma_semaphore, #tpu.memory_space<semaphore_mem>>) src(%dma_wait3A_29 : memref<50000x16xf32, #tpu.memory_space<hbm>>) dst(%arg11 : memref<2112x16xf32, #tpu.memory_space<vmem>>)
      %dma_start3A_30 = arith.constant 0 : i32
      %dma_start3A_31 = arith.constant 0 : i32
      %dma_start3A_32 = tpu.memref_slice %arg2[%dma_start3A_30, %dma_start3A_31] : memref<50000x16xf32, #tpu.memory_space<hbm>> -> memref<50000x16xf32, #tpu.memory_space<hbm>>
      tpu.enqueue_indirect_dma source(%dma_start3A_32 : memref<50000x16xf32, #tpu.memory_space<hbm>>) target(%arg12 : memref<2112x16xf32, #tpu.memory_space<vmem>>) offsets(%arg8 : memref<2112xi32, #tpu.memory_space<vmem>>) semaphore(%arg15 : memref<!tpu.dma_semaphore, #tpu.memory_space<semaphore_mem>>)
      %dma_start3A_33 = arith.constant 0 : i32
      %dma_start3A_34 = arith.constant 0 : i32
      %dma_start3A_35 = tpu.memref_slice %arg13[%dma_start3A_33, %dma_start3A_34] : memref<50048x16xf32, #tpu.memory_space<vmem_shared>> -> memref<50048x16xf32, #tpu.memory_space<vmem_shared>>
      tpu.enqueue_indirect_dma source(%arg11 : memref<2112x16xf32, #tpu.memory_space<vmem>>) target(%dma_start3A_35 : memref<50048x16xf32, #tpu.memory_space<vmem_shared>>) offsets(%arg9 : memref<2112xi32, #tpu.memory_space<vmem>>) semaphore(%arg16 : memref<!tpu.dma_semaphore, #tpu.memory_space<semaphore_mem>>) {add = true}
      %dma_wait3A_36 = arith.constant 0 : i32
      %dma_wait3A_37 = arith.constant 0 : i32
      %dma_wait3A_38 = tpu.memref_slice %arg13[%dma_wait3A_36, %dma_wait3A_37] : memref<50048x16xf32, #tpu.memory_space<vmem_shared>> -> memref<50048x16xf32, #tpu.memory_space<vmem_shared>>
      tpu.wait_indirect_dma semaphore(%arg16 : memref<!tpu.dma_semaphore, #tpu.memory_space<semaphore_mem>>) src(%arg11 : memref<2112x16xf32, #tpu.memory_space<vmem>>) dst(%dma_wait3A_38 : memref<50048x16xf32, #tpu.memory_space<vmem_shared>>)
      %lt3A = arith.constant 5 : i32
      %lt3A_39 = arith.cmpi slt, %scan3A_19, %lt3A : i32
      %convert_element_type3A = arith.extui %lt3A_39 : i1 to i32
      %cond3A = arith.constant 0 : i32
      %cond3A_40 = arith.cmpi ne, %convert_element_type3A, %cond3A : i32
      scf.if %cond3A_40 {
        %add3A_50 = arith.constant 2 : i32
        %add3A_51 = arith.addi %mul3A_21, %add3A_50 : i32
        %mul3A_52 = arith.constant 2112 : i32
        %mul3A_53 = arith.muli %add3A_51, %mul3A_52 : i32
        %add3A_54 = arith.addi %mul3A_4, %mul3A_53 : i32
        %multiple_of3A_55 = tpu.assume_multiple %add3A_54, 2112 : i32
        "tpu.region"() ({
          %run_scoped3A = tpu.sem_alloc : memref<!tpu.dma_semaphore, #tpu.memory_space<semaphore_mem>>
          %dma_start3A_59 = tpu.memref_slice %arg3[%multiple_of3A_55] : memref<811008xi32, #tpu.memory_space<hbm>> -> memref<2112xi32, #tpu.memory_space<hbm>>
          %dma_start3A_60 = tpu.memref_slice %arg3[%multiple_of3A_55] : memref<811008xi32, #tpu.memory_space<hbm>> -> memref<2112xi32, #tpu.memory_space<hbm>>
          tpu.enqueue_dma source(%dma_start3A_60 : memref<2112xi32, #tpu.memory_space<hbm>>) target(%arg7 : memref<2112xi32, #tpu.memory_space<vmem>>) target_semaphore(%run_scoped3A : memref<!tpu.dma_semaphore, #tpu.memory_space<semaphore_mem>>)
          %dma_wait3A_61 = tpu.memref_slice %arg3[%multiple_of3A_55] : memref<811008xi32, #tpu.memory_space<hbm>> -> memref<2112xi32, #tpu.memory_space<hbm>>
          %dma_wait3A_62 = tpu.memref_slice %arg3[%multiple_of3A_55] : memref<811008xi32, #tpu.memory_space<hbm>> -> memref<2112xi32, #tpu.memory_space<hbm>>
          tpu.wait_dma2 semaphore(%run_scoped3A : memref<!tpu.dma_semaphore, #tpu.memory_space<semaphore_mem>>) src(%dma_wait3A_62 : memref<2112xi32, #tpu.memory_space<hbm>>) dst(%arg7 : memref<2112xi32, #tpu.memory_space<vmem>>)
          tpu.yield
        }) : () -> ()
        "tpu.region"() ({
          %run_scoped3A = tpu.sem_alloc : memref<!tpu.dma_semaphore, #tpu.memory_space<semaphore_mem>>
          %dma_start3A_59 = tpu.memref_slice %arg4[%multiple_of3A_55] : memref<811008xi32, #tpu.memory_space<hbm>> -> memref<2112xi32, #tpu.memory_space<hbm>>
          %dma_start3A_60 = tpu.memref_slice %arg4[%multiple_of3A_55] : memref<811008xi32, #tpu.memory_space<hbm>> -> memref<2112xi32, #tpu.memory_space<hbm>>
          tpu.enqueue_dma source(%dma_start3A_60 : memref<2112xi32, #tpu.memory_space<hbm>>) target(%arg9 : memref<2112xi32, #tpu.memory_space<vmem>>) target_semaphore(%run_scoped3A : memref<!tpu.dma_semaphore, #tpu.memory_space<semaphore_mem>>)
          %dma_wait3A_61 = tpu.memref_slice %arg4[%multiple_of3A_55] : memref<811008xi32, #tpu.memory_space<hbm>> -> memref<2112xi32, #tpu.memory_space<hbm>>
          %dma_wait3A_62 = tpu.memref_slice %arg4[%multiple_of3A_55] : memref<811008xi32, #tpu.memory_space<hbm>> -> memref<2112xi32, #tpu.memory_space<hbm>>
          tpu.wait_dma2 semaphore(%run_scoped3A : memref<!tpu.dma_semaphore, #tpu.memory_space<semaphore_mem>>) src(%dma_wait3A_62 : memref<2112xi32, #tpu.memory_space<hbm>>) dst(%arg9 : memref<2112xi32, #tpu.memory_space<vmem>>)
          tpu.yield
        }) : () -> ()
        %dma_start3A_56 = arith.constant 0 : i32
        %dma_start3A_57 = arith.constant 0 : i32
        %dma_start3A_58 = tpu.memref_slice %arg2[%dma_start3A_56, %dma_start3A_57] : memref<50000x16xf32, #tpu.memory_space<hbm>> -> memref<50000x16xf32, #tpu.memory_space<hbm>>
        tpu.enqueue_indirect_dma source(%dma_start3A_58 : memref<50000x16xf32, #tpu.memory_space<hbm>>) target(%arg11 : memref<2112x16xf32, #tpu.memory_space<vmem>>) offsets(%arg7 : memref<2112xi32, #tpu.memory_space<vmem>>) semaphore(%arg14 : memref<!tpu.dma_semaphore, #tpu.memory_space<semaphore_mem>>)
      } else {
      }
      %dma_wait3A_41 = arith.constant 0 : i32
      %dma_wait3A_42 = arith.constant 0 : i32
      %dma_wait3A_43 = tpu.memref_slice %arg2[%dma_wait3A_41, %dma_wait3A_42] : memref<50000x16xf32, #tpu.memory_space<hbm>> -> memref<50000x16xf32, #tpu.memory_space<hbm>>
      tpu.wait_indirect_dma semaphore(%arg15 : memref<!tpu.dma_semaphore, #tpu.memory_space<semaphore_mem>>) src(%dma_wait3A_43 : memref<50000x16xf32, #tpu.memory_space<hbm>>) dst(%arg12 : memref<2112x16xf32, #tpu.memory_space<vmem>>)
      %dma_start3A_44 = arith.constant 0 : i32
      %dma_start3A_45 = arith.constant 0 : i32
      %dma_start3A_46 = tpu.memref_slice %arg13[%dma_start3A_44, %dma_start3A_45] : memref<50048x16xf32, #tpu.memory_space<vmem_shared>> -> memref<50048x16xf32, #tpu.memory_space<vmem_shared>>
      tpu.enqueue_indirect_dma source(%arg12 : memref<2112x16xf32, #tpu.memory_space<vmem>>) target(%dma_start3A_46 : memref<50048x16xf32, #tpu.memory_space<vmem_shared>>) offsets(%arg10 : memref<2112xi32, #tpu.memory_space<vmem>>) semaphore(%arg17 : memref<!tpu.dma_semaphore, #tpu.memory_space<semaphore_mem>>) {add = true}
      %dma_wait3A_47 = arith.constant 0 : i32
      %dma_wait3A_48 = arith.constant 0 : i32
      %dma_wait3A_49 = tpu.memref_slice %arg13[%dma_wait3A_47, %dma_wait3A_48] : memref<50048x16xf32, #tpu.memory_space<vmem_shared>> -> memref<50048x16xf32, #tpu.memory_space<vmem_shared>>
      tpu.wait_indirect_dma semaphore(%arg17 : memref<!tpu.dma_semaphore, #tpu.memory_space<semaphore_mem>>) src(%arg12 : memref<2112x16xf32, #tpu.memory_space<vmem>>) dst(%dma_wait3A_49 : memref<50048x16xf32, #tpu.memory_space<vmem_shared>>)
    }
    %scan3A_13 = arith.constant 6 : i32
    %barrier3A_14 = arith.constant 0 : index
    tpu.barrier barrier_id(%barrier3A_14)
    %mul3A_15 = arith.constant 3128 : i32
    %mul3A_16 = arith.muli %arg1, %mul3A_15 : i32
    %mul3A_17 = arith.constant 3128 : i32
    %mul3A_18 = arith.muli %arg1, %mul3A_17 : i32
    "tpu.region"() ({
      %run_scoped3A = tpu.sem_alloc : memref<!tpu.dma_semaphore, #tpu.memory_space<semaphore_mem>>
      %dma_start3A_19 = arith.constant 0 : i32
      %dma_start3A_20 = tpu.memref_slice %arg6[%arg0, %mul3A_18, %dma_start3A_19] : memref<2x50048x16xf32, #tpu.memory_space<hbm>> -> memref<1x3128x16xf32, #tpu.memory_space<hbm>>
      %dma_start3A_21 = tpu.memref_squeeze %dma_start3A_20 : memref<1x3128x16xf32, #tpu.memory_space<hbm>> -> memref<3128x16xf32, #tpu.memory_space<hbm>>
      %dma_start3A_22 = arith.constant 0 : i32
      %dma_start3A_23 = tpu.memref_slice %arg13[%mul3A_16, %dma_start3A_22] : memref<50048x16xf32, #tpu.memory_space<vmem_shared>> -> memref<3128x16xf32, #tpu.memory_space<vmem_shared>>
      tpu.enqueue_dma source(%dma_start3A_23 : memref<3128x16xf32, #tpu.memory_space<vmem_shared>>) target(%dma_start3A_21 : memref<3128x16xf32, #tpu.memory_space<hbm>>) target_semaphore(%run_scoped3A : memref<!tpu.dma_semaphore, #tpu.memory_space<semaphore_mem>>)
      %dma_wait3A = arith.constant 0 : i32
      %dma_wait3A_24 = tpu.memref_slice %arg6[%arg0, %mul3A_18, %dma_wait3A] : memref<2x50048x16xf32, #tpu.memory_space<hbm>> -> memref<1x3128x16xf32, #tpu.memory_space<hbm>>
      %dma_wait3A_25 = tpu.memref_squeeze %dma_wait3A_24 : memref<1x3128x16xf32, #tpu.memory_space<hbm>> -> memref<3128x16xf32, #tpu.memory_space<hbm>>
      %dma_wait3A_26 = arith.constant 0 : i32
      %dma_wait3A_27 = tpu.memref_slice %arg13[%mul3A_16, %dma_wait3A_26] : memref<50048x16xf32, #tpu.memory_space<vmem_shared>> -> memref<3128x16xf32, #tpu.memory_space<vmem_shared>>
      tpu.wait_dma2 semaphore(%run_scoped3A : memref<!tpu.dma_semaphore, #tpu.memory_space<semaphore_mem>>) src(%dma_wait3A_27 : memref<3128x16xf32, #tpu.memory_space<vmem_shared>>) dst(%dma_wait3A_25 : memref<3128x16xf32, #tpu.memory_space<hbm>>)
      tpu.yield
    }) : () -> ()
    return
  }
}

#map = affine_map<(d0, d1) -> (0, 0)>
#map1 = affine_map<(d0, d1) -> (0)>
#map2 = affine_map<(d0, d1) -> (0, 0, 0)>
module attributes {stable_mosaic.version = 14 : i64} {
  func.func @_sc_agg(%arg0: i32, %arg1: i32, %arg2: memref<50000x32xf32, #tpu.memory_space<hbm>>, %arg3: memref<50000x32xf32, #tpu.memory_space<hbm>>, %arg4: memref<811008xi32, #tpu.memory_space<hbm>>, %arg5: memref<811008xi32, #tpu.memory_space<hbm>>, %arg6: memref<3128x32xf32, #tpu.memory_space<hbm>>, %arg7: memref<2x50048x32xf32, #tpu.memory_space<hbm>>, %arg8: memref<384xi32, #tpu.memory_space<vmem>>, %arg9: memref<384xi32, #tpu.memory_space<vmem>>, %arg10: memref<384xi32, #tpu.memory_space<vmem>>, %arg11: memref<384xi32, #tpu.memory_space<vmem>>, %arg12: memref<384x32xf32, #tpu.memory_space<vmem>>, %arg13: memref<384x32xf32, #tpu.memory_space<vmem>>, %arg14: memref<50048x32xf32, #tpu.memory_space<vmem_shared>>, %arg15: memref<!tpu.dma_semaphore, #tpu.memory_space<semaphore_mem>>, %arg16: memref<!tpu.dma_semaphore, #tpu.memory_space<semaphore_mem>>, %arg17: memref<!tpu.dma_semaphore, #tpu.memory_space<semaphore_mem>>, %arg18: memref<!tpu.dma_semaphore, #tpu.memory_space<semaphore_mem>>) attributes {dimension_semantics = [#tpu.dimension_semantics<core_parallel>, #tpu.dimension_semantics<subcore_parallel>], iteration_bounds = array<i64: 2, 16>, scalar_prefetch = 0 : i64, scratch_operands = 11 : i64, tpu.core_type = #tpu.core_type<sc_vector_subcore>, window_params = [{transform_indices = #map}, {transform_indices = #map}, {transform_indices = #map1}, {transform_indices = #map1}, {transform_indices = #map}, {transform_indices = #map2}]} {
    %mul3A = arith.constant 3128 : i32
    %mul3A_0 = arith.muli %arg1, %mul3A : i32
    "tpu.region"() ({
      %run_scoped3A = tpu.sem_alloc : memref<!tpu.dma_semaphore, #tpu.memory_space<semaphore_mem>>
      %dma_start3A = arith.constant 0 : i32
      %dma_start3A_15 = tpu.memref_slice %arg14[%mul3A_0, %dma_start3A] : memref<50048x32xf32, #tpu.memory_space<vmem_shared>> -> memref<3128x32xf32, #tpu.memory_space<vmem_shared>>
      tpu.enqueue_dma source(%arg6 : memref<3128x32xf32, #tpu.memory_space<hbm>>) target(%dma_start3A_15 : memref<3128x32xf32, #tpu.memory_space<vmem_shared>>) target_semaphore(%run_scoped3A : memref<!tpu.dma_semaphore, #tpu.memory_space<semaphore_mem>>)
      %dma_wait3A = arith.constant 0 : i32
      %dma_wait3A_16 = tpu.memref_slice %arg14[%mul3A_0, %dma_wait3A] : memref<50048x32xf32, #tpu.memory_space<vmem_shared>> -> memref<3128x32xf32, #tpu.memory_space<vmem_shared>>
      tpu.wait_dma2 semaphore(%run_scoped3A : memref<!tpu.dma_semaphore, #tpu.memory_space<semaphore_mem>>) src(%arg6 : memref<3128x32xf32, #tpu.memory_space<hbm>>) dst(%dma_wait3A_16 : memref<3128x32xf32, #tpu.memory_space<vmem_shared>>)
      tpu.yield
    }) : () -> ()
    %barrier3A = arith.constant 0 : index
    tpu.barrier barrier_id(%barrier3A)
    %mul3A_1 = arith.constant 50688 : i32
    %mul3A_2 = arith.muli %arg1, %mul3A_1 : i32
    %eq3A = arith.constant 0 : i32
    %eq3A_3 = arith.cmpi eq, %arg0, %eq3A : i32
    %convert_element_type3A = arith.extui %eq3A_3 : i1 to i32
    %cond3A = arith.constant 0 : i32
    %cond3A_4 = arith.cmpi ne, %convert_element_type3A, %cond3A : i32
    scf.if %cond3A_4 {
      %add3A = arith.constant 0 : i32
      %add3A_15 = arith.addi %mul3A_2, %add3A : i32
      %multiple_of3A = tpu.assume_multiple %add3A_15, 384 : i32
      "tpu.region"() ({
        %run_scoped3A = tpu.sem_alloc : memref<!tpu.dma_semaphore, #tpu.memory_space<semaphore_mem>>
        %dma_start3A_23 = tpu.memref_slice %arg4[%multiple_of3A] : memref<811008xi32, #tpu.memory_space<hbm>> -> memref<384xi32, #tpu.memory_space<hbm>>
        %dma_start3A_24 = tpu.memref_slice %arg4[%multiple_of3A] : memref<811008xi32, #tpu.memory_space<hbm>> -> memref<384xi32, #tpu.memory_space<hbm>>
        tpu.enqueue_dma source(%dma_start3A_24 : memref<384xi32, #tpu.memory_space<hbm>>) target(%arg8 : memref<384xi32, #tpu.memory_space<vmem>>) target_semaphore(%run_scoped3A : memref<!tpu.dma_semaphore, #tpu.memory_space<semaphore_mem>>)
        %dma_wait3A = tpu.memref_slice %arg4[%multiple_of3A] : memref<811008xi32, #tpu.memory_space<hbm>> -> memref<384xi32, #tpu.memory_space<hbm>>
        %dma_wait3A_25 = tpu.memref_slice %arg4[%multiple_of3A] : memref<811008xi32, #tpu.memory_space<hbm>> -> memref<384xi32, #tpu.memory_space<hbm>>
        tpu.wait_dma2 semaphore(%run_scoped3A : memref<!tpu.dma_semaphore, #tpu.memory_space<semaphore_mem>>) src(%dma_wait3A_25 : memref<384xi32, #tpu.memory_space<hbm>>) dst(%arg8 : memref<384xi32, #tpu.memory_space<vmem>>)
        tpu.yield
      }) : () -> ()
      "tpu.region"() ({
        %run_scoped3A = tpu.sem_alloc : memref<!tpu.dma_semaphore, #tpu.memory_space<semaphore_mem>>
        %dma_start3A_23 = tpu.memref_slice %arg5[%multiple_of3A] : memref<811008xi32, #tpu.memory_space<hbm>> -> memref<384xi32, #tpu.memory_space<hbm>>
        %dma_start3A_24 = tpu.memref_slice %arg5[%multiple_of3A] : memref<811008xi32, #tpu.memory_space<hbm>> -> memref<384xi32, #tpu.memory_space<hbm>>
        tpu.enqueue_dma source(%dma_start3A_24 : memref<384xi32, #tpu.memory_space<hbm>>) target(%arg10 : memref<384xi32, #tpu.memory_space<vmem>>) target_semaphore(%run_scoped3A : memref<!tpu.dma_semaphore, #tpu.memory_space<semaphore_mem>>)
        %dma_wait3A = tpu.memref_slice %arg5[%multiple_of3A] : memref<811008xi32, #tpu.memory_space<hbm>> -> memref<384xi32, #tpu.memory_space<hbm>>
        %dma_wait3A_25 = tpu.memref_slice %arg5[%multiple_of3A] : memref<811008xi32, #tpu.memory_space<hbm>> -> memref<384xi32, #tpu.memory_space<hbm>>
        tpu.wait_dma2 semaphore(%run_scoped3A : memref<!tpu.dma_semaphore, #tpu.memory_space<semaphore_mem>>) src(%dma_wait3A_25 : memref<384xi32, #tpu.memory_space<hbm>>) dst(%arg10 : memref<384xi32, #tpu.memory_space<vmem>>)
        tpu.yield
      }) : () -> ()
      %dma_start3A = arith.constant 0 : i32
      %dma_start3A_16 = arith.constant 0 : i32
      %dma_start3A_17 = tpu.memref_slice %arg2[%dma_start3A, %dma_start3A_16] : memref<50000x32xf32, #tpu.memory_space<hbm>> -> memref<50000x32xf32, #tpu.memory_space<hbm>>
      tpu.enqueue_indirect_dma source(%dma_start3A_17 : memref<50000x32xf32, #tpu.memory_space<hbm>>) target(%arg12 : memref<384x32xf32, #tpu.memory_space<vmem>>) offsets(%arg8 : memref<384xi32, #tpu.memory_space<vmem>>) semaphore(%arg15 : memref<!tpu.dma_semaphore, #tpu.memory_space<semaphore_mem>>)
      %scan3A = arith.constant 0 : i32
      %scan3A_18 = arith.constant 0 : i32
      %scan3A_19 = arith.constant 66 : i32
      %scan3A_20 = arith.addi %scan3A_18, %scan3A_19 : i32
      %scan3A_21 = arith.constant 1 : i32
      scf.for %scan3A_23 = %scan3A_18 to %scan3A_20 step %scan3A_21  : i32 {
        %mul3A_24 = arith.constant 2 : i32
        %mul3A_25 = arith.muli %mul3A_24, %scan3A_23 : i32
        %add3A_26 = arith.constant 1 : i32
        %add3A_27 = arith.addi %mul3A_25, %add3A_26 : i32
        %mul3A_28 = arith.constant 384 : i32
        %mul3A_29 = arith.muli %add3A_27, %mul3A_28 : i32
        %add3A_30 = arith.addi %mul3A_2, %mul3A_29 : i32
        %multiple_of3A_31 = tpu.assume_multiple %add3A_30, 384 : i32
        "tpu.region"() ({
          %run_scoped3A = tpu.sem_alloc : memref<!tpu.dma_semaphore, #tpu.memory_space<semaphore_mem>>
          %dma_start3A_56 = tpu.memref_slice %arg4[%multiple_of3A_31] : memref<811008xi32, #tpu.memory_space<hbm>> -> memref<384xi32, #tpu.memory_space<hbm>>
          %dma_start3A_57 = tpu.memref_slice %arg4[%multiple_of3A_31] : memref<811008xi32, #tpu.memory_space<hbm>> -> memref<384xi32, #tpu.memory_space<hbm>>
          tpu.enqueue_dma source(%dma_start3A_57 : memref<384xi32, #tpu.memory_space<hbm>>) target(%arg9 : memref<384xi32, #tpu.memory_space<vmem>>) target_semaphore(%run_scoped3A : memref<!tpu.dma_semaphore, #tpu.memory_space<semaphore_mem>>)
          %dma_wait3A_58 = tpu.memref_slice %arg4[%multiple_of3A_31] : memref<811008xi32, #tpu.memory_space<hbm>> -> memref<384xi32, #tpu.memory_space<hbm>>
          %dma_wait3A_59 = tpu.memref_slice %arg4[%multiple_of3A_31] : memref<811008xi32, #tpu.memory_space<hbm>> -> memref<384xi32, #tpu.memory_space<hbm>>
          tpu.wait_dma2 semaphore(%run_scoped3A : memref<!tpu.dma_semaphore, #tpu.memory_space<semaphore_mem>>) src(%dma_wait3A_59 : memref<384xi32, #tpu.memory_space<hbm>>) dst(%arg9 : memref<384xi32, #tpu.memory_space<vmem>>)
          tpu.yield
        }) : () -> ()
        "tpu.region"() ({
          %run_scoped3A = tpu.sem_alloc : memref<!tpu.dma_semaphore, #tpu.memory_space<semaphore_mem>>
          %dma_start3A_56 = tpu.memref_slice %arg5[%multiple_of3A_31] : memref<811008xi32, #tpu.memory_space<hbm>> -> memref<384xi32, #tpu.memory_space<hbm>>
          %dma_start3A_57 = tpu.memref_slice %arg5[%multiple_of3A_31] : memref<811008xi32, #tpu.memory_space<hbm>> -> memref<384xi32, #tpu.memory_space<hbm>>
          tpu.enqueue_dma source(%dma_start3A_57 : memref<384xi32, #tpu.memory_space<hbm>>) target(%arg11 : memref<384xi32, #tpu.memory_space<vmem>>) target_semaphore(%run_scoped3A : memref<!tpu.dma_semaphore, #tpu.memory_space<semaphore_mem>>)
          %dma_wait3A_58 = tpu.memref_slice %arg5[%multiple_of3A_31] : memref<811008xi32, #tpu.memory_space<hbm>> -> memref<384xi32, #tpu.memory_space<hbm>>
          %dma_wait3A_59 = tpu.memref_slice %arg5[%multiple_of3A_31] : memref<811008xi32, #tpu.memory_space<hbm>> -> memref<384xi32, #tpu.memory_space<hbm>>
          tpu.wait_dma2 semaphore(%run_scoped3A : memref<!tpu.dma_semaphore, #tpu.memory_space<semaphore_mem>>) src(%dma_wait3A_59 : memref<384xi32, #tpu.memory_space<hbm>>) dst(%arg11 : memref<384xi32, #tpu.memory_space<vmem>>)
          tpu.yield
        }) : () -> ()
        %dma_wait3A = arith.constant 0 : i32
        %dma_wait3A_32 = arith.constant 0 : i32
        %dma_wait3A_33 = tpu.memref_slice %arg2[%dma_wait3A, %dma_wait3A_32] : memref<50000x32xf32, #tpu.memory_space<hbm>> -> memref<50000x32xf32, #tpu.memory_space<hbm>>
        tpu.wait_indirect_dma semaphore(%arg15 : memref<!tpu.dma_semaphore, #tpu.memory_space<semaphore_mem>>) src(%dma_wait3A_33 : memref<50000x32xf32, #tpu.memory_space<hbm>>) dst(%arg12 : memref<384x32xf32, #tpu.memory_space<vmem>>)
        %dma_start3A_34 = arith.constant 0 : i32
        %dma_start3A_35 = arith.constant 0 : i32
        %dma_start3A_36 = tpu.memref_slice %arg2[%dma_start3A_34, %dma_start3A_35] : memref<50000x32xf32, #tpu.memory_space<hbm>> -> memref<50000x32xf32, #tpu.memory_space<hbm>>
        tpu.enqueue_indirect_dma source(%dma_start3A_36 : memref<50000x32xf32, #tpu.memory_space<hbm>>) target(%arg13 : memref<384x32xf32, #tpu.memory_space<vmem>>) offsets(%arg9 : memref<384xi32, #tpu.memory_space<vmem>>) semaphore(%arg16 : memref<!tpu.dma_semaphore, #tpu.memory_space<semaphore_mem>>)
        %dma_start3A_37 = arith.constant 0 : i32
        %dma_start3A_38 = arith.constant 0 : i32
        %dma_start3A_39 = tpu.memref_slice %arg14[%dma_start3A_37, %dma_start3A_38] : memref<50048x32xf32, #tpu.memory_space<vmem_shared>> -> memref<50048x32xf32, #tpu.memory_space<vmem_shared>>
        tpu.enqueue_indirect_dma source(%arg12 : memref<384x32xf32, #tpu.memory_space<vmem>>) target(%dma_start3A_39 : memref<50048x32xf32, #tpu.memory_space<vmem_shared>>) offsets(%arg10 : memref<384xi32, #tpu.memory_space<vmem>>) semaphore(%arg17 : memref<!tpu.dma_semaphore, #tpu.memory_space<semaphore_mem>>) {add = true}
        %dma_wait3A_40 = arith.constant 0 : i32
        %dma_wait3A_41 = arith.constant 0 : i32
        %dma_wait3A_42 = tpu.memref_slice %arg14[%dma_wait3A_40, %dma_wait3A_41] : memref<50048x32xf32, #tpu.memory_space<vmem_shared>> -> memref<50048x32xf32, #tpu.memory_space<vmem_shared>>
        tpu.wait_indirect_dma semaphore(%arg17 : memref<!tpu.dma_semaphore, #tpu.memory_space<semaphore_mem>>) src(%arg12 : memref<384x32xf32, #tpu.memory_space<vmem>>) dst(%dma_wait3A_42 : memref<50048x32xf32, #tpu.memory_space<vmem_shared>>)
        %lt3A = arith.constant 65 : i32
        %lt3A_43 = arith.cmpi slt, %scan3A_23, %lt3A : i32
        %convert_element_type3A_44 = arith.extui %lt3A_43 : i1 to i32
        %cond3A_45 = arith.constant 0 : i32
        %cond3A_46 = arith.cmpi ne, %convert_element_type3A_44, %cond3A_45 : i32
        scf.if %cond3A_46 {
          %add3A_56 = arith.constant 2 : i32
          %add3A_57 = arith.addi %mul3A_25, %add3A_56 : i32
          %mul3A_58 = arith.constant 384 : i32
          %mul3A_59 = arith.muli %add3A_57, %mul3A_58 : i32
          %add3A_60 = arith.addi %mul3A_2, %mul3A_59 : i32
          %multiple_of3A_61 = tpu.assume_multiple %add3A_60, 384 : i32
          "tpu.region"() ({
            %run_scoped3A = tpu.sem_alloc : memref<!tpu.dma_semaphore, #tpu.memory_space<semaphore_mem>>
            %dma_start3A_65 = tpu.memref_slice %arg4[%multiple_of3A_61] : memref<811008xi32, #tpu.memory_space<hbm>> -> memref<384xi32, #tpu.memory_space<hbm>>
            %dma_start3A_66 = tpu.memref_slice %arg4[%multiple_of3A_61] : memref<811008xi32, #tpu.memory_space<hbm>> -> memref<384xi32, #tpu.memory_space<hbm>>
            tpu.enqueue_dma source(%dma_start3A_66 : memref<384xi32, #tpu.memory_space<hbm>>) target(%arg8 : memref<384xi32, #tpu.memory_space<vmem>>) target_semaphore(%run_scoped3A : memref<!tpu.dma_semaphore, #tpu.memory_space<semaphore_mem>>)
            %dma_wait3A_67 = tpu.memref_slice %arg4[%multiple_of3A_61] : memref<811008xi32, #tpu.memory_space<hbm>> -> memref<384xi32, #tpu.memory_space<hbm>>
            %dma_wait3A_68 = tpu.memref_slice %arg4[%multiple_of3A_61] : memref<811008xi32, #tpu.memory_space<hbm>> -> memref<384xi32, #tpu.memory_space<hbm>>
            tpu.wait_dma2 semaphore(%run_scoped3A : memref<!tpu.dma_semaphore, #tpu.memory_space<semaphore_mem>>) src(%dma_wait3A_68 : memref<384xi32, #tpu.memory_space<hbm>>) dst(%arg8 : memref<384xi32, #tpu.memory_space<vmem>>)
            tpu.yield
          }) : () -> ()
          "tpu.region"() ({
            %run_scoped3A = tpu.sem_alloc : memref<!tpu.dma_semaphore, #tpu.memory_space<semaphore_mem>>
            %dma_start3A_65 = tpu.memref_slice %arg5[%multiple_of3A_61] : memref<811008xi32, #tpu.memory_space<hbm>> -> memref<384xi32, #tpu.memory_space<hbm>>
            %dma_start3A_66 = tpu.memref_slice %arg5[%multiple_of3A_61] : memref<811008xi32, #tpu.memory_space<hbm>> -> memref<384xi32, #tpu.memory_space<hbm>>
            tpu.enqueue_dma source(%dma_start3A_66 : memref<384xi32, #tpu.memory_space<hbm>>) target(%arg10 : memref<384xi32, #tpu.memory_space<vmem>>) target_semaphore(%run_scoped3A : memref<!tpu.dma_semaphore, #tpu.memory_space<semaphore_mem>>)
            %dma_wait3A_67 = tpu.memref_slice %arg5[%multiple_of3A_61] : memref<811008xi32, #tpu.memory_space<hbm>> -> memref<384xi32, #tpu.memory_space<hbm>>
            %dma_wait3A_68 = tpu.memref_slice %arg5[%multiple_of3A_61] : memref<811008xi32, #tpu.memory_space<hbm>> -> memref<384xi32, #tpu.memory_space<hbm>>
            tpu.wait_dma2 semaphore(%run_scoped3A : memref<!tpu.dma_semaphore, #tpu.memory_space<semaphore_mem>>) src(%dma_wait3A_68 : memref<384xi32, #tpu.memory_space<hbm>>) dst(%arg10 : memref<384xi32, #tpu.memory_space<vmem>>)
            tpu.yield
          }) : () -> ()
          %dma_start3A_62 = arith.constant 0 : i32
          %dma_start3A_63 = arith.constant 0 : i32
          %dma_start3A_64 = tpu.memref_slice %arg2[%dma_start3A_62, %dma_start3A_63] : memref<50000x32xf32, #tpu.memory_space<hbm>> -> memref<50000x32xf32, #tpu.memory_space<hbm>>
          tpu.enqueue_indirect_dma source(%dma_start3A_64 : memref<50000x32xf32, #tpu.memory_space<hbm>>) target(%arg12 : memref<384x32xf32, #tpu.memory_space<vmem>>) offsets(%arg8 : memref<384xi32, #tpu.memory_space<vmem>>) semaphore(%arg15 : memref<!tpu.dma_semaphore, #tpu.memory_space<semaphore_mem>>)
        } else {
        }
        %dma_wait3A_47 = arith.constant 0 : i32
        %dma_wait3A_48 = arith.constant 0 : i32
        %dma_wait3A_49 = tpu.memref_slice %arg2[%dma_wait3A_47, %dma_wait3A_48] : memref<50000x32xf32, #tpu.memory_space<hbm>> -> memref<50000x32xf32, #tpu.memory_space<hbm>>
        tpu.wait_indirect_dma semaphore(%arg16 : memref<!tpu.dma_semaphore, #tpu.memory_space<semaphore_mem>>) src(%dma_wait3A_49 : memref<50000x32xf32, #tpu.memory_space<hbm>>) dst(%arg13 : memref<384x32xf32, #tpu.memory_space<vmem>>)
        %dma_start3A_50 = arith.constant 0 : i32
        %dma_start3A_51 = arith.constant 0 : i32
        %dma_start3A_52 = tpu.memref_slice %arg14[%dma_start3A_50, %dma_start3A_51] : memref<50048x32xf32, #tpu.memory_space<vmem_shared>> -> memref<50048x32xf32, #tpu.memory_space<vmem_shared>>
        tpu.enqueue_indirect_dma source(%arg13 : memref<384x32xf32, #tpu.memory_space<vmem>>) target(%dma_start3A_52 : memref<50048x32xf32, #tpu.memory_space<vmem_shared>>) offsets(%arg11 : memref<384xi32, #tpu.memory_space<vmem>>) semaphore(%arg18 : memref<!tpu.dma_semaphore, #tpu.memory_space<semaphore_mem>>) {add = true}
        %dma_wait3A_53 = arith.constant 0 : i32
        %dma_wait3A_54 = arith.constant 0 : i32
        %dma_wait3A_55 = tpu.memref_slice %arg14[%dma_wait3A_53, %dma_wait3A_54] : memref<50048x32xf32, #tpu.memory_space<vmem_shared>> -> memref<50048x32xf32, #tpu.memory_space<vmem_shared>>
        tpu.wait_indirect_dma semaphore(%arg18 : memref<!tpu.dma_semaphore, #tpu.memory_space<semaphore_mem>>) src(%arg13 : memref<384x32xf32, #tpu.memory_space<vmem>>) dst(%dma_wait3A_55 : memref<50048x32xf32, #tpu.memory_space<vmem_shared>>)
      }
      %scan3A_22 = arith.constant 66 : i32
    } else {
    }
    %eq3A_5 = arith.constant 1 : i32
    %eq3A_6 = arith.cmpi eq, %arg0, %eq3A_5 : i32
    %convert_element_type3A_7 = arith.extui %eq3A_6 : i1 to i32
    %cond3A_8 = arith.constant 0 : i32
    %cond3A_9 = arith.cmpi ne, %convert_element_type3A_7, %cond3A_8 : i32
    scf.if %cond3A_9 {
      %add3A = arith.constant 0 : i32
      %add3A_15 = arith.addi %mul3A_2, %add3A : i32
      %multiple_of3A = tpu.assume_multiple %add3A_15, 384 : i32
      "tpu.region"() ({
        %run_scoped3A = tpu.sem_alloc : memref<!tpu.dma_semaphore, #tpu.memory_space<semaphore_mem>>
        %dma_start3A_23 = tpu.memref_slice %arg4[%multiple_of3A] : memref<811008xi32, #tpu.memory_space<hbm>> -> memref<384xi32, #tpu.memory_space<hbm>>
        %dma_start3A_24 = tpu.memref_slice %arg4[%multiple_of3A] : memref<811008xi32, #tpu.memory_space<hbm>> -> memref<384xi32, #tpu.memory_space<hbm>>
        tpu.enqueue_dma source(%dma_start3A_24 : memref<384xi32, #tpu.memory_space<hbm>>) target(%arg8 : memref<384xi32, #tpu.memory_space<vmem>>) target_semaphore(%run_scoped3A : memref<!tpu.dma_semaphore, #tpu.memory_space<semaphore_mem>>)
        %dma_wait3A = tpu.memref_slice %arg4[%multiple_of3A] : memref<811008xi32, #tpu.memory_space<hbm>> -> memref<384xi32, #tpu.memory_space<hbm>>
        %dma_wait3A_25 = tpu.memref_slice %arg4[%multiple_of3A] : memref<811008xi32, #tpu.memory_space<hbm>> -> memref<384xi32, #tpu.memory_space<hbm>>
        tpu.wait_dma2 semaphore(%run_scoped3A : memref<!tpu.dma_semaphore, #tpu.memory_space<semaphore_mem>>) src(%dma_wait3A_25 : memref<384xi32, #tpu.memory_space<hbm>>) dst(%arg8 : memref<384xi32, #tpu.memory_space<vmem>>)
        tpu.yield
      }) : () -> ()
      "tpu.region"() ({
        %run_scoped3A = tpu.sem_alloc : memref<!tpu.dma_semaphore, #tpu.memory_space<semaphore_mem>>
        %dma_start3A_23 = tpu.memref_slice %arg5[%multiple_of3A] : memref<811008xi32, #tpu.memory_space<hbm>> -> memref<384xi32, #tpu.memory_space<hbm>>
        %dma_start3A_24 = tpu.memref_slice %arg5[%multiple_of3A] : memref<811008xi32, #tpu.memory_space<hbm>> -> memref<384xi32, #tpu.memory_space<hbm>>
        tpu.enqueue_dma source(%dma_start3A_24 : memref<384xi32, #tpu.memory_space<hbm>>) target(%arg10 : memref<384xi32, #tpu.memory_space<vmem>>) target_semaphore(%run_scoped3A : memref<!tpu.dma_semaphore, #tpu.memory_space<semaphore_mem>>)
        %dma_wait3A = tpu.memref_slice %arg5[%multiple_of3A] : memref<811008xi32, #tpu.memory_space<hbm>> -> memref<384xi32, #tpu.memory_space<hbm>>
        %dma_wait3A_25 = tpu.memref_slice %arg5[%multiple_of3A] : memref<811008xi32, #tpu.memory_space<hbm>> -> memref<384xi32, #tpu.memory_space<hbm>>
        tpu.wait_dma2 semaphore(%run_scoped3A : memref<!tpu.dma_semaphore, #tpu.memory_space<semaphore_mem>>) src(%dma_wait3A_25 : memref<384xi32, #tpu.memory_space<hbm>>) dst(%arg10 : memref<384xi32, #tpu.memory_space<vmem>>)
        tpu.yield
      }) : () -> ()
      %dma_start3A = arith.constant 0 : i32
      %dma_start3A_16 = arith.constant 0 : i32
      %dma_start3A_17 = tpu.memref_slice %arg3[%dma_start3A, %dma_start3A_16] : memref<50000x32xf32, #tpu.memory_space<hbm>> -> memref<50000x32xf32, #tpu.memory_space<hbm>>
      tpu.enqueue_indirect_dma source(%dma_start3A_17 : memref<50000x32xf32, #tpu.memory_space<hbm>>) target(%arg12 : memref<384x32xf32, #tpu.memory_space<vmem>>) offsets(%arg8 : memref<384xi32, #tpu.memory_space<vmem>>) semaphore(%arg15 : memref<!tpu.dma_semaphore, #tpu.memory_space<semaphore_mem>>)
      %scan3A = arith.constant 0 : i32
      %scan3A_18 = arith.constant 0 : i32
      %scan3A_19 = arith.constant 66 : i32
      %scan3A_20 = arith.addi %scan3A_18, %scan3A_19 : i32
      %scan3A_21 = arith.constant 1 : i32
      scf.for %scan3A_23 = %scan3A_18 to %scan3A_20 step %scan3A_21  : i32 {
        %mul3A_24 = arith.constant 2 : i32
        %mul3A_25 = arith.muli %mul3A_24, %scan3A_23 : i32
        %add3A_26 = arith.constant 1 : i32
        %add3A_27 = arith.addi %mul3A_25, %add3A_26 : i32
        %mul3A_28 = arith.constant 384 : i32
        %mul3A_29 = arith.muli %add3A_27, %mul3A_28 : i32
        %add3A_30 = arith.addi %mul3A_2, %mul3A_29 : i32
        %multiple_of3A_31 = tpu.assume_multiple %add3A_30, 384 : i32
        "tpu.region"() ({
          %run_scoped3A = tpu.sem_alloc : memref<!tpu.dma_semaphore, #tpu.memory_space<semaphore_mem>>
          %dma_start3A_56 = tpu.memref_slice %arg4[%multiple_of3A_31] : memref<811008xi32, #tpu.memory_space<hbm>> -> memref<384xi32, #tpu.memory_space<hbm>>
          %dma_start3A_57 = tpu.memref_slice %arg4[%multiple_of3A_31] : memref<811008xi32, #tpu.memory_space<hbm>> -> memref<384xi32, #tpu.memory_space<hbm>>
          tpu.enqueue_dma source(%dma_start3A_57 : memref<384xi32, #tpu.memory_space<hbm>>) target(%arg9 : memref<384xi32, #tpu.memory_space<vmem>>) target_semaphore(%run_scoped3A : memref<!tpu.dma_semaphore, #tpu.memory_space<semaphore_mem>>)
          %dma_wait3A_58 = tpu.memref_slice %arg4[%multiple_of3A_31] : memref<811008xi32, #tpu.memory_space<hbm>> -> memref<384xi32, #tpu.memory_space<hbm>>
          %dma_wait3A_59 = tpu.memref_slice %arg4[%multiple_of3A_31] : memref<811008xi32, #tpu.memory_space<hbm>> -> memref<384xi32, #tpu.memory_space<hbm>>
          tpu.wait_dma2 semaphore(%run_scoped3A : memref<!tpu.dma_semaphore, #tpu.memory_space<semaphore_mem>>) src(%dma_wait3A_59 : memref<384xi32, #tpu.memory_space<hbm>>) dst(%arg9 : memref<384xi32, #tpu.memory_space<vmem>>)
          tpu.yield
        }) : () -> ()
        "tpu.region"() ({
          %run_scoped3A = tpu.sem_alloc : memref<!tpu.dma_semaphore, #tpu.memory_space<semaphore_mem>>
          %dma_start3A_56 = tpu.memref_slice %arg5[%multiple_of3A_31] : memref<811008xi32, #tpu.memory_space<hbm>> -> memref<384xi32, #tpu.memory_space<hbm>>
          %dma_start3A_57 = tpu.memref_slice %arg5[%multiple_of3A_31] : memref<811008xi32, #tpu.memory_space<hbm>> -> memref<384xi32, #tpu.memory_space<hbm>>
          tpu.enqueue_dma source(%dma_start3A_57 : memref<384xi32, #tpu.memory_space<hbm>>) target(%arg11 : memref<384xi32, #tpu.memory_space<vmem>>) target_semaphore(%run_scoped3A : memref<!tpu.dma_semaphore, #tpu.memory_space<semaphore_mem>>)
          %dma_wait3A_58 = tpu.memref_slice %arg5[%multiple_of3A_31] : memref<811008xi32, #tpu.memory_space<hbm>> -> memref<384xi32, #tpu.memory_space<hbm>>
          %dma_wait3A_59 = tpu.memref_slice %arg5[%multiple_of3A_31] : memref<811008xi32, #tpu.memory_space<hbm>> -> memref<384xi32, #tpu.memory_space<hbm>>
          tpu.wait_dma2 semaphore(%run_scoped3A : memref<!tpu.dma_semaphore, #tpu.memory_space<semaphore_mem>>) src(%dma_wait3A_59 : memref<384xi32, #tpu.memory_space<hbm>>) dst(%arg11 : memref<384xi32, #tpu.memory_space<vmem>>)
          tpu.yield
        }) : () -> ()
        %dma_wait3A = arith.constant 0 : i32
        %dma_wait3A_32 = arith.constant 0 : i32
        %dma_wait3A_33 = tpu.memref_slice %arg3[%dma_wait3A, %dma_wait3A_32] : memref<50000x32xf32, #tpu.memory_space<hbm>> -> memref<50000x32xf32, #tpu.memory_space<hbm>>
        tpu.wait_indirect_dma semaphore(%arg15 : memref<!tpu.dma_semaphore, #tpu.memory_space<semaphore_mem>>) src(%dma_wait3A_33 : memref<50000x32xf32, #tpu.memory_space<hbm>>) dst(%arg12 : memref<384x32xf32, #tpu.memory_space<vmem>>)
        %dma_start3A_34 = arith.constant 0 : i32
        %dma_start3A_35 = arith.constant 0 : i32
        %dma_start3A_36 = tpu.memref_slice %arg3[%dma_start3A_34, %dma_start3A_35] : memref<50000x32xf32, #tpu.memory_space<hbm>> -> memref<50000x32xf32, #tpu.memory_space<hbm>>
        tpu.enqueue_indirect_dma source(%dma_start3A_36 : memref<50000x32xf32, #tpu.memory_space<hbm>>) target(%arg13 : memref<384x32xf32, #tpu.memory_space<vmem>>) offsets(%arg9 : memref<384xi32, #tpu.memory_space<vmem>>) semaphore(%arg16 : memref<!tpu.dma_semaphore, #tpu.memory_space<semaphore_mem>>)
        %dma_start3A_37 = arith.constant 0 : i32
        %dma_start3A_38 = arith.constant 0 : i32
        %dma_start3A_39 = tpu.memref_slice %arg14[%dma_start3A_37, %dma_start3A_38] : memref<50048x32xf32, #tpu.memory_space<vmem_shared>> -> memref<50048x32xf32, #tpu.memory_space<vmem_shared>>
        tpu.enqueue_indirect_dma source(%arg12 : memref<384x32xf32, #tpu.memory_space<vmem>>) target(%dma_start3A_39 : memref<50048x32xf32, #tpu.memory_space<vmem_shared>>) offsets(%arg10 : memref<384xi32, #tpu.memory_space<vmem>>) semaphore(%arg17 : memref<!tpu.dma_semaphore, #tpu.memory_space<semaphore_mem>>) {add = true}
        %dma_wait3A_40 = arith.constant 0 : i32
        %dma_wait3A_41 = arith.constant 0 : i32
        %dma_wait3A_42 = tpu.memref_slice %arg14[%dma_wait3A_40, %dma_wait3A_41] : memref<50048x32xf32, #tpu.memory_space<vmem_shared>> -> memref<50048x32xf32, #tpu.memory_space<vmem_shared>>
        tpu.wait_indirect_dma semaphore(%arg17 : memref<!tpu.dma_semaphore, #tpu.memory_space<semaphore_mem>>) src(%arg12 : memref<384x32xf32, #tpu.memory_space<vmem>>) dst(%dma_wait3A_42 : memref<50048x32xf32, #tpu.memory_space<vmem_shared>>)
        %lt3A = arith.constant 65 : i32
        %lt3A_43 = arith.cmpi slt, %scan3A_23, %lt3A : i32
        %convert_element_type3A_44 = arith.extui %lt3A_43 : i1 to i32
        %cond3A_45 = arith.constant 0 : i32
        %cond3A_46 = arith.cmpi ne, %convert_element_type3A_44, %cond3A_45 : i32
        scf.if %cond3A_46 {
          %add3A_56 = arith.constant 2 : i32
          %add3A_57 = arith.addi %mul3A_25, %add3A_56 : i32
          %mul3A_58 = arith.constant 384 : i32
          %mul3A_59 = arith.muli %add3A_57, %mul3A_58 : i32
          %add3A_60 = arith.addi %mul3A_2, %mul3A_59 : i32
          %multiple_of3A_61 = tpu.assume_multiple %add3A_60, 384 : i32
          "tpu.region"() ({
            %run_scoped3A = tpu.sem_alloc : memref<!tpu.dma_semaphore, #tpu.memory_space<semaphore_mem>>
            %dma_start3A_65 = tpu.memref_slice %arg4[%multiple_of3A_61] : memref<811008xi32, #tpu.memory_space<hbm>> -> memref<384xi32, #tpu.memory_space<hbm>>
            %dma_start3A_66 = tpu.memref_slice %arg4[%multiple_of3A_61] : memref<811008xi32, #tpu.memory_space<hbm>> -> memref<384xi32, #tpu.memory_space<hbm>>
            tpu.enqueue_dma source(%dma_start3A_66 : memref<384xi32, #tpu.memory_space<hbm>>) target(%arg8 : memref<384xi32, #tpu.memory_space<vmem>>) target_semaphore(%run_scoped3A : memref<!tpu.dma_semaphore, #tpu.memory_space<semaphore_mem>>)
            %dma_wait3A_67 = tpu.memref_slice %arg4[%multiple_of3A_61] : memref<811008xi32, #tpu.memory_space<hbm>> -> memref<384xi32, #tpu.memory_space<hbm>>
            %dma_wait3A_68 = tpu.memref_slice %arg4[%multiple_of3A_61] : memref<811008xi32, #tpu.memory_space<hbm>> -> memref<384xi32, #tpu.memory_space<hbm>>
            tpu.wait_dma2 semaphore(%run_scoped3A : memref<!tpu.dma_semaphore, #tpu.memory_space<semaphore_mem>>) src(%dma_wait3A_68 : memref<384xi32, #tpu.memory_space<hbm>>) dst(%arg8 : memref<384xi32, #tpu.memory_space<vmem>>)
            tpu.yield
          }) : () -> ()
          "tpu.region"() ({
            %run_scoped3A = tpu.sem_alloc : memref<!tpu.dma_semaphore, #tpu.memory_space<semaphore_mem>>
            %dma_start3A_65 = tpu.memref_slice %arg5[%multiple_of3A_61] : memref<811008xi32, #tpu.memory_space<hbm>> -> memref<384xi32, #tpu.memory_space<hbm>>
            %dma_start3A_66 = tpu.memref_slice %arg5[%multiple_of3A_61] : memref<811008xi32, #tpu.memory_space<hbm>> -> memref<384xi32, #tpu.memory_space<hbm>>
            tpu.enqueue_dma source(%dma_start3A_66 : memref<384xi32, #tpu.memory_space<hbm>>) target(%arg10 : memref<384xi32, #tpu.memory_space<vmem>>) target_semaphore(%run_scoped3A : memref<!tpu.dma_semaphore, #tpu.memory_space<semaphore_mem>>)
            %dma_wait3A_67 = tpu.memref_slice %arg5[%multiple_of3A_61] : memref<811008xi32, #tpu.memory_space<hbm>> -> memref<384xi32, #tpu.memory_space<hbm>>
            %dma_wait3A_68 = tpu.memref_slice %arg5[%multiple_of3A_61] : memref<811008xi32, #tpu.memory_space<hbm>> -> memref<384xi32, #tpu.memory_space<hbm>>
            tpu.wait_dma2 semaphore(%run_scoped3A : memref<!tpu.dma_semaphore, #tpu.memory_space<semaphore_mem>>) src(%dma_wait3A_68 : memref<384xi32, #tpu.memory_space<hbm>>) dst(%arg10 : memref<384xi32, #tpu.memory_space<vmem>>)
            tpu.yield
          }) : () -> ()
          %dma_start3A_62 = arith.constant 0 : i32
          %dma_start3A_63 = arith.constant 0 : i32
          %dma_start3A_64 = tpu.memref_slice %arg3[%dma_start3A_62, %dma_start3A_63] : memref<50000x32xf32, #tpu.memory_space<hbm>> -> memref<50000x32xf32, #tpu.memory_space<hbm>>
          tpu.enqueue_indirect_dma source(%dma_start3A_64 : memref<50000x32xf32, #tpu.memory_space<hbm>>) target(%arg12 : memref<384x32xf32, #tpu.memory_space<vmem>>) offsets(%arg8 : memref<384xi32, #tpu.memory_space<vmem>>) semaphore(%arg15 : memref<!tpu.dma_semaphore, #tpu.memory_space<semaphore_mem>>)
        } else {
        }
        %dma_wait3A_47 = arith.constant 0 : i32
        %dma_wait3A_48 = arith.constant 0 : i32
        %dma_wait3A_49 = tpu.memref_slice %arg3[%dma_wait3A_47, %dma_wait3A_48] : memref<50000x32xf32, #tpu.memory_space<hbm>> -> memref<50000x32xf32, #tpu.memory_space<hbm>>
        tpu.wait_indirect_dma semaphore(%arg16 : memref<!tpu.dma_semaphore, #tpu.memory_space<semaphore_mem>>) src(%dma_wait3A_49 : memref<50000x32xf32, #tpu.memory_space<hbm>>) dst(%arg13 : memref<384x32xf32, #tpu.memory_space<vmem>>)
        %dma_start3A_50 = arith.constant 0 : i32
        %dma_start3A_51 = arith.constant 0 : i32
        %dma_start3A_52 = tpu.memref_slice %arg14[%dma_start3A_50, %dma_start3A_51] : memref<50048x32xf32, #tpu.memory_space<vmem_shared>> -> memref<50048x32xf32, #tpu.memory_space<vmem_shared>>
        tpu.enqueue_indirect_dma source(%arg13 : memref<384x32xf32, #tpu.memory_space<vmem>>) target(%dma_start3A_52 : memref<50048x32xf32, #tpu.memory_space<vmem_shared>>) offsets(%arg11 : memref<384xi32, #tpu.memory_space<vmem>>) semaphore(%arg18 : memref<!tpu.dma_semaphore, #tpu.memory_space<semaphore_mem>>) {add = true}
        %dma_wait3A_53 = arith.constant 0 : i32
        %dma_wait3A_54 = arith.constant 0 : i32
        %dma_wait3A_55 = tpu.memref_slice %arg14[%dma_wait3A_53, %dma_wait3A_54] : memref<50048x32xf32, #tpu.memory_space<vmem_shared>> -> memref<50048x32xf32, #tpu.memory_space<vmem_shared>>
        tpu.wait_indirect_dma semaphore(%arg18 : memref<!tpu.dma_semaphore, #tpu.memory_space<semaphore_mem>>) src(%arg13 : memref<384x32xf32, #tpu.memory_space<vmem>>) dst(%dma_wait3A_55 : memref<50048x32xf32, #tpu.memory_space<vmem_shared>>)
      }
      %scan3A_22 = arith.constant 66 : i32
    } else {
    }
    %barrier3A_10 = arith.constant 0 : index
    tpu.barrier barrier_id(%barrier3A_10)
    %mul3A_11 = arith.constant 3128 : i32
    %mul3A_12 = arith.muli %arg1, %mul3A_11 : i32
    %mul3A_13 = arith.constant 3128 : i32
    %mul3A_14 = arith.muli %arg1, %mul3A_13 : i32
    "tpu.region"() ({
      %run_scoped3A = tpu.sem_alloc : memref<!tpu.dma_semaphore, #tpu.memory_space<semaphore_mem>>
      %dma_start3A = arith.constant 0 : i32
      %dma_start3A_15 = tpu.memref_slice %arg7[%arg0, %mul3A_14, %dma_start3A] : memref<2x50048x32xf32, #tpu.memory_space<hbm>> -> memref<1x3128x32xf32, #tpu.memory_space<hbm>>
      %dma_start3A_16 = tpu.memref_squeeze %dma_start3A_15 : memref<1x3128x32xf32, #tpu.memory_space<hbm>> -> memref<3128x32xf32, #tpu.memory_space<hbm>>
      %dma_start3A_17 = arith.constant 0 : i32
      %dma_start3A_18 = tpu.memref_slice %arg14[%mul3A_12, %dma_start3A_17] : memref<50048x32xf32, #tpu.memory_space<vmem_shared>> -> memref<3128x32xf32, #tpu.memory_space<vmem_shared>>
      tpu.enqueue_dma source(%dma_start3A_18 : memref<3128x32xf32, #tpu.memory_space<vmem_shared>>) target(%dma_start3A_16 : memref<3128x32xf32, #tpu.memory_space<hbm>>) target_semaphore(%run_scoped3A : memref<!tpu.dma_semaphore, #tpu.memory_space<semaphore_mem>>)
      %dma_wait3A = arith.constant 0 : i32
      %dma_wait3A_19 = tpu.memref_slice %arg7[%arg0, %mul3A_14, %dma_wait3A] : memref<2x50048x32xf32, #tpu.memory_space<hbm>> -> memref<1x3128x32xf32, #tpu.memory_space<hbm>>
      %dma_wait3A_20 = tpu.memref_squeeze %dma_wait3A_19 : memref<1x3128x32xf32, #tpu.memory_space<hbm>> -> memref<3128x32xf32, #tpu.memory_space<hbm>>
      %dma_wait3A_21 = arith.constant 0 : i32
      %dma_wait3A_22 = tpu.memref_slice %arg14[%mul3A_12, %dma_wait3A_21] : memref<50048x32xf32, #tpu.memory_space<vmem_shared>> -> memref<3128x32xf32, #tpu.memory_space<vmem_shared>>
      tpu.wait_dma2 semaphore(%run_scoped3A : memref<!tpu.dma_semaphore, #tpu.memory_space<semaphore_mem>>) src(%dma_wait3A_22 : memref<3128x32xf32, #tpu.memory_space<vmem_shared>>) dst(%dma_wait3A_20 : memref<3128x32xf32, #tpu.memory_space<hbm>>)
      tpu.yield
    }) : () -> ()
    return
  }
}

#map = affine_map<(d0, d1) -> (0, 0)>
#map1 = affine_map<(d0, d1) -> (0)>
#map2 = affine_map<(d0, d1) -> (0, 0, 0)>
module attributes {stable_mosaic.version = 14 : i64} {
  func.func @_sc_agg(%arg0: i32, %arg1: i32, %arg2: memref<50000x32xf32, #tpu.memory_space<hbm>>, %arg3: memref<50000x32xf32, #tpu.memory_space<hbm>>, %arg4: memref<811008xi32, #tpu.memory_space<hbm>>, %arg5: memref<811008xi32, #tpu.memory_space<hbm>>, %arg6: memref<3128x32xf32, #tpu.memory_space<hbm>>, %arg7: memref<2x50048x32xf32, #tpu.memory_space<hbm>>, %arg8: memref<384xi32, #tpu.memory_space<vmem>>, %arg9: memref<384xi32, #tpu.memory_space<vmem>>, %arg10: memref<384xi32, #tpu.memory_space<vmem>>, %arg11: memref<384xi32, #tpu.memory_space<vmem>>, %arg12: memref<384x32xf32, #tpu.memory_space<vmem>>, %arg13: memref<384x32xf32, #tpu.memory_space<vmem>>, %arg14: memref<50048x32xf32, #tpu.memory_space<vmem_shared>>, %arg15: memref<!tpu.dma_semaphore, #tpu.memory_space<semaphore_mem>>, %arg16: memref<!tpu.dma_semaphore, #tpu.memory_space<semaphore_mem>>, %arg17: memref<!tpu.dma_semaphore, #tpu.memory_space<semaphore_mem>>, %arg18: memref<!tpu.dma_semaphore, #tpu.memory_space<semaphore_mem>>) attributes {dimension_semantics = [#tpu.dimension_semantics<core_parallel>, #tpu.dimension_semantics<subcore_parallel>], iteration_bounds = array<i64: 2, 16>, scalar_prefetch = 0 : i64, scratch_operands = 11 : i64, tpu.core_type = #tpu.core_type<sc_vector_subcore>, window_params = [{transform_indices = #map}, {transform_indices = #map}, {transform_indices = #map1}, {transform_indices = #map1}, {transform_indices = #map}, {transform_indices = #map2}]} {
    %mul3A = arith.constant 3128 : i32
    %mul3A_0 = arith.muli %arg1, %mul3A : i32
    "tpu.region"() ({
      %run_scoped3A = tpu.sem_alloc : memref<!tpu.dma_semaphore, #tpu.memory_space<semaphore_mem>>
      %dma_start3A = arith.constant 0 : i32
      %dma_start3A_15 = tpu.memref_slice %arg14[%mul3A_0, %dma_start3A] : memref<50048x32xf32, #tpu.memory_space<vmem_shared>> -> memref<3128x32xf32, #tpu.memory_space<vmem_shared>>
      tpu.enqueue_dma source(%arg6 : memref<3128x32xf32, #tpu.memory_space<hbm>>) target(%dma_start3A_15 : memref<3128x32xf32, #tpu.memory_space<vmem_shared>>) target_semaphore(%run_scoped3A : memref<!tpu.dma_semaphore, #tpu.memory_space<semaphore_mem>>)
      %dma_wait3A = arith.constant 0 : i32
      %dma_wait3A_16 = tpu.memref_slice %arg14[%mul3A_0, %dma_wait3A] : memref<50048x32xf32, #tpu.memory_space<vmem_shared>> -> memref<3128x32xf32, #tpu.memory_space<vmem_shared>>
      tpu.wait_dma2 semaphore(%run_scoped3A : memref<!tpu.dma_semaphore, #tpu.memory_space<semaphore_mem>>) src(%arg6 : memref<3128x32xf32, #tpu.memory_space<hbm>>) dst(%dma_wait3A_16 : memref<3128x32xf32, #tpu.memory_space<vmem_shared>>)
      tpu.yield
    }) : () -> ()
    %barrier3A = arith.constant 0 : index
    tpu.barrier barrier_id(%barrier3A)
    %mul3A_1 = arith.constant 50688 : i32
    %mul3A_2 = arith.muli %arg1, %mul3A_1 : i32
    %eq3A = arith.constant 0 : i32
    %eq3A_3 = arith.cmpi eq, %arg0, %eq3A : i32
    %convert_element_type3A = arith.extui %eq3A_3 : i1 to i32
    %cond3A = arith.constant 0 : i32
    %cond3A_4 = arith.cmpi ne, %convert_element_type3A, %cond3A : i32
    scf.if %cond3A_4 {
      %add3A = arith.constant 0 : i32
      %add3A_15 = arith.addi %mul3A_2, %add3A : i32
      %multiple_of3A = tpu.assume_multiple %add3A_15, 384 : i32
      "tpu.region"() ({
        %run_scoped3A = tpu.sem_alloc : memref<!tpu.dma_semaphore, #tpu.memory_space<semaphore_mem>>
        %dma_start3A_23 = tpu.memref_slice %arg4[%multiple_of3A] : memref<811008xi32, #tpu.memory_space<hbm>> -> memref<384xi32, #tpu.memory_space<hbm>>
        %dma_start3A_24 = tpu.memref_slice %arg4[%multiple_of3A] : memref<811008xi32, #tpu.memory_space<hbm>> -> memref<384xi32, #tpu.memory_space<hbm>>
        tpu.enqueue_dma source(%dma_start3A_24 : memref<384xi32, #tpu.memory_space<hbm>>) target(%arg8 : memref<384xi32, #tpu.memory_space<vmem>>) target_semaphore(%run_scoped3A : memref<!tpu.dma_semaphore, #tpu.memory_space<semaphore_mem>>)
        %dma_wait3A = tpu.memref_slice %arg4[%multiple_of3A] : memref<811008xi32, #tpu.memory_space<hbm>> -> memref<384xi32, #tpu.memory_space<hbm>>
        %dma_wait3A_25 = tpu.memref_slice %arg4[%multiple_of3A] : memref<811008xi32, #tpu.memory_space<hbm>> -> memref<384xi32, #tpu.memory_space<hbm>>
        tpu.wait_dma2 semaphore(%run_scoped3A : memref<!tpu.dma_semaphore, #tpu.memory_space<semaphore_mem>>) src(%dma_wait3A_25 : memref<384xi32, #tpu.memory_space<hbm>>) dst(%arg8 : memref<384xi32, #tpu.memory_space<vmem>>)
        tpu.yield
      }) : () -> ()
      "tpu.region"() ({
        %run_scoped3A = tpu.sem_alloc : memref<!tpu.dma_semaphore, #tpu.memory_space<semaphore_mem>>
        %dma_start3A_23 = tpu.memref_slice %arg5[%multiple_of3A] : memref<811008xi32, #tpu.memory_space<hbm>> -> memref<384xi32, #tpu.memory_space<hbm>>
        %dma_start3A_24 = tpu.memref_slice %arg5[%multiple_of3A] : memref<811008xi32, #tpu.memory_space<hbm>> -> memref<384xi32, #tpu.memory_space<hbm>>
        tpu.enqueue_dma source(%dma_start3A_24 : memref<384xi32, #tpu.memory_space<hbm>>) target(%arg10 : memref<384xi32, #tpu.memory_space<vmem>>) target_semaphore(%run_scoped3A : memref<!tpu.dma_semaphore, #tpu.memory_space<semaphore_mem>>)
        %dma_wait3A = tpu.memref_slice %arg5[%multiple_of3A] : memref<811008xi32, #tpu.memory_space<hbm>> -> memref<384xi32, #tpu.memory_space<hbm>>
        %dma_wait3A_25 = tpu.memref_slice %arg5[%multiple_of3A] : memref<811008xi32, #tpu.memory_space<hbm>> -> memref<384xi32, #tpu.memory_space<hbm>>
        tpu.wait_dma2 semaphore(%run_scoped3A : memref<!tpu.dma_semaphore, #tpu.memory_space<semaphore_mem>>) src(%dma_wait3A_25 : memref<384xi32, #tpu.memory_space<hbm>>) dst(%arg10 : memref<384xi32, #tpu.memory_space<vmem>>)
        tpu.yield
      }) : () -> ()
      %dma_start3A = arith.constant 0 : i32
      %dma_start3A_16 = arith.constant 0 : i32
      %dma_start3A_17 = tpu.memref_slice %arg2[%dma_start3A, %dma_start3A_16] : memref<50000x32xf32, #tpu.memory_space<hbm>> -> memref<50000x32xf32, #tpu.memory_space<hbm>>
      tpu.enqueue_indirect_dma source(%dma_start3A_17 : memref<50000x32xf32, #tpu.memory_space<hbm>>) target(%arg12 : memref<384x32xf32, #tpu.memory_space<vmem>>) offsets(%arg8 : memref<384xi32, #tpu.memory_space<vmem>>) semaphore(%arg15 : memref<!tpu.dma_semaphore, #tpu.memory_space<semaphore_mem>>)
      %scan3A = arith.constant 0 : i32
      %scan3A_18 = arith.constant 0 : i32
      %scan3A_19 = arith.constant 66 : i32
      %scan3A_20 = arith.addi %scan3A_18, %scan3A_19 : i32
      %scan3A_21 = arith.constant 1 : i32
      scf.for %scan3A_23 = %scan3A_18 to %scan3A_20 step %scan3A_21  : i32 {
        %mul3A_24 = arith.constant 2 : i32
        %mul3A_25 = arith.muli %mul3A_24, %scan3A_23 : i32
        %add3A_26 = arith.constant 1 : i32
        %add3A_27 = arith.addi %mul3A_25, %add3A_26 : i32
        %mul3A_28 = arith.constant 384 : i32
        %mul3A_29 = arith.muli %add3A_27, %mul3A_28 : i32
        %add3A_30 = arith.addi %mul3A_2, %mul3A_29 : i32
        %multiple_of3A_31 = tpu.assume_multiple %add3A_30, 384 : i32
        "tpu.region"() ({
          %run_scoped3A = tpu.sem_alloc : memref<!tpu.dma_semaphore, #tpu.memory_space<semaphore_mem>>
          %dma_start3A_56 = tpu.memref_slice %arg4[%multiple_of3A_31] : memref<811008xi32, #tpu.memory_space<hbm>> -> memref<384xi32, #tpu.memory_space<hbm>>
          %dma_start3A_57 = tpu.memref_slice %arg4[%multiple_of3A_31] : memref<811008xi32, #tpu.memory_space<hbm>> -> memref<384xi32, #tpu.memory_space<hbm>>
          tpu.enqueue_dma source(%dma_start3A_57 : memref<384xi32, #tpu.memory_space<hbm>>) target(%arg9 : memref<384xi32, #tpu.memory_space<vmem>>) target_semaphore(%run_scoped3A : memref<!tpu.dma_semaphore, #tpu.memory_space<semaphore_mem>>)
          %dma_wait3A_58 = tpu.memref_slice %arg4[%multiple_of3A_31] : memref<811008xi32, #tpu.memory_space<hbm>> -> memref<384xi32, #tpu.memory_space<hbm>>
          %dma_wait3A_59 = tpu.memref_slice %arg4[%multiple_of3A_31] : memref<811008xi32, #tpu.memory_space<hbm>> -> memref<384xi32, #tpu.memory_space<hbm>>
          tpu.wait_dma2 semaphore(%run_scoped3A : memref<!tpu.dma_semaphore, #tpu.memory_space<semaphore_mem>>) src(%dma_wait3A_59 : memref<384xi32, #tpu.memory_space<hbm>>) dst(%arg9 : memref<384xi32, #tpu.memory_space<vmem>>)
          tpu.yield
        }) : () -> ()
        "tpu.region"() ({
          %run_scoped3A = tpu.sem_alloc : memref<!tpu.dma_semaphore, #tpu.memory_space<semaphore_mem>>
          %dma_start3A_56 = tpu.memref_slice %arg5[%multiple_of3A_31] : memref<811008xi32, #tpu.memory_space<hbm>> -> memref<384xi32, #tpu.memory_space<hbm>>
          %dma_start3A_57 = tpu.memref_slice %arg5[%multiple_of3A_31] : memref<811008xi32, #tpu.memory_space<hbm>> -> memref<384xi32, #tpu.memory_space<hbm>>
          tpu.enqueue_dma source(%dma_start3A_57 : memref<384xi32, #tpu.memory_space<hbm>>) target(%arg11 : memref<384xi32, #tpu.memory_space<vmem>>) target_semaphore(%run_scoped3A : memref<!tpu.dma_semaphore, #tpu.memory_space<semaphore_mem>>)
          %dma_wait3A_58 = tpu.memref_slice %arg5[%multiple_of3A_31] : memref<811008xi32, #tpu.memory_space<hbm>> -> memref<384xi32, #tpu.memory_space<hbm>>
          %dma_wait3A_59 = tpu.memref_slice %arg5[%multiple_of3A_31] : memref<811008xi32, #tpu.memory_space<hbm>> -> memref<384xi32, #tpu.memory_space<hbm>>
          tpu.wait_dma2 semaphore(%run_scoped3A : memref<!tpu.dma_semaphore, #tpu.memory_space<semaphore_mem>>) src(%dma_wait3A_59 : memref<384xi32, #tpu.memory_space<hbm>>) dst(%arg11 : memref<384xi32, #tpu.memory_space<vmem>>)
          tpu.yield
        }) : () -> ()
        %dma_wait3A = arith.constant 0 : i32
        %dma_wait3A_32 = arith.constant 0 : i32
        %dma_wait3A_33 = tpu.memref_slice %arg2[%dma_wait3A, %dma_wait3A_32] : memref<50000x32xf32, #tpu.memory_space<hbm>> -> memref<50000x32xf32, #tpu.memory_space<hbm>>
        tpu.wait_indirect_dma semaphore(%arg15 : memref<!tpu.dma_semaphore, #tpu.memory_space<semaphore_mem>>) src(%dma_wait3A_33 : memref<50000x32xf32, #tpu.memory_space<hbm>>) dst(%arg12 : memref<384x32xf32, #tpu.memory_space<vmem>>)
        %dma_start3A_34 = arith.constant 0 : i32
        %dma_start3A_35 = arith.constant 0 : i32
        %dma_start3A_36 = tpu.memref_slice %arg2[%dma_start3A_34, %dma_start3A_35] : memref<50000x32xf32, #tpu.memory_space<hbm>> -> memref<50000x32xf32, #tpu.memory_space<hbm>>
        tpu.enqueue_indirect_dma source(%dma_start3A_36 : memref<50000x32xf32, #tpu.memory_space<hbm>>) target(%arg13 : memref<384x32xf32, #tpu.memory_space<vmem>>) offsets(%arg9 : memref<384xi32, #tpu.memory_space<vmem>>) semaphore(%arg16 : memref<!tpu.dma_semaphore, #tpu.memory_space<semaphore_mem>>)
        %dma_start3A_37 = arith.constant 0 : i32
        %dma_start3A_38 = arith.constant 0 : i32
        %dma_start3A_39 = tpu.memref_slice %arg14[%dma_start3A_37, %dma_start3A_38] : memref<50048x32xf32, #tpu.memory_space<vmem_shared>> -> memref<50048x32xf32, #tpu.memory_space<vmem_shared>>
        tpu.enqueue_indirect_dma source(%arg12 : memref<384x32xf32, #tpu.memory_space<vmem>>) target(%dma_start3A_39 : memref<50048x32xf32, #tpu.memory_space<vmem_shared>>) offsets(%arg10 : memref<384xi32, #tpu.memory_space<vmem>>) semaphore(%arg17 : memref<!tpu.dma_semaphore, #tpu.memory_space<semaphore_mem>>) {add = true}
        %dma_wait3A_40 = arith.constant 0 : i32
        %dma_wait3A_41 = arith.constant 0 : i32
        %dma_wait3A_42 = tpu.memref_slice %arg14[%dma_wait3A_40, %dma_wait3A_41] : memref<50048x32xf32, #tpu.memory_space<vmem_shared>> -> memref<50048x32xf32, #tpu.memory_space<vmem_shared>>
        tpu.wait_indirect_dma semaphore(%arg17 : memref<!tpu.dma_semaphore, #tpu.memory_space<semaphore_mem>>) src(%arg12 : memref<384x32xf32, #tpu.memory_space<vmem>>) dst(%dma_wait3A_42 : memref<50048x32xf32, #tpu.memory_space<vmem_shared>>)
        %lt3A = arith.constant 65 : i32
        %lt3A_43 = arith.cmpi slt, %scan3A_23, %lt3A : i32
        %convert_element_type3A_44 = arith.extui %lt3A_43 : i1 to i32
        %cond3A_45 = arith.constant 0 : i32
        %cond3A_46 = arith.cmpi ne, %convert_element_type3A_44, %cond3A_45 : i32
        scf.if %cond3A_46 {
          %add3A_56 = arith.constant 2 : i32
          %add3A_57 = arith.addi %mul3A_25, %add3A_56 : i32
          %mul3A_58 = arith.constant 384 : i32
          %mul3A_59 = arith.muli %add3A_57, %mul3A_58 : i32
          %add3A_60 = arith.addi %mul3A_2, %mul3A_59 : i32
          %multiple_of3A_61 = tpu.assume_multiple %add3A_60, 384 : i32
          "tpu.region"() ({
            %run_scoped3A = tpu.sem_alloc : memref<!tpu.dma_semaphore, #tpu.memory_space<semaphore_mem>>
            %dma_start3A_65 = tpu.memref_slice %arg4[%multiple_of3A_61] : memref<811008xi32, #tpu.memory_space<hbm>> -> memref<384xi32, #tpu.memory_space<hbm>>
            %dma_start3A_66 = tpu.memref_slice %arg4[%multiple_of3A_61] : memref<811008xi32, #tpu.memory_space<hbm>> -> memref<384xi32, #tpu.memory_space<hbm>>
            tpu.enqueue_dma source(%dma_start3A_66 : memref<384xi32, #tpu.memory_space<hbm>>) target(%arg8 : memref<384xi32, #tpu.memory_space<vmem>>) target_semaphore(%run_scoped3A : memref<!tpu.dma_semaphore, #tpu.memory_space<semaphore_mem>>)
            %dma_wait3A_67 = tpu.memref_slice %arg4[%multiple_of3A_61] : memref<811008xi32, #tpu.memory_space<hbm>> -> memref<384xi32, #tpu.memory_space<hbm>>
            %dma_wait3A_68 = tpu.memref_slice %arg4[%multiple_of3A_61] : memref<811008xi32, #tpu.memory_space<hbm>> -> memref<384xi32, #tpu.memory_space<hbm>>
            tpu.wait_dma2 semaphore(%run_scoped3A : memref<!tpu.dma_semaphore, #tpu.memory_space<semaphore_mem>>) src(%dma_wait3A_68 : memref<384xi32, #tpu.memory_space<hbm>>) dst(%arg8 : memref<384xi32, #tpu.memory_space<vmem>>)
            tpu.yield
          }) : () -> ()
          "tpu.region"() ({
            %run_scoped3A = tpu.sem_alloc : memref<!tpu.dma_semaphore, #tpu.memory_space<semaphore_mem>>
            %dma_start3A_65 = tpu.memref_slice %arg5[%multiple_of3A_61] : memref<811008xi32, #tpu.memory_space<hbm>> -> memref<384xi32, #tpu.memory_space<hbm>>
            %dma_start3A_66 = tpu.memref_slice %arg5[%multiple_of3A_61] : memref<811008xi32, #tpu.memory_space<hbm>> -> memref<384xi32, #tpu.memory_space<hbm>>
            tpu.enqueue_dma source(%dma_start3A_66 : memref<384xi32, #tpu.memory_space<hbm>>) target(%arg10 : memref<384xi32, #tpu.memory_space<vmem>>) target_semaphore(%run_scoped3A : memref<!tpu.dma_semaphore, #tpu.memory_space<semaphore_mem>>)
            %dma_wait3A_67 = tpu.memref_slice %arg5[%multiple_of3A_61] : memref<811008xi32, #tpu.memory_space<hbm>> -> memref<384xi32, #tpu.memory_space<hbm>>
            %dma_wait3A_68 = tpu.memref_slice %arg5[%multiple_of3A_61] : memref<811008xi32, #tpu.memory_space<hbm>> -> memref<384xi32, #tpu.memory_space<hbm>>
            tpu.wait_dma2 semaphore(%run_scoped3A : memref<!tpu.dma_semaphore, #tpu.memory_space<semaphore_mem>>) src(%dma_wait3A_68 : memref<384xi32, #tpu.memory_space<hbm>>) dst(%arg10 : memref<384xi32, #tpu.memory_space<vmem>>)
            tpu.yield
          }) : () -> ()
          %dma_start3A_62 = arith.constant 0 : i32
          %dma_start3A_63 = arith.constant 0 : i32
          %dma_start3A_64 = tpu.memref_slice %arg2[%dma_start3A_62, %dma_start3A_63] : memref<50000x32xf32, #tpu.memory_space<hbm>> -> memref<50000x32xf32, #tpu.memory_space<hbm>>
          tpu.enqueue_indirect_dma source(%dma_start3A_64 : memref<50000x32xf32, #tpu.memory_space<hbm>>) target(%arg12 : memref<384x32xf32, #tpu.memory_space<vmem>>) offsets(%arg8 : memref<384xi32, #tpu.memory_space<vmem>>) semaphore(%arg15 : memref<!tpu.dma_semaphore, #tpu.memory_space<semaphore_mem>>)
        } else {
        }
        %dma_wait3A_47 = arith.constant 0 : i32
        %dma_wait3A_48 = arith.constant 0 : i32
        %dma_wait3A_49 = tpu.memref_slice %arg2[%dma_wait3A_47, %dma_wait3A_48] : memref<50000x32xf32, #tpu.memory_space<hbm>> -> memref<50000x32xf32, #tpu.memory_space<hbm>>
        tpu.wait_indirect_dma semaphore(%arg16 : memref<!tpu.dma_semaphore, #tpu.memory_space<semaphore_mem>>) src(%dma_wait3A_49 : memref<50000x32xf32, #tpu.memory_space<hbm>>) dst(%arg13 : memref<384x32xf32, #tpu.memory_space<vmem>>)
        %dma_start3A_50 = arith.constant 0 : i32
        %dma_start3A_51 = arith.constant 0 : i32
        %dma_start3A_52 = tpu.memref_slice %arg14[%dma_start3A_50, %dma_start3A_51] : memref<50048x32xf32, #tpu.memory_space<vmem_shared>> -> memref<50048x32xf32, #tpu.memory_space<vmem_shared>>
        tpu.enqueue_indirect_dma source(%arg13 : memref<384x32xf32, #tpu.memory_space<vmem>>) target(%dma_start3A_52 : memref<50048x32xf32, #tpu.memory_space<vmem_shared>>) offsets(%arg11 : memref<384xi32, #tpu.memory_space<vmem>>) semaphore(%arg18 : memref<!tpu.dma_semaphore, #tpu.memory_space<semaphore_mem>>) {add = true}
        %dma_wait3A_53 = arith.constant 0 : i32
        %dma_wait3A_54 = arith.constant 0 : i32
        %dma_wait3A_55 = tpu.memref_slice %arg14[%dma_wait3A_53, %dma_wait3A_54] : memref<50048x32xf32, #tpu.memory_space<vmem_shared>> -> memref<50048x32xf32, #tpu.memory_space<vmem_shared>>
        tpu.wait_indirect_dma semaphore(%arg18 : memref<!tpu.dma_semaphore, #tpu.memory_space<semaphore_mem>>) src(%arg13 : memref<384x32xf32, #tpu.memory_space<vmem>>) dst(%dma_wait3A_55 : memref<50048x32xf32, #tpu.memory_space<vmem_shared>>)
      }
      %scan3A_22 = arith.constant 66 : i32
    } else {
    }
    %eq3A_5 = arith.constant 1 : i32
    %eq3A_6 = arith.cmpi eq, %arg0, %eq3A_5 : i32
    %convert_element_type3A_7 = arith.extui %eq3A_6 : i1 to i32
    %cond3A_8 = arith.constant 0 : i32
    %cond3A_9 = arith.cmpi ne, %convert_element_type3A_7, %cond3A_8 : i32
    scf.if %cond3A_9 {
      %add3A = arith.constant 0 : i32
      %add3A_15 = arith.addi %mul3A_2, %add3A : i32
      %multiple_of3A = tpu.assume_multiple %add3A_15, 384 : i32
      "tpu.region"() ({
        %run_scoped3A = tpu.sem_alloc : memref<!tpu.dma_semaphore, #tpu.memory_space<semaphore_mem>>
        %dma_start3A_23 = tpu.memref_slice %arg4[%multiple_of3A] : memref<811008xi32, #tpu.memory_space<hbm>> -> memref<384xi32, #tpu.memory_space<hbm>>
        %dma_start3A_24 = tpu.memref_slice %arg4[%multiple_of3A] : memref<811008xi32, #tpu.memory_space<hbm>> -> memref<384xi32, #tpu.memory_space<hbm>>
        tpu.enqueue_dma source(%dma_start3A_24 : memref<384xi32, #tpu.memory_space<hbm>>) target(%arg8 : memref<384xi32, #tpu.memory_space<vmem>>) target_semaphore(%run_scoped3A : memref<!tpu.dma_semaphore, #tpu.memory_space<semaphore_mem>>)
        %dma_wait3A = tpu.memref_slice %arg4[%multiple_of3A] : memref<811008xi32, #tpu.memory_space<hbm>> -> memref<384xi32, #tpu.memory_space<hbm>>
        %dma_wait3A_25 = tpu.memref_slice %arg4[%multiple_of3A] : memref<811008xi32, #tpu.memory_space<hbm>> -> memref<384xi32, #tpu.memory_space<hbm>>
        tpu.wait_dma2 semaphore(%run_scoped3A : memref<!tpu.dma_semaphore, #tpu.memory_space<semaphore_mem>>) src(%dma_wait3A_25 : memref<384xi32, #tpu.memory_space<hbm>>) dst(%arg8 : memref<384xi32, #tpu.memory_space<vmem>>)
        tpu.yield
      }) : () -> ()
      "tpu.region"() ({
        %run_scoped3A = tpu.sem_alloc : memref<!tpu.dma_semaphore, #tpu.memory_space<semaphore_mem>>
        %dma_start3A_23 = tpu.memref_slice %arg5[%multiple_of3A] : memref<811008xi32, #tpu.memory_space<hbm>> -> memref<384xi32, #tpu.memory_space<hbm>>
        %dma_start3A_24 = tpu.memref_slice %arg5[%multiple_of3A] : memref<811008xi32, #tpu.memory_space<hbm>> -> memref<384xi32, #tpu.memory_space<hbm>>
        tpu.enqueue_dma source(%dma_start3A_24 : memref<384xi32, #tpu.memory_space<hbm>>) target(%arg10 : memref<384xi32, #tpu.memory_space<vmem>>) target_semaphore(%run_scoped3A : memref<!tpu.dma_semaphore, #tpu.memory_space<semaphore_mem>>)
        %dma_wait3A = tpu.memref_slice %arg5[%multiple_of3A] : memref<811008xi32, #tpu.memory_space<hbm>> -> memref<384xi32, #tpu.memory_space<hbm>>
        %dma_wait3A_25 = tpu.memref_slice %arg5[%multiple_of3A] : memref<811008xi32, #tpu.memory_space<hbm>> -> memref<384xi32, #tpu.memory_space<hbm>>
        tpu.wait_dma2 semaphore(%run_scoped3A : memref<!tpu.dma_semaphore, #tpu.memory_space<semaphore_mem>>) src(%dma_wait3A_25 : memref<384xi32, #tpu.memory_space<hbm>>) dst(%arg10 : memref<384xi32, #tpu.memory_space<vmem>>)
        tpu.yield
      }) : () -> ()
      %dma_start3A = arith.constant 0 : i32
      %dma_start3A_16 = arith.constant 0 : i32
      %dma_start3A_17 = tpu.memref_slice %arg3[%dma_start3A, %dma_start3A_16] : memref<50000x32xf32, #tpu.memory_space<hbm>> -> memref<50000x32xf32, #tpu.memory_space<hbm>>
      tpu.enqueue_indirect_dma source(%dma_start3A_17 : memref<50000x32xf32, #tpu.memory_space<hbm>>) target(%arg12 : memref<384x32xf32, #tpu.memory_space<vmem>>) offsets(%arg8 : memref<384xi32, #tpu.memory_space<vmem>>) semaphore(%arg15 : memref<!tpu.dma_semaphore, #tpu.memory_space<semaphore_mem>>)
      %scan3A = arith.constant 0 : i32
      %scan3A_18 = arith.constant 0 : i32
      %scan3A_19 = arith.constant 66 : i32
      %scan3A_20 = arith.addi %scan3A_18, %scan3A_19 : i32
      %scan3A_21 = arith.constant 1 : i32
      scf.for %scan3A_23 = %scan3A_18 to %scan3A_20 step %scan3A_21  : i32 {
        %mul3A_24 = arith.constant 2 : i32
        %mul3A_25 = arith.muli %mul3A_24, %scan3A_23 : i32
        %add3A_26 = arith.constant 1 : i32
        %add3A_27 = arith.addi %mul3A_25, %add3A_26 : i32
        %mul3A_28 = arith.constant 384 : i32
        %mul3A_29 = arith.muli %add3A_27, %mul3A_28 : i32
        %add3A_30 = arith.addi %mul3A_2, %mul3A_29 : i32
        %multiple_of3A_31 = tpu.assume_multiple %add3A_30, 384 : i32
        "tpu.region"() ({
          %run_scoped3A = tpu.sem_alloc : memref<!tpu.dma_semaphore, #tpu.memory_space<semaphore_mem>>
          %dma_start3A_56 = tpu.memref_slice %arg4[%multiple_of3A_31] : memref<811008xi32, #tpu.memory_space<hbm>> -> memref<384xi32, #tpu.memory_space<hbm>>
          %dma_start3A_57 = tpu.memref_slice %arg4[%multiple_of3A_31] : memref<811008xi32, #tpu.memory_space<hbm>> -> memref<384xi32, #tpu.memory_space<hbm>>
          tpu.enqueue_dma source(%dma_start3A_57 : memref<384xi32, #tpu.memory_space<hbm>>) target(%arg9 : memref<384xi32, #tpu.memory_space<vmem>>) target_semaphore(%run_scoped3A : memref<!tpu.dma_semaphore, #tpu.memory_space<semaphore_mem>>)
          %dma_wait3A_58 = tpu.memref_slice %arg4[%multiple_of3A_31] : memref<811008xi32, #tpu.memory_space<hbm>> -> memref<384xi32, #tpu.memory_space<hbm>>
          %dma_wait3A_59 = tpu.memref_slice %arg4[%multiple_of3A_31] : memref<811008xi32, #tpu.memory_space<hbm>> -> memref<384xi32, #tpu.memory_space<hbm>>
          tpu.wait_dma2 semaphore(%run_scoped3A : memref<!tpu.dma_semaphore, #tpu.memory_space<semaphore_mem>>) src(%dma_wait3A_59 : memref<384xi32, #tpu.memory_space<hbm>>) dst(%arg9 : memref<384xi32, #tpu.memory_space<vmem>>)
          tpu.yield
        }) : () -> ()
        "tpu.region"() ({
          %run_scoped3A = tpu.sem_alloc : memref<!tpu.dma_semaphore, #tpu.memory_space<semaphore_mem>>
          %dma_start3A_56 = tpu.memref_slice %arg5[%multiple_of3A_31] : memref<811008xi32, #tpu.memory_space<hbm>> -> memref<384xi32, #tpu.memory_space<hbm>>
          %dma_start3A_57 = tpu.memref_slice %arg5[%multiple_of3A_31] : memref<811008xi32, #tpu.memory_space<hbm>> -> memref<384xi32, #tpu.memory_space<hbm>>
          tpu.enqueue_dma source(%dma_start3A_57 : memref<384xi32, #tpu.memory_space<hbm>>) target(%arg11 : memref<384xi32, #tpu.memory_space<vmem>>) target_semaphore(%run_scoped3A : memref<!tpu.dma_semaphore, #tpu.memory_space<semaphore_mem>>)
          %dma_wait3A_58 = tpu.memref_slice %arg5[%multiple_of3A_31] : memref<811008xi32, #tpu.memory_space<hbm>> -> memref<384xi32, #tpu.memory_space<hbm>>
          %dma_wait3A_59 = tpu.memref_slice %arg5[%multiple_of3A_31] : memref<811008xi32, #tpu.memory_space<hbm>> -> memref<384xi32, #tpu.memory_space<hbm>>
          tpu.wait_dma2 semaphore(%run_scoped3A : memref<!tpu.dma_semaphore, #tpu.memory_space<semaphore_mem>>) src(%dma_wait3A_59 : memref<384xi32, #tpu.memory_space<hbm>>) dst(%arg11 : memref<384xi32, #tpu.memory_space<vmem>>)
          tpu.yield
        }) : () -> ()
        %dma_wait3A = arith.constant 0 : i32
        %dma_wait3A_32 = arith.constant 0 : i32
        %dma_wait3A_33 = tpu.memref_slice %arg3[%dma_wait3A, %dma_wait3A_32] : memref<50000x32xf32, #tpu.memory_space<hbm>> -> memref<50000x32xf32, #tpu.memory_space<hbm>>
        tpu.wait_indirect_dma semaphore(%arg15 : memref<!tpu.dma_semaphore, #tpu.memory_space<semaphore_mem>>) src(%dma_wait3A_33 : memref<50000x32xf32, #tpu.memory_space<hbm>>) dst(%arg12 : memref<384x32xf32, #tpu.memory_space<vmem>>)
        %dma_start3A_34 = arith.constant 0 : i32
        %dma_start3A_35 = arith.constant 0 : i32
        %dma_start3A_36 = tpu.memref_slice %arg3[%dma_start3A_34, %dma_start3A_35] : memref<50000x32xf32, #tpu.memory_space<hbm>> -> memref<50000x32xf32, #tpu.memory_space<hbm>>
        tpu.enqueue_indirect_dma source(%dma_start3A_36 : memref<50000x32xf32, #tpu.memory_space<hbm>>) target(%arg13 : memref<384x32xf32, #tpu.memory_space<vmem>>) offsets(%arg9 : memref<384xi32, #tpu.memory_space<vmem>>) semaphore(%arg16 : memref<!tpu.dma_semaphore, #tpu.memory_space<semaphore_mem>>)
        %dma_start3A_37 = arith.constant 0 : i32
        %dma_start3A_38 = arith.constant 0 : i32
        %dma_start3A_39 = tpu.memref_slice %arg14[%dma_start3A_37, %dma_start3A_38] : memref<50048x32xf32, #tpu.memory_space<vmem_shared>> -> memref<50048x32xf32, #tpu.memory_space<vmem_shared>>
        tpu.enqueue_indirect_dma source(%arg12 : memref<384x32xf32, #tpu.memory_space<vmem>>) target(%dma_start3A_39 : memref<50048x32xf32, #tpu.memory_space<vmem_shared>>) offsets(%arg10 : memref<384xi32, #tpu.memory_space<vmem>>) semaphore(%arg17 : memref<!tpu.dma_semaphore, #tpu.memory_space<semaphore_mem>>) {add = true}
        %dma_wait3A_40 = arith.constant 0 : i32
        %dma_wait3A_41 = arith.constant 0 : i32
        %dma_wait3A_42 = tpu.memref_slice %arg14[%dma_wait3A_40, %dma_wait3A_41] : memref<50048x32xf32, #tpu.memory_space<vmem_shared>> -> memref<50048x32xf32, #tpu.memory_space<vmem_shared>>
        tpu.wait_indirect_dma semaphore(%arg17 : memref<!tpu.dma_semaphore, #tpu.memory_space<semaphore_mem>>) src(%arg12 : memref<384x32xf32, #tpu.memory_space<vmem>>) dst(%dma_wait3A_42 : memref<50048x32xf32, #tpu.memory_space<vmem_shared>>)
        %lt3A = arith.constant 65 : i32
        %lt3A_43 = arith.cmpi slt, %scan3A_23, %lt3A : i32
        %convert_element_type3A_44 = arith.extui %lt3A_43 : i1 to i32
        %cond3A_45 = arith.constant 0 : i32
        %cond3A_46 = arith.cmpi ne, %convert_element_type3A_44, %cond3A_45 : i32
        scf.if %cond3A_46 {
          %add3A_56 = arith.constant 2 : i32
          %add3A_57 = arith.addi %mul3A_25, %add3A_56 : i32
          %mul3A_58 = arith.constant 384 : i32
          %mul3A_59 = arith.muli %add3A_57, %mul3A_58 : i32
          %add3A_60 = arith.addi %mul3A_2, %mul3A_59 : i32
          %multiple_of3A_61 = tpu.assume_multiple %add3A_60, 384 : i32
          "tpu.region"() ({
            %run_scoped3A = tpu.sem_alloc : memref<!tpu.dma_semaphore, #tpu.memory_space<semaphore_mem>>
            %dma_start3A_65 = tpu.memref_slice %arg4[%multiple_of3A_61] : memref<811008xi32, #tpu.memory_space<hbm>> -> memref<384xi32, #tpu.memory_space<hbm>>
            %dma_start3A_66 = tpu.memref_slice %arg4[%multiple_of3A_61] : memref<811008xi32, #tpu.memory_space<hbm>> -> memref<384xi32, #tpu.memory_space<hbm>>
            tpu.enqueue_dma source(%dma_start3A_66 : memref<384xi32, #tpu.memory_space<hbm>>) target(%arg8 : memref<384xi32, #tpu.memory_space<vmem>>) target_semaphore(%run_scoped3A : memref<!tpu.dma_semaphore, #tpu.memory_space<semaphore_mem>>)
            %dma_wait3A_67 = tpu.memref_slice %arg4[%multiple_of3A_61] : memref<811008xi32, #tpu.memory_space<hbm>> -> memref<384xi32, #tpu.memory_space<hbm>>
            %dma_wait3A_68 = tpu.memref_slice %arg4[%multiple_of3A_61] : memref<811008xi32, #tpu.memory_space<hbm>> -> memref<384xi32, #tpu.memory_space<hbm>>
            tpu.wait_dma2 semaphore(%run_scoped3A : memref<!tpu.dma_semaphore, #tpu.memory_space<semaphore_mem>>) src(%dma_wait3A_68 : memref<384xi32, #tpu.memory_space<hbm>>) dst(%arg8 : memref<384xi32, #tpu.memory_space<vmem>>)
            tpu.yield
          }) : () -> ()
          "tpu.region"() ({
            %run_scoped3A = tpu.sem_alloc : memref<!tpu.dma_semaphore, #tpu.memory_space<semaphore_mem>>
            %dma_start3A_65 = tpu.memref_slice %arg5[%multiple_of3A_61] : memref<811008xi32, #tpu.memory_space<hbm>> -> memref<384xi32, #tpu.memory_space<hbm>>
            %dma_start3A_66 = tpu.memref_slice %arg5[%multiple_of3A_61] : memref<811008xi32, #tpu.memory_space<hbm>> -> memref<384xi32, #tpu.memory_space<hbm>>
            tpu.enqueue_dma source(%dma_start3A_66 : memref<384xi32, #tpu.memory_space<hbm>>) target(%arg10 : memref<384xi32, #tpu.memory_space<vmem>>) target_semaphore(%run_scoped3A : memref<!tpu.dma_semaphore, #tpu.memory_space<semaphore_mem>>)
            %dma_wait3A_67 = tpu.memref_slice %arg5[%multiple_of3A_61] : memref<811008xi32, #tpu.memory_space<hbm>> -> memref<384xi32, #tpu.memory_space<hbm>>
            %dma_wait3A_68 = tpu.memref_slice %arg5[%multiple_of3A_61] : memref<811008xi32, #tpu.memory_space<hbm>> -> memref<384xi32, #tpu.memory_space<hbm>>
            tpu.wait_dma2 semaphore(%run_scoped3A : memref<!tpu.dma_semaphore, #tpu.memory_space<semaphore_mem>>) src(%dma_wait3A_68 : memref<384xi32, #tpu.memory_space<hbm>>) dst(%arg10 : memref<384xi32, #tpu.memory_space<vmem>>)
            tpu.yield
          }) : () -> ()
          %dma_start3A_62 = arith.constant 0 : i32
          %dma_start3A_63 = arith.constant 0 : i32
          %dma_start3A_64 = tpu.memref_slice %arg3[%dma_start3A_62, %dma_start3A_63] : memref<50000x32xf32, #tpu.memory_space<hbm>> -> memref<50000x32xf32, #tpu.memory_space<hbm>>
          tpu.enqueue_indirect_dma source(%dma_start3A_64 : memref<50000x32xf32, #tpu.memory_space<hbm>>) target(%arg12 : memref<384x32xf32, #tpu.memory_space<vmem>>) offsets(%arg8 : memref<384xi32, #tpu.memory_space<vmem>>) semaphore(%arg15 : memref<!tpu.dma_semaphore, #tpu.memory_space<semaphore_mem>>)
        } else {
        }
        %dma_wait3A_47 = arith.constant 0 : i32
        %dma_wait3A_48 = arith.constant 0 : i32
        %dma_wait3A_49 = tpu.memref_slice %arg3[%dma_wait3A_47, %dma_wait3A_48] : memref<50000x32xf32, #tpu.memory_space<hbm>> -> memref<50000x32xf32, #tpu.memory_space<hbm>>
        tpu.wait_indirect_dma semaphore(%arg16 : memref<!tpu.dma_semaphore, #tpu.memory_space<semaphore_mem>>) src(%dma_wait3A_49 : memref<50000x32xf32, #tpu.memory_space<hbm>>) dst(%arg13 : memref<384x32xf32, #tpu.memory_space<vmem>>)
        %dma_start3A_50 = arith.constant 0 : i32
        %dma_start3A_51 = arith.constant 0 : i32
        %dma_start3A_52 = tpu.memref_slice %arg14[%dma_start3A_50, %dma_start3A_51] : memref<50048x32xf32, #tpu.memory_space<vmem_shared>> -> memref<50048x32xf32, #tpu.memory_space<vmem_shared>>
        tpu.enqueue_indirect_dma source(%arg13 : memref<384x32xf32, #tpu.memory_space<vmem>>) target(%dma_start3A_52 : memref<50048x32xf32, #tpu.memory_space<vmem_shared>>) offsets(%arg11 : memref<384xi32, #tpu.memory_space<vmem>>) semaphore(%arg18 : memref<!tpu.dma_semaphore, #tpu.memory_space<semaphore_mem>>) {add = true}
        %dma_wait3A_53 = arith.constant 0 : i32
        %dma_wait3A_54 = arith.constant 0 : i32
        %dma_wait3A_55 = tpu.memref_slice %arg14[%dma_wait3A_53, %dma_wait3A_54] : memref<50048x32xf32, #tpu.memory_space<vmem_shared>> -> memref<50048x32xf32, #tpu.memory_space<vmem_shared>>
        tpu.wait_indirect_dma semaphore(%arg18 : memref<!tpu.dma_semaphore, #tpu.memory_space<semaphore_mem>>) src(%arg13 : memref<384x32xf32, #tpu.memory_space<vmem>>) dst(%dma_wait3A_55 : memref<50048x32xf32, #tpu.memory_space<vmem_shared>>)
      }
      %scan3A_22 = arith.constant 66 : i32
    } else {
    }
    %barrier3A_10 = arith.constant 0 : index
    tpu.barrier barrier_id(%barrier3A_10)
    %mul3A_11 = arith.constant 3128 : i32
    %mul3A_12 = arith.muli %arg1, %mul3A_11 : i32
    %mul3A_13 = arith.constant 3128 : i32
    %mul3A_14 = arith.muli %arg1, %mul3A_13 : i32
    "tpu.region"() ({
      %run_scoped3A = tpu.sem_alloc : memref<!tpu.dma_semaphore, #tpu.memory_space<semaphore_mem>>
      %dma_start3A = arith.constant 0 : i32
      %dma_start3A_15 = tpu.memref_slice %arg7[%arg0, %mul3A_14, %dma_start3A] : memref<2x50048x32xf32, #tpu.memory_space<hbm>> -> memref<1x3128x32xf32, #tpu.memory_space<hbm>>
      %dma_start3A_16 = tpu.memref_squeeze %dma_start3A_15 : memref<1x3128x32xf32, #tpu.memory_space<hbm>> -> memref<3128x32xf32, #tpu.memory_space<hbm>>
      %dma_start3A_17 = arith.constant 0 : i32
      %dma_start3A_18 = tpu.memref_slice %arg14[%mul3A_12, %dma_start3A_17] : memref<50048x32xf32, #tpu.memory_space<vmem_shared>> -> memref<3128x32xf32, #tpu.memory_space<vmem_shared>>
      tpu.enqueue_dma source(%dma_start3A_18 : memref<3128x32xf32, #tpu.memory_space<vmem_shared>>) target(%dma_start3A_16 : memref<3128x32xf32, #tpu.memory_space<hbm>>) target_semaphore(%run_scoped3A : memref<!tpu.dma_semaphore, #tpu.memory_space<semaphore_mem>>)
      %dma_wait3A = arith.constant 0 : i32
      %dma_wait3A_19 = tpu.memref_slice %arg7[%arg0, %mul3A_14, %dma_wait3A] : memref<2x50048x32xf32, #tpu.memory_space<hbm>> -> memref<1x3128x32xf32, #tpu.memory_space<hbm>>
      %dma_wait3A_20 = tpu.memref_squeeze %dma_wait3A_19 : memref<1x3128x32xf32, #tpu.memory_space<hbm>> -> memref<3128x32xf32, #tpu.memory_space<hbm>>
      %dma_wait3A_21 = arith.constant 0 : i32
      %dma_wait3A_22 = tpu.memref_slice %arg14[%mul3A_12, %dma_wait3A_21] : memref<50048x32xf32, #tpu.memory_space<vmem_shared>> -> memref<3128x32xf32, #tpu.memory_space<vmem_shared>>
      tpu.wait_dma2 semaphore(%run_scoped3A : memref<!tpu.dma_semaphore, #tpu.memory_space<semaphore_mem>>) src(%dma_wait3A_22 : memref<3128x32xf32, #tpu.memory_space<vmem_shared>>) dst(%dma_wait3A_20 : memref<3128x32xf32, #tpu.memory_space<hbm>>)
      tpu.yield
    }) : () -> ()
    return
  }
}

#map = affine_map<(d0, d1) -> (0, 0)>
#map1 = affine_map<(d0, d1) -> (0)>
#map2 = affine_map<(d0, d1) -> (0, 0, 0)>
module attributes {stable_mosaic.version = 14 : i64} {
  func.func @_sc_aug(%arg0: i32, %arg1: i32, %arg2: memref<811008x8xf32, #tpu.memory_space<hbm>>, %arg3: memref<811008xi32, #tpu.memory_space<hbm>>, %arg4: memref<3128x8xf32, #tpu.memory_space<hbm>>, %arg5: memref<2x50048x8xf32, #tpu.memory_space<hbm>>, %arg6: memref<2112xi32, #tpu.memory_space<vmem>>, %arg7: memref<2112xi32, #tpu.memory_space<vmem>>, %arg8: memref<2112x8xf32, #tpu.memory_space<vmem>>, %arg9: memref<2112x8xf32, #tpu.memory_space<vmem>>, %arg10: memref<50048x8xf32, #tpu.memory_space<vmem_shared>>, %arg11: memref<!tpu.dma_semaphore, #tpu.memory_space<semaphore_mem>>, %arg12: memref<!tpu.dma_semaphore, #tpu.memory_space<semaphore_mem>>, %arg13: memref<!tpu.dma_semaphore, #tpu.memory_space<semaphore_mem>>, %arg14: memref<!tpu.dma_semaphore, #tpu.memory_space<semaphore_mem>>) attributes {dimension_semantics = [#tpu.dimension_semantics<core_parallel>, #tpu.dimension_semantics<subcore_parallel>], iteration_bounds = array<i64: 2, 16>, scalar_prefetch = 0 : i64, scratch_operands = 9 : i64, tpu.core_type = #tpu.core_type<sc_vector_subcore>, window_params = [{transform_indices = #map}, {transform_indices = #map1}, {transform_indices = #map}, {transform_indices = #map2}]} {
    %mul3A = arith.constant 3128 : i32
    %mul3A_0 = arith.muli %arg1, %mul3A : i32
    "tpu.region"() ({
      %run_scoped3A = tpu.sem_alloc : memref<!tpu.dma_semaphore, #tpu.memory_space<semaphore_mem>>
      %dma_start3A_20 = arith.constant 0 : i32
      %dma_start3A_21 = tpu.memref_slice %arg10[%mul3A_0, %dma_start3A_20] : memref<50048x8xf32, #tpu.memory_space<vmem_shared>> -> memref<3128x8xf32, #tpu.memory_space<vmem_shared>>
      tpu.enqueue_dma source(%arg4 : memref<3128x8xf32, #tpu.memory_space<hbm>>) target(%dma_start3A_21 : memref<3128x8xf32, #tpu.memory_space<vmem_shared>>) target_semaphore(%run_scoped3A : memref<!tpu.dma_semaphore, #tpu.memory_space<semaphore_mem>>)
      %dma_wait3A = arith.constant 0 : i32
      %dma_wait3A_22 = tpu.memref_slice %arg10[%mul3A_0, %dma_wait3A] : memref<50048x8xf32, #tpu.memory_space<vmem_shared>> -> memref<3128x8xf32, #tpu.memory_space<vmem_shared>>
      tpu.wait_dma2 semaphore(%run_scoped3A : memref<!tpu.dma_semaphore, #tpu.memory_space<semaphore_mem>>) src(%arg4 : memref<3128x8xf32, #tpu.memory_space<hbm>>) dst(%dma_wait3A_22 : memref<3128x8xf32, #tpu.memory_space<vmem_shared>>)
      tpu.yield
    }) : () -> ()
    %barrier3A = arith.constant 0 : index
    tpu.barrier barrier_id(%barrier3A)
    %mul3A_1 = arith.constant 16 : i32
    %mul3A_2 = arith.muli %arg0, %mul3A_1 : i32
    %add3A = arith.addi %mul3A_2, %arg1 : i32
    %mul3A_3 = arith.constant 25344 : i32
    %mul3A_4 = arith.muli %add3A, %mul3A_3 : i32
    %add3A_5 = arith.constant 0 : i32
    %add3A_6 = arith.addi %mul3A_4, %add3A_5 : i32
    %multiple_of3A = tpu.assume_multiple %add3A_6, 2112 : i32
    "tpu.region"() ({
      %run_scoped3A = tpu.sem_alloc : memref<!tpu.dma_semaphore, #tpu.memory_space<semaphore_mem>>
      %dma_start3A_20 = tpu.memref_slice %arg3[%multiple_of3A] : memref<811008xi32, #tpu.memory_space<hbm>> -> memref<2112xi32, #tpu.memory_space<hbm>>
      %dma_start3A_21 = tpu.memref_slice %arg3[%multiple_of3A] : memref<811008xi32, #tpu.memory_space<hbm>> -> memref<2112xi32, #tpu.memory_space<hbm>>
      tpu.enqueue_dma source(%dma_start3A_21 : memref<2112xi32, #tpu.memory_space<hbm>>) target(%arg6 : memref<2112xi32, #tpu.memory_space<vmem>>) target_semaphore(%run_scoped3A : memref<!tpu.dma_semaphore, #tpu.memory_space<semaphore_mem>>)
      %dma_wait3A = tpu.memref_slice %arg3[%multiple_of3A] : memref<811008xi32, #tpu.memory_space<hbm>> -> memref<2112xi32, #tpu.memory_space<hbm>>
      %dma_wait3A_22 = tpu.memref_slice %arg3[%multiple_of3A] : memref<811008xi32, #tpu.memory_space<hbm>> -> memref<2112xi32, #tpu.memory_space<hbm>>
      tpu.wait_dma2 semaphore(%run_scoped3A : memref<!tpu.dma_semaphore, #tpu.memory_space<semaphore_mem>>) src(%dma_wait3A_22 : memref<2112xi32, #tpu.memory_space<hbm>>) dst(%arg6 : memref<2112xi32, #tpu.memory_space<vmem>>)
      tpu.yield
    }) : () -> ()
    %dma_start3A = arith.constant 0 : i32
    %dma_start3A_7 = tpu.memref_slice %arg2[%multiple_of3A, %dma_start3A] : memref<811008x8xf32, #tpu.memory_space<hbm>> -> memref<2112x8xf32, #tpu.memory_space<hbm>>
    %dma_start3A_8 = arith.constant 0 : i32
    %dma_start3A_9 = tpu.memref_slice %arg2[%multiple_of3A, %dma_start3A_8] : memref<811008x8xf32, #tpu.memory_space<hbm>> -> memref<2112x8xf32, #tpu.memory_space<hbm>>
    tpu.enqueue_dma source(%dma_start3A_9 : memref<2112x8xf32, #tpu.memory_space<hbm>>) target(%arg8 : memref<2112x8xf32, #tpu.memory_space<vmem>>) target_semaphore(%arg11 : memref<!tpu.dma_semaphore, #tpu.memory_space<semaphore_mem>>)
    %scan3A = arith.constant 0 : i32
    %scan3A_10 = arith.constant 0 : i32
    %scan3A_11 = arith.constant 6 : i32
    %scan3A_12 = arith.addi %scan3A_10, %scan3A_11 : i32
    %scan3A_13 = arith.constant 1 : i32
    scf.for %scan3A_20 = %scan3A_10 to %scan3A_12 step %scan3A_13  : i32 {
      %mul3A_21 = arith.constant 2 : i32
      %mul3A_22 = arith.muli %mul3A_21, %scan3A_20 : i32
      %add3A_23 = arith.constant 1 : i32
      %add3A_24 = arith.addi %mul3A_22, %add3A_23 : i32
      %mul3A_25 = arith.constant 2112 : i32
      %mul3A_26 = arith.muli %add3A_24, %mul3A_25 : i32
      %add3A_27 = arith.addi %mul3A_4, %mul3A_26 : i32
      %multiple_of3A_28 = tpu.assume_multiple %add3A_27, 2112 : i32
      "tpu.region"() ({
        %run_scoped3A = tpu.sem_alloc : memref<!tpu.dma_semaphore, #tpu.memory_space<semaphore_mem>>
        %dma_start3A_58 = tpu.memref_slice %arg3[%multiple_of3A_28] : memref<811008xi32, #tpu.memory_space<hbm>> -> memref<2112xi32, #tpu.memory_space<hbm>>
        %dma_start3A_59 = tpu.memref_slice %arg3[%multiple_of3A_28] : memref<811008xi32, #tpu.memory_space<hbm>> -> memref<2112xi32, #tpu.memory_space<hbm>>
        tpu.enqueue_dma source(%dma_start3A_59 : memref<2112xi32, #tpu.memory_space<hbm>>) target(%arg7 : memref<2112xi32, #tpu.memory_space<vmem>>) target_semaphore(%run_scoped3A : memref<!tpu.dma_semaphore, #tpu.memory_space<semaphore_mem>>)
        %dma_wait3A_60 = tpu.memref_slice %arg3[%multiple_of3A_28] : memref<811008xi32, #tpu.memory_space<hbm>> -> memref<2112xi32, #tpu.memory_space<hbm>>
        %dma_wait3A_61 = tpu.memref_slice %arg3[%multiple_of3A_28] : memref<811008xi32, #tpu.memory_space<hbm>> -> memref<2112xi32, #tpu.memory_space<hbm>>
        tpu.wait_dma2 semaphore(%run_scoped3A : memref<!tpu.dma_semaphore, #tpu.memory_space<semaphore_mem>>) src(%dma_wait3A_61 : memref<2112xi32, #tpu.memory_space<hbm>>) dst(%arg7 : memref<2112xi32, #tpu.memory_space<vmem>>)
        tpu.yield
      }) : () -> ()
      %dma_start3A_29 = arith.constant 0 : i32
      %dma_start3A_30 = tpu.memref_slice %arg2[%multiple_of3A_28, %dma_start3A_29] : memref<811008x8xf32, #tpu.memory_space<hbm>> -> memref<2112x8xf32, #tpu.memory_space<hbm>>
      %dma_start3A_31 = arith.constant 0 : i32
      %dma_start3A_32 = tpu.memref_slice %arg2[%multiple_of3A_28, %dma_start3A_31] : memref<811008x8xf32, #tpu.memory_space<hbm>> -> memref<2112x8xf32, #tpu.memory_space<hbm>>
      tpu.enqueue_dma source(%dma_start3A_32 : memref<2112x8xf32, #tpu.memory_space<hbm>>) target(%arg9 : memref<2112x8xf32, #tpu.memory_space<vmem>>) target_semaphore(%arg12 : memref<!tpu.dma_semaphore, #tpu.memory_space<semaphore_mem>>)
      %dma_wait3A = arith.constant 0 : i32
      %dma_wait3A_33 = arith.constant 0 : i32
      %dma_wait3A_34 = tpu.memref_slice %arg2[%dma_wait3A, %dma_wait3A_33] : memref<811008x8xf32, #tpu.memory_space<hbm>> -> memref<2112x8xf32, #tpu.memory_space<hbm>>
      %dma_wait3A_35 = arith.constant 0 : i32
      %dma_wait3A_36 = arith.constant 0 : i32
      %dma_wait3A_37 = tpu.memref_slice %arg2[%dma_wait3A_35, %dma_wait3A_36] : memref<811008x8xf32, #tpu.memory_space<hbm>> -> memref<2112x8xf32, #tpu.memory_space<hbm>>
      tpu.wait_dma2 semaphore(%arg11 : memref<!tpu.dma_semaphore, #tpu.memory_space<semaphore_mem>>) src(%dma_wait3A_37 : memref<2112x8xf32, #tpu.memory_space<hbm>>) dst(%arg8 : memref<2112x8xf32, #tpu.memory_space<vmem>>)
      %dma_start3A_38 = arith.constant 0 : i32
      %dma_start3A_39 = arith.constant 0 : i32
      %dma_start3A_40 = tpu.memref_slice %arg10[%dma_start3A_38, %dma_start3A_39] : memref<50048x8xf32, #tpu.memory_space<vmem_shared>> -> memref<50048x8xf32, #tpu.memory_space<vmem_shared>>
      tpu.enqueue_indirect_dma source(%arg8 : memref<2112x8xf32, #tpu.memory_space<vmem>>) target(%dma_start3A_40 : memref<50048x8xf32, #tpu.memory_space<vmem_shared>>) offsets(%arg6 : memref<2112xi32, #tpu.memory_space<vmem>>) semaphore(%arg13 : memref<!tpu.dma_semaphore, #tpu.memory_space<semaphore_mem>>) {add = true}
      %dma_wait3A_41 = arith.constant 0 : i32
      %dma_wait3A_42 = arith.constant 0 : i32
      %dma_wait3A_43 = tpu.memref_slice %arg10[%dma_wait3A_41, %dma_wait3A_42] : memref<50048x8xf32, #tpu.memory_space<vmem_shared>> -> memref<50048x8xf32, #tpu.memory_space<vmem_shared>>
      tpu.wait_indirect_dma semaphore(%arg13 : memref<!tpu.dma_semaphore, #tpu.memory_space<semaphore_mem>>) src(%arg8 : memref<2112x8xf32, #tpu.memory_space<vmem>>) dst(%dma_wait3A_43 : memref<50048x8xf32, #tpu.memory_space<vmem_shared>>)
      %lt3A = arith.constant 5 : i32
      %lt3A_44 = arith.cmpi slt, %scan3A_20, %lt3A : i32
      %convert_element_type3A = arith.extui %lt3A_44 : i1 to i32
      %cond3A = arith.constant 0 : i32
      %cond3A_45 = arith.cmpi ne, %convert_element_type3A, %cond3A : i32
      scf.if %cond3A_45 {
        %add3A_58 = arith.constant 2 : i32
        %add3A_59 = arith.addi %mul3A_22, %add3A_58 : i32
        %mul3A_60 = arith.constant 2112 : i32
        %mul3A_61 = arith.muli %add3A_59, %mul3A_60 : i32
        %add3A_62 = arith.addi %mul3A_4, %mul3A_61 : i32
        %multiple_of3A_63 = tpu.assume_multiple %add3A_62, 2112 : i32
        "tpu.region"() ({
          %run_scoped3A = tpu.sem_alloc : memref<!tpu.dma_semaphore, #tpu.memory_space<semaphore_mem>>
          %dma_start3A_68 = tpu.memref_slice %arg3[%multiple_of3A_63] : memref<811008xi32, #tpu.memory_space<hbm>> -> memref<2112xi32, #tpu.memory_space<hbm>>
          %dma_start3A_69 = tpu.memref_slice %arg3[%multiple_of3A_63] : memref<811008xi32, #tpu.memory_space<hbm>> -> memref<2112xi32, #tpu.memory_space<hbm>>
          tpu.enqueue_dma source(%dma_start3A_69 : memref<2112xi32, #tpu.memory_space<hbm>>) target(%arg6 : memref<2112xi32, #tpu.memory_space<vmem>>) target_semaphore(%run_scoped3A : memref<!tpu.dma_semaphore, #tpu.memory_space<semaphore_mem>>)
          %dma_wait3A_70 = tpu.memref_slice %arg3[%multiple_of3A_63] : memref<811008xi32, #tpu.memory_space<hbm>> -> memref<2112xi32, #tpu.memory_space<hbm>>
          %dma_wait3A_71 = tpu.memref_slice %arg3[%multiple_of3A_63] : memref<811008xi32, #tpu.memory_space<hbm>> -> memref<2112xi32, #tpu.memory_space<hbm>>
          tpu.wait_dma2 semaphore(%run_scoped3A : memref<!tpu.dma_semaphore, #tpu.memory_space<semaphore_mem>>) src(%dma_wait3A_71 : memref<2112xi32, #tpu.memory_space<hbm>>) dst(%arg6 : memref<2112xi32, #tpu.memory_space<vmem>>)
          tpu.yield
        }) : () -> ()
        %dma_start3A_64 = arith.constant 0 : i32
        %dma_start3A_65 = tpu.memref_slice %arg2[%multiple_of3A_63, %dma_start3A_64] : memref<811008x8xf32, #tpu.memory_space<hbm>> -> memref<2112x8xf32, #tpu.memory_space<hbm>>
        %dma_start3A_66 = arith.constant 0 : i32
        %dma_start3A_67 = tpu.memref_slice %arg2[%multiple_of3A_63, %dma_start3A_66] : memref<811008x8xf32, #tpu.memory_space<hbm>> -> memref<2112x8xf32, #tpu.memory_space<hbm>>
        tpu.enqueue_dma source(%dma_start3A_67 : memref<2112x8xf32, #tpu.memory_space<hbm>>) target(%arg8 : memref<2112x8xf32, #tpu.memory_space<vmem>>) target_semaphore(%arg11 : memref<!tpu.dma_semaphore, #tpu.memory_space<semaphore_mem>>)
      } else {
      }
      %dma_wait3A_46 = arith.constant 0 : i32
      %dma_wait3A_47 = arith.constant 0 : i32
      %dma_wait3A_48 = tpu.memref_slice %arg2[%dma_wait3A_46, %dma_wait3A_47] : memref<811008x8xf32, #tpu.memory_space<hbm>> -> memref<2112x8xf32, #tpu.memory_space<hbm>>
      %dma_wait3A_49 = arith.constant 0 : i32
      %dma_wait3A_50 = arith.constant 0 : i32
      %dma_wait3A_51 = tpu.memref_slice %arg2[%dma_wait3A_49, %dma_wait3A_50] : memref<811008x8xf32, #tpu.memory_space<hbm>> -> memref<2112x8xf32, #tpu.memory_space<hbm>>
      tpu.wait_dma2 semaphore(%arg12 : memref<!tpu.dma_semaphore, #tpu.memory_space<semaphore_mem>>) src(%dma_wait3A_51 : memref<2112x8xf32, #tpu.memory_space<hbm>>) dst(%arg9 : memref<2112x8xf32, #tpu.memory_space<vmem>>)
      %dma_start3A_52 = arith.constant 0 : i32
      %dma_start3A_53 = arith.constant 0 : i32
      %dma_start3A_54 = tpu.memref_slice %arg10[%dma_start3A_52, %dma_start3A_53] : memref<50048x8xf32, #tpu.memory_space<vmem_shared>> -> memref<50048x8xf32, #tpu.memory_space<vmem_shared>>
      tpu.enqueue_indirect_dma source(%arg9 : memref<2112x8xf32, #tpu.memory_space<vmem>>) target(%dma_start3A_54 : memref<50048x8xf32, #tpu.memory_space<vmem_shared>>) offsets(%arg7 : memref<2112xi32, #tpu.memory_space<vmem>>) semaphore(%arg14 : memref<!tpu.dma_semaphore, #tpu.memory_space<semaphore_mem>>) {add = true}
      %dma_wait3A_55 = arith.constant 0 : i32
      %dma_wait3A_56 = arith.constant 0 : i32
      %dma_wait3A_57 = tpu.memref_slice %arg10[%dma_wait3A_55, %dma_wait3A_56] : memref<50048x8xf32, #tpu.memory_space<vmem_shared>> -> memref<50048x8xf32, #tpu.memory_space<vmem_shared>>
      tpu.wait_indirect_dma semaphore(%arg14 : memref<!tpu.dma_semaphore, #tpu.memory_space<semaphore_mem>>) src(%arg9 : memref<2112x8xf32, #tpu.memory_space<vmem>>) dst(%dma_wait3A_57 : memref<50048x8xf32, #tpu.memory_space<vmem_shared>>)
    }
    %scan3A_14 = arith.constant 6 : i32
    %barrier3A_15 = arith.constant 0 : index
    tpu.barrier barrier_id(%barrier3A_15)
    %mul3A_16 = arith.constant 3128 : i32
    %mul3A_17 = arith.muli %arg1, %mul3A_16 : i32
    %mul3A_18 = arith.constant 3128 : i32
    %mul3A_19 = arith.muli %arg1, %mul3A_18 : i32
    "tpu.region"() ({
      %run_scoped3A = tpu.sem_alloc : memref<!tpu.dma_semaphore, #tpu.memory_space<semaphore_mem>>
      %dma_start3A_20 = arith.constant 0 : i32
      %dma_start3A_21 = tpu.memref_slice %arg5[%arg0, %mul3A_19, %dma_start3A_20] : memref<2x50048x8xf32, #tpu.memory_space<hbm>> -> memref<1x3128x8xf32, #tpu.memory_space<hbm>>
      %dma_start3A_22 = tpu.memref_squeeze %dma_start3A_21 : memref<1x3128x8xf32, #tpu.memory_space<hbm>> -> memref<3128x8xf32, #tpu.memory_space<hbm>>
      %dma_start3A_23 = arith.constant 0 : i32
      %dma_start3A_24 = tpu.memref_slice %arg10[%mul3A_17, %dma_start3A_23] : memref<50048x8xf32, #tpu.memory_space<vmem_shared>> -> memref<3128x8xf32, #tpu.memory_space<vmem_shared>>
      tpu.enqueue_dma source(%dma_start3A_24 : memref<3128x8xf32, #tpu.memory_space<vmem_shared>>) target(%dma_start3A_22 : memref<3128x8xf32, #tpu.memory_space<hbm>>) target_semaphore(%run_scoped3A : memref<!tpu.dma_semaphore, #tpu.memory_space<semaphore_mem>>)
      %dma_wait3A = arith.constant 0 : i32
      %dma_wait3A_25 = tpu.memref_slice %arg5[%arg0, %mul3A_19, %dma_wait3A] : memref<2x50048x8xf32, #tpu.memory_space<hbm>> -> memref<1x3128x8xf32, #tpu.memory_space<hbm>>
      %dma_wait3A_26 = tpu.memref_squeeze %dma_wait3A_25 : memref<1x3128x8xf32, #tpu.memory_space<hbm>> -> memref<3128x8xf32, #tpu.memory_space<hbm>>
      %dma_wait3A_27 = arith.constant 0 : i32
      %dma_wait3A_28 = tpu.memref_slice %arg10[%mul3A_17, %dma_wait3A_27] : memref<50048x8xf32, #tpu.memory_space<vmem_shared>> -> memref<3128x8xf32, #tpu.memory_space<vmem_shared>>
      tpu.wait_dma2 semaphore(%run_scoped3A : memref<!tpu.dma_semaphore, #tpu.memory_space<semaphore_mem>>) src(%dma_wait3A_28 : memref<3128x8xf32, #tpu.memory_space<vmem_shared>>) dst(%dma_wait3A_26 : memref<3128x8xf32, #tpu.memory_space<hbm>>)
      tpu.yield
    }) : () -> ()
    return
  }
}

#map = affine_map<(d0, d1) -> (0, 0)>
#map1 = affine_map<(d0, d1) -> (0)>
#map2 = affine_map<(d0, d1) -> (0, 0, 0)>
module attributes {stable_mosaic.version = 14 : i64} {
  func.func @_sc_rest(%arg0: i32, %arg1: i32, %arg2: memref<50000x16xf32, #tpu.memory_space<hbm>>, %arg3: memref<811008xi32, #tpu.memory_space<hbm>>, %arg4: memref<811008xi32, #tpu.memory_space<hbm>>, %arg5: memref<3128x16xf32, #tpu.memory_space<hbm>>, %arg6: memref<2x50048x16xf32, #tpu.memory_space<hbm>>, %arg7: memref<2112xi32, #tpu.memory_space<vmem>>, %arg8: memref<2112xi32, #tpu.memory_space<vmem>>, %arg9: memref<2112xi32, #tpu.memory_space<vmem>>, %arg10: memref<2112xi32, #tpu.memory_space<vmem>>, %arg11: memref<2112x16xf32, #tpu.memory_space<vmem>>, %arg12: memref<2112x16xf32, #tpu.memory_space<vmem>>, %arg13: memref<50048x16xf32, #tpu.memory_space<vmem_shared>>, %arg14: memref<!tpu.dma_semaphore, #tpu.memory_space<semaphore_mem>>, %arg15: memref<!tpu.dma_semaphore, #tpu.memory_space<semaphore_mem>>, %arg16: memref<!tpu.dma_semaphore, #tpu.memory_space<semaphore_mem>>, %arg17: memref<!tpu.dma_semaphore, #tpu.memory_space<semaphore_mem>>) attributes {dimension_semantics = [#tpu.dimension_semantics<core_parallel>, #tpu.dimension_semantics<subcore_parallel>], iteration_bounds = array<i64: 2, 16>, scalar_prefetch = 0 : i64, scratch_operands = 11 : i64, tpu.core_type = #tpu.core_type<sc_vector_subcore>, window_params = [{transform_indices = #map}, {transform_indices = #map1}, {transform_indices = #map1}, {transform_indices = #map}, {transform_indices = #map2}]} {
    %mul3A = arith.constant 3128 : i32
    %mul3A_0 = arith.muli %arg1, %mul3A : i32
    "tpu.region"() ({
      %run_scoped3A = tpu.sem_alloc : memref<!tpu.dma_semaphore, #tpu.memory_space<semaphore_mem>>
      %dma_start3A_19 = arith.constant 0 : i32
      %dma_start3A_20 = tpu.memref_slice %arg13[%mul3A_0, %dma_start3A_19] : memref<50048x16xf32, #tpu.memory_space<vmem_shared>> -> memref<3128x16xf32, #tpu.memory_space<vmem_shared>>
      tpu.enqueue_dma source(%arg5 : memref<3128x16xf32, #tpu.memory_space<hbm>>) target(%dma_start3A_20 : memref<3128x16xf32, #tpu.memory_space<vmem_shared>>) target_semaphore(%run_scoped3A : memref<!tpu.dma_semaphore, #tpu.memory_space<semaphore_mem>>)
      %dma_wait3A = arith.constant 0 : i32
      %dma_wait3A_21 = tpu.memref_slice %arg13[%mul3A_0, %dma_wait3A] : memref<50048x16xf32, #tpu.memory_space<vmem_shared>> -> memref<3128x16xf32, #tpu.memory_space<vmem_shared>>
      tpu.wait_dma2 semaphore(%run_scoped3A : memref<!tpu.dma_semaphore, #tpu.memory_space<semaphore_mem>>) src(%arg5 : memref<3128x16xf32, #tpu.memory_space<hbm>>) dst(%dma_wait3A_21 : memref<3128x16xf32, #tpu.memory_space<vmem_shared>>)
      tpu.yield
    }) : () -> ()
    %barrier3A = arith.constant 0 : index
    tpu.barrier barrier_id(%barrier3A)
    %mul3A_1 = arith.constant 16 : i32
    %mul3A_2 = arith.muli %arg0, %mul3A_1 : i32
    %add3A = arith.addi %mul3A_2, %arg1 : i32
    %mul3A_3 = arith.constant 25344 : i32
    %mul3A_4 = arith.muli %add3A, %mul3A_3 : i32
    %add3A_5 = arith.constant 0 : i32
    %add3A_6 = arith.addi %mul3A_4, %add3A_5 : i32
    %multiple_of3A = tpu.assume_multiple %add3A_6, 2112 : i32
    "tpu.region"() ({
      %run_scoped3A = tpu.sem_alloc : memref<!tpu.dma_semaphore, #tpu.memory_space<semaphore_mem>>
      %dma_start3A_19 = tpu.memref_slice %arg3[%multiple_of3A] : memref<811008xi32, #tpu.memory_space<hbm>> -> memref<2112xi32, #tpu.memory_space<hbm>>
      %dma_start3A_20 = tpu.memref_slice %arg3[%multiple_of3A] : memref<811008xi32, #tpu.memory_space<hbm>> -> memref<2112xi32, #tpu.memory_space<hbm>>
      tpu.enqueue_dma source(%dma_start3A_20 : memref<2112xi32, #tpu.memory_space<hbm>>) target(%arg7 : memref<2112xi32, #tpu.memory_space<vmem>>) target_semaphore(%run_scoped3A : memref<!tpu.dma_semaphore, #tpu.memory_space<semaphore_mem>>)
      %dma_wait3A = tpu.memref_slice %arg3[%multiple_of3A] : memref<811008xi32, #tpu.memory_space<hbm>> -> memref<2112xi32, #tpu.memory_space<hbm>>
      %dma_wait3A_21 = tpu.memref_slice %arg3[%multiple_of3A] : memref<811008xi32, #tpu.memory_space<hbm>> -> memref<2112xi32, #tpu.memory_space<hbm>>
      tpu.wait_dma2 semaphore(%run_scoped3A : memref<!tpu.dma_semaphore, #tpu.memory_space<semaphore_mem>>) src(%dma_wait3A_21 : memref<2112xi32, #tpu.memory_space<hbm>>) dst(%arg7 : memref<2112xi32, #tpu.memory_space<vmem>>)
      tpu.yield
    }) : () -> ()
    "tpu.region"() ({
      %run_scoped3A = tpu.sem_alloc : memref<!tpu.dma_semaphore, #tpu.memory_space<semaphore_mem>>
      %dma_start3A_19 = tpu.memref_slice %arg4[%multiple_of3A] : memref<811008xi32, #tpu.memory_space<hbm>> -> memref<2112xi32, #tpu.memory_space<hbm>>
      %dma_start3A_20 = tpu.memref_slice %arg4[%multiple_of3A] : memref<811008xi32, #tpu.memory_space<hbm>> -> memref<2112xi32, #tpu.memory_space<hbm>>
      tpu.enqueue_dma source(%dma_start3A_20 : memref<2112xi32, #tpu.memory_space<hbm>>) target(%arg9 : memref<2112xi32, #tpu.memory_space<vmem>>) target_semaphore(%run_scoped3A : memref<!tpu.dma_semaphore, #tpu.memory_space<semaphore_mem>>)
      %dma_wait3A = tpu.memref_slice %arg4[%multiple_of3A] : memref<811008xi32, #tpu.memory_space<hbm>> -> memref<2112xi32, #tpu.memory_space<hbm>>
      %dma_wait3A_21 = tpu.memref_slice %arg4[%multiple_of3A] : memref<811008xi32, #tpu.memory_space<hbm>> -> memref<2112xi32, #tpu.memory_space<hbm>>
      tpu.wait_dma2 semaphore(%run_scoped3A : memref<!tpu.dma_semaphore, #tpu.memory_space<semaphore_mem>>) src(%dma_wait3A_21 : memref<2112xi32, #tpu.memory_space<hbm>>) dst(%arg9 : memref<2112xi32, #tpu.memory_space<vmem>>)
      tpu.yield
    }) : () -> ()
    %dma_start3A = arith.constant 0 : i32
    %dma_start3A_7 = arith.constant 0 : i32
    %dma_start3A_8 = tpu.memref_slice %arg2[%dma_start3A, %dma_start3A_7] : memref<50000x16xf32, #tpu.memory_space<hbm>> -> memref<50000x16xf32, #tpu.memory_space<hbm>>
    tpu.enqueue_indirect_dma source(%dma_start3A_8 : memref<50000x16xf32, #tpu.memory_space<hbm>>) target(%arg11 : memref<2112x16xf32, #tpu.memory_space<vmem>>) offsets(%arg7 : memref<2112xi32, #tpu.memory_space<vmem>>) semaphore(%arg14 : memref<!tpu.dma_semaphore, #tpu.memory_space<semaphore_mem>>)
    %scan3A = arith.constant 0 : i32
    %scan3A_9 = arith.constant 0 : i32
    %scan3A_10 = arith.constant 6 : i32
    %scan3A_11 = arith.addi %scan3A_9, %scan3A_10 : i32
    %scan3A_12 = arith.constant 1 : i32
    scf.for %scan3A_19 = %scan3A_9 to %scan3A_11 step %scan3A_12  : i32 {
      %mul3A_20 = arith.constant 2 : i32
      %mul3A_21 = arith.muli %mul3A_20, %scan3A_19 : i32
      %add3A_22 = arith.constant 1 : i32
      %add3A_23 = arith.addi %mul3A_21, %add3A_22 : i32
      %mul3A_24 = arith.constant 2112 : i32
      %mul3A_25 = arith.muli %add3A_23, %mul3A_24 : i32
      %add3A_26 = arith.addi %mul3A_4, %mul3A_25 : i32
      %multiple_of3A_27 = tpu.assume_multiple %add3A_26, 2112 : i32
      "tpu.region"() ({
        %run_scoped3A = tpu.sem_alloc : memref<!tpu.dma_semaphore, #tpu.memory_space<semaphore_mem>>
        %dma_start3A_50 = tpu.memref_slice %arg3[%multiple_of3A_27] : memref<811008xi32, #tpu.memory_space<hbm>> -> memref<2112xi32, #tpu.memory_space<hbm>>
        %dma_start3A_51 = tpu.memref_slice %arg3[%multiple_of3A_27] : memref<811008xi32, #tpu.memory_space<hbm>> -> memref<2112xi32, #tpu.memory_space<hbm>>
        tpu.enqueue_dma source(%dma_start3A_51 : memref<2112xi32, #tpu.memory_space<hbm>>) target(%arg8 : memref<2112xi32, #tpu.memory_space<vmem>>) target_semaphore(%run_scoped3A : memref<!tpu.dma_semaphore, #tpu.memory_space<semaphore_mem>>)
        %dma_wait3A_52 = tpu.memref_slice %arg3[%multiple_of3A_27] : memref<811008xi32, #tpu.memory_space<hbm>> -> memref<2112xi32, #tpu.memory_space<hbm>>
        %dma_wait3A_53 = tpu.memref_slice %arg3[%multiple_of3A_27] : memref<811008xi32, #tpu.memory_space<hbm>> -> memref<2112xi32, #tpu.memory_space<hbm>>
        tpu.wait_dma2 semaphore(%run_scoped3A : memref<!tpu.dma_semaphore, #tpu.memory_space<semaphore_mem>>) src(%dma_wait3A_53 : memref<2112xi32, #tpu.memory_space<hbm>>) dst(%arg8 : memref<2112xi32, #tpu.memory_space<vmem>>)
        tpu.yield
      }) : () -> ()
      "tpu.region"() ({
        %run_scoped3A = tpu.sem_alloc : memref<!tpu.dma_semaphore, #tpu.memory_space<semaphore_mem>>
        %dma_start3A_50 = tpu.memref_slice %arg4[%multiple_of3A_27] : memref<811008xi32, #tpu.memory_space<hbm>> -> memref<2112xi32, #tpu.memory_space<hbm>>
        %dma_start3A_51 = tpu.memref_slice %arg4[%multiple_of3A_27] : memref<811008xi32, #tpu.memory_space<hbm>> -> memref<2112xi32, #tpu.memory_space<hbm>>
        tpu.enqueue_dma source(%dma_start3A_51 : memref<2112xi32, #tpu.memory_space<hbm>>) target(%arg10 : memref<2112xi32, #tpu.memory_space<vmem>>) target_semaphore(%run_scoped3A : memref<!tpu.dma_semaphore, #tpu.memory_space<semaphore_mem>>)
        %dma_wait3A_52 = tpu.memref_slice %arg4[%multiple_of3A_27] : memref<811008xi32, #tpu.memory_space<hbm>> -> memref<2112xi32, #tpu.memory_space<hbm>>
        %dma_wait3A_53 = tpu.memref_slice %arg4[%multiple_of3A_27] : memref<811008xi32, #tpu.memory_space<hbm>> -> memref<2112xi32, #tpu.memory_space<hbm>>
        tpu.wait_dma2 semaphore(%run_scoped3A : memref<!tpu.dma_semaphore, #tpu.memory_space<semaphore_mem>>) src(%dma_wait3A_53 : memref<2112xi32, #tpu.memory_space<hbm>>) dst(%arg10 : memref<2112xi32, #tpu.memory_space<vmem>>)
        tpu.yield
      }) : () -> ()
      %dma_wait3A = arith.constant 0 : i32
      %dma_wait3A_28 = arith.constant 0 : i32
      %dma_wait3A_29 = tpu.memref_slice %arg2[%dma_wait3A, %dma_wait3A_28] : memref<50000x16xf32, #tpu.memory_space<hbm>> -> memref<50000x16xf32, #tpu.memory_space<hbm>>
      tpu.wait_indirect_dma semaphore(%arg14 : memref<!tpu.dma_semaphore, #tpu.memory_space<semaphore_mem>>) src(%dma_wait3A_29 : memref<50000x16xf32, #tpu.memory_space<hbm>>) dst(%arg11 : memref<2112x16xf32, #tpu.memory_space<vmem>>)
      %dma_start3A_30 = arith.constant 0 : i32
      %dma_start3A_31 = arith.constant 0 : i32
      %dma_start3A_32 = tpu.memref_slice %arg2[%dma_start3A_30, %dma_start3A_31] : memref<50000x16xf32, #tpu.memory_space<hbm>> -> memref<50000x16xf32, #tpu.memory_space<hbm>>
      tpu.enqueue_indirect_dma source(%dma_start3A_32 : memref<50000x16xf32, #tpu.memory_space<hbm>>) target(%arg12 : memref<2112x16xf32, #tpu.memory_space<vmem>>) offsets(%arg8 : memref<2112xi32, #tpu.memory_space<vmem>>) semaphore(%arg15 : memref<!tpu.dma_semaphore, #tpu.memory_space<semaphore_mem>>)
      %dma_start3A_33 = arith.constant 0 : i32
      %dma_start3A_34 = arith.constant 0 : i32
      %dma_start3A_35 = tpu.memref_slice %arg13[%dma_start3A_33, %dma_start3A_34] : memref<50048x16xf32, #tpu.memory_space<vmem_shared>> -> memref<50048x16xf32, #tpu.memory_space<vmem_shared>>
      tpu.enqueue_indirect_dma source(%arg11 : memref<2112x16xf32, #tpu.memory_space<vmem>>) target(%dma_start3A_35 : memref<50048x16xf32, #tpu.memory_space<vmem_shared>>) offsets(%arg9 : memref<2112xi32, #tpu.memory_space<vmem>>) semaphore(%arg16 : memref<!tpu.dma_semaphore, #tpu.memory_space<semaphore_mem>>) {add = true}
      %dma_wait3A_36 = arith.constant 0 : i32
      %dma_wait3A_37 = arith.constant 0 : i32
      %dma_wait3A_38 = tpu.memref_slice %arg13[%dma_wait3A_36, %dma_wait3A_37] : memref<50048x16xf32, #tpu.memory_space<vmem_shared>> -> memref<50048x16xf32, #tpu.memory_space<vmem_shared>>
      tpu.wait_indirect_dma semaphore(%arg16 : memref<!tpu.dma_semaphore, #tpu.memory_space<semaphore_mem>>) src(%arg11 : memref<2112x16xf32, #tpu.memory_space<vmem>>) dst(%dma_wait3A_38 : memref<50048x16xf32, #tpu.memory_space<vmem_shared>>)
      %lt3A = arith.constant 5 : i32
      %lt3A_39 = arith.cmpi slt, %scan3A_19, %lt3A : i32
      %convert_element_type3A = arith.extui %lt3A_39 : i1 to i32
      %cond3A = arith.constant 0 : i32
      %cond3A_40 = arith.cmpi ne, %convert_element_type3A, %cond3A : i32
      scf.if %cond3A_40 {
        %add3A_50 = arith.constant 2 : i32
        %add3A_51 = arith.addi %mul3A_21, %add3A_50 : i32
        %mul3A_52 = arith.constant 2112 : i32
        %mul3A_53 = arith.muli %add3A_51, %mul3A_52 : i32
        %add3A_54 = arith.addi %mul3A_4, %mul3A_53 : i32
        %multiple_of3A_55 = tpu.assume_multiple %add3A_54, 2112 : i32
        "tpu.region"() ({
          %run_scoped3A = tpu.sem_alloc : memref<!tpu.dma_semaphore, #tpu.memory_space<semaphore_mem>>
          %dma_start3A_59 = tpu.memref_slice %arg3[%multiple_of3A_55] : memref<811008xi32, #tpu.memory_space<hbm>> -> memref<2112xi32, #tpu.memory_space<hbm>>
          %dma_start3A_60 = tpu.memref_slice %arg3[%multiple_of3A_55] : memref<811008xi32, #tpu.memory_space<hbm>> -> memref<2112xi32, #tpu.memory_space<hbm>>
          tpu.enqueue_dma source(%dma_start3A_60 : memref<2112xi32, #tpu.memory_space<hbm>>) target(%arg7 : memref<2112xi32, #tpu.memory_space<vmem>>) target_semaphore(%run_scoped3A : memref<!tpu.dma_semaphore, #tpu.memory_space<semaphore_mem>>)
          %dma_wait3A_61 = tpu.memref_slice %arg3[%multiple_of3A_55] : memref<811008xi32, #tpu.memory_space<hbm>> -> memref<2112xi32, #tpu.memory_space<hbm>>
          %dma_wait3A_62 = tpu.memref_slice %arg3[%multiple_of3A_55] : memref<811008xi32, #tpu.memory_space<hbm>> -> memref<2112xi32, #tpu.memory_space<hbm>>
          tpu.wait_dma2 semaphore(%run_scoped3A : memref<!tpu.dma_semaphore, #tpu.memory_space<semaphore_mem>>) src(%dma_wait3A_62 : memref<2112xi32, #tpu.memory_space<hbm>>) dst(%arg7 : memref<2112xi32, #tpu.memory_space<vmem>>)
          tpu.yield
        }) : () -> ()
        "tpu.region"() ({
          %run_scoped3A = tpu.sem_alloc : memref<!tpu.dma_semaphore, #tpu.memory_space<semaphore_mem>>
          %dma_start3A_59 = tpu.memref_slice %arg4[%multiple_of3A_55] : memref<811008xi32, #tpu.memory_space<hbm>> -> memref<2112xi32, #tpu.memory_space<hbm>>
          %dma_start3A_60 = tpu.memref_slice %arg4[%multiple_of3A_55] : memref<811008xi32, #tpu.memory_space<hbm>> -> memref<2112xi32, #tpu.memory_space<hbm>>
          tpu.enqueue_dma source(%dma_start3A_60 : memref<2112xi32, #tpu.memory_space<hbm>>) target(%arg9 : memref<2112xi32, #tpu.memory_space<vmem>>) target_semaphore(%run_scoped3A : memref<!tpu.dma_semaphore, #tpu.memory_space<semaphore_mem>>)
          %dma_wait3A_61 = tpu.memref_slice %arg4[%multiple_of3A_55] : memref<811008xi32, #tpu.memory_space<hbm>> -> memref<2112xi32, #tpu.memory_space<hbm>>
          %dma_wait3A_62 = tpu.memref_slice %arg4[%multiple_of3A_55] : memref<811008xi32, #tpu.memory_space<hbm>> -> memref<2112xi32, #tpu.memory_space<hbm>>
          tpu.wait_dma2 semaphore(%run_scoped3A : memref<!tpu.dma_semaphore, #tpu.memory_space<semaphore_mem>>) src(%dma_wait3A_62 : memref<2112xi32, #tpu.memory_space<hbm>>) dst(%arg9 : memref<2112xi32, #tpu.memory_space<vmem>>)
          tpu.yield
        }) : () -> ()
        %dma_start3A_56 = arith.constant 0 : i32
        %dma_start3A_57 = arith.constant 0 : i32
        %dma_start3A_58 = tpu.memref_slice %arg2[%dma_start3A_56, %dma_start3A_57] : memref<50000x16xf32, #tpu.memory_space<hbm>> -> memref<50000x16xf32, #tpu.memory_space<hbm>>
        tpu.enqueue_indirect_dma source(%dma_start3A_58 : memref<50000x16xf32, #tpu.memory_space<hbm>>) target(%arg11 : memref<2112x16xf32, #tpu.memory_space<vmem>>) offsets(%arg7 : memref<2112xi32, #tpu.memory_space<vmem>>) semaphore(%arg14 : memref<!tpu.dma_semaphore, #tpu.memory_space<semaphore_mem>>)
      } else {
      }
      %dma_wait3A_41 = arith.constant 0 : i32
      %dma_wait3A_42 = arith.constant 0 : i32
      %dma_wait3A_43 = tpu.memref_slice %arg2[%dma_wait3A_41, %dma_wait3A_42] : memref<50000x16xf32, #tpu.memory_space<hbm>> -> memref<50000x16xf32, #tpu.memory_space<hbm>>
      tpu.wait_indirect_dma semaphore(%arg15 : memref<!tpu.dma_semaphore, #tpu.memory_space<semaphore_mem>>) src(%dma_wait3A_43 : memref<50000x16xf32, #tpu.memory_space<hbm>>) dst(%arg12 : memref<2112x16xf32, #tpu.memory_space<vmem>>)
      %dma_start3A_44 = arith.constant 0 : i32
      %dma_start3A_45 = arith.constant 0 : i32
      %dma_start3A_46 = tpu.memref_slice %arg13[%dma_start3A_44, %dma_start3A_45] : memref<50048x16xf32, #tpu.memory_space<vmem_shared>> -> memref<50048x16xf32, #tpu.memory_space<vmem_shared>>
      tpu.enqueue_indirect_dma source(%arg12 : memref<2112x16xf32, #tpu.memory_space<vmem>>) target(%dma_start3A_46 : memref<50048x16xf32, #tpu.memory_space<vmem_shared>>) offsets(%arg10 : memref<2112xi32, #tpu.memory_space<vmem>>) semaphore(%arg17 : memref<!tpu.dma_semaphore, #tpu.memory_space<semaphore_mem>>) {add = true}
      %dma_wait3A_47 = arith.constant 0 : i32
      %dma_wait3A_48 = arith.constant 0 : i32
      %dma_wait3A_49 = tpu.memref_slice %arg13[%dma_wait3A_47, %dma_wait3A_48] : memref<50048x16xf32, #tpu.memory_space<vmem_shared>> -> memref<50048x16xf32, #tpu.memory_space<vmem_shared>>
      tpu.wait_indirect_dma semaphore(%arg17 : memref<!tpu.dma_semaphore, #tpu.memory_space<semaphore_mem>>) src(%arg12 : memref<2112x16xf32, #tpu.memory_space<vmem>>) dst(%dma_wait3A_49 : memref<50048x16xf32, #tpu.memory_space<vmem_shared>>)
    }
    %scan3A_13 = arith.constant 6 : i32
    %barrier3A_14 = arith.constant 0 : index
    tpu.barrier barrier_id(%barrier3A_14)
    %mul3A_15 = arith.constant 3128 : i32
    %mul3A_16 = arith.muli %arg1, %mul3A_15 : i32
    %mul3A_17 = arith.constant 3128 : i32
    %mul3A_18 = arith.muli %arg1, %mul3A_17 : i32
    "tpu.region"() ({
      %run_scoped3A = tpu.sem_alloc : memref<!tpu.dma_semaphore, #tpu.memory_space<semaphore_mem>>
      %dma_start3A_19 = arith.constant 0 : i32
      %dma_start3A_20 = tpu.memref_slice %arg6[%arg0, %mul3A_18, %dma_start3A_19] : memref<2x50048x16xf32, #tpu.memory_space<hbm>> -> memref<1x3128x16xf32, #tpu.memory_space<hbm>>
      %dma_start3A_21 = tpu.memref_squeeze %dma_start3A_20 : memref<1x3128x16xf32, #tpu.memory_space<hbm>> -> memref<3128x16xf32, #tpu.memory_space<hbm>>
      %dma_start3A_22 = arith.constant 0 : i32
      %dma_start3A_23 = tpu.memref_slice %arg13[%mul3A_16, %dma_start3A_22] : memref<50048x16xf32, #tpu.memory_space<vmem_shared>> -> memref<3128x16xf32, #tpu.memory_space<vmem_shared>>
      tpu.enqueue_dma source(%dma_start3A_23 : memref<3128x16xf32, #tpu.memory_space<vmem_shared>>) target(%dma_start3A_21 : memref<3128x16xf32, #tpu.memory_space<hbm>>) target_semaphore(%run_scoped3A : memref<!tpu.dma_semaphore, #tpu.memory_space<semaphore_mem>>)
      %dma_wait3A = arith.constant 0 : i32
      %dma_wait3A_24 = tpu.memref_slice %arg6[%arg0, %mul3A_18, %dma_wait3A] : memref<2x50048x16xf32, #tpu.memory_space<hbm>> -> memref<1x3128x16xf32, #tpu.memory_space<hbm>>
      %dma_wait3A_25 = tpu.memref_squeeze %dma_wait3A_24 : memref<1x3128x16xf32, #tpu.memory_space<hbm>> -> memref<3128x16xf32, #tpu.memory_space<hbm>>
      %dma_wait3A_26 = arith.constant 0 : i32
      %dma_wait3A_27 = tpu.memref_slice %arg13[%mul3A_16, %dma_wait3A_26] : memref<50048x16xf32, #tpu.memory_space<vmem_shared>> -> memref<3128x16xf32, #tpu.memory_space<vmem_shared>>
      tpu.wait_dma2 semaphore(%run_scoped3A : memref<!tpu.dma_semaphore, #tpu.memory_space<semaphore_mem>>) src(%dma_wait3A_27 : memref<3128x16xf32, #tpu.memory_space<vmem_shared>>) dst(%dma_wait3A_25 : memref<3128x16xf32, #tpu.memory_space<hbm>>)
      tpu.yield
    }) : () -> ()
    return
  }
}

#map = affine_map<(d0, d1) -> (0, 0)>
#map1 = affine_map<(d0, d1) -> (0)>
#map2 = affine_map<(d0, d1) -> (0, 0, 0)>
module attributes {stable_mosaic.version = 14 : i64} {
  func.func @_sc_rest(%arg0: i32, %arg1: i32, %arg2: memref<50000x16xf32, #tpu.memory_space<hbm>>, %arg3: memref<811008xi32, #tpu.memory_space<hbm>>, %arg4: memref<811008xi32, #tpu.memory_space<hbm>>, %arg5: memref<3128x16xf32, #tpu.memory_space<hbm>>, %arg6: memref<2x50048x16xf32, #tpu.memory_space<hbm>>, %arg7: memref<2112xi32, #tpu.memory_space<vmem>>, %arg8: memref<2112xi32, #tpu.memory_space<vmem>>, %arg9: memref<2112xi32, #tpu.memory_space<vmem>>, %arg10: memref<2112xi32, #tpu.memory_space<vmem>>, %arg11: memref<2112x16xf32, #tpu.memory_space<vmem>>, %arg12: memref<2112x16xf32, #tpu.memory_space<vmem>>, %arg13: memref<50048x16xf32, #tpu.memory_space<vmem_shared>>, %arg14: memref<!tpu.dma_semaphore, #tpu.memory_space<semaphore_mem>>, %arg15: memref<!tpu.dma_semaphore, #tpu.memory_space<semaphore_mem>>, %arg16: memref<!tpu.dma_semaphore, #tpu.memory_space<semaphore_mem>>, %arg17: memref<!tpu.dma_semaphore, #tpu.memory_space<semaphore_mem>>) attributes {dimension_semantics = [#tpu.dimension_semantics<core_parallel>, #tpu.dimension_semantics<subcore_parallel>], iteration_bounds = array<i64: 2, 16>, scalar_prefetch = 0 : i64, scratch_operands = 11 : i64, tpu.core_type = #tpu.core_type<sc_vector_subcore>, window_params = [{transform_indices = #map}, {transform_indices = #map1}, {transform_indices = #map1}, {transform_indices = #map}, {transform_indices = #map2}]} {
    %mul3A = arith.constant 3128 : i32
    %mul3A_0 = arith.muli %arg1, %mul3A : i32
    "tpu.region"() ({
      %run_scoped3A = tpu.sem_alloc : memref<!tpu.dma_semaphore, #tpu.memory_space<semaphore_mem>>
      %dma_start3A_19 = arith.constant 0 : i32
      %dma_start3A_20 = tpu.memref_slice %arg13[%mul3A_0, %dma_start3A_19] : memref<50048x16xf32, #tpu.memory_space<vmem_shared>> -> memref<3128x16xf32, #tpu.memory_space<vmem_shared>>
      tpu.enqueue_dma source(%arg5 : memref<3128x16xf32, #tpu.memory_space<hbm>>) target(%dma_start3A_20 : memref<3128x16xf32, #tpu.memory_space<vmem_shared>>) target_semaphore(%run_scoped3A : memref<!tpu.dma_semaphore, #tpu.memory_space<semaphore_mem>>)
      %dma_wait3A = arith.constant 0 : i32
      %dma_wait3A_21 = tpu.memref_slice %arg13[%mul3A_0, %dma_wait3A] : memref<50048x16xf32, #tpu.memory_space<vmem_shared>> -> memref<3128x16xf32, #tpu.memory_space<vmem_shared>>
      tpu.wait_dma2 semaphore(%run_scoped3A : memref<!tpu.dma_semaphore, #tpu.memory_space<semaphore_mem>>) src(%arg5 : memref<3128x16xf32, #tpu.memory_space<hbm>>) dst(%dma_wait3A_21 : memref<3128x16xf32, #tpu.memory_space<vmem_shared>>)
      tpu.yield
    }) : () -> ()
    %barrier3A = arith.constant 0 : index
    tpu.barrier barrier_id(%barrier3A)
    %mul3A_1 = arith.constant 16 : i32
    %mul3A_2 = arith.muli %arg0, %mul3A_1 : i32
    %add3A = arith.addi %mul3A_2, %arg1 : i32
    %mul3A_3 = arith.constant 25344 : i32
    %mul3A_4 = arith.muli %add3A, %mul3A_3 : i32
    %add3A_5 = arith.constant 0 : i32
    %add3A_6 = arith.addi %mul3A_4, %add3A_5 : i32
    %multiple_of3A = tpu.assume_multiple %add3A_6, 2112 : i32
    "tpu.region"() ({
      %run_scoped3A = tpu.sem_alloc : memref<!tpu.dma_semaphore, #tpu.memory_space<semaphore_mem>>
      %dma_start3A_19 = tpu.memref_slice %arg3[%multiple_of3A] : memref<811008xi32, #tpu.memory_space<hbm>> -> memref<2112xi32, #tpu.memory_space<hbm>>
      %dma_start3A_20 = tpu.memref_slice %arg3[%multiple_of3A] : memref<811008xi32, #tpu.memory_space<hbm>> -> memref<2112xi32, #tpu.memory_space<hbm>>
      tpu.enqueue_dma source(%dma_start3A_20 : memref<2112xi32, #tpu.memory_space<hbm>>) target(%arg7 : memref<2112xi32, #tpu.memory_space<vmem>>) target_semaphore(%run_scoped3A : memref<!tpu.dma_semaphore, #tpu.memory_space<semaphore_mem>>)
      %dma_wait3A = tpu.memref_slice %arg3[%multiple_of3A] : memref<811008xi32, #tpu.memory_space<hbm>> -> memref<2112xi32, #tpu.memory_space<hbm>>
      %dma_wait3A_21 = tpu.memref_slice %arg3[%multiple_of3A] : memref<811008xi32, #tpu.memory_space<hbm>> -> memref<2112xi32, #tpu.memory_space<hbm>>
      tpu.wait_dma2 semaphore(%run_scoped3A : memref<!tpu.dma_semaphore, #tpu.memory_space<semaphore_mem>>) src(%dma_wait3A_21 : memref<2112xi32, #tpu.memory_space<hbm>>) dst(%arg7 : memref<2112xi32, #tpu.memory_space<vmem>>)
      tpu.yield
    }) : () -> ()
    "tpu.region"() ({
      %run_scoped3A = tpu.sem_alloc : memref<!tpu.dma_semaphore, #tpu.memory_space<semaphore_mem>>
      %dma_start3A_19 = tpu.memref_slice %arg4[%multiple_of3A] : memref<811008xi32, #tpu.memory_space<hbm>> -> memref<2112xi32, #tpu.memory_space<hbm>>
      %dma_start3A_20 = tpu.memref_slice %arg4[%multiple_of3A] : memref<811008xi32, #tpu.memory_space<hbm>> -> memref<2112xi32, #tpu.memory_space<hbm>>
      tpu.enqueue_dma source(%dma_start3A_20 : memref<2112xi32, #tpu.memory_space<hbm>>) target(%arg9 : memref<2112xi32, #tpu.memory_space<vmem>>) target_semaphore(%run_scoped3A : memref<!tpu.dma_semaphore, #tpu.memory_space<semaphore_mem>>)
      %dma_wait3A = tpu.memref_slice %arg4[%multiple_of3A] : memref<811008xi32, #tpu.memory_space<hbm>> -> memref<2112xi32, #tpu.memory_space<hbm>>
      %dma_wait3A_21 = tpu.memref_slice %arg4[%multiple_of3A] : memref<811008xi32, #tpu.memory_space<hbm>> -> memref<2112xi32, #tpu.memory_space<hbm>>
      tpu.wait_dma2 semaphore(%run_scoped3A : memref<!tpu.dma_semaphore, #tpu.memory_space<semaphore_mem>>) src(%dma_wait3A_21 : memref<2112xi32, #tpu.memory_space<hbm>>) dst(%arg9 : memref<2112xi32, #tpu.memory_space<vmem>>)
      tpu.yield
    }) : () -> ()
    %dma_start3A = arith.constant 0 : i32
    %dma_start3A_7 = arith.constant 0 : i32
    %dma_start3A_8 = tpu.memref_slice %arg2[%dma_start3A, %dma_start3A_7] : memref<50000x16xf32, #tpu.memory_space<hbm>> -> memref<50000x16xf32, #tpu.memory_space<hbm>>
    tpu.enqueue_indirect_dma source(%dma_start3A_8 : memref<50000x16xf32, #tpu.memory_space<hbm>>) target(%arg11 : memref<2112x16xf32, #tpu.memory_space<vmem>>) offsets(%arg7 : memref<2112xi32, #tpu.memory_space<vmem>>) semaphore(%arg14 : memref<!tpu.dma_semaphore, #tpu.memory_space<semaphore_mem>>)
    %scan3A = arith.constant 0 : i32
    %scan3A_9 = arith.constant 0 : i32
    %scan3A_10 = arith.constant 6 : i32
    %scan3A_11 = arith.addi %scan3A_9, %scan3A_10 : i32
    %scan3A_12 = arith.constant 1 : i32
    scf.for %scan3A_19 = %scan3A_9 to %scan3A_11 step %scan3A_12  : i32 {
      %mul3A_20 = arith.constant 2 : i32
      %mul3A_21 = arith.muli %mul3A_20, %scan3A_19 : i32
      %add3A_22 = arith.constant 1 : i32
      %add3A_23 = arith.addi %mul3A_21, %add3A_22 : i32
      %mul3A_24 = arith.constant 2112 : i32
      %mul3A_25 = arith.muli %add3A_23, %mul3A_24 : i32
      %add3A_26 = arith.addi %mul3A_4, %mul3A_25 : i32
      %multiple_of3A_27 = tpu.assume_multiple %add3A_26, 2112 : i32
      "tpu.region"() ({
        %run_scoped3A = tpu.sem_alloc : memref<!tpu.dma_semaphore, #tpu.memory_space<semaphore_mem>>
        %dma_start3A_50 = tpu.memref_slice %arg3[%multiple_of3A_27] : memref<811008xi32, #tpu.memory_space<hbm>> -> memref<2112xi32, #tpu.memory_space<hbm>>
        %dma_start3A_51 = tpu.memref_slice %arg3[%multiple_of3A_27] : memref<811008xi32, #tpu.memory_space<hbm>> -> memref<2112xi32, #tpu.memory_space<hbm>>
        tpu.enqueue_dma source(%dma_start3A_51 : memref<2112xi32, #tpu.memory_space<hbm>>) target(%arg8 : memref<2112xi32, #tpu.memory_space<vmem>>) target_semaphore(%run_scoped3A : memref<!tpu.dma_semaphore, #tpu.memory_space<semaphore_mem>>)
        %dma_wait3A_52 = tpu.memref_slice %arg3[%multiple_of3A_27] : memref<811008xi32, #tpu.memory_space<hbm>> -> memref<2112xi32, #tpu.memory_space<hbm>>
        %dma_wait3A_53 = tpu.memref_slice %arg3[%multiple_of3A_27] : memref<811008xi32, #tpu.memory_space<hbm>> -> memref<2112xi32, #tpu.memory_space<hbm>>
        tpu.wait_dma2 semaphore(%run_scoped3A : memref<!tpu.dma_semaphore, #tpu.memory_space<semaphore_mem>>) src(%dma_wait3A_53 : memref<2112xi32, #tpu.memory_space<hbm>>) dst(%arg8 : memref<2112xi32, #tpu.memory_space<vmem>>)
        tpu.yield
      }) : () -> ()
      "tpu.region"() ({
        %run_scoped3A = tpu.sem_alloc : memref<!tpu.dma_semaphore, #tpu.memory_space<semaphore_mem>>
        %dma_start3A_50 = tpu.memref_slice %arg4[%multiple_of3A_27] : memref<811008xi32, #tpu.memory_space<hbm>> -> memref<2112xi32, #tpu.memory_space<hbm>>
        %dma_start3A_51 = tpu.memref_slice %arg4[%multiple_of3A_27] : memref<811008xi32, #tpu.memory_space<hbm>> -> memref<2112xi32, #tpu.memory_space<hbm>>
        tpu.enqueue_dma source(%dma_start3A_51 : memref<2112xi32, #tpu.memory_space<hbm>>) target(%arg10 : memref<2112xi32, #tpu.memory_space<vmem>>) target_semaphore(%run_scoped3A : memref<!tpu.dma_semaphore, #tpu.memory_space<semaphore_mem>>)
        %dma_wait3A_52 = tpu.memref_slice %arg4[%multiple_of3A_27] : memref<811008xi32, #tpu.memory_space<hbm>> -> memref<2112xi32, #tpu.memory_space<hbm>>
        %dma_wait3A_53 = tpu.memref_slice %arg4[%multiple_of3A_27] : memref<811008xi32, #tpu.memory_space<hbm>> -> memref<2112xi32, #tpu.memory_space<hbm>>
        tpu.wait_dma2 semaphore(%run_scoped3A : memref<!tpu.dma_semaphore, #tpu.memory_space<semaphore_mem>>) src(%dma_wait3A_53 : memref<2112xi32, #tpu.memory_space<hbm>>) dst(%arg10 : memref<2112xi32, #tpu.memory_space<vmem>>)
        tpu.yield
      }) : () -> ()
      %dma_wait3A = arith.constant 0 : i32
      %dma_wait3A_28 = arith.constant 0 : i32
      %dma_wait3A_29 = tpu.memref_slice %arg2[%dma_wait3A, %dma_wait3A_28] : memref<50000x16xf32, #tpu.memory_space<hbm>> -> memref<50000x16xf32, #tpu.memory_space<hbm>>
      tpu.wait_indirect_dma semaphore(%arg14 : memref<!tpu.dma_semaphore, #tpu.memory_space<semaphore_mem>>) src(%dma_wait3A_29 : memref<50000x16xf32, #tpu.memory_space<hbm>>) dst(%arg11 : memref<2112x16xf32, #tpu.memory_space<vmem>>)
      %dma_start3A_30 = arith.constant 0 : i32
      %dma_start3A_31 = arith.constant 0 : i32
      %dma_start3A_32 = tpu.memref_slice %arg2[%dma_start3A_30, %dma_start3A_31] : memref<50000x16xf32, #tpu.memory_space<hbm>> -> memref<50000x16xf32, #tpu.memory_space<hbm>>
      tpu.enqueue_indirect_dma source(%dma_start3A_32 : memref<50000x16xf32, #tpu.memory_space<hbm>>) target(%arg12 : memref<2112x16xf32, #tpu.memory_space<vmem>>) offsets(%arg8 : memref<2112xi32, #tpu.memory_space<vmem>>) semaphore(%arg15 : memref<!tpu.dma_semaphore, #tpu.memory_space<semaphore_mem>>)
      %dma_start3A_33 = arith.constant 0 : i32
      %dma_start3A_34 = arith.constant 0 : i32
      %dma_start3A_35 = tpu.memref_slice %arg13[%dma_start3A_33, %dma_start3A_34] : memref<50048x16xf32, #tpu.memory_space<vmem_shared>> -> memref<50048x16xf32, #tpu.memory_space<vmem_shared>>
      tpu.enqueue_indirect_dma source(%arg11 : memref<2112x16xf32, #tpu.memory_space<vmem>>) target(%dma_start3A_35 : memref<50048x16xf32, #tpu.memory_space<vmem_shared>>) offsets(%arg9 : memref<2112xi32, #tpu.memory_space<vmem>>) semaphore(%arg16 : memref<!tpu.dma_semaphore, #tpu.memory_space<semaphore_mem>>) {add = true}
      %dma_wait3A_36 = arith.constant 0 : i32
      %dma_wait3A_37 = arith.constant 0 : i32
      %dma_wait3A_38 = tpu.memref_slice %arg13[%dma_wait3A_36, %dma_wait3A_37] : memref<50048x16xf32, #tpu.memory_space<vmem_shared>> -> memref<50048x16xf32, #tpu.memory_space<vmem_shared>>
      tpu.wait_indirect_dma semaphore(%arg16 : memref<!tpu.dma_semaphore, #tpu.memory_space<semaphore_mem>>) src(%arg11 : memref<2112x16xf32, #tpu.memory_space<vmem>>) dst(%dma_wait3A_38 : memref<50048x16xf32, #tpu.memory_space<vmem_shared>>)
      %lt3A = arith.constant 5 : i32
      %lt3A_39 = arith.cmpi slt, %scan3A_19, %lt3A : i32
      %convert_element_type3A = arith.extui %lt3A_39 : i1 to i32
      %cond3A = arith.constant 0 : i32
      %cond3A_40 = arith.cmpi ne, %convert_element_type3A, %cond3A : i32
      scf.if %cond3A_40 {
        %add3A_50 = arith.constant 2 : i32
        %add3A_51 = arith.addi %mul3A_21, %add3A_50 : i32
        %mul3A_52 = arith.constant 2112 : i32
        %mul3A_53 = arith.muli %add3A_51, %mul3A_52 : i32
        %add3A_54 = arith.addi %mul3A_4, %mul3A_53 : i32
        %multiple_of3A_55 = tpu.assume_multiple %add3A_54, 2112 : i32
        "tpu.region"() ({
          %run_scoped3A = tpu.sem_alloc : memref<!tpu.dma_semaphore, #tpu.memory_space<semaphore_mem>>
          %dma_start3A_59 = tpu.memref_slice %arg3[%multiple_of3A_55] : memref<811008xi32, #tpu.memory_space<hbm>> -> memref<2112xi32, #tpu.memory_space<hbm>>
          %dma_start3A_60 = tpu.memref_slice %arg3[%multiple_of3A_55] : memref<811008xi32, #tpu.memory_space<hbm>> -> memref<2112xi32, #tpu.memory_space<hbm>>
          tpu.enqueue_dma source(%dma_start3A_60 : memref<2112xi32, #tpu.memory_space<hbm>>) target(%arg7 : memref<2112xi32, #tpu.memory_space<vmem>>) target_semaphore(%run_scoped3A : memref<!tpu.dma_semaphore, #tpu.memory_space<semaphore_mem>>)
          %dma_wait3A_61 = tpu.memref_slice %arg3[%multiple_of3A_55] : memref<811008xi32, #tpu.memory_space<hbm>> -> memref<2112xi32, #tpu.memory_space<hbm>>
          %dma_wait3A_62 = tpu.memref_slice %arg3[%multiple_of3A_55] : memref<811008xi32, #tpu.memory_space<hbm>> -> memref<2112xi32, #tpu.memory_space<hbm>>
          tpu.wait_dma2 semaphore(%run_scoped3A : memref<!tpu.dma_semaphore, #tpu.memory_space<semaphore_mem>>) src(%dma_wait3A_62 : memref<2112xi32, #tpu.memory_space<hbm>>) dst(%arg7 : memref<2112xi32, #tpu.memory_space<vmem>>)
          tpu.yield
        }) : () -> ()
        "tpu.region"() ({
          %run_scoped3A = tpu.sem_alloc : memref<!tpu.dma_semaphore, #tpu.memory_space<semaphore_mem>>
          %dma_start3A_59 = tpu.memref_slice %arg4[%multiple_of3A_55] : memref<811008xi32, #tpu.memory_space<hbm>> -> memref<2112xi32, #tpu.memory_space<hbm>>
          %dma_start3A_60 = tpu.memref_slice %arg4[%multiple_of3A_55] : memref<811008xi32, #tpu.memory_space<hbm>> -> memref<2112xi32, #tpu.memory_space<hbm>>
          tpu.enqueue_dma source(%dma_start3A_60 : memref<2112xi32, #tpu.memory_space<hbm>>) target(%arg9 : memref<2112xi32, #tpu.memory_space<vmem>>) target_semaphore(%run_scoped3A : memref<!tpu.dma_semaphore, #tpu.memory_space<semaphore_mem>>)
          %dma_wait3A_61 = tpu.memref_slice %arg4[%multiple_of3A_55] : memref<811008xi32, #tpu.memory_space<hbm>> -> memref<2112xi32, #tpu.memory_space<hbm>>
          %dma_wait3A_62 = tpu.memref_slice %arg4[%multiple_of3A_55] : memref<811008xi32, #tpu.memory_space<hbm>> -> memref<2112xi32, #tpu.memory_space<hbm>>
          tpu.wait_dma2 semaphore(%run_scoped3A : memref<!tpu.dma_semaphore, #tpu.memory_space<semaphore_mem>>) src(%dma_wait3A_62 : memref<2112xi32, #tpu.memory_space<hbm>>) dst(%arg9 : memref<2112xi32, #tpu.memory_space<vmem>>)
          tpu.yield
        }) : () -> ()
        %dma_start3A_56 = arith.constant 0 : i32
        %dma_start3A_57 = arith.constant 0 : i32
        %dma_start3A_58 = tpu.memref_slice %arg2[%dma_start3A_56, %dma_start3A_57] : memref<50000x16xf32, #tpu.memory_space<hbm>> -> memref<50000x16xf32, #tpu.memory_space<hbm>>
        tpu.enqueue_indirect_dma source(%dma_start3A_58 : memref<50000x16xf32, #tpu.memory_space<hbm>>) target(%arg11 : memref<2112x16xf32, #tpu.memory_space<vmem>>) offsets(%arg7 : memref<2112xi32, #tpu.memory_space<vmem>>) semaphore(%arg14 : memref<!tpu.dma_semaphore, #tpu.memory_space<semaphore_mem>>)
      } else {
      }
      %dma_wait3A_41 = arith.constant 0 : i32
      %dma_wait3A_42 = arith.constant 0 : i32
      %dma_wait3A_43 = tpu.memref_slice %arg2[%dma_wait3A_41, %dma_wait3A_42] : memref<50000x16xf32, #tpu.memory_space<hbm>> -> memref<50000x16xf32, #tpu.memory_space<hbm>>
      tpu.wait_indirect_dma semaphore(%arg15 : memref<!tpu.dma_semaphore, #tpu.memory_space<semaphore_mem>>) src(%dma_wait3A_43 : memref<50000x16xf32, #tpu.memory_space<hbm>>) dst(%arg12 : memref<2112x16xf32, #tpu.memory_space<vmem>>)
      %dma_start3A_44 = arith.constant 0 : i32
      %dma_start3A_45 = arith.constant 0 : i32
      %dma_start3A_46 = tpu.memref_slice %arg13[%dma_start3A_44, %dma_start3A_45] : memref<50048x16xf32, #tpu.memory_space<vmem_shared>> -> memref<50048x16xf32, #tpu.memory_space<vmem_shared>>
      tpu.enqueue_indirect_dma source(%arg12 : memref<2112x16xf32, #tpu.memory_space<vmem>>) target(%dma_start3A_46 : memref<50048x16xf32, #tpu.memory_space<vmem_shared>>) offsets(%arg10 : memref<2112xi32, #tpu.memory_space<vmem>>) semaphore(%arg17 : memref<!tpu.dma_semaphore, #tpu.memory_space<semaphore_mem>>) {add = true}
      %dma_wait3A_47 = arith.constant 0 : i32
      %dma_wait3A_48 = arith.constant 0 : i32
      %dma_wait3A_49 = tpu.memref_slice %arg13[%dma_wait3A_47, %dma_wait3A_48] : memref<50048x16xf32, #tpu.memory_space<vmem_shared>> -> memref<50048x16xf32, #tpu.memory_space<vmem_shared>>
      tpu.wait_indirect_dma semaphore(%arg17 : memref<!tpu.dma_semaphore, #tpu.memory_space<semaphore_mem>>) src(%arg12 : memref<2112x16xf32, #tpu.memory_space<vmem>>) dst(%dma_wait3A_49 : memref<50048x16xf32, #tpu.memory_space<vmem_shared>>)
    }
    %scan3A_13 = arith.constant 6 : i32
    %barrier3A_14 = arith.constant 0 : index
    tpu.barrier barrier_id(%barrier3A_14)
    %mul3A_15 = arith.constant 3128 : i32
    %mul3A_16 = arith.muli %arg1, %mul3A_15 : i32
    %mul3A_17 = arith.constant 3128 : i32
    %mul3A_18 = arith.muli %arg1, %mul3A_17 : i32
    "tpu.region"() ({
      %run_scoped3A = tpu.sem_alloc : memref<!tpu.dma_semaphore, #tpu.memory_space<semaphore_mem>>
      %dma_start3A_19 = arith.constant 0 : i32
      %dma_start3A_20 = tpu.memref_slice %arg6[%arg0, %mul3A_18, %dma_start3A_19] : memref<2x50048x16xf32, #tpu.memory_space<hbm>> -> memref<1x3128x16xf32, #tpu.memory_space<hbm>>
      %dma_start3A_21 = tpu.memref_squeeze %dma_start3A_20 : memref<1x3128x16xf32, #tpu.memory_space<hbm>> -> memref<3128x16xf32, #tpu.memory_space<hbm>>
      %dma_start3A_22 = arith.constant 0 : i32
      %dma_start3A_23 = tpu.memref_slice %arg13[%mul3A_16, %dma_start3A_22] : memref<50048x16xf32, #tpu.memory_space<vmem_shared>> -> memref<3128x16xf32, #tpu.memory_space<vmem_shared>>
      tpu.enqueue_dma source(%dma_start3A_23 : memref<3128x16xf32, #tpu.memory_space<vmem_shared>>) target(%dma_start3A_21 : memref<3128x16xf32, #tpu.memory_space<hbm>>) target_semaphore(%run_scoped3A : memref<!tpu.dma_semaphore, #tpu.memory_space<semaphore_mem>>)
      %dma_wait3A = arith.constant 0 : i32
      %dma_wait3A_24 = tpu.memref_slice %arg6[%arg0, %mul3A_18, %dma_wait3A] : memref<2x50048x16xf32, #tpu.memory_space<hbm>> -> memref<1x3128x16xf32, #tpu.memory_space<hbm>>
      %dma_wait3A_25 = tpu.memref_squeeze %dma_wait3A_24 : memref<1x3128x16xf32, #tpu.memory_space<hbm>> -> memref<3128x16xf32, #tpu.memory_space<hbm>>
      %dma_wait3A_26 = arith.constant 0 : i32
      %dma_wait3A_27 = tpu.memref_slice %arg13[%mul3A_16, %dma_wait3A_26] : memref<50048x16xf32, #tpu.memory_space<vmem_shared>> -> memref<3128x16xf32, #tpu.memory_space<vmem_shared>>
      tpu.wait_dma2 semaphore(%run_scoped3A : memref<!tpu.dma_semaphore, #tpu.memory_space<semaphore_mem>>) src(%dma_wait3A_27 : memref<3128x16xf32, #tpu.memory_space<vmem_shared>>) dst(%dma_wait3A_25 : memref<3128x16xf32, #tpu.memory_space<hbm>>)
      tpu.yield
    }) : () -> ()
    return
  }
}

#map = affine_map<(d0, d1) -> (0, 0)>
#map1 = affine_map<(d0, d1) -> (0)>
#map2 = affine_map<(d0, d1) -> (0, 0, 0)>
module attributes {stable_mosaic.version = 14 : i64} {
  func.func @_sc_agg(%arg0: i32, %arg1: i32, %arg2: memref<50000x32xf32, #tpu.memory_space<hbm>>, %arg3: memref<50000x32xf32, #tpu.memory_space<hbm>>, %arg4: memref<811008xi32, #tpu.memory_space<hbm>>, %arg5: memref<811008xi32, #tpu.memory_space<hbm>>, %arg6: memref<3128x32xf32, #tpu.memory_space<hbm>>, %arg7: memref<2x50048x32xf32, #tpu.memory_space<hbm>>, %arg8: memref<384xi32, #tpu.memory_space<vmem>>, %arg9: memref<384xi32, #tpu.memory_space<vmem>>, %arg10: memref<384xi32, #tpu.memory_space<vmem>>, %arg11: memref<384xi32, #tpu.memory_space<vmem>>, %arg12: memref<384x32xf32, #tpu.memory_space<vmem>>, %arg13: memref<384x32xf32, #tpu.memory_space<vmem>>, %arg14: memref<50048x32xf32, #tpu.memory_space<vmem_shared>>, %arg15: memref<!tpu.dma_semaphore, #tpu.memory_space<semaphore_mem>>, %arg16: memref<!tpu.dma_semaphore, #tpu.memory_space<semaphore_mem>>, %arg17: memref<!tpu.dma_semaphore, #tpu.memory_space<semaphore_mem>>, %arg18: memref<!tpu.dma_semaphore, #tpu.memory_space<semaphore_mem>>) attributes {dimension_semantics = [#tpu.dimension_semantics<core_parallel>, #tpu.dimension_semantics<subcore_parallel>], iteration_bounds = array<i64: 2, 16>, scalar_prefetch = 0 : i64, scratch_operands = 11 : i64, tpu.core_type = #tpu.core_type<sc_vector_subcore>, window_params = [{transform_indices = #map}, {transform_indices = #map}, {transform_indices = #map1}, {transform_indices = #map1}, {transform_indices = #map}, {transform_indices = #map2}]} {
    %mul3A = arith.constant 3128 : i32
    %mul3A_0 = arith.muli %arg1, %mul3A : i32
    "tpu.region"() ({
      %run_scoped3A = tpu.sem_alloc : memref<!tpu.dma_semaphore, #tpu.memory_space<semaphore_mem>>
      %dma_start3A = arith.constant 0 : i32
      %dma_start3A_15 = tpu.memref_slice %arg14[%mul3A_0, %dma_start3A] : memref<50048x32xf32, #tpu.memory_space<vmem_shared>> -> memref<3128x32xf32, #tpu.memory_space<vmem_shared>>
      tpu.enqueue_dma source(%arg6 : memref<3128x32xf32, #tpu.memory_space<hbm>>) target(%dma_start3A_15 : memref<3128x32xf32, #tpu.memory_space<vmem_shared>>) target_semaphore(%run_scoped3A : memref<!tpu.dma_semaphore, #tpu.memory_space<semaphore_mem>>)
      %dma_wait3A = arith.constant 0 : i32
      %dma_wait3A_16 = tpu.memref_slice %arg14[%mul3A_0, %dma_wait3A] : memref<50048x32xf32, #tpu.memory_space<vmem_shared>> -> memref<3128x32xf32, #tpu.memory_space<vmem_shared>>
      tpu.wait_dma2 semaphore(%run_scoped3A : memref<!tpu.dma_semaphore, #tpu.memory_space<semaphore_mem>>) src(%arg6 : memref<3128x32xf32, #tpu.memory_space<hbm>>) dst(%dma_wait3A_16 : memref<3128x32xf32, #tpu.memory_space<vmem_shared>>)
      tpu.yield
    }) : () -> ()
    %barrier3A = arith.constant 0 : index
    tpu.barrier barrier_id(%barrier3A)
    %mul3A_1 = arith.constant 50688 : i32
    %mul3A_2 = arith.muli %arg1, %mul3A_1 : i32
    %eq3A = arith.constant 0 : i32
    %eq3A_3 = arith.cmpi eq, %arg0, %eq3A : i32
    %convert_element_type3A = arith.extui %eq3A_3 : i1 to i32
    %cond3A = arith.constant 0 : i32
    %cond3A_4 = arith.cmpi ne, %convert_element_type3A, %cond3A : i32
    scf.if %cond3A_4 {
      %add3A = arith.constant 0 : i32
      %add3A_15 = arith.addi %mul3A_2, %add3A : i32
      %multiple_of3A = tpu.assume_multiple %add3A_15, 384 : i32
      "tpu.region"() ({
        %run_scoped3A = tpu.sem_alloc : memref<!tpu.dma_semaphore, #tpu.memory_space<semaphore_mem>>
        %dma_start3A_23 = tpu.memref_slice %arg4[%multiple_of3A] : memref<811008xi32, #tpu.memory_space<hbm>> -> memref<384xi32, #tpu.memory_space<hbm>>
        %dma_start3A_24 = tpu.memref_slice %arg4[%multiple_of3A] : memref<811008xi32, #tpu.memory_space<hbm>> -> memref<384xi32, #tpu.memory_space<hbm>>
        tpu.enqueue_dma source(%dma_start3A_24 : memref<384xi32, #tpu.memory_space<hbm>>) target(%arg8 : memref<384xi32, #tpu.memory_space<vmem>>) target_semaphore(%run_scoped3A : memref<!tpu.dma_semaphore, #tpu.memory_space<semaphore_mem>>)
        %dma_wait3A = tpu.memref_slice %arg4[%multiple_of3A] : memref<811008xi32, #tpu.memory_space<hbm>> -> memref<384xi32, #tpu.memory_space<hbm>>
        %dma_wait3A_25 = tpu.memref_slice %arg4[%multiple_of3A] : memref<811008xi32, #tpu.memory_space<hbm>> -> memref<384xi32, #tpu.memory_space<hbm>>
        tpu.wait_dma2 semaphore(%run_scoped3A : memref<!tpu.dma_semaphore, #tpu.memory_space<semaphore_mem>>) src(%dma_wait3A_25 : memref<384xi32, #tpu.memory_space<hbm>>) dst(%arg8 : memref<384xi32, #tpu.memory_space<vmem>>)
        tpu.yield
      }) : () -> ()
      "tpu.region"() ({
        %run_scoped3A = tpu.sem_alloc : memref<!tpu.dma_semaphore, #tpu.memory_space<semaphore_mem>>
        %dma_start3A_23 = tpu.memref_slice %arg5[%multiple_of3A] : memref<811008xi32, #tpu.memory_space<hbm>> -> memref<384xi32, #tpu.memory_space<hbm>>
        %dma_start3A_24 = tpu.memref_slice %arg5[%multiple_of3A] : memref<811008xi32, #tpu.memory_space<hbm>> -> memref<384xi32, #tpu.memory_space<hbm>>
        tpu.enqueue_dma source(%dma_start3A_24 : memref<384xi32, #tpu.memory_space<hbm>>) target(%arg10 : memref<384xi32, #tpu.memory_space<vmem>>) target_semaphore(%run_scoped3A : memref<!tpu.dma_semaphore, #tpu.memory_space<semaphore_mem>>)
        %dma_wait3A = tpu.memref_slice %arg5[%multiple_of3A] : memref<811008xi32, #tpu.memory_space<hbm>> -> memref<384xi32, #tpu.memory_space<hbm>>
        %dma_wait3A_25 = tpu.memref_slice %arg5[%multiple_of3A] : memref<811008xi32, #tpu.memory_space<hbm>> -> memref<384xi32, #tpu.memory_space<hbm>>
        tpu.wait_dma2 semaphore(%run_scoped3A : memref<!tpu.dma_semaphore, #tpu.memory_space<semaphore_mem>>) src(%dma_wait3A_25 : memref<384xi32, #tpu.memory_space<hbm>>) dst(%arg10 : memref<384xi32, #tpu.memory_space<vmem>>)
        tpu.yield
      }) : () -> ()
      %dma_start3A = arith.constant 0 : i32
      %dma_start3A_16 = arith.constant 0 : i32
      %dma_start3A_17 = tpu.memref_slice %arg2[%dma_start3A, %dma_start3A_16] : memref<50000x32xf32, #tpu.memory_space<hbm>> -> memref<50000x32xf32, #tpu.memory_space<hbm>>
      tpu.enqueue_indirect_dma source(%dma_start3A_17 : memref<50000x32xf32, #tpu.memory_space<hbm>>) target(%arg12 : memref<384x32xf32, #tpu.memory_space<vmem>>) offsets(%arg8 : memref<384xi32, #tpu.memory_space<vmem>>) semaphore(%arg15 : memref<!tpu.dma_semaphore, #tpu.memory_space<semaphore_mem>>)
      %scan3A = arith.constant 0 : i32
      %scan3A_18 = arith.constant 0 : i32
      %scan3A_19 = arith.constant 66 : i32
      %scan3A_20 = arith.addi %scan3A_18, %scan3A_19 : i32
      %scan3A_21 = arith.constant 1 : i32
      scf.for %scan3A_23 = %scan3A_18 to %scan3A_20 step %scan3A_21  : i32 {
        %mul3A_24 = arith.constant 2 : i32
        %mul3A_25 = arith.muli %mul3A_24, %scan3A_23 : i32
        %add3A_26 = arith.constant 1 : i32
        %add3A_27 = arith.addi %mul3A_25, %add3A_26 : i32
        %mul3A_28 = arith.constant 384 : i32
        %mul3A_29 = arith.muli %add3A_27, %mul3A_28 : i32
        %add3A_30 = arith.addi %mul3A_2, %mul3A_29 : i32
        %multiple_of3A_31 = tpu.assume_multiple %add3A_30, 384 : i32
        "tpu.region"() ({
          %run_scoped3A = tpu.sem_alloc : memref<!tpu.dma_semaphore, #tpu.memory_space<semaphore_mem>>
          %dma_start3A_56 = tpu.memref_slice %arg4[%multiple_of3A_31] : memref<811008xi32, #tpu.memory_space<hbm>> -> memref<384xi32, #tpu.memory_space<hbm>>
          %dma_start3A_57 = tpu.memref_slice %arg4[%multiple_of3A_31] : memref<811008xi32, #tpu.memory_space<hbm>> -> memref<384xi32, #tpu.memory_space<hbm>>
          tpu.enqueue_dma source(%dma_start3A_57 : memref<384xi32, #tpu.memory_space<hbm>>) target(%arg9 : memref<384xi32, #tpu.memory_space<vmem>>) target_semaphore(%run_scoped3A : memref<!tpu.dma_semaphore, #tpu.memory_space<semaphore_mem>>)
          %dma_wait3A_58 = tpu.memref_slice %arg4[%multiple_of3A_31] : memref<811008xi32, #tpu.memory_space<hbm>> -> memref<384xi32, #tpu.memory_space<hbm>>
          %dma_wait3A_59 = tpu.memref_slice %arg4[%multiple_of3A_31] : memref<811008xi32, #tpu.memory_space<hbm>> -> memref<384xi32, #tpu.memory_space<hbm>>
          tpu.wait_dma2 semaphore(%run_scoped3A : memref<!tpu.dma_semaphore, #tpu.memory_space<semaphore_mem>>) src(%dma_wait3A_59 : memref<384xi32, #tpu.memory_space<hbm>>) dst(%arg9 : memref<384xi32, #tpu.memory_space<vmem>>)
          tpu.yield
        }) : () -> ()
        "tpu.region"() ({
          %run_scoped3A = tpu.sem_alloc : memref<!tpu.dma_semaphore, #tpu.memory_space<semaphore_mem>>
          %dma_start3A_56 = tpu.memref_slice %arg5[%multiple_of3A_31] : memref<811008xi32, #tpu.memory_space<hbm>> -> memref<384xi32, #tpu.memory_space<hbm>>
          %dma_start3A_57 = tpu.memref_slice %arg5[%multiple_of3A_31] : memref<811008xi32, #tpu.memory_space<hbm>> -> memref<384xi32, #tpu.memory_space<hbm>>
          tpu.enqueue_dma source(%dma_start3A_57 : memref<384xi32, #tpu.memory_space<hbm>>) target(%arg11 : memref<384xi32, #tpu.memory_space<vmem>>) target_semaphore(%run_scoped3A : memref<!tpu.dma_semaphore, #tpu.memory_space<semaphore_mem>>)
          %dma_wait3A_58 = tpu.memref_slice %arg5[%multiple_of3A_31] : memref<811008xi32, #tpu.memory_space<hbm>> -> memref<384xi32, #tpu.memory_space<hbm>>
          %dma_wait3A_59 = tpu.memref_slice %arg5[%multiple_of3A_31] : memref<811008xi32, #tpu.memory_space<hbm>> -> memref<384xi32, #tpu.memory_space<hbm>>
          tpu.wait_dma2 semaphore(%run_scoped3A : memref<!tpu.dma_semaphore, #tpu.memory_space<semaphore_mem>>) src(%dma_wait3A_59 : memref<384xi32, #tpu.memory_space<hbm>>) dst(%arg11 : memref<384xi32, #tpu.memory_space<vmem>>)
          tpu.yield
        }) : () -> ()
        %dma_wait3A = arith.constant 0 : i32
        %dma_wait3A_32 = arith.constant 0 : i32
        %dma_wait3A_33 = tpu.memref_slice %arg2[%dma_wait3A, %dma_wait3A_32] : memref<50000x32xf32, #tpu.memory_space<hbm>> -> memref<50000x32xf32, #tpu.memory_space<hbm>>
        tpu.wait_indirect_dma semaphore(%arg15 : memref<!tpu.dma_semaphore, #tpu.memory_space<semaphore_mem>>) src(%dma_wait3A_33 : memref<50000x32xf32, #tpu.memory_space<hbm>>) dst(%arg12 : memref<384x32xf32, #tpu.memory_space<vmem>>)
        %dma_start3A_34 = arith.constant 0 : i32
        %dma_start3A_35 = arith.constant 0 : i32
        %dma_start3A_36 = tpu.memref_slice %arg2[%dma_start3A_34, %dma_start3A_35] : memref<50000x32xf32, #tpu.memory_space<hbm>> -> memref<50000x32xf32, #tpu.memory_space<hbm>>
        tpu.enqueue_indirect_dma source(%dma_start3A_36 : memref<50000x32xf32, #tpu.memory_space<hbm>>) target(%arg13 : memref<384x32xf32, #tpu.memory_space<vmem>>) offsets(%arg9 : memref<384xi32, #tpu.memory_space<vmem>>) semaphore(%arg16 : memref<!tpu.dma_semaphore, #tpu.memory_space<semaphore_mem>>)
        %dma_start3A_37 = arith.constant 0 : i32
        %dma_start3A_38 = arith.constant 0 : i32
        %dma_start3A_39 = tpu.memref_slice %arg14[%dma_start3A_37, %dma_start3A_38] : memref<50048x32xf32, #tpu.memory_space<vmem_shared>> -> memref<50048x32xf32, #tpu.memory_space<vmem_shared>>
        tpu.enqueue_indirect_dma source(%arg12 : memref<384x32xf32, #tpu.memory_space<vmem>>) target(%dma_start3A_39 : memref<50048x32xf32, #tpu.memory_space<vmem_shared>>) offsets(%arg10 : memref<384xi32, #tpu.memory_space<vmem>>) semaphore(%arg17 : memref<!tpu.dma_semaphore, #tpu.memory_space<semaphore_mem>>) {add = true}
        %dma_wait3A_40 = arith.constant 0 : i32
        %dma_wait3A_41 = arith.constant 0 : i32
        %dma_wait3A_42 = tpu.memref_slice %arg14[%dma_wait3A_40, %dma_wait3A_41] : memref<50048x32xf32, #tpu.memory_space<vmem_shared>> -> memref<50048x32xf32, #tpu.memory_space<vmem_shared>>
        tpu.wait_indirect_dma semaphore(%arg17 : memref<!tpu.dma_semaphore, #tpu.memory_space<semaphore_mem>>) src(%arg12 : memref<384x32xf32, #tpu.memory_space<vmem>>) dst(%dma_wait3A_42 : memref<50048x32xf32, #tpu.memory_space<vmem_shared>>)
        %lt3A = arith.constant 65 : i32
        %lt3A_43 = arith.cmpi slt, %scan3A_23, %lt3A : i32
        %convert_element_type3A_44 = arith.extui %lt3A_43 : i1 to i32
        %cond3A_45 = arith.constant 0 : i32
        %cond3A_46 = arith.cmpi ne, %convert_element_type3A_44, %cond3A_45 : i32
        scf.if %cond3A_46 {
          %add3A_56 = arith.constant 2 : i32
          %add3A_57 = arith.addi %mul3A_25, %add3A_56 : i32
          %mul3A_58 = arith.constant 384 : i32
          %mul3A_59 = arith.muli %add3A_57, %mul3A_58 : i32
          %add3A_60 = arith.addi %mul3A_2, %mul3A_59 : i32
          %multiple_of3A_61 = tpu.assume_multiple %add3A_60, 384 : i32
          "tpu.region"() ({
            %run_scoped3A = tpu.sem_alloc : memref<!tpu.dma_semaphore, #tpu.memory_space<semaphore_mem>>
            %dma_start3A_65 = tpu.memref_slice %arg4[%multiple_of3A_61] : memref<811008xi32, #tpu.memory_space<hbm>> -> memref<384xi32, #tpu.memory_space<hbm>>
            %dma_start3A_66 = tpu.memref_slice %arg4[%multiple_of3A_61] : memref<811008xi32, #tpu.memory_space<hbm>> -> memref<384xi32, #tpu.memory_space<hbm>>
            tpu.enqueue_dma source(%dma_start3A_66 : memref<384xi32, #tpu.memory_space<hbm>>) target(%arg8 : memref<384xi32, #tpu.memory_space<vmem>>) target_semaphore(%run_scoped3A : memref<!tpu.dma_semaphore, #tpu.memory_space<semaphore_mem>>)
            %dma_wait3A_67 = tpu.memref_slice %arg4[%multiple_of3A_61] : memref<811008xi32, #tpu.memory_space<hbm>> -> memref<384xi32, #tpu.memory_space<hbm>>
            %dma_wait3A_68 = tpu.memref_slice %arg4[%multiple_of3A_61] : memref<811008xi32, #tpu.memory_space<hbm>> -> memref<384xi32, #tpu.memory_space<hbm>>
            tpu.wait_dma2 semaphore(%run_scoped3A : memref<!tpu.dma_semaphore, #tpu.memory_space<semaphore_mem>>) src(%dma_wait3A_68 : memref<384xi32, #tpu.memory_space<hbm>>) dst(%arg8 : memref<384xi32, #tpu.memory_space<vmem>>)
            tpu.yield
          }) : () -> ()
          "tpu.region"() ({
            %run_scoped3A = tpu.sem_alloc : memref<!tpu.dma_semaphore, #tpu.memory_space<semaphore_mem>>
            %dma_start3A_65 = tpu.memref_slice %arg5[%multiple_of3A_61] : memref<811008xi32, #tpu.memory_space<hbm>> -> memref<384xi32, #tpu.memory_space<hbm>>
            %dma_start3A_66 = tpu.memref_slice %arg5[%multiple_of3A_61] : memref<811008xi32, #tpu.memory_space<hbm>> -> memref<384xi32, #tpu.memory_space<hbm>>
            tpu.enqueue_dma source(%dma_start3A_66 : memref<384xi32, #tpu.memory_space<hbm>>) target(%arg10 : memref<384xi32, #tpu.memory_space<vmem>>) target_semaphore(%run_scoped3A : memref<!tpu.dma_semaphore, #tpu.memory_space<semaphore_mem>>)
            %dma_wait3A_67 = tpu.memref_slice %arg5[%multiple_of3A_61] : memref<811008xi32, #tpu.memory_space<hbm>> -> memref<384xi32, #tpu.memory_space<hbm>>
            %dma_wait3A_68 = tpu.memref_slice %arg5[%multiple_of3A_61] : memref<811008xi32, #tpu.memory_space<hbm>> -> memref<384xi32, #tpu.memory_space<hbm>>
            tpu.wait_dma2 semaphore(%run_scoped3A : memref<!tpu.dma_semaphore, #tpu.memory_space<semaphore_mem>>) src(%dma_wait3A_68 : memref<384xi32, #tpu.memory_space<hbm>>) dst(%arg10 : memref<384xi32, #tpu.memory_space<vmem>>)
            tpu.yield
          }) : () -> ()
          %dma_start3A_62 = arith.constant 0 : i32
          %dma_start3A_63 = arith.constant 0 : i32
          %dma_start3A_64 = tpu.memref_slice %arg2[%dma_start3A_62, %dma_start3A_63] : memref<50000x32xf32, #tpu.memory_space<hbm>> -> memref<50000x32xf32, #tpu.memory_space<hbm>>
          tpu.enqueue_indirect_dma source(%dma_start3A_64 : memref<50000x32xf32, #tpu.memory_space<hbm>>) target(%arg12 : memref<384x32xf32, #tpu.memory_space<vmem>>) offsets(%arg8 : memref<384xi32, #tpu.memory_space<vmem>>) semaphore(%arg15 : memref<!tpu.dma_semaphore, #tpu.memory_space<semaphore_mem>>)
        } else {
        }
        %dma_wait3A_47 = arith.constant 0 : i32
        %dma_wait3A_48 = arith.constant 0 : i32
        %dma_wait3A_49 = tpu.memref_slice %arg2[%dma_wait3A_47, %dma_wait3A_48] : memref<50000x32xf32, #tpu.memory_space<hbm>> -> memref<50000x32xf32, #tpu.memory_space<hbm>>
        tpu.wait_indirect_dma semaphore(%arg16 : memref<!tpu.dma_semaphore, #tpu.memory_space<semaphore_mem>>) src(%dma_wait3A_49 : memref<50000x32xf32, #tpu.memory_space<hbm>>) dst(%arg13 : memref<384x32xf32, #tpu.memory_space<vmem>>)
        %dma_start3A_50 = arith.constant 0 : i32
        %dma_start3A_51 = arith.constant 0 : i32
        %dma_start3A_52 = tpu.memref_slice %arg14[%dma_start3A_50, %dma_start3A_51] : memref<50048x32xf32, #tpu.memory_space<vmem_shared>> -> memref<50048x32xf32, #tpu.memory_space<vmem_shared>>
        tpu.enqueue_indirect_dma source(%arg13 : memref<384x32xf32, #tpu.memory_space<vmem>>) target(%dma_start3A_52 : memref<50048x32xf32, #tpu.memory_space<vmem_shared>>) offsets(%arg11 : memref<384xi32, #tpu.memory_space<vmem>>) semaphore(%arg18 : memref<!tpu.dma_semaphore, #tpu.memory_space<semaphore_mem>>) {add = true}
        %dma_wait3A_53 = arith.constant 0 : i32
        %dma_wait3A_54 = arith.constant 0 : i32
        %dma_wait3A_55 = tpu.memref_slice %arg14[%dma_wait3A_53, %dma_wait3A_54] : memref<50048x32xf32, #tpu.memory_space<vmem_shared>> -> memref<50048x32xf32, #tpu.memory_space<vmem_shared>>
        tpu.wait_indirect_dma semaphore(%arg18 : memref<!tpu.dma_semaphore, #tpu.memory_space<semaphore_mem>>) src(%arg13 : memref<384x32xf32, #tpu.memory_space<vmem>>) dst(%dma_wait3A_55 : memref<50048x32xf32, #tpu.memory_space<vmem_shared>>)
      }
      %scan3A_22 = arith.constant 66 : i32
    } else {
    }
    %eq3A_5 = arith.constant 1 : i32
    %eq3A_6 = arith.cmpi eq, %arg0, %eq3A_5 : i32
    %convert_element_type3A_7 = arith.extui %eq3A_6 : i1 to i32
    %cond3A_8 = arith.constant 0 : i32
    %cond3A_9 = arith.cmpi ne, %convert_element_type3A_7, %cond3A_8 : i32
    scf.if %cond3A_9 {
      %add3A = arith.constant 0 : i32
      %add3A_15 = arith.addi %mul3A_2, %add3A : i32
      %multiple_of3A = tpu.assume_multiple %add3A_15, 384 : i32
      "tpu.region"() ({
        %run_scoped3A = tpu.sem_alloc : memref<!tpu.dma_semaphore, #tpu.memory_space<semaphore_mem>>
        %dma_start3A_23 = tpu.memref_slice %arg4[%multiple_of3A] : memref<811008xi32, #tpu.memory_space<hbm>> -> memref<384xi32, #tpu.memory_space<hbm>>
        %dma_start3A_24 = tpu.memref_slice %arg4[%multiple_of3A] : memref<811008xi32, #tpu.memory_space<hbm>> -> memref<384xi32, #tpu.memory_space<hbm>>
        tpu.enqueue_dma source(%dma_start3A_24 : memref<384xi32, #tpu.memory_space<hbm>>) target(%arg8 : memref<384xi32, #tpu.memory_space<vmem>>) target_semaphore(%run_scoped3A : memref<!tpu.dma_semaphore, #tpu.memory_space<semaphore_mem>>)
        %dma_wait3A = tpu.memref_slice %arg4[%multiple_of3A] : memref<811008xi32, #tpu.memory_space<hbm>> -> memref<384xi32, #tpu.memory_space<hbm>>
        %dma_wait3A_25 = tpu.memref_slice %arg4[%multiple_of3A] : memref<811008xi32, #tpu.memory_space<hbm>> -> memref<384xi32, #tpu.memory_space<hbm>>
        tpu.wait_dma2 semaphore(%run_scoped3A : memref<!tpu.dma_semaphore, #tpu.memory_space<semaphore_mem>>) src(%dma_wait3A_25 : memref<384xi32, #tpu.memory_space<hbm>>) dst(%arg8 : memref<384xi32, #tpu.memory_space<vmem>>)
        tpu.yield
      }) : () -> ()
      "tpu.region"() ({
        %run_scoped3A = tpu.sem_alloc : memref<!tpu.dma_semaphore, #tpu.memory_space<semaphore_mem>>
        %dma_start3A_23 = tpu.memref_slice %arg5[%multiple_of3A] : memref<811008xi32, #tpu.memory_space<hbm>> -> memref<384xi32, #tpu.memory_space<hbm>>
        %dma_start3A_24 = tpu.memref_slice %arg5[%multiple_of3A] : memref<811008xi32, #tpu.memory_space<hbm>> -> memref<384xi32, #tpu.memory_space<hbm>>
        tpu.enqueue_dma source(%dma_start3A_24 : memref<384xi32, #tpu.memory_space<hbm>>) target(%arg10 : memref<384xi32, #tpu.memory_space<vmem>>) target_semaphore(%run_scoped3A : memref<!tpu.dma_semaphore, #tpu.memory_space<semaphore_mem>>)
        %dma_wait3A = tpu.memref_slice %arg5[%multiple_of3A] : memref<811008xi32, #tpu.memory_space<hbm>> -> memref<384xi32, #tpu.memory_space<hbm>>
        %dma_wait3A_25 = tpu.memref_slice %arg5[%multiple_of3A] : memref<811008xi32, #tpu.memory_space<hbm>> -> memref<384xi32, #tpu.memory_space<hbm>>
        tpu.wait_dma2 semaphore(%run_scoped3A : memref<!tpu.dma_semaphore, #tpu.memory_space<semaphore_mem>>) src(%dma_wait3A_25 : memref<384xi32, #tpu.memory_space<hbm>>) dst(%arg10 : memref<384xi32, #tpu.memory_space<vmem>>)
        tpu.yield
      }) : () -> ()
      %dma_start3A = arith.constant 0 : i32
      %dma_start3A_16 = arith.constant 0 : i32
      %dma_start3A_17 = tpu.memref_slice %arg3[%dma_start3A, %dma_start3A_16] : memref<50000x32xf32, #tpu.memory_space<hbm>> -> memref<50000x32xf32, #tpu.memory_space<hbm>>
      tpu.enqueue_indirect_dma source(%dma_start3A_17 : memref<50000x32xf32, #tpu.memory_space<hbm>>) target(%arg12 : memref<384x32xf32, #tpu.memory_space<vmem>>) offsets(%arg8 : memref<384xi32, #tpu.memory_space<vmem>>) semaphore(%arg15 : memref<!tpu.dma_semaphore, #tpu.memory_space<semaphore_mem>>)
      %scan3A = arith.constant 0 : i32
      %scan3A_18 = arith.constant 0 : i32
      %scan3A_19 = arith.constant 66 : i32
      %scan3A_20 = arith.addi %scan3A_18, %scan3A_19 : i32
      %scan3A_21 = arith.constant 1 : i32
      scf.for %scan3A_23 = %scan3A_18 to %scan3A_20 step %scan3A_21  : i32 {
        %mul3A_24 = arith.constant 2 : i32
        %mul3A_25 = arith.muli %mul3A_24, %scan3A_23 : i32
        %add3A_26 = arith.constant 1 : i32
        %add3A_27 = arith.addi %mul3A_25, %add3A_26 : i32
        %mul3A_28 = arith.constant 384 : i32
        %mul3A_29 = arith.muli %add3A_27, %mul3A_28 : i32
        %add3A_30 = arith.addi %mul3A_2, %mul3A_29 : i32
        %multiple_of3A_31 = tpu.assume_multiple %add3A_30, 384 : i32
        "tpu.region"() ({
          %run_scoped3A = tpu.sem_alloc : memref<!tpu.dma_semaphore, #tpu.memory_space<semaphore_mem>>
          %dma_start3A_56 = tpu.memref_slice %arg4[%multiple_of3A_31] : memref<811008xi32, #tpu.memory_space<hbm>> -> memref<384xi32, #tpu.memory_space<hbm>>
          %dma_start3A_57 = tpu.memref_slice %arg4[%multiple_of3A_31] : memref<811008xi32, #tpu.memory_space<hbm>> -> memref<384xi32, #tpu.memory_space<hbm>>
          tpu.enqueue_dma source(%dma_start3A_57 : memref<384xi32, #tpu.memory_space<hbm>>) target(%arg9 : memref<384xi32, #tpu.memory_space<vmem>>) target_semaphore(%run_scoped3A : memref<!tpu.dma_semaphore, #tpu.memory_space<semaphore_mem>>)
          %dma_wait3A_58 = tpu.memref_slice %arg4[%multiple_of3A_31] : memref<811008xi32, #tpu.memory_space<hbm>> -> memref<384xi32, #tpu.memory_space<hbm>>
          %dma_wait3A_59 = tpu.memref_slice %arg4[%multiple_of3A_31] : memref<811008xi32, #tpu.memory_space<hbm>> -> memref<384xi32, #tpu.memory_space<hbm>>
          tpu.wait_dma2 semaphore(%run_scoped3A : memref<!tpu.dma_semaphore, #tpu.memory_space<semaphore_mem>>) src(%dma_wait3A_59 : memref<384xi32, #tpu.memory_space<hbm>>) dst(%arg9 : memref<384xi32, #tpu.memory_space<vmem>>)
          tpu.yield
        }) : () -> ()
        "tpu.region"() ({
          %run_scoped3A = tpu.sem_alloc : memref<!tpu.dma_semaphore, #tpu.memory_space<semaphore_mem>>
          %dma_start3A_56 = tpu.memref_slice %arg5[%multiple_of3A_31] : memref<811008xi32, #tpu.memory_space<hbm>> -> memref<384xi32, #tpu.memory_space<hbm>>
          %dma_start3A_57 = tpu.memref_slice %arg5[%multiple_of3A_31] : memref<811008xi32, #tpu.memory_space<hbm>> -> memref<384xi32, #tpu.memory_space<hbm>>
          tpu.enqueue_dma source(%dma_start3A_57 : memref<384xi32, #tpu.memory_space<hbm>>) target(%arg11 : memref<384xi32, #tpu.memory_space<vmem>>) target_semaphore(%run_scoped3A : memref<!tpu.dma_semaphore, #tpu.memory_space<semaphore_mem>>)
          %dma_wait3A_58 = tpu.memref_slice %arg5[%multiple_of3A_31] : memref<811008xi32, #tpu.memory_space<hbm>> -> memref<384xi32, #tpu.memory_space<hbm>>
          %dma_wait3A_59 = tpu.memref_slice %arg5[%multiple_of3A_31] : memref<811008xi32, #tpu.memory_space<hbm>> -> memref<384xi32, #tpu.memory_space<hbm>>
          tpu.wait_dma2 semaphore(%run_scoped3A : memref<!tpu.dma_semaphore, #tpu.memory_space<semaphore_mem>>) src(%dma_wait3A_59 : memref<384xi32, #tpu.memory_space<hbm>>) dst(%arg11 : memref<384xi32, #tpu.memory_space<vmem>>)
          tpu.yield
        }) : () -> ()
        %dma_wait3A = arith.constant 0 : i32
        %dma_wait3A_32 = arith.constant 0 : i32
        %dma_wait3A_33 = tpu.memref_slice %arg3[%dma_wait3A, %dma_wait3A_32] : memref<50000x32xf32, #tpu.memory_space<hbm>> -> memref<50000x32xf32, #tpu.memory_space<hbm>>
        tpu.wait_indirect_dma semaphore(%arg15 : memref<!tpu.dma_semaphore, #tpu.memory_space<semaphore_mem>>) src(%dma_wait3A_33 : memref<50000x32xf32, #tpu.memory_space<hbm>>) dst(%arg12 : memref<384x32xf32, #tpu.memory_space<vmem>>)
        %dma_start3A_34 = arith.constant 0 : i32
        %dma_start3A_35 = arith.constant 0 : i32
        %dma_start3A_36 = tpu.memref_slice %arg3[%dma_start3A_34, %dma_start3A_35] : memref<50000x32xf32, #tpu.memory_space<hbm>> -> memref<50000x32xf32, #tpu.memory_space<hbm>>
        tpu.enqueue_indirect_dma source(%dma_start3A_36 : memref<50000x32xf32, #tpu.memory_space<hbm>>) target(%arg13 : memref<384x32xf32, #tpu.memory_space<vmem>>) offsets(%arg9 : memref<384xi32, #tpu.memory_space<vmem>>) semaphore(%arg16 : memref<!tpu.dma_semaphore, #tpu.memory_space<semaphore_mem>>)
        %dma_start3A_37 = arith.constant 0 : i32
        %dma_start3A_38 = arith.constant 0 : i32
        %dma_start3A_39 = tpu.memref_slice %arg14[%dma_start3A_37, %dma_start3A_38] : memref<50048x32xf32, #tpu.memory_space<vmem_shared>> -> memref<50048x32xf32, #tpu.memory_space<vmem_shared>>
        tpu.enqueue_indirect_dma source(%arg12 : memref<384x32xf32, #tpu.memory_space<vmem>>) target(%dma_start3A_39 : memref<50048x32xf32, #tpu.memory_space<vmem_shared>>) offsets(%arg10 : memref<384xi32, #tpu.memory_space<vmem>>) semaphore(%arg17 : memref<!tpu.dma_semaphore, #tpu.memory_space<semaphore_mem>>) {add = true}
        %dma_wait3A_40 = arith.constant 0 : i32
        %dma_wait3A_41 = arith.constant 0 : i32
        %dma_wait3A_42 = tpu.memref_slice %arg14[%dma_wait3A_40, %dma_wait3A_41] : memref<50048x32xf32, #tpu.memory_space<vmem_shared>> -> memref<50048x32xf32, #tpu.memory_space<vmem_shared>>
        tpu.wait_indirect_dma semaphore(%arg17 : memref<!tpu.dma_semaphore, #tpu.memory_space<semaphore_mem>>) src(%arg12 : memref<384x32xf32, #tpu.memory_space<vmem>>) dst(%dma_wait3A_42 : memref<50048x32xf32, #tpu.memory_space<vmem_shared>>)
        %lt3A = arith.constant 65 : i32
        %lt3A_43 = arith.cmpi slt, %scan3A_23, %lt3A : i32
        %convert_element_type3A_44 = arith.extui %lt3A_43 : i1 to i32
        %cond3A_45 = arith.constant 0 : i32
        %cond3A_46 = arith.cmpi ne, %convert_element_type3A_44, %cond3A_45 : i32
        scf.if %cond3A_46 {
          %add3A_56 = arith.constant 2 : i32
          %add3A_57 = arith.addi %mul3A_25, %add3A_56 : i32
          %mul3A_58 = arith.constant 384 : i32
          %mul3A_59 = arith.muli %add3A_57, %mul3A_58 : i32
          %add3A_60 = arith.addi %mul3A_2, %mul3A_59 : i32
          %multiple_of3A_61 = tpu.assume_multiple %add3A_60, 384 : i32
          "tpu.region"() ({
            %run_scoped3A = tpu.sem_alloc : memref<!tpu.dma_semaphore, #tpu.memory_space<semaphore_mem>>
            %dma_start3A_65 = tpu.memref_slice %arg4[%multiple_of3A_61] : memref<811008xi32, #tpu.memory_space<hbm>> -> memref<384xi32, #tpu.memory_space<hbm>>
            %dma_start3A_66 = tpu.memref_slice %arg4[%multiple_of3A_61] : memref<811008xi32, #tpu.memory_space<hbm>> -> memref<384xi32, #tpu.memory_space<hbm>>
            tpu.enqueue_dma source(%dma_start3A_66 : memref<384xi32, #tpu.memory_space<hbm>>) target(%arg8 : memref<384xi32, #tpu.memory_space<vmem>>) target_semaphore(%run_scoped3A : memref<!tpu.dma_semaphore, #tpu.memory_space<semaphore_mem>>)
            %dma_wait3A_67 = tpu.memref_slice %arg4[%multiple_of3A_61] : memref<811008xi32, #tpu.memory_space<hbm>> -> memref<384xi32, #tpu.memory_space<hbm>>
            %dma_wait3A_68 = tpu.memref_slice %arg4[%multiple_of3A_61] : memref<811008xi32, #tpu.memory_space<hbm>> -> memref<384xi32, #tpu.memory_space<hbm>>
            tpu.wait_dma2 semaphore(%run_scoped3A : memref<!tpu.dma_semaphore, #tpu.memory_space<semaphore_mem>>) src(%dma_wait3A_68 : memref<384xi32, #tpu.memory_space<hbm>>) dst(%arg8 : memref<384xi32, #tpu.memory_space<vmem>>)
            tpu.yield
          }) : () -> ()
          "tpu.region"() ({
            %run_scoped3A = tpu.sem_alloc : memref<!tpu.dma_semaphore, #tpu.memory_space<semaphore_mem>>
            %dma_start3A_65 = tpu.memref_slice %arg5[%multiple_of3A_61] : memref<811008xi32, #tpu.memory_space<hbm>> -> memref<384xi32, #tpu.memory_space<hbm>>
            %dma_start3A_66 = tpu.memref_slice %arg5[%multiple_of3A_61] : memref<811008xi32, #tpu.memory_space<hbm>> -> memref<384xi32, #tpu.memory_space<hbm>>
            tpu.enqueue_dma source(%dma_start3A_66 : memref<384xi32, #tpu.memory_space<hbm>>) target(%arg10 : memref<384xi32, #tpu.memory_space<vmem>>) target_semaphore(%run_scoped3A : memref<!tpu.dma_semaphore, #tpu.memory_space<semaphore_mem>>)
            %dma_wait3A_67 = tpu.memref_slice %arg5[%multiple_of3A_61] : memref<811008xi32, #tpu.memory_space<hbm>> -> memref<384xi32, #tpu.memory_space<hbm>>
            %dma_wait3A_68 = tpu.memref_slice %arg5[%multiple_of3A_61] : memref<811008xi32, #tpu.memory_space<hbm>> -> memref<384xi32, #tpu.memory_space<hbm>>
            tpu.wait_dma2 semaphore(%run_scoped3A : memref<!tpu.dma_semaphore, #tpu.memory_space<semaphore_mem>>) src(%dma_wait3A_68 : memref<384xi32, #tpu.memory_space<hbm>>) dst(%arg10 : memref<384xi32, #tpu.memory_space<vmem>>)
            tpu.yield
          }) : () -> ()
          %dma_start3A_62 = arith.constant 0 : i32
          %dma_start3A_63 = arith.constant 0 : i32
          %dma_start3A_64 = tpu.memref_slice %arg3[%dma_start3A_62, %dma_start3A_63] : memref<50000x32xf32, #tpu.memory_space<hbm>> -> memref<50000x32xf32, #tpu.memory_space<hbm>>
          tpu.enqueue_indirect_dma source(%dma_start3A_64 : memref<50000x32xf32, #tpu.memory_space<hbm>>) target(%arg12 : memref<384x32xf32, #tpu.memory_space<vmem>>) offsets(%arg8 : memref<384xi32, #tpu.memory_space<vmem>>) semaphore(%arg15 : memref<!tpu.dma_semaphore, #tpu.memory_space<semaphore_mem>>)
        } else {
        }
        %dma_wait3A_47 = arith.constant 0 : i32
        %dma_wait3A_48 = arith.constant 0 : i32
        %dma_wait3A_49 = tpu.memref_slice %arg3[%dma_wait3A_47, %dma_wait3A_48] : memref<50000x32xf32, #tpu.memory_space<hbm>> -> memref<50000x32xf32, #tpu.memory_space<hbm>>
        tpu.wait_indirect_dma semaphore(%arg16 : memref<!tpu.dma_semaphore, #tpu.memory_space<semaphore_mem>>) src(%dma_wait3A_49 : memref<50000x32xf32, #tpu.memory_space<hbm>>) dst(%arg13 : memref<384x32xf32, #tpu.memory_space<vmem>>)
        %dma_start3A_50 = arith.constant 0 : i32
        %dma_start3A_51 = arith.constant 0 : i32
        %dma_start3A_52 = tpu.memref_slice %arg14[%dma_start3A_50, %dma_start3A_51] : memref<50048x32xf32, #tpu.memory_space<vmem_shared>> -> memref<50048x32xf32, #tpu.memory_space<vmem_shared>>
        tpu.enqueue_indirect_dma source(%arg13 : memref<384x32xf32, #tpu.memory_space<vmem>>) target(%dma_start3A_52 : memref<50048x32xf32, #tpu.memory_space<vmem_shared>>) offsets(%arg11 : memref<384xi32, #tpu.memory_space<vmem>>) semaphore(%arg18 : memref<!tpu.dma_semaphore, #tpu.memory_space<semaphore_mem>>) {add = true}
        %dma_wait3A_53 = arith.constant 0 : i32
        %dma_wait3A_54 = arith.constant 0 : i32
        %dma_wait3A_55 = tpu.memref_slice %arg14[%dma_wait3A_53, %dma_wait3A_54] : memref<50048x32xf32, #tpu.memory_space<vmem_shared>> -> memref<50048x32xf32, #tpu.memory_space<vmem_shared>>
        tpu.wait_indirect_dma semaphore(%arg18 : memref<!tpu.dma_semaphore, #tpu.memory_space<semaphore_mem>>) src(%arg13 : memref<384x32xf32, #tpu.memory_space<vmem>>) dst(%dma_wait3A_55 : memref<50048x32xf32, #tpu.memory_space<vmem_shared>>)
      }
      %scan3A_22 = arith.constant 66 : i32
    } else {
    }
    %barrier3A_10 = arith.constant 0 : index
    tpu.barrier barrier_id(%barrier3A_10)
    %mul3A_11 = arith.constant 3128 : i32
    %mul3A_12 = arith.muli %arg1, %mul3A_11 : i32
    %mul3A_13 = arith.constant 3128 : i32
    %mul3A_14 = arith.muli %arg1, %mul3A_13 : i32
    "tpu.region"() ({
      %run_scoped3A = tpu.sem_alloc : memref<!tpu.dma_semaphore, #tpu.memory_space<semaphore_mem>>
      %dma_start3A = arith.constant 0 : i32
      %dma_start3A_15 = tpu.memref_slice %arg7[%arg0, %mul3A_14, %dma_start3A] : memref<2x50048x32xf32, #tpu.memory_space<hbm>> -> memref<1x3128x32xf32, #tpu.memory_space<hbm>>
      %dma_start3A_16 = tpu.memref_squeeze %dma_start3A_15 : memref<1x3128x32xf32, #tpu.memory_space<hbm>> -> memref<3128x32xf32, #tpu.memory_space<hbm>>
      %dma_start3A_17 = arith.constant 0 : i32
      %dma_start3A_18 = tpu.memref_slice %arg14[%mul3A_12, %dma_start3A_17] : memref<50048x32xf32, #tpu.memory_space<vmem_shared>> -> memref<3128x32xf32, #tpu.memory_space<vmem_shared>>
      tpu.enqueue_dma source(%dma_start3A_18 : memref<3128x32xf32, #tpu.memory_space<vmem_shared>>) target(%dma_start3A_16 : memref<3128x32xf32, #tpu.memory_space<hbm>>) target_semaphore(%run_scoped3A : memref<!tpu.dma_semaphore, #tpu.memory_space<semaphore_mem>>)
      %dma_wait3A = arith.constant 0 : i32
      %dma_wait3A_19 = tpu.memref_slice %arg7[%arg0, %mul3A_14, %dma_wait3A] : memref<2x50048x32xf32, #tpu.memory_space<hbm>> -> memref<1x3128x32xf32, #tpu.memory_space<hbm>>
      %dma_wait3A_20 = tpu.memref_squeeze %dma_wait3A_19 : memref<1x3128x32xf32, #tpu.memory_space<hbm>> -> memref<3128x32xf32, #tpu.memory_space<hbm>>
      %dma_wait3A_21 = arith.constant 0 : i32
      %dma_wait3A_22 = tpu.memref_slice %arg14[%mul3A_12, %dma_wait3A_21] : memref<50048x32xf32, #tpu.memory_space<vmem_shared>> -> memref<3128x32xf32, #tpu.memory_space<vmem_shared>>
      tpu.wait_dma2 semaphore(%run_scoped3A : memref<!tpu.dma_semaphore, #tpu.memory_space<semaphore_mem>>) src(%dma_wait3A_22 : memref<3128x32xf32, #tpu.memory_space<vmem_shared>>) dst(%dma_wait3A_20 : memref<3128x32xf32, #tpu.memory_space<hbm>>)
      tpu.yield
    }) : () -> ()
    return
  }
}

module attributes {stable_mosaic.version = 14 : i64} {
  func.func @_upd_body(%arg0: i32, %arg1: memref<2000x32xf32, #tpu.memory_space<vmem>>, %arg2: memref<2000x32xf32, #tpu.memory_space<vmem>>, %arg3: memref<2000x16xf32, #tpu.memory_space<vmem>>, %arg4: memref<2x2000x32xf32, #tpu.memory_space<vmem>>, %arg5: memref<2x2000x16xf32, #tpu.memory_space<vmem>>, %arg6: memref<2x2000x8xf32, #tpu.memory_space<vmem>>, %arg7: memref<32x70xf32, #tpu.memory_space<vmem>>, %arg8: memref<32x70xf32, #tpu.memory_space<vmem>>, %arg9: memref<16x70xf32, #tpu.memory_space<vmem>>, %arg10: memref<32x70xf32, #tpu.memory_space<vmem>>, %arg11: memref<32x70xf32, #tpu.memory_space<vmem>>, %arg12: memref<16x70xf32, #tpu.memory_space<vmem>>, %arg13: memref<8x70xf32, #tpu.memory_space<vmem>>, %arg14: memref<1x70xf32, #tpu.memory_space<vmem>>, %arg15: memref<2000x32xf32, #tpu.memory_space<vmem>>, %arg16: memref<2000x32xf32, #tpu.memory_space<vmem>>, %arg17: memref<2000x16xf32, #tpu.memory_space<vmem>>) attributes {dimension_semantics = [#tpu.dimension_semantics<arbitrary>], iteration_bounds = array<i64: 25>, scalar_prefetch = 0 : i64, scratch_operands = 0 : i64, tpu.core_type = #tpu.core_type<tc>, window_params = [{transform_indices = @transform_0, window_bounds = array<i64: 2000, 32>}, {transform_indices = @transform_1, window_bounds = array<i64: 2000, 32>}, {transform_indices = @transform_2, window_bounds = array<i64: 2000, 16>}, {transform_indices = @transform_3, window_bounds = array<i64: 2, 2000, 32>}, {transform_indices = @transform_4, window_bounds = array<i64: 2, 2000, 16>}, {transform_indices = @transform_5, window_bounds = array<i64: 2, 2000, 8>}, {pipeline_mode = #tpu.pipeline_mode<synchronous>, transform_indices = @transform_6, window_bounds = array<i64: 32, 70>}, {pipeline_mode = #tpu.pipeline_mode<synchronous>, transform_indices = @transform_7, window_bounds = array<i64: 32, 70>}, {pipeline_mode = #tpu.pipeline_mode<synchronous>, transform_indices = @transform_8, window_bounds = array<i64: 16, 70>}, {pipeline_mode = #tpu.pipeline_mode<synchronous>, transform_indices = @transform_9, window_bounds = array<i64: 32, 70>}, {pipeline_mode = #tpu.pipeline_mode<synchronous>, transform_indices = @transform_10, window_bounds = array<i64: 32, 70>}, {pipeline_mode = #tpu.pipeline_mode<synchronous>, transform_indices = @transform_11, window_bounds = array<i64: 16, 70>}, {pipeline_mode = #tpu.pipeline_mode<synchronous>, transform_indices = @transform_12, window_bounds = array<i64: 8, 70>}, {pipeline_mode = #tpu.pipeline_mode<synchronous>, transform_indices = @transform_13, window_bounds = array<i64: 1, 70>}, {transform_indices = @transform_14, window_bounds = array<i64: 2000, 32>}, {transform_indices = @transform_15, window_bounds = array<i64: 2000, 32>}, {transform_indices = @transform_16, window_bounds = array<i64: 2000, 16>}]} {
    %get3A = arith.constant 0 : index
    %get3A_0 = arith.constant 0 : index
    %get3A_1 = arith.constant 0 : index
    %get3A_2 = vector.load %arg4[%get3A, %get3A_0, %get3A_1] : memref<2x2000x32xf32, #tpu.memory_space<vmem>>, vector<2x2000x32xf32>
    %get3A_3 = arith.constant 0 : index
    %get3A_4 = arith.constant 0 : index
    %get3A_5 = vector.load %arg1[%get3A_3, %get3A_4] : memref<2000x32xf32, #tpu.memory_space<vmem>>, vector<2000x32xf32>
    %get3A_6 = arith.constant 0 : index
    %get3A_7 = arith.constant 0 : index
    %get3A_8 = vector.load %arg7[%get3A_6, %get3A_7] : memref<32x70xf32, #tpu.memory_space<vmem>>, vector<32x70xf32>
    %dot_general3A = arith.constant dense<0.000000e+00> : vector<2000x70xf32>
    %dot_general3A_9 = tpu.matmul %get3A_5, %get3A_8, %dot_general3A {dimension_numbers = #tpu.dot_dimension_numbers<[1], [0], [0], [1], [0, 0, 1, 1], [], []>, precision = #tpu.contract_precision<fp32>, transpose_lhs_hint = false} : vector<2000x32xf32>, vector<32x70xf32>, vector<2000x70xf32> -> vector<2000x70xf32>
    %get3A_10 = arith.constant 0 : index
    %get3A_11 = arith.constant 0 : index
    %get3A_12 = vector.load %arg2[%get3A_10, %get3A_11] : memref<2000x32xf32, #tpu.memory_space<vmem>>, vector<2000x32xf32>
    %get3A_13 = arith.constant 0 : index
    %get3A_14 = arith.constant 0 : index
    %get3A_15 = vector.load %arg8[%get3A_13, %get3A_14] : memref<32x70xf32, #tpu.memory_space<vmem>>, vector<32x70xf32>
    %dot_general3A_16 = arith.constant dense<0.000000e+00> : vector<2000x70xf32>
    %dot_general3A_17 = tpu.matmul %get3A_12, %get3A_15, %dot_general3A_16 {dimension_numbers = #tpu.dot_dimension_numbers<[1], [0], [0], [1], [0, 0, 1, 1], [], []>, precision = #tpu.contract_precision<fp32>, transpose_lhs_hint = false} : vector<2000x32xf32>, vector<32x70xf32>, vector<2000x70xf32> -> vector<2000x70xf32>
    %add3A = arith.addf %dot_general3A_9, %dot_general3A_17 : vector<2000x70xf32>
    %get3A_18 = arith.constant 0 : index
    %get3A_19 = arith.constant 0 : index
    %get3A_20 = vector.load %arg3[%get3A_18, %get3A_19] : memref<2000x16xf32, #tpu.memory_space<vmem>>, vector<2000x16xf32>
    %get3A_21 = arith.constant 0 : index
    %get3A_22 = arith.constant 0 : index
    %get3A_23 = vector.load %arg9[%get3A_21, %get3A_22] : memref<16x70xf32, #tpu.memory_space<vmem>>, vector<16x70xf32>
    %dot_general3A_24 = arith.constant dense<0.000000e+00> : vector<2000x70xf32>
    %dot_general3A_25 = tpu.matmul %get3A_20, %get3A_23, %dot_general3A_24 {dimension_numbers = #tpu.dot_dimension_numbers<[1], [0], [0], [1], [0, 0, 1, 1], [], []>, precision = #tpu.contract_precision<fp32>, transpose_lhs_hint = false} : vector<2000x16xf32>, vector<16x70xf32>, vector<2000x70xf32> -> vector<2000x70xf32>
    %add3A_26 = arith.addf %add3A, %dot_general3A_25 : vector<2000x70xf32>
    %slice3A = vector.extract_strided_slice %get3A_2 {offsets = [0, 0, 0], sizes = [1, 2000, 32], strides = [1, 1, 1]} : vector<2x2000x32xf32> to vector<1x2000x32xf32>
    %squeeze3A = vector.shape_cast %slice3A : vector<1x2000x32xf32> to vector<2000x32xf32>
    %get3A_27 = arith.constant 0 : index
    %get3A_28 = arith.constant 0 : index
    %get3A_29 = vector.load %arg10[%get3A_27, %get3A_28] : memref<32x70xf32, #tpu.memory_space<vmem>>, vector<32x70xf32>
    %dot_general3A_30 = arith.constant dense<0.000000e+00> : vector<2000x70xf32>
    %dot_general3A_31 = tpu.matmul %squeeze3A, %get3A_29, %dot_general3A_30 {dimension_numbers = #tpu.dot_dimension_numbers<[1], [0], [0], [1], [0, 0, 1, 1], [], []>, precision = #tpu.contract_precision<fp32>, transpose_lhs_hint = false} : vector<2000x32xf32>, vector<32x70xf32>, vector<2000x70xf32> -> vector<2000x70xf32>
    %slice3A_32 = vector.extract_strided_slice %get3A_2 {offsets = [1, 0, 0], sizes = [1, 2000, 32], strides = [1, 1, 1]} : vector<2x2000x32xf32> to vector<1x2000x32xf32>
    %squeeze3A_33 = vector.shape_cast %slice3A_32 : vector<1x2000x32xf32> to vector<2000x32xf32>
    %get3A_34 = arith.constant 0 : index
    %get3A_35 = arith.constant 0 : index
    %get3A_36 = vector.load %arg11[%get3A_34, %get3A_35] : memref<32x70xf32, #tpu.memory_space<vmem>>, vector<32x70xf32>
    %dot_general3A_37 = arith.constant dense<0.000000e+00> : vector<2000x70xf32>
    %dot_general3A_38 = tpu.matmul %squeeze3A_33, %get3A_36, %dot_general3A_37 {dimension_numbers = #tpu.dot_dimension_numbers<[1], [0], [0], [1], [0, 0, 1, 1], [], []>, precision = #tpu.contract_precision<fp32>, transpose_lhs_hint = false} : vector<2000x32xf32>, vector<32x70xf32>, vector<2000x70xf32> -> vector<2000x70xf32>
    %add3A_39 = arith.addf %dot_general3A_31, %dot_general3A_38 : vector<2000x70xf32>
    %add3A_40 = arith.addf %add3A_26, %add3A_39 : vector<2000x70xf32>
    %get3A_41 = arith.constant 0 : index
    %get3A_42 = arith.constant 0 : index
    %get3A_43 = arith.constant 0 : index
    %get3A_44 = vector.load %arg5[%get3A_41, %get3A_42, %get3A_43] : memref<2x2000x16xf32, #tpu.memory_space<vmem>>, vector<2x2000x16xf32>
    %slice3A_45 = vector.extract_strided_slice %get3A_44 {offsets = [0, 0, 0], sizes = [1, 2000, 16], strides = [1, 1, 1]} : vector<2x2000x16xf32> to vector<1x2000x16xf32>
    %squeeze3A_46 = vector.shape_cast %slice3A_45 : vector<1x2000x16xf32> to vector<2000x16xf32>
    %get3A_47 = arith.constant 0 : index
    %get3A_48 = arith.constant 0 : index
    %get3A_49 = arith.constant 0 : index
    %get3A_50 = vector.load %arg5[%get3A_47, %get3A_48, %get3A_49] : memref<2x2000x16xf32, #tpu.memory_space<vmem>>, vector<2x2000x16xf32>
    %slice3A_51 = vector.extract_strided_slice %get3A_50 {offsets = [1, 0, 0], sizes = [1, 2000, 16], strides = [1, 1, 1]} : vector<2x2000x16xf32> to vector<1x2000x16xf32>
    %squeeze3A_52 = vector.shape_cast %slice3A_51 : vector<1x2000x16xf32> to vector<2000x16xf32>
    %add3A_53 = arith.addf %squeeze3A_46, %squeeze3A_52 : vector<2000x16xf32>
    %get3A_54 = arith.constant 0 : index
    %get3A_55 = arith.constant 0 : index
    %get3A_56 = vector.load %arg12[%get3A_54, %get3A_55] : memref<16x70xf32, #tpu.memory_space<vmem>>, vector<16x70xf32>
    %dot_general3A_57 = arith.constant dense<0.000000e+00> : vector<2000x70xf32>
    %dot_general3A_58 = tpu.matmul %add3A_53, %get3A_56, %dot_general3A_57 {dimension_numbers = #tpu.dot_dimension_numbers<[1], [0], [0], [1], [0, 0, 1, 1], [], []>, precision = #tpu.contract_precision<fp32>, transpose_lhs_hint = false} : vector<2000x16xf32>, vector<16x70xf32>, vector<2000x70xf32> -> vector<2000x70xf32>
    %add3A_59 = arith.addf %add3A_40, %dot_general3A_58 : vector<2000x70xf32>
    %get3A_60 = arith.constant 0 : index
    %get3A_61 = arith.constant 0 : index
    %get3A_62 = arith.constant 0 : index
    %get3A_63 = vector.load %arg6[%get3A_60, %get3A_61, %get3A_62] : memref<2x2000x8xf32, #tpu.memory_space<vmem>>, vector<2x2000x8xf32>
    %slice3A_64 = vector.extract_strided_slice %get3A_63 {offsets = [0, 0, 0], sizes = [1, 2000, 8], strides = [1, 1, 1]} : vector<2x2000x8xf32> to vector<1x2000x8xf32>
    %squeeze3A_65 = vector.shape_cast %slice3A_64 : vector<1x2000x8xf32> to vector<2000x8xf32>
    %get3A_66 = arith.constant 0 : index
    %get3A_67 = arith.constant 0 : index
    %get3A_68 = arith.constant 0 : index
    %get3A_69 = vector.load %arg6[%get3A_66, %get3A_67, %get3A_68] : memref<2x2000x8xf32, #tpu.memory_space<vmem>>, vector<2x2000x8xf32>
    %slice3A_70 = vector.extract_strided_slice %get3A_69 {offsets = [1, 0, 0], sizes = [1, 2000, 8], strides = [1, 1, 1]} : vector<2x2000x8xf32> to vector<1x2000x8xf32>
    %squeeze3A_71 = vector.shape_cast %slice3A_70 : vector<1x2000x8xf32> to vector<2000x8xf32>
    %add3A_72 = arith.addf %squeeze3A_65, %squeeze3A_71 : vector<2000x8xf32>
    %get3A_73 = arith.constant 0 : index
    %get3A_74 = arith.constant 0 : index
    %get3A_75 = vector.load %arg13[%get3A_73, %get3A_74] : memref<8x70xf32, #tpu.memory_space<vmem>>, vector<8x70xf32>
    %dot_general3A_76 = arith.constant dense<0.000000e+00> : vector<2000x70xf32>
    %dot_general3A_77 = tpu.matmul %add3A_72, %get3A_75, %dot_general3A_76 {dimension_numbers = #tpu.dot_dimension_numbers<[1], [0], [0], [1], [0, 0, 1, 1], [], []>, precision = #tpu.contract_precision<fp32>, transpose_lhs_hint = false} : vector<2000x8xf32>, vector<8x70xf32>, vector<2000x70xf32> -> vector<2000x70xf32>
    %add3A_78 = arith.addf %add3A_59, %dot_general3A_77 : vector<2000x70xf32>
    %get3A_79 = arith.constant 0 : index
    %get3A_80 = arith.constant 0 : index
    %get3A_81 = vector.load %arg14[%get3A_79, %get3A_80] : memref<1x70xf32, #tpu.memory_space<vmem>>, vector<1x70xf32>
    %add3A_82 = vector.broadcast %get3A_81 : vector<1x70xf32> to vector<2000x70xf32>
    %add3A_83 = arith.addf %add3A_78, %add3A_82 : vector<2000x70xf32>
    %max3A = arith.constant 0.000000e+00 : f32
    %max3A_84 = vector.broadcast %max3A : f32 to vector<2000x70xf32>
    %max3A_85 = arith.maximumf %add3A_83, %max3A_84 : vector<2000x70xf32>
    %slice3A_86 = vector.extract_strided_slice %max3A_85 {offsets = [0, 0], sizes = [2000, 32], strides = [1, 1]} : vector<2000x70xf32> to vector<2000x32xf32>
    %swap3A = arith.constant 0 : index
    %swap3A_87 = arith.constant 0 : index
    %swap3A_88 = vector.load %arg15[%swap3A, %swap3A_87] : memref<2000x32xf32, #tpu.memory_space<vmem>>, vector<2000x32xf32>
    tpu.vector_store %arg15[%swap3A, %swap3A_87], %slice3A_86 {strides = array<i32>} : memref<2000x32xf32, #tpu.memory_space<vmem>>, vector<2000x32xf32>,
    %slice3A_89 = vector.extract_strided_slice %max3A_85 {offsets = [0, 32], sizes = [2000, 32], strides = [1, 1]} : vector<2000x70xf32> to vector<2000x32xf32>
    %swap3A_90 = arith.constant 0 : index
    %swap3A_91 = arith.constant 0 : index
    %swap3A_92 = vector.load %arg16[%swap3A_90, %swap3A_91] : memref<2000x32xf32, #tpu.memory_space<vmem>>, vector<2000x32xf32>
    tpu.vector_store %arg16[%swap3A_90, %swap3A_91], %slice3A_89 {strides = array<i32>} : memref<2000x32xf32, #tpu.memory_space<vmem>>, vector<2000x32xf32>,
    %slice3A_93 = vector.extract_strided_slice %max3A_85 {offsets = [0, 64], sizes = [2000, 6], strides = [1, 1]} : vector<2000x70xf32> to vector<2000x6xf32>
    %broadcast_in_dim3A = arith.constant 0.000000e+00 : f32
    %broadcast_in_dim3A_94 = vector.broadcast %broadcast_in_dim3A : f32 to vector<2000x10xf32>
    %concatenate3A = tpu.concatenate %slice3A_93, %broadcast_in_dim3A_94 in 1 : vector<2000x6xf32>, vector<2000x10xf32> -> vector<2000x16xf32>
    %swap3A_95 = arith.constant 0 : index
    %swap3A_96 = arith.constant 0 : index
    %swap3A_97 = vector.load %arg17[%swap3A_95, %swap3A_96] : memref<2000x16xf32, #tpu.memory_space<vmem>>, vector<2000x16xf32>
    tpu.vector_store %arg17[%swap3A_95, %swap3A_96], %concatenate3A {strides = array<i32>} : memref<2000x16xf32, #tpu.memory_space<vmem>>, vector<2000x16xf32>,
    return
  }
  func.func @transform_0(%arg0: i32) -> (i32, i32) {
    %c0_i32 = arith.constant 0 : i32
    %c0_i32_0 = arith.constant 0 : i32
    return %arg0, %c0_i32 : i32, i32
  }
  func.func @transform_1(%arg0: i32) -> (i32, i32) {
    %c0_i32 = arith.constant 0 : i32
    %c0_i32_0 = arith.constant 0 : i32
    return %arg0, %c0_i32 : i32, i32
  }
  func.func @transform_2(%arg0: i32) -> (i32, i32) {
    %c0_i32 = arith.constant 0 : i32
    %c0_i32_0 = arith.constant 0 : i32
    return %arg0, %c0_i32 : i32, i32
  }
  func.func @transform_3(%arg0: i32) -> (i32, i32, i32) {
    %c0_i32 = arith.constant 0 : i32
    %c0_i32_0 = arith.constant 0 : i32
    %c0_i32_1 = arith.constant 0 : i32
    return %c0_i32, %arg0, %c0_i32_0 : i32, i32, i32
  }
  func.func @transform_4(%arg0: i32) -> (i32, i32, i32) {
    %c0_i32 = arith.constant 0 : i32
    %c0_i32_0 = arith.constant 0 : i32
    %c0_i32_1 = arith.constant 0 : i32
    return %c0_i32, %arg0, %c0_i32_0 : i32, i32, i32
  }
  func.func @transform_5(%arg0: i32) -> (i32, i32, i32) {
    %c0_i32 = arith.constant 0 : i32
    %c0_i32_0 = arith.constant 0 : i32
    %c0_i32_1 = arith.constant 0 : i32
    return %c0_i32, %arg0, %c0_i32_0 : i32, i32, i32
  }
  func.func @transform_6(%arg0: i32) -> (i32, i32) {
    %c0_i32 = arith.constant 0 : i32
    %c0_i32_0 = arith.constant 0 : i32
    %c0_i32_1 = arith.constant 0 : i32
    return %c0_i32, %c0_i32_0 : i32, i32
  }
  func.func @transform_7(%arg0: i32) -> (i32, i32) {
    %c0_i32 = arith.constant 0 : i32
    %c0_i32_0 = arith.constant 0 : i32
    %c0_i32_1 = arith.constant 0 : i32
    return %c0_i32, %c0_i32_0 : i32, i32
  }
  func.func @transform_8(%arg0: i32) -> (i32, i32) {
    %c0_i32 = arith.constant 0 : i32
    %c0_i32_0 = arith.constant 0 : i32
    %c0_i32_1 = arith.constant 0 : i32
    return %c0_i32, %c0_i32_0 : i32, i32
  }
  func.func @transform_9(%arg0: i32) -> (i32, i32) {
    %c0_i32 = arith.constant 0 : i32
    %c0_i32_0 = arith.constant 0 : i32
    %c0_i32_1 = arith.constant 0 : i32
    return %c0_i32, %c0_i32_0 : i32, i32
  }
  func.func @transform_10(%arg0: i32) -> (i32, i32) {
    %c0_i32 = arith.constant 0 : i32
    %c0_i32_0 = arith.constant 0 : i32
    %c0_i32_1 = arith.constant 0 : i32
    return %c0_i32, %c0_i32_0 : i32, i32
  }
  func.func @transform_11(%arg0: i32) -> (i32, i32) {
    %c0_i32 = arith.constant 0 : i32
    %c0_i32_0 = arith.constant 0 : i32
    %c0_i32_1 = arith.constant 0 : i32
    return %c0_i32, %c0_i32_0 : i32, i32
  }
  func.func @transform_12(%arg0: i32) -> (i32, i32) {
    %c0_i32 = arith.constant 0 : i32
    %c0_i32_0 = arith.constant 0 : i32
    %c0_i32_1 = arith.constant 0 : i32
    return %c0_i32, %c0_i32_0 : i32, i32
  }
  func.func @transform_13(%arg0: i32) -> (i32, i32) {
    %c0_i32 = arith.constant 0 : i32
    %c0_i32_0 = arith.constant 0 : i32
    %c0_i32_1 = arith.constant 0 : i32
    return %c0_i32, %c0_i32_0 : i32, i32
  }
  func.func @transform_14(%arg0: i32) -> (i32, i32) {
    %c0_i32 = arith.constant 0 : i32
    %c0_i32_0 = arith.constant 0 : i32
    return %arg0, %c0_i32 : i32, i32
  }
  func.func @transform_15(%arg0: i32) -> (i32, i32) {
    %c0_i32 = arith.constant 0 : i32
    %c0_i32_0 = arith.constant 0 : i32
    return %arg0, %c0_i32 : i32, i32
  }
  func.func @transform_16(%arg0: i32) -> (i32, i32) {
    %c0_i32 = arith.constant 0 : i32
    %c0_i32_0 = arith.constant 0 : i32
    return %arg0, %c0_i32 : i32, i32
  }
}

module attributes {stable_mosaic.version = 14 : i64} {
  func.func @_final_body(%arg0: i32, %arg1: memref<2000x32xf32, #tpu.memory_space<vmem>>, %arg2: memref<2000x32xf32, #tpu.memory_space<vmem>>, %arg3: memref<2000x16xf32, #tpu.memory_space<vmem>>, %arg4: memref<2x2000x32xf32, #tpu.memory_space<vmem>>, %arg5: memref<2x2000x16xf32, #tpu.memory_space<vmem>>, %arg6: memref<2x2000x8xf32, #tpu.memory_space<vmem>>, %arg7: memref<2000x70xf32, #tpu.memory_space<vmem>>, %arg8: memref<32x70xf32, #tpu.memory_space<vmem>>, %arg9: memref<32x70xf32, #tpu.memory_space<vmem>>, %arg10: memref<16x70xf32, #tpu.memory_space<vmem>>, %arg11: memref<32x70xf32, #tpu.memory_space<vmem>>, %arg12: memref<32x70xf32, #tpu.memory_space<vmem>>, %arg13: memref<16x70xf32, #tpu.memory_space<vmem>>, %arg14: memref<8x70xf32, #tpu.memory_space<vmem>>, %arg15: memref<1x70xf32, #tpu.memory_space<vmem>>, %arg16: memref<70x128xf32, #tpu.memory_space<vmem>>, %arg17: memref<70x128xf32, #tpu.memory_space<vmem>>, %arg18: memref<1x128xf32, #tpu.memory_space<vmem>>, %arg19: memref<128x128xf32, #tpu.memory_space<vmem>>, %arg20: memref<1x128xf32, #tpu.memory_space<vmem>>, %arg21: memref<128x100xf32, #tpu.memory_space<vmem>>, %arg22: memref<1x100xf32, #tpu.memory_space<vmem>>, %arg23: memref<100x100xf32, #tpu.memory_space<vmem>>, %arg24: memref<1x100xf32, #tpu.memory_space<vmem>>, %arg25: memref<100x1xf32, #tpu.memory_space<vmem>>, %arg26: memref<1x1xf32, #tpu.memory_space<vmem>>, %arg27: memref<1x1xf32, #tpu.memory_space<vmem>>, %arg28: memref<1x128xf32, #tpu.memory_space<vmem>>) attributes {dimension_semantics = [#tpu.dimension_semantics<arbitrary>], iteration_bounds = array<i64: 25>, scalar_prefetch = 0 : i64, scratch_operands = 1 : i64, tpu.core_type = #tpu.core_type<tc>, window_params = [{transform_indices = @transform_0, window_bounds = array<i64: 2000, 32>}, {transform_indices = @transform_1, window_bounds = array<i64: 2000, 32>}, {transform_indices = @transform_2, window_bounds = array<i64: 2000, 16>}, {transform_indices = @transform_3, window_bounds = array<i64: 2, 2000, 32>}, {transform_indices = @transform_4, window_bounds = array<i64: 2, 2000, 16>}, {transform_indices = @transform_5, window_bounds = array<i64: 2, 2000, 8>}, {transform_indices = @transform_6, window_bounds = array<i64: 2000, 70>}, {pipeline_mode = #tpu.pipeline_mode<synchronous>, transform_indices = @transform_7, window_bounds = array<i64: 32, 70>}, {pipeline_mode = #tpu.pipeline_mode<synchronous>, transform_indices = @transform_8, window_bounds = array<i64: 32, 70>}, {pipeline_mode = #tpu.pipeline_mode<synchronous>, transform_indices = @transform_9, window_bounds = array<i64: 16, 70>}, {pipeline_mode = #tpu.pipeline_mode<synchronous>, transform_indices = @transform_10, window_bounds = array<i64: 32, 70>}, {pipeline_mode = #tpu.pipeline_mode<synchronous>, transform_indices = @transform_11, window_bounds = array<i64: 32, 70>}, {pipeline_mode = #tpu.pipeline_mode<synchronous>, transform_indices = @transform_12, window_bounds = array<i64: 16, 70>}, {pipeline_mode = #tpu.pipeline_mode<synchronous>, transform_indices = @transform_13, window_bounds = array<i64: 8, 70>}, {pipeline_mode = #tpu.pipeline_mode<synchronous>, transform_indices = @transform_14, window_bounds = array<i64: 1, 70>}, {pipeline_mode = #tpu.pipeline_mode<synchronous>, transform_indices = @transform_15, window_bounds = array<i64: 70, 128>}, {pipeline_mode = #tpu.pipeline_mode<synchronous>, transform_indices = @transform_16, window_bounds = array<i64: 70, 128>}, {pipeline_mode = #tpu.pipeline_mode<synchronous>, transform_indices = @transform_17, window_bounds = array<i64: 1, 128>}, {pipeline_mode = #tpu.pipeline_mode<synchronous>, transform_indices = @transform_18, window_bounds = array<i64: 128, 128>}, {pipeline_mode = #tpu.pipeline_mode<synchronous>, transform_indices = @transform_19, window_bounds = array<i64: 1, 128>}, {pipeline_mode = #tpu.pipeline_mode<synchronous>, transform_indices = @transform_20, window_bounds = array<i64: 128, 100>}, {pipeline_mode = #tpu.pipeline_mode<synchronous>, transform_indices = @transform_21, window_bounds = array<i64: 1, 100>}, {pipeline_mode = #tpu.pipeline_mode<synchronous>, transform_indices = @transform_22, window_bounds = array<i64: 100, 100>}, {pipeline_mode = #tpu.pipeline_mode<synchronous>, transform_indices = @transform_23, window_bounds = array<i64: 1, 100>}, {pipeline_mode = #tpu.pipeline_mode<synchronous>, transform_indices = @transform_24, window_bounds = array<i64: 100, 1>}, {pipeline_mode = #tpu.pipeline_mode<synchronous>, transform_indices = @transform_25, window_bounds = array<i64: 1, 1>}, {pipeline_mode = #tpu.pipeline_mode<synchronous>, transform_indices = @transform_26, window_bounds = array<i64: 1, 1>}]} {
    %eq3A = arith.constant 0 : i32
    %eq3A_0 = arith.cmpi eq, %arg0, %eq3A : i32
    %convert_element_type3A = arith.extui %eq3A_0 : i1 to i32
    %cond3A = arith.constant 0 : i32
    %cond3A_1 = arith.cmpi ne, %convert_element_type3A, %cond3A : i32
    scf.if %cond3A_1 {
      %broadcast_in_dim3A_122 = arith.constant 0.000000e+00 : f32
      %broadcast_in_dim3A_123 = vector.broadcast %broadcast_in_dim3A_122 : f32 to vector<1x128xf32>
      %swap3A_124 = arith.constant 0 : index
      %swap3A_125 = arith.constant 0 : index
      %swap3A_126 = vector.load %arg28[%swap3A_124, %swap3A_125] : memref<1x128xf32, #tpu.memory_space<vmem>>, vector<1x128xf32>
      tpu.vector_store %arg28[%swap3A_124, %swap3A_125], %broadcast_in_dim3A_123 {strides = array<i32>} : memref<1x128xf32, #tpu.memory_space<vmem>>, vector<1x128xf32>,
    } else {
    }
    %get3A = arith.constant 0 : index
    %get3A_2 = arith.constant 0 : index
    %get3A_3 = arith.constant 0 : index
    %get3A_4 = vector.load %arg4[%get3A, %get3A_2, %get3A_3] : memref<2x2000x32xf32, #tpu.memory_space<vmem>>, vector<2x2000x32xf32>
    %get3A_5 = arith.constant 0 : index
    %get3A_6 = arith.constant 0 : index
    %get3A_7 = vector.load %arg1[%get3A_5, %get3A_6] : memref<2000x32xf32, #tpu.memory_space<vmem>>, vector<2000x32xf32>
    %get3A_8 = arith.constant 0 : index
    %get3A_9 = arith.constant 0 : index
    %get3A_10 = vector.load %arg8[%get3A_8, %get3A_9] : memref<32x70xf32, #tpu.memory_space<vmem>>, vector<32x70xf32>
    %dot_general3A = arith.constant dense<0.000000e+00> : vector<2000x70xf32>
    %dot_general3A_11 = tpu.matmul %get3A_7, %get3A_10, %dot_general3A {dimension_numbers = #tpu.dot_dimension_numbers<[1], [0], [0], [1], [0, 0, 1, 1], [], []>, precision = #tpu.contract_precision<fp32>, transpose_lhs_hint = false} : vector<2000x32xf32>, vector<32x70xf32>, vector<2000x70xf32> -> vector<2000x70xf32>
    %get3A_12 = arith.constant 0 : index
    %get3A_13 = arith.constant 0 : index
    %get3A_14 = vector.load %arg2[%get3A_12, %get3A_13] : memref<2000x32xf32, #tpu.memory_space<vmem>>, vector<2000x32xf32>
    %get3A_15 = arith.constant 0 : index
    %get3A_16 = arith.constant 0 : index
    %get3A_17 = vector.load %arg9[%get3A_15, %get3A_16] : memref<32x70xf32, #tpu.memory_space<vmem>>, vector<32x70xf32>
    %dot_general3A_18 = arith.constant dense<0.000000e+00> : vector<2000x70xf32>
    %dot_general3A_19 = tpu.matmul %get3A_14, %get3A_17, %dot_general3A_18 {dimension_numbers = #tpu.dot_dimension_numbers<[1], [0], [0], [1], [0, 0, 1, 1], [], []>, precision = #tpu.contract_precision<fp32>, transpose_lhs_hint = false} : vector<2000x32xf32>, vector<32x70xf32>, vector<2000x70xf32> -> vector<2000x70xf32>
    %add3A = arith.addf %dot_general3A_11, %dot_general3A_19 : vector<2000x70xf32>
    %get3A_20 = arith.constant 0 : index
    %get3A_21 = arith.constant 0 : index
    %get3A_22 = vector.load %arg3[%get3A_20, %get3A_21] : memref<2000x16xf32, #tpu.memory_space<vmem>>, vector<2000x16xf32>
    %get3A_23 = arith.constant 0 : index
    %get3A_24 = arith.constant 0 : index
    %get3A_25 = vector.load %arg10[%get3A_23, %get3A_24] : memref<16x70xf32, #tpu.memory_space<vmem>>, vector<16x70xf32>
    %dot_general3A_26 = arith.constant dense<0.000000e+00> : vector<2000x70xf32>
    %dot_general3A_27 = tpu.matmul %get3A_22, %get3A_25, %dot_general3A_26 {dimension_numbers = #tpu.dot_dimension_numbers<[1], [0], [0], [1], [0, 0, 1, 1], [], []>, precision = #tpu.contract_precision<fp32>, transpose_lhs_hint = false} : vector<2000x16xf32>, vector<16x70xf32>, vector<2000x70xf32> -> vector<2000x70xf32>
    %add3A_28 = arith.addf %add3A, %dot_general3A_27 : vector<2000x70xf32>
    %slice3A = vector.extract_strided_slice %get3A_4 {offsets = [0, 0, 0], sizes = [1, 2000, 32], strides = [1, 1, 1]} : vector<2x2000x32xf32> to vector<1x2000x32xf32>
    %squeeze3A = vector.shape_cast %slice3A : vector<1x2000x32xf32> to vector<2000x32xf32>
    %get3A_29 = arith.constant 0 : index
    %get3A_30 = arith.constant 0 : index
    %get3A_31 = vector.load %arg11[%get3A_29, %get3A_30] : memref<32x70xf32, #tpu.memory_space<vmem>>, vector<32x70xf32>
    %dot_general3A_32 = arith.constant dense<0.000000e+00> : vector<2000x70xf32>
    %dot_general3A_33 = tpu.matmul %squeeze3A, %get3A_31, %dot_general3A_32 {dimension_numbers = #tpu.dot_dimension_numbers<[1], [0], [0], [1], [0, 0, 1, 1], [], []>, precision = #tpu.contract_precision<fp32>, transpose_lhs_hint = false} : vector<2000x32xf32>, vector<32x70xf32>, vector<2000x70xf32> -> vector<2000x70xf32>
    %slice3A_34 = vector.extract_strided_slice %get3A_4 {offsets = [1, 0, 0], sizes = [1, 2000, 32], strides = [1, 1, 1]} : vector<2x2000x32xf32> to vector<1x2000x32xf32>
    %squeeze3A_35 = vector.shape_cast %slice3A_34 : vector<1x2000x32xf32> to vector<2000x32xf32>
    %get3A_36 = arith.constant 0 : index
    %get3A_37 = arith.constant 0 : index
    %get3A_38 = vector.load %arg12[%get3A_36, %get3A_37] : memref<32x70xf32, #tpu.memory_space<vmem>>, vector<32x70xf32>
    %dot_general3A_39 = arith.constant dense<0.000000e+00> : vector<2000x70xf32>
    %dot_general3A_40 = tpu.matmul %squeeze3A_35, %get3A_38, %dot_general3A_39 {dimension_numbers = #tpu.dot_dimension_numbers<[1], [0], [0], [1], [0, 0, 1, 1], [], []>, precision = #tpu.contract_precision<fp32>, transpose_lhs_hint = false} : vector<2000x32xf32>, vector<32x70xf32>, vector<2000x70xf32> -> vector<2000x70xf32>
    %add3A_41 = arith.addf %dot_general3A_33, %dot_general3A_40 : vector<2000x70xf32>
    %add3A_42 = arith.addf %add3A_28, %add3A_41 : vector<2000x70xf32>
    %get3A_43 = arith.constant 0 : index
    %get3A_44 = arith.constant 0 : index
    %get3A_45 = arith.constant 0 : index
    %get3A_46 = vector.load %arg5[%get3A_43, %get3A_44, %get3A_45] : memref<2x2000x16xf32, #tpu.memory_space<vmem>>, vector<2x2000x16xf32>
    %slice3A_47 = vector.extract_strided_slice %get3A_46 {offsets = [0, 0, 0], sizes = [1, 2000, 16], strides = [1, 1, 1]} : vector<2x2000x16xf32> to vector<1x2000x16xf32>
    %squeeze3A_48 = vector.shape_cast %slice3A_47 : vector<1x2000x16xf32> to vector<2000x16xf32>
    %get3A_49 = arith.constant 0 : index
    %get3A_50 = arith.constant 0 : index
    %get3A_51 = arith.constant 0 : index
    %get3A_52 = vector.load %arg5[%get3A_49, %get3A_50, %get3A_51] : memref<2x2000x16xf32, #tpu.memory_space<vmem>>, vector<2x2000x16xf32>
    %slice3A_53 = vector.extract_strided_slice %get3A_52 {offsets = [1, 0, 0], sizes = [1, 2000, 16], strides = [1, 1, 1]} : vector<2x2000x16xf32> to vector<1x2000x16xf32>
    %squeeze3A_54 = vector.shape_cast %slice3A_53 : vector<1x2000x16xf32> to vector<2000x16xf32>
    %add3A_55 = arith.addf %squeeze3A_48, %squeeze3A_54 : vector<2000x16xf32>
    %get3A_56 = arith.constant 0 : index
    %get3A_57 = arith.constant 0 : index
    %get3A_58 = vector.load %arg13[%get3A_56, %get3A_57] : memref<16x70xf32, #tpu.memory_space<vmem>>, vector<16x70xf32>
    %dot_general3A_59 = arith.constant dense<0.000000e+00> : vector<2000x70xf32>
    %dot_general3A_60 = tpu.matmul %add3A_55, %get3A_58, %dot_general3A_59 {dimension_numbers = #tpu.dot_dimension_numbers<[1], [0], [0], [1], [0, 0, 1, 1], [], []>, precision = #tpu.contract_precision<fp32>, transpose_lhs_hint = false} : vector<2000x16xf32>, vector<16x70xf32>, vector<2000x70xf32> -> vector<2000x70xf32>
    %add3A_61 = arith.addf %add3A_42, %dot_general3A_60 : vector<2000x70xf32>
    %get3A_62 = arith.constant 0 : index
    %get3A_63 = arith.constant 0 : index
    %get3A_64 = arith.constant 0 : index
    %get3A_65 = vector.load %arg6[%get3A_62, %get3A_63, %get3A_64] : memref<2x2000x8xf32, #tpu.memory_space<vmem>>, vector<2x2000x8xf32>
    %slice3A_66 = vector.extract_strided_slice %get3A_65 {offsets = [0, 0, 0], sizes = [1, 2000, 8], strides = [1, 1, 1]} : vector<2x2000x8xf32> to vector<1x2000x8xf32>
    %squeeze3A_67 = vector.shape_cast %slice3A_66 : vector<1x2000x8xf32> to vector<2000x8xf32>
    %get3A_68 = arith.constant 0 : index
    %get3A_69 = arith.constant 0 : index
    %get3A_70 = arith.constant 0 : index
    %get3A_71 = vector.load %arg6[%get3A_68, %get3A_69, %get3A_70] : memref<2x2000x8xf32, #tpu.memory_space<vmem>>, vector<2x2000x8xf32>
    %slice3A_72 = vector.extract_strided_slice %get3A_71 {offsets = [1, 0, 0], sizes = [1, 2000, 8], strides = [1, 1, 1]} : vector<2x2000x8xf32> to vector<1x2000x8xf32>
    %squeeze3A_73 = vector.shape_cast %slice3A_72 : vector<1x2000x8xf32> to vector<2000x8xf32>
    %add3A_74 = arith.addf %squeeze3A_67, %squeeze3A_73 : vector<2000x8xf32>
    %get3A_75 = arith.constant 0 : index
    %get3A_76 = arith.constant 0 : index
    %get3A_77 = vector.load %arg14[%get3A_75, %get3A_76] : memref<8x70xf32, #tpu.memory_space<vmem>>, vector<8x70xf32>
    %dot_general3A_78 = arith.constant dense<0.000000e+00> : vector<2000x70xf32>
    %dot_general3A_79 = tpu.matmul %add3A_74, %get3A_77, %dot_general3A_78 {dimension_numbers = #tpu.dot_dimension_numbers<[1], [0], [0], [1], [0, 0, 1, 1], [], []>, precision = #tpu.contract_precision<fp32>, transpose_lhs_hint = false} : vector<2000x8xf32>, vector<8x70xf32>, vector<2000x70xf32> -> vector<2000x70xf32>
    %add3A_80 = arith.addf %add3A_61, %dot_general3A_79 : vector<2000x70xf32>
    %get3A_81 = arith.constant 0 : index
    %get3A_82 = arith.constant 0 : index
    %get3A_83 = vector.load %arg15[%get3A_81, %get3A_82] : memref<1x70xf32, #tpu.memory_space<vmem>>, vector<1x70xf32>
    %add3A_84 = vector.broadcast %get3A_83 : vector<1x70xf32> to vector<2000x70xf32>
    %add3A_85 = arith.addf %add3A_80, %add3A_84 : vector<2000x70xf32>
    %max3A = arith.constant 0.000000e+00 : f32
    %max3A_86 = vector.broadcast %max3A : f32 to vector<2000x70xf32>
    %max3A_87 = arith.maximumf %add3A_85, %max3A_86 : vector<2000x70xf32>
    %get3A_88 = arith.constant 0 : index
    %get3A_89 = arith.constant 0 : index
    %get3A_90 = vector.load %arg16[%get3A_88, %get3A_89] : memref<70x128xf32, #tpu.memory_space<vmem>>, vector<70x128xf32>
    %dot_general3A_91 = arith.constant dense<0.000000e+00> : vector<2000x128xf32>
    %dot_general3A_92 = tpu.matmul %max3A_87, %get3A_90, %dot_general3A_91 {dimension_numbers = #tpu.dot_dimension_numbers<[1], [0], [0], [1], [0, 0, 1, 1], [], []>, precision = #tpu.contract_precision<fp32>, transpose_lhs_hint = false} : vector<2000x70xf32>, vector<70x128xf32>, vector<2000x128xf32> -> vector<2000x128xf32>
    %get3A_93 = arith.constant 0 : index
    %get3A_94 = arith.constant 0 : index
    %get3A_95 = vector.load %arg7[%get3A_93, %get3A_94] : memref<2000x70xf32, #tpu.memory_space<vmem>>, vector<2000x70xf32>
    %get3A_96 = arith.constant 0 : index
    %get3A_97 = arith.constant 0 : index
    %get3A_98 = vector.load %arg17[%get3A_96, %get3A_97] : memref<70x128xf32, #tpu.memory_space<vmem>>, vector<70x128xf32>
    %dot_general3A_99 = arith.constant dense<0.000000e+00> : vector<2000x128xf32>
    %dot_general3A_100 = tpu.matmul %get3A_95, %get3A_98, %dot_general3A_99 {dimension_numbers = #tpu.dot_dimension_numbers<[1], [0], [0], [1], [0, 0, 1, 1], [], []>, precision = #tpu.contract_precision<fp32>, transpose_lhs_hint = false} : vector<2000x70xf32>, vector<70x128xf32>, vector<2000x128xf32> -> vector<2000x128xf32>
    %add3A_101 = arith.addf %dot_general3A_92, %dot_general3A_100 : vector<2000x128xf32>
    %get3A_102 = arith.constant 0 : index
    %get3A_103 = arith.constant 0 : index
    %get3A_104 = vector.load %arg18[%get3A_102, %get3A_103] : memref<1x128xf32, #tpu.memory_space<vmem>>, vector<1x128xf32>
    %add3A_105 = vector.broadcast %get3A_104 : vector<1x128xf32> to vector<2000x128xf32>
    %add3A_106 = arith.addf %add3A_101, %add3A_105 : vector<2000x128xf32>
    %max3A_107 = arith.constant 0.000000e+00 : f32
    %max3A_108 = vector.broadcast %max3A_107 : f32 to vector<2000x128xf32>
    %max3A_109 = arith.maximumf %add3A_106, %max3A_108 : vector<2000x128xf32>
    %get3A_110 = arith.constant 0 : index
    %get3A_111 = arith.constant 0 : index
    %get3A_112 = vector.load %arg28[%get3A_110, %get3A_111] : memref<1x128xf32, #tpu.memory_space<vmem>>, vector<1x128xf32>
    %reduce_sum3A = arith.constant dense<0.000000e+00> : vector<128xf32>
    %reduce_sum3A_113 = vector.multi_reduction <add>, %max3A_109, %reduce_sum3A [0] : vector<2000x128xf32> to vector<128xf32>
    %broadcast_in_dim3A = vector.shape_cast %reduce_sum3A_113 : vector<128xf32> to vector<1x128xf32>
    %add3A_114 = arith.addf %get3A_112, %broadcast_in_dim3A : vector<1x128xf32>
    %swap3A = arith.constant 0 : index
    %swap3A_115 = arith.constant 0 : index
    %swap3A_116 = vector.load %arg28[%swap3A, %swap3A_115] : memref<1x128xf32, #tpu.memory_space<vmem>>, vector<1x128xf32>
    tpu.vector_store %arg28[%swap3A, %swap3A_115], %add3A_114 {strides = array<i32>} : memref<1x128xf32, #tpu.memory_space<vmem>>, vector<1x128xf32>,
    %eq3A_117 = arith.constant 24 : i32
    %eq3A_118 = arith.cmpi eq, %arg0, %eq3A_117 : i32
    %convert_element_type3A_119 = arith.extui %eq3A_118 : i1 to i32
    %cond3A_120 = arith.constant 0 : i32
    %cond3A_121 = arith.cmpi ne, %convert_element_type3A_119, %cond3A_120 : i32
    scf.if %cond3A_121 {
      %get3A_122 = arith.constant 0 : index
      %get3A_123 = arith.constant 0 : index
      %get3A_124 = vector.load %arg28[%get3A_122, %get3A_123] : memref<1x128xf32, #tpu.memory_space<vmem>>, vector<1x128xf32>
      %get3A_125 = arith.constant 0 : index
      %get3A_126 = arith.constant 0 : index
      %get3A_127 = vector.load %arg19[%get3A_125, %get3A_126] : memref<128x128xf32, #tpu.memory_space<vmem>>, vector<128x128xf32>
      %dot_general3A_128 = arith.constant dense<0.000000e+00> : vector<1x128xf32>
      %dot_general3A_129 = tpu.matmul %get3A_124, %get3A_127, %dot_general3A_128 {dimension_numbers = #tpu.dot_dimension_numbers<[1], [0], [0], [1], [0, 0, 1, 1], [], []>, precision = #tpu.contract_precision<fp32>, transpose_lhs_hint = false} : vector<1x128xf32>, vector<128x128xf32>, vector<1x128xf32> -> vector<1x128xf32>
      %get3A_130 = arith.constant 0 : index
      %get3A_131 = arith.constant 0 : index
      %get3A_132 = vector.load %arg20[%get3A_130, %get3A_131] : memref<1x128xf32, #tpu.memory_space<vmem>>, vector<1x128xf32>
      %add3A_133 = arith.addf %dot_general3A_129, %get3A_132 : vector<1x128xf32>
      %max3A_134 = arith.constant 0.000000e+00 : f32
      %max3A_135 = vector.broadcast %max3A_134 : f32 to vector<1x128xf32>
      %max3A_136 = arith.maximumf %add3A_133, %max3A_135 : vector<1x128xf32>
      %get3A_137 = arith.constant 0 : index
      %get3A_138 = arith.constant 0 : index
      %get3A_139 = vector.load %arg21[%get3A_137, %get3A_138] : memref<128x100xf32, #tpu.memory_space<vmem>>, vector<128x100xf32>
      %dot_general3A_140 = arith.constant dense<0.000000e+00> : vector<1x100xf32>
      %dot_general3A_141 = tpu.matmul %max3A_136, %get3A_139, %dot_general3A_140 {dimension_numbers = #tpu.dot_dimension_numbers<[1], [0], [0], [1], [0, 0, 1, 1], [], []>, precision = #tpu.contract_precision<fp32>, transpose_lhs_hint = false} : vector<1x128xf32>, vector<128x100xf32>, vector<1x100xf32> -> vector<1x100xf32>
      %get3A_142 = arith.constant 0 : index
      %get3A_143 = arith.constant 0 : index
      %get3A_144 = vector.load %arg22[%get3A_142, %get3A_143] : memref<1x100xf32, #tpu.memory_space<vmem>>, vector<1x100xf32>
      %add3A_145 = arith.addf %dot_general3A_141, %get3A_144 : vector<1x100xf32>
      %get3A_146 = arith.constant 0 : index
      %get3A_147 = arith.constant 0 : index
      %get3A_148 = vector.load %arg23[%get3A_146, %get3A_147] : memref<100x100xf32, #tpu.memory_space<vmem>>, vector<100x100xf32>
      %dot_general3A_149 = arith.constant dense<0.000000e+00> : vector<1x100xf32>
      %dot_general3A_150 = tpu.matmul %add3A_145, %get3A_148, %dot_general3A_149 {dimension_numbers = #tpu.dot_dimension_numbers<[1], [0], [0], [1], [0, 0, 1, 1], [], []>, precision = #tpu.contract_precision<fp32>, transpose_lhs_hint = false} : vector<1x100xf32>, vector<100x100xf32>, vector<1x100xf32> -> vector<1x100xf32>
      %get3A_151 = arith.constant 0 : index
      %get3A_152 = arith.constant 0 : index
      %get3A_153 = vector.load %arg24[%get3A_151, %get3A_152] : memref<1x100xf32, #tpu.memory_space<vmem>>, vector<1x100xf32>
      %add3A_154 = arith.addf %dot_general3A_150, %get3A_153 : vector<1x100xf32>
      %max3A_155 = arith.constant 0.000000e+00 : f32
      %max3A_156 = vector.broadcast %max3A_155 : f32 to vector<1x100xf32>
      %max3A_157 = arith.maximumf %add3A_154, %max3A_156 : vector<1x100xf32>
      %get3A_158 = arith.constant 0 : index
      %get3A_159 = arith.constant 0 : index
      %get3A_160 = vector.load %arg25[%get3A_158, %get3A_159] : memref<100x1xf32, #tpu.memory_space<vmem>>, vector<100x1xf32>
      %dot_general3A_161 = arith.constant dense<0.000000e+00> : vector<1x1xf32>
      %dot_general3A_162 = tpu.matmul %max3A_157, %get3A_160, %dot_general3A_161 {dimension_numbers = #tpu.dot_dimension_numbers<[1], [0], [0], [1], [0, 0, 1, 1], [], []>, precision = #tpu.contract_precision<fp32>, transpose_lhs_hint = false} : vector<1x100xf32>, vector<100x1xf32>, vector<1x1xf32> -> vector<1x1xf32>
      %get3A_163 = arith.constant 0 : index
      %get3A_164 = arith.constant 0 : index
      %get3A_165 = vector.load %arg26[%get3A_163, %get3A_164] : memref<1x1xf32, #tpu.memory_space<vmem>>, vector<1x1xf32>
      %add3A_166 = arith.addf %dot_general3A_162, %get3A_165 : vector<1x1xf32>
      %swap3A_167 = arith.constant 0 : index
      %swap3A_168 = arith.constant 0 : index
      %swap3A_169 = vector.load %arg27[%swap3A_167, %swap3A_168] : memref<1x1xf32, #tpu.memory_space<vmem>>, vector<1x1xf32>
      tpu.vector_store %arg27[%swap3A_167, %swap3A_168], %add3A_166 {strides = array<i32>} : memref<1x1xf32, #tpu.memory_space<vmem>>, vector<1x1xf32>,
    } else {
    }
    return
  }
  func.func @transform_0(%arg0: i32) -> (i32, i32) {
    %c0_i32 = arith.constant 0 : i32
    %c0_i32_0 = arith.constant 0 : i32
    return %arg0, %c0_i32 : i32, i32
  }
  func.func @transform_1(%arg0: i32) -> (i32, i32) {
    %c0_i32 = arith.constant 0 : i32
    %c0_i32_0 = arith.constant 0 : i32
    return %arg0, %c0_i32 : i32, i32
  }
  func.func @transform_2(%arg0: i32) -> (i32, i32) {
    %c0_i32 = arith.constant 0 : i32
    %c0_i32_0 = arith.constant 0 : i32
    return %arg0, %c0_i32 : i32, i32
  }
  func.func @transform_3(%arg0: i32) -> (i32, i32, i32) {
    %c0_i32 = arith.constant 0 : i32
    %c0_i32_0 = arith.constant 0 : i32
    %c0_i32_1 = arith.constant 0 : i32
    return %c0_i32, %arg0, %c0_i32_0 : i32, i32, i32
  }
  func.func @transform_4(%arg0: i32) -> (i32, i32, i32) {
    %c0_i32 = arith.constant 0 : i32
    %c0_i32_0 = arith.constant 0 : i32
    %c0_i32_1 = arith.constant 0 : i32
    return %c0_i32, %arg0, %c0_i32_0 : i32, i32, i32
  }
  func.func @transform_5(%arg0: i32) -> (i32, i32, i32) {
    %c0_i32 = arith.constant 0 : i32
    %c0_i32_0 = arith.constant 0 : i32
    %c0_i32_1 = arith.constant 0 : i32
    return %c0_i32, %arg0, %c0_i32_0 : i32, i32, i32
  }
  func.func @transform_6(%arg0: i32) -> (i32, i32) {
    %c0_i32 = arith.constant 0 : i32
    %c0_i32_0 = arith.constant 0 : i32
    return %arg0, %c0_i32 : i32, i32
  }
  func.func @transform_7(%arg0: i32) -> (i32, i32) {
    %c0_i32 = arith.constant 0 : i32
    %c0_i32_0 = arith.constant 0 : i32
    %c0_i32_1 = arith.constant 0 : i32
    return %c0_i32, %c0_i32_0 : i32, i32
  }
  func.func @transform_8(%arg0: i32) -> (i32, i32) {
    %c0_i32 = arith.constant 0 : i32
    %c0_i32_0 = arith.constant 0 : i32
    %c0_i32_1 = arith.constant 0 : i32
    return %c0_i32, %c0_i32_0 : i32, i32
  }
  func.func @transform_9(%arg0: i32) -> (i32, i32) {
    %c0_i32 = arith.constant 0 : i32
    %c0_i32_0 = arith.constant 0 : i32
    %c0_i32_1 = arith.constant 0 : i32
    return %c0_i32, %c0_i32_0 : i32, i32
  }
  func.func @transform_10(%arg0: i32) -> (i32, i32) {
    %c0_i32 = arith.constant 0 : i32
    %c0_i32_0 = arith.constant 0 : i32
    %c0_i32_1 = arith.constant 0 : i32
    return %c0_i32, %c0_i32_0 : i32, i32
  }
  func.func @transform_11(%arg0: i32) -> (i32, i32) {
    %c0_i32 = arith.constant 0 : i32
    %c0_i32_0 = arith.constant 0 : i32
    %c0_i32_1 = arith.constant 0 : i32
    return %c0_i32, %c0_i32_0 : i32, i32
  }
  func.func @transform_12(%arg0: i32) -> (i32, i32) {
    %c0_i32 = arith.constant 0 : i32
    %c0_i32_0 = arith.constant 0 : i32
    %c0_i32_1 = arith.constant 0 : i32
    return %c0_i32, %c0_i32_0 : i32, i32
  }
  func.func @transform_13(%arg0: i32) -> (i32, i32) {
    %c0_i32 = arith.constant 0 : i32
    %c0_i32_0 = arith.constant 0 : i32
    %c0_i32_1 = arith.constant 0 : i32
    return %c0_i32, %c0_i32_0 : i32, i32
  }
  func.func @transform_14(%arg0: i32) -> (i32, i32) {
    %c0_i32 = arith.constant 0 : i32
    %c0_i32_0 = arith.constant 0 : i32
    %c0_i32_1 = arith.constant 0 : i32
    return %c0_i32, %c0_i32_0 : i32, i32
  }
  func.func @transform_15(%arg0: i32) -> (i32, i32) {
    %c0_i32 = arith.constant 0 : i32
    %c0_i32_0 = arith.constant 0 : i32
    %c0_i32_1 = arith.constant 0 : i32
    return %c0_i32, %c0_i32_0 : i32, i32
  }
  func.func @transform_16(%arg0: i32) -> (i32, i32) {
    %c0_i32 = arith.constant 0 : i32
    %c0_i32_0 = arith.constant 0 : i32
    %c0_i32_1 = arith.constant 0 : i32
    return %c0_i32, %c0_i32_0 : i32, i32
  }
  func.func @transform_17(%arg0: i32) -> (i32, i32) {
    %c0_i32 = arith.constant 0 : i32
    %c0_i32_0 = arith.constant 0 : i32
    %c0_i32_1 = arith.constant 0 : i32
    return %c0_i32, %c0_i32_0 : i32, i32
  }
  func.func @transform_18(%arg0: i32) -> (i32, i32) {
    %c0_i32 = arith.constant 0 : i32
    %c0_i32_0 = arith.constant 0 : i32
    %c0_i32_1 = arith.constant 0 : i32
    return %c0_i32, %c0_i32_0 : i32, i32
  }
  func.func @transform_19(%arg0: i32) -> (i32, i32) {
    %c0_i32 = arith.constant 0 : i32
    %c0_i32_0 = arith.constant 0 : i32
    %c0_i32_1 = arith.constant 0 : i32
    return %c0_i32, %c0_i32_0 : i32, i32
  }
  func.func @transform_20(%arg0: i32) -> (i32, i32) {
    %c0_i32 = arith.constant 0 : i32
    %c0_i32_0 = arith.constant 0 : i32
    %c0_i32_1 = arith.constant 0 : i32
    return %c0_i32, %c0_i32_0 : i32, i32
  }
  func.func @transform_21(%arg0: i32) -> (i32, i32) {
    %c0_i32 = arith.constant 0 : i32
    %c0_i32_0 = arith.constant 0 : i32
    %c0_i32_1 = arith.constant 0 : i32
    return %c0_i32, %c0_i32_0 : i32, i32
  }
  func.func @transform_22(%arg0: i32) -> (i32, i32) {
    %c0_i32 = arith.constant 0 : i32
    %c0_i32_0 = arith.constant 0 : i32
    %c0_i32_1 = arith.constant 0 : i32
    return %c0_i32, %c0_i32_0 : i32, i32
  }
  func.func @transform_23(%arg0: i32) -> (i32, i32) {
    %c0_i32 = arith.constant 0 : i32
    %c0_i32_0 = arith.constant 0 : i32
    %c0_i32_1 = arith.constant 0 : i32
    return %c0_i32, %c0_i32_0 : i32, i32
  }
  func.func @transform_24(%arg0: i32) -> (i32, i32) {
    %c0_i32 = arith.constant 0 : i32
    %c0_i32_0 = arith.constant 0 : i32
    %c0_i32_1 = arith.constant 0 : i32
    return %c0_i32, %c0_i32_0 : i32, i32
  }
  func.func @transform_25(%arg0: i32) -> (i32, i32) {
    %c0_i32 = arith.constant 0 : i32
    %c0_i32_0 = arith.constant 0 : i32
    %c0_i32_1 = arith.constant 0 : i32
    return %c0_i32, %c0_i32_0 : i32, i32
  }
  func.func @transform_26(%arg0: i32) -> (i32, i32) {
    %c0_i32 = arith.constant 0 : i32
    %c0_i32_0 = arith.constant 0 : i32
    %c0_i32_1 = arith.constant 0 : i32
    return %c0_i32, %c0_i32_0 : i32, i32
  }
}

</mosaic_0001>

<sc_bundles>
// kernel: kernel.12.cloned.1.call-start
scs
__scs_entry_jumppad:
0x0: {  	(pc) =	sbr.rel $0x88, $3  }
0x1: {  	(tag) =	ssettag $0x0;
	lr =	simm.s32 $0x1  }
0x2: {  	[smem:$0x3F8E] =	sst lr;
	_ =	strace $0xD0000000  }
0x3: {  	_ = 	snop  }
0x4: {  	_ = 	snop  }
0x5: {  	_ = 	snop  }
0x6: {  	_ = 	snop  }
0x7: {  	_ = 	snop  }
__scs_overlays_trampoline_lowered:
0x8: {  	[smem:$0x3F9D] =	sst s0  }
0x9: {  	[smem:$0x3F9E] =	sst s1  }
0xa: {  	[smem:$0x3F9F] =	sst s2  }
0xb: {  	[smem:$0x3FA0] =	sst s3  }
0xc: {  	[smem:$0x3FA1] =	sst s4  }
0xd: {  	[smem:$0x3FA2] =	sst s5  }
0xe: {  	[smem:$0x3FA3] =	sst s6  }
0xf: {  	[smem:$0x3FA4] =	sst s7  }
0x10: {  	[smem:$0x3FA5] =	sst s8  }
0x11: {  	[smem:$0x3FA6] =	sst s9;
	s0 =	simm.s32 @!p0 $0x0  }
0x12: {  	s1 =	sld [smem:$0x3F8C];
	s0 =	simm.s32 @p0 $0x1  }
0x13: {  	[smem:$0x3FA7] =	sst s0;
	s0 =	simm.s32 @!p1 $0x0  }
0x14: {  	s2 =	sld [smem:$0x3F8B];
	s0 =	simm.s32 @p1 $0x1  }
0x15: {  	[smem:$0x3FA8] =	sst s0;
	s0 =	simm.s32 @!p2 $0x0  }
0x16: {  	s3 =	sld [smem:$0x3FDB];
	s0 =	simm.s32 @p2 $0x1  }
0x17: {  	s4 =	simm.s32 $0x1BF5;
	[smem:$0x3FAA] =	sst s0  }
0x18: {  	s0 =	sld [smem:$0x3F8D];
	_ =	swait.ge [sflag:s4], $0x0  }
0x19: {  	s7 =	sld [smem:$0x3F8E]  }
0x1a: {  	s8 =	sadd.s32 $0xFFFFE003, lr  }
0x1b: {  	s9 =	sadd.s32 $0xFFFFFEF7, lr;
	s5 =	simm.s32 $0xFFFFFFFF;
	p2 =	slt.u32 s8, $0xFFFFF086  }
0x1c: {  	p1 =	slt.u32 s9, $0xF7A;
	s5 =	simm.s32 @!p2 $0x0  }
0x1d: {  	s5 =	simm.s32 @p1 $0x1;
	p0 =	seq.s32 s7, s2  }
0x1e: {  	s7 =	smul.u32 @!p0 $0xF7A, s2;
	p2 =	seq.s32 @!p0 s5, $0x0  }
0x1f: {  	s9 =	smul.u32 $0xF7A, s1;
	s8 =	simm.s32 @!p0 $0x1BF5;
	p2 =	por !p2, p0  }
0x20: {  	[sflag:s8] =	ssyncset.s32 @!p0 $0xFFFFF086;
	s6 =	sadd.s32 @!p0 s3, s7;
	s7 =	simm.s32 @!p0 $0x108  }
0x21: {  	s3 =	sadd.s32 s3, s9;
	s6 =	sadd.s32 @!p0 $0x88, s6;
	s7 =	simm.s32 @p2 $0x1082  }
0x22: {  	[simem:s7], [sflag:s8] =	dma.local @!p0 [hbm:s6], $0xF7A  }
0x23: {  	s9 =	sor.u32 $0xD0000000, s2;
	s6 =	simm.s32 $0x108;
	_ =	swait.ge @!p0 [sflag:s8], $0x0  }
0x24: {  	s3 =	sadd.s32 $0x88, s3;
	s6 =	simm.s32 @!p1 $0x1082;
	[sflag:s4] =	ssyncset.s32 $0xFFFFF086  }
0x25: {  	[simem:s6], [sflag:s4] =	dma.local [hbm:s3], $0xF7A  }
0x26: {  	[smem:$0x3F8E] =	sst s1;
	(tag) =	ssettag s2;
	_ =	strace s9  }
0x27: {  	s1 =	sld [smem:$0x3F9E]  }
0x28: {  	s2 =	sld [smem:$0x3F9F]  }
0x29: {  	s4 =	sld [smem:$0x3FA1]  }
0x2a: {  	p0 =	seq.s32 s5, $0x0;
	s5 =	sld [smem:$0x3FA2]  }
0x2b: {  	s6 =	sld [smem:$0x3FA3]  }
0x2c: {  	s7 =	sld [smem:$0x3FA4]  }
0x2d: {  	s3 =	simm.s32 $0x108;
	s8 =	sld [smem:$0x3FA5]  }
0x2e: {  	s3 =	simm.s32 @!p0 $0x1082;
	s9 =	sld [smem:$0x3FA6]  }
0x2f: {  	lr =	sadd.s32 s0, s3;
	s0 =	sld [smem:$0x3F9D]  }
0x30: {  	s3 =	sld [smem:$0x3FA0]  }
0x31: {  	[smem:$0x3FA9] =	sst s10  }
0x32: {  	s10 =	sld [smem:$0x3FA7];
	_ =	sdelay $0x3  }
0x33: {  	p0 =	seq.s32 s10, $0x1;
	s10 =	sld [smem:$0x3FA9];
	_ =	sdelay $0x3  }
0x34: {  	[smem:$0x3FA9] =	sst s10  }
0x35: {  	s10 =	sld [smem:$0x3FA8];
	_ =	sdelay $0x3  }
0x36: {  	p1 =	seq.s32 s10, $0x1;
	s10 =	sld [smem:$0x3FA9];
	_ =	sdelay $0x3  }
0x37: {  	[smem:$0x3FA9] =	sst s10  }
0x38: {  	s10 =	sld [smem:$0x3FAA]  }
0x39: {  	_ = 	snop;
	(pc) =	sbr.ind lr, $3  }
0x3a: {  	_ = 	snop  }
0x3b: {  	_ = 	snop  }
0x3c: {  	p2 =	seq.s32 s10, $0x1;
	s10 =	sld [smem:$0x3FA9]  }
0x3d: {  	_ =	shalt  }
0x3e: {  	_ =	shalt  }
0x3f: {  	_ =	shalt  }
0x40: {  	_ =	shalt  }
0x41: {  	_ =	shalt  }
0x42: {  	_ =	shalt  }
0x43: {  	_ =	shalt  }
0x44: {  	_ =	shalt  }
0x45: {  	_ =	shalt  }
0x46: {  	_ =	shalt  }
0x47: {  	_ =	shalt  }
0x48: {  	_ =	shalt  }
0x49: {  	_ =	shalt  }
0x4a: {  	_ =	shalt  }
0x4b: {  	_ =	shalt  }
0x4c: {  	_ =	shalt  }
0x4d: {  	_ =	shalt  }
0x4e: {  	_ =	shalt  }
0x4f: {  	_ =	shalt  }
0x50: {  	_ =	shalt  }
0x51: {  	_ =	shalt  }
0x52: {  	_ =	shalt  }
0x53: {  	_ =	shalt  }
0x54: {  	_ =	shalt  }
0x55: {  	_ =	shalt  }
0x56: {  	_ =	shalt  }
0x57: {  	_ =	shalt  }
0x58: {  	_ =	shalt  }
0x59: {  	_ =	shalt  }
0x5a: {  	_ =	shalt  }
0x5b: {  	_ =	shalt  }
0x5c: {  	_ =	shalt  }
0x5d: {  	_ =	shalt  }
0x5e: {  	_ =	shalt  }
0x5f: {  	_ =	shalt  }
0x60: {  	_ =	shalt  }
0x61: {  	_ =	shalt  }
0x62: {  	_ =	shalt  }
0x63: {  	_ =	shalt  }
0x64: {  	_ =	shalt  }
0x65: {  	_ =	shalt  }
0x66: {  	_ =	shalt  }
0x67: {  	_ =	shalt  }
0x68: {  	_ =	shalt  }
0x69: {  	_ =	shalt  }
0x6a: {  	_ =	shalt  }
0x6b: {  	_ =	shalt  }
0x6c: {  	_ =	shalt  }
0x6d: {  	_ =	shalt  }
0x6e: {  	_ =	shalt  }
0x6f: {  	_ =	shalt  }
0x70: {  	_ =	shalt  }
0x71: {  	_ =	shalt  }
0x72: {  	_ =	shalt  }
0x73: {  	_ =	shalt  }
0x74: {  	_ =	shalt  }
0x75: {  	_ =	shalt  }
0x76: {  	_ =	shalt  }
0x77: {  	_ =	shalt  }
0x78: {  	_ =	shalt  }
0x79: {  	_ =	shalt  }
0x7a: {  	_ =	shalt  }
0x7b: {  	_ =	shalt  }
0x7c: {  	_ =	shalt  }
0x7d: {  	_ =	shalt  }
0x7e: {  	_ =	shalt  }
0x7f: {  	_ =	shalt  }
0x80: {  	_ =	shalt  }
0x81: {  	_ =	shalt  }
0x82: {  	_ =	shalt  }
0x83: {  	_ =	shalt  }
0x84: {  	_ =	shalt  }
0x85: {  	_ =	shalt  }
0x86: {  	_ =	shalt  }
0x87: {  	_ =	shalt  }
.Lfunc_end0:
.L_simem_size_0:
called_computation_lowered:
.L_overlay_start_0:
0x88: {  	s2 =	sld [smem:$0x3FD9]  }
0x89: {  	s3 =	sld [smem:$0x3FFE];
	_ =	sdelay $0x1  }
0x8a: {  	s1 =	srdreg.scid  }
0x8b: {  	s0 =	sand.u32 $0x1, s1  }
0x8c: {  	s17 =	sshll.u32 s0, $0xA;
	s2 =	sadd.s32 s3, s2  }
0x8d: {  	s2 =	sadd.s32 s2, s17  }
0x8e: {  	[smem:$0x3FB5] =	sst s2  }
0x8f: {  	_ = 	snop  }
0x90: {  	(tm) =	ssettm $0x1  }
0x91: {  	s18 =	sld [smem:$0x3FFB];
	_ =	sdelay $0x3  }
0x92: {  	_ =	strace s18  }
0x93: {  	s2 =	sld [smem:$0x3FFC];
	_ =	sdelay $0x3  }
0x94: {  	_ =	strace s2  }
0x95: {  	s2 =	sld [smem:$0x3FFD];
	_ =	sdelay $0x3  }
0x96: {  	_ =	strace s2  }
0x97: {  	_ =	strace $0x8FFFFFFF  }
0x98: {  	s19 =	sld [smem:$0x3FDB];
	_ =	sdelay $0x1  }
0x99: {  	s20 =	simm.s32 $_scs_section_size  }
0x9a: {  	s4 =	simm.s32 $_size__tile_overlayer_lowered;
	s5 =	simm.s32 $_tile_overlayer_lowered  }
0x9b: {  	s6 =	simm.s32 $0x1BFF;
	s21 =	sshll.u32 s5, $0x1;
	s3 =	sadd.s32 s20, s19  }
0x9c: {  	s22 =	simm.s32 $0x0;
	s4 =	sshll.u32 s4, $0x1;
	s5 =	sadd.s32 s21, s3  }
0x9d: {  	[timem:s22], [sflag:s6] =	dma.local [hbm:s5], s4  }
0x9e: {  	_ =	swait.ge [sflag:s6], s4  }
0x9f: {  	s4 =	ssub.s32 $0x0, s4;
	[sflag:s6] =	ssyncset.done $0x0  }
0xa0: {  	[sflag:s6] =	ssyncadd.s32 s4;
	_ =	sdelay $0x1  }
0xa1: {  	s23 =	simm.s32 $0x1B8B  }
0xa2: {  	_ =	swait.ge [sflag:s23], $0x1  }
0xa3: {  	[sflag:s23] =	ssyncset.done $0x0  }
0xa4: {  	[sflag:s23] =	ssyncadd.s32 $0xFFFFFFFF  }
0xa5: {  	s4 =	sld [smem:$0x0]  }
0xa6: {  	s5 =	sand.u32 $0xFFFFFFFE, s1  }
0xa7: {  	p0 =	sne.s32 s1, s5  }
0xa8: {  	s5 =	sshll.u32 @p0 s5, $0xE  }
0xa9: {  	s5 =	sadd.s32 @p0 $0x11B8D, s5;
	s6 =	sshll.u32 @p0 s4, $0x11  }
0xaa: {  	s5 =	sor.u32 @p0 s6, s5  }
0xab: {  	[sflag:s5] =	ssyncadd.remote.s32 @p0 $0x1;
	_ =	sdelay $0x1  }
0xac: {  	s5 =	simm.s32 @p0 $0x1B8D  }
0xad: {  	_ =	swait.eq @p0 [sflag:s5], $0x1  }
0xae: {  	[sflag:s5] =	ssyncadd.s32 @p0 $0xFFFFFFFF  }
0xaf: {  	s6 =	sshll.u32 @!p0 s1, $0xE  }
0xb0: {  	s6 =	sor.u32 @!p0 $0x4000, s6;
	s5 =	simm.s32 @!p0 $0x1B8D  }
0xb1: {  	s4 =	sshll.u32 @!p0 s4, $0x11;
	s6 =	sadd.s32 @!p0 $0x11B8D, s6;
	_ =	swait.eq @!p0 [sflag:s5], $0x1  }
0xb2: {  	s4 =	sor.u32 @!p0 s4, s6;
	[sflag:s5] =	ssyncadd.s32 @!p0 $0xFFFFFFFF  }
0xb3: {  	s25 =	simm.s32 $0x1B8E;
	s24 =	sld [smem:$0x3FFE];
	[sflag:s4] =	ssyncadd.remote.s32 @!p0 $0x1  }
0xb4: {  	s26 =	simm.s32 $execute0_lowered;
	[smem:$0x3FD2] =	sst s25  }
0xb5: {  	s5 =	sshll.u32 s26, $0x1;
	_ =	strace $0x8000004C;
	[dreg:$0x1] =	wrdreg $0xFFFFFFFF  }
0xb6: {  	s28 =	simm.s32 $_size_execute0_lowered;
	s3 =	sadd.s32 s3, s5;
	[dreg:$0x0] =	wrdreg $0x0  }
0xb7: {  	s5 =	sshll.u32 s28, $0x1;
	[dreg:$0x2] =	wrdreg s3  }
0xb8: {  	[dreg:$0x3] =	wrdreg s5  }
0xb9: {  	[dreg:$0x4] =	wrdreg $0xC0  }
0xba: {  	_ =	task [dreg:s22], $0x5FFFF  }
0xbb: {  	[dreg:$0x1] =	wrdreg $0xFFFFFFFF  }
0xbc: {  	[dreg:$0x0] =	wrdreg $0x60  }
0xbd: {  	[dreg:$0x2] =	wrdreg s24  }
0xbe: {  	[dreg:$0x3] =	wrdreg $0x94800  }
0xbf: {  	[dreg:$0x4] =	wrdreg $0x9  }
0xc0: {  	_ =	task.clear_ibuf [dreg:s22], $0x5FFFF;
	_ =	strace $0x9000004C  }
0xc1: {  	s29 =	simm.s32 $0x9;
	_ =	strace $0x8000004E  }
0xc2: {  	_ =	swait.ge [sflag:s29], $0x1  }
0xc3: {  	[sflag:s29] =	ssyncadd.s32 $0xFFFFFFFF  }
0xc4: {  	_ =	strace $0x9000004E  }
0xc5: {  	_ =	sfence  }
0xc6: {  	s30 =	sld [smem:$0x0];
	_ =	sdelay $0x2  }
0xc7: {  	s31 =	sshll.u32 s1, $0xD;
	s1 =	sshrl.u32 s1, $0x2  }
0xc8: {  	s4 =	sand.u32 $0x4000, s31;
	s1 =	sadd.s32 s1, s30  }
0xc9: {  	s0 =	sor.u32 s4, s0;
	s1 =	sshll.u32 s1, $0x11  }
0xca: {  	s0 =	sor.u32 s1, s0  }
0xcb: {  	s0 =	sadd.s32 $0x8F2B, s0  }
0xcc: {  	[sflag:s0] =	ssyncadd.remote.s32 $0x1  }
0xcd: {  	_ =	sfence.sel $0xFFFF  }
0xce: {  	[dreg:$0x0] =	wrdreg $0xFFFFFFFF;
	(pc) =	sbr.abs _section_cstart, $3  }
0xcf: {  	[dreg:$0x1] =	wrdreg $0xFFFFFFFF  }
0xd0: {  	_ =	task.clear_ibuf [dreg:s22], $0x2FFFF;
	_ =	strace $0x9FFFFFFF  }
0xd1: {  	(tm) =	ssettm $0x7FFFFFFF  }
tec
execute0_lowered:
.L_overlay_start_1:
0x0: {  	(tag) =	ssettag $0x1  }
0x1: {  	s6 =	rddreg [dreg:$0x0]  }
0x2: {  	s2 =	rddreg [dreg:$0x1]  }
0x3: {  	s0 =	rddreg [dreg:$0x2];
	s3 =	simm.s32 $0x0  }
0x4: {  	s4 =	srdreg.scid;
	s1 =	stileid.u32;
	s18 =	simm.s32 $0x1080  }
0x5: {  	s19 =	simm.s32 $0x840;
	s20 =	simm.s32 $0x5280;
	s21 =	simm.s32 $0x1  }
0x6: {  	s22 =	simm.s32 $0x3;
	s23 =	simm.s32 $0x2;
	s24 =	simm.s32 $0x4  }
0x7: {  	s25 =	simm.s32 $0x0;
	[smem:$0x7FF] =	sst s3;
	s7 =	sand.u32 $0x1, s4  }
0x8: {  	s8 =	smul.u32 $0x61C0, s1;
	s14 =	sadd.s32 $0x458C00, s6;
	s4 =	sadd.s32 $0x2B4000, s6  }
0x9: {  	s5 =	sadd.s32 $0x51EC00, s6;
	s28 =	sshll.u32 s1, $0x6;
	s13 =	smul.u32 $0x6300, s1  }
0xa: {  	_ =	strace $0x8000004D;
	s9 =	smul.u32 $0x61C00, s7;
	s10 =	sshll.u32 s7, $0x4  }
0xb: {  	s11 =	ssub.s32 $0x2, s7;
	s12 =	smul.u32 $0x63000, s7;
	s10 =	sor.u32 s1, s10  }
0xc: {  	s26 =	sshrl.u32 s11, $0x1;
	s16 =	sadd.s32 s8, s2;
	s9 =	sadd.s32 s8, s9  }
0xd: {  	s10 =	smul.u32 $0x6300, s10;
	s11 =	ssub.s32 s11, s26;
	s9 =	sshrl.u32 s9, $0x3  }
0xe: {  	s16 =	sshrl.u32 s16, $0x3;
	s11 =	smax.u32 s11, $0x1;
	s9 =	sadd.s32 s9, s6  }
0xf: {  	s29 =	sshrl.u32 s10, $0x3;
	s6 =	sor.u32 $0x1C05, s28;
	s8 =	sadd.s32 s14, s10  }
0x10: {  	s15 =	sadd.s32 $0x5AC0, s10;
	s10 =	sadd.s32 s13, s12;
	s7 =	sadd.s32 s4, s29  }
0x11: {  	s9 =	sadd.s32 $0x51FA00, s9;
	s30 =	sshrl.u32 s15, $0x3;
	s17 =	sadd.s32 $0x840, s10  }
0x12: {  	s13 =	sadd.s32 s14, s15;
	s14 =	sadd.s32 s14, s10;
	s31 =	sshrl.u32 s17, $0x3  }
0x13: {  	s12 =	sadd.s32 s4, s30;
	s17 =	simm.s32 $0x5;
	s15 =	sadd.s32 s31, s4  }
.LBB2_1:
0x14: {  	[spmem:s16], [sflag:s6] =	dma.local [hbm:s5], $0xC38  }
0x15: {  	_ =	swait.ge [sflag:s17], $0xC38  }
0x16: {  	[sflag:s17] =	ssyncset.done $0x0  }
0x17: {  	[sflag:s17] =	ssyncadd.s32 $0xFFFFF3C8  }
0x18: {  	[bflag:$0x0] =	sbarrier.arrive $0xFFFF  }
0x19: {  	[tilespmem:s3], [sflag:$0x5] =	stream.linear.gather [hbm4b:s7+s3], $0x840, $0x38;
	[tilespmem:$0xF640] =	vst v63  }
0x1a: {  	_ =	swait.ge [sflag:s17], $0x840  }
0x1b: {  	[sflag:s17] =	ssyncset.done $0x0  }
0x1c: {  	[sflag:s17] =	ssyncadd.s32 $0xFFFFF7C0  }
0x1d: {  	[tilespmem:s18], [sflag:$0x1] =	stream.linear.gather [hbm4b:s8+s3], $0x4200, $0x38;
	[tilespmem:$0xF640] =	vst v63  }
0x1e: {  	_ = 	snop  }
0x1f: {  	[tilespmem:s19], [sflag:$0x5] =	stream.linear.gather [hbm4b:s15+s3], $0x840, $0x38;
	[tilespmem:$0xF640] =	vst v63  }
0x20: {  	_ =	swait.ge [sflag:s17], $0x840  }
0x21: {  	s26 =	sadd.s32 $0xFFFFAD80, s14;
	[sflag:s17] =	ssyncset.done $0x0  }
0x22: {  	s28 =	sadd.s32 $0x5AC0, s26;
	[sflag:s17] =	ssyncadd.s32 $0xFFFFF7C0  }
0x23: {  	[tilespmem:s20], [sflag:$0x2] =	stream.linear.gather [hbm4b:s28+s3], $0x4200, $0x38;
	[tilespmem:$0xF640] =	vst v63  }
0x24: {  	_ =	swait.ge [sflag:s21], $0x4200  }
0x25: {  	[sflag:s21] =	ssyncset.done $0x0  }
0x26: {  	s28 =	sadd.s32 $0xFFFFAD80, s10;
	[sflag:s21] =	ssyncadd.s32 $0xFFFFBE00  }
0x27: {  	[spmem:s2] =	stream.indirect.scatter.add.f32 [tilespmem:s18], [sflag:$0x3], $0x8, s3, s19, $0xb8;
	[tilespmem:$0xF640] =	vst v63  }
0x28: {  	s28 =	sadd.s32 $0x6300, s28;
	_ =	swait.ge [sflag:s22], $0x4200  }
0x29: {  	s28 =	sshrl.u32 s28, $0x3;
	[sflag:s22] =	ssyncset.done $0x0  }
0x2a: {  	s28 =	sadd.s32 s4, s28;
	[sflag:s22] =	ssyncadd.s32 $0xFFFFBE00  }
0x2b: {  	[tilespmem:s3], [sflag:$0x5] =	stream.linear.gather [hbm4b:s28+s3], $0x840, $0x38;
	[tilespmem:$0xF640] =	vst v63  }
0x2c: {  	_ =	swait.ge [sflag:s17], $0x840  }
0x2d: {  	[sflag:s17] =	ssyncset.done $0x0  }
0x2e: {  	s26 =	sadd.s32 $0x6300, s26;
	[sflag:s17] =	ssyncadd.s32 $0xFFFFF7C0  }
0x2f: {  	[tilespmem:s18], [sflag:$0x1] =	stream.linear.gather [hbm4b:s26+s3], $0x4200, $0x38;
	[tilespmem:$0xF640] =	vst v63  }
0x30: {  	_ =	swait.ge [sflag:s23], $0x4200  }
0x31: {  	[sflag:s23] =	ssyncset.done $0x0  }
0x32: {  	[sflag:s23] =	ssyncadd.s32 $0xFFFFBE00  }
0x33: {  	[spmem:s2] =	stream.indirect.scatter.add.f32 [tilespmem:s20], [sflag:$0x4], $0x8, s19, s19, $0xb8;
	[tilespmem:$0xF640] =	vst v63  }
0x34: {  	_ =	swait.ge [sflag:s24], $0x4200  }
0x35: {  	s28 =	smov.u32 s15;
	s26 =	simm.s32 $0xFFFFBE00;
	[sflag:s24] =	ssyncset.done $0x0  }
.LBB2_2:
0x36: {  	p0 =	sne.s32 s26, $0xFFFFEF80;
	[sflag:s24] =	ssyncadd.s32 $0xFFFFBE00;
	s28 =	sadd.s32 $0x210, s28  }
0x37: {  	[tilespmem:s19], [sflag:$0x5] =	stream.linear.gather [hbm4b:s28+s3], $0x840, $0x38;
	[tilespmem:$0xF640] =	vst v63  }
0x38: {  	s29 =	smov.u32 s26;
	s26 =	sadd.s32 $0x1080, s26;
	_ =	swait.ge [sflag:s17], $0x840  }
0x39: {  	s30 =	sadd.s32 s29, s14;
	[sflag:s17] =	ssyncset.done $0x0  }
0x3a: {  	s31 =	sadd.s32 $0x5AC0, s30;
	[sflag:s17] =	ssyncadd.s32 $0xFFFFF7C0  }
0x3b: {  	[tilespmem:s20], [sflag:$0x2] =	stream.linear.gather [hbm4b:s31+s3], $0x4200, $0x38;
	[tilespmem:$0xF640] =	vst v63  }
0x3c: {  	_ =	swait.ge [sflag:s21], $0x4200  }
0x3d: {  	[sflag:s21] =	ssyncset.done $0x0  }
0x3e: {  	s29 =	sadd.s32 s29, s10;
	[sflag:s21] =	ssyncadd.s32 $0xFFFFBE00  }
0x3f: {  	[spmem:s2] =	stream.indirect.scatter.add.f32 [tilespmem:s18], [sflag:$0x3], $0x8, s3, s19, $0xb8;
	[tilespmem:$0xF640] =	vst v63  }
0x40: {  	s29 =	sadd.s32 $0x6300, s29;
	_ =	swait.ge [sflag:s22], $0x4200  }
0x41: {  	s29 =	sshrl.u32 s29, $0x3;
	[sflag:s22] =	ssyncset.done $0x0  }
0x42: {  	s29 =	sadd.s32 s4, s29;
	[sflag:s22] =	ssyncadd.s32 $0xFFFFBE00  }
0x43: {  	[tilespmem:s3], [sflag:$0x5] =	stream.linear.gather [hbm4b:s29+s3], $0x840, $0x38;
	[tilespmem:$0xF640] =	vst v63  }
0x44: {  	_ =	swait.ge [sflag:s17], $0x840  }
0x45: {  	[sflag:s17] =	ssyncset.done $0x0  }
0x46: {  	s29 =	sadd.s32 $0x6300, s30;
	[sflag:s17] =	ssyncadd.s32 $0xFFFFF7C0  }
0x47: {  	[tilespmem:s18], [sflag:$0x1] =	stream.linear.gather [hbm4b:s29+s3], $0x4200, $0x38;
	[tilespmem:$0xF640] =	vst v63  }
0x48: {  	_ =	swait.ge [sflag:s23], $0x4200  }
.Ltmp0:
0x49: {  	[sflag:s23] =	ssyncset.done $0x0;
	(pc) =	sbr.rel @p0 .LBB2_2-.Ltmp0, $4  }
0x4a: {  	[sflag:s23] =	ssyncadd.s32 $0xFFFFBE00  }
0x4b: {  	[spmem:s2] =	stream.indirect.scatter.add.f32 [tilespmem:s20], [sflag:$0x4], $0x8, s19, s19, $0xb8;
	[tilespmem:$0xF640] =	vst v63  }
0x4c: {  	_ =	swait.ge [sflag:s24], $0x4200  }
0x4d: {  	[sflag:s24] =	ssyncset.done $0x0  }
0x4e: {  	[sflag:s24] =	ssyncadd.s32 $0xFFFFBE00  }
0x4f: {  	[tilespmem:s19], [sflag:$0x5] =	stream.linear.gather [hbm4b:s12+s3], $0x840, $0x38;
	[tilespmem:$0xF640] =	vst v63  }
0x50: {  	_ =	swait.ge [sflag:s17], $0x840  }
0x51: {  	[sflag:s17] =	ssyncset.done $0x0  }
0x52: {  	[sflag:s17] =	ssyncadd.s32 $0xFFFFF7C0  }
0x53: {  	[tilespmem:s20], [sflag:$0x2] =	stream.linear.gather [hbm4b:s13+s3], $0x4200, $0x38;
	[tilespmem:$0xF640] =	vst v63  }
0x54: {  	_ =	swait.ge [sflag:s21], $0x4200  }
0x55: {  	[sflag:s21] =	ssyncset.done $0x0  }
0x56: {  	[sflag:s21] =	ssyncadd.s32 $0xFFFFBE00  }
0x57: {  	[spmem:s2] =	stream.indirect.scatter.add.f32 [tilespmem:s18], [sflag:$0x3], $0x8, s3, s19, $0xb8;
	[tilespmem:$0xF640] =	vst v63  }
0x58: {  	_ =	swait.ge [sflag:s22], $0x4200  }
0x59: {  	[sflag:s22] =	ssyncset.done $0x0  }
0x5a: {  	[sflag:s22] =	ssyncadd.s32 $0xFFFFBE00  }
0x5b: {  	_ =	swait.ge [sflag:s23], $0x4200  }
0x5c: {  	[sflag:s23] =	ssyncset.done $0x0  }
0x5d: {  	[sflag:s23] =	ssyncadd.s32 $0xFFFFBE00  }
0x5e: {  	[spmem:s2] =	stream.indirect.scatter.add.f32 [tilespmem:s20], [sflag:$0x4], $0x8, s19, s19, $0xb8;
	[tilespmem:$0xF640] =	vst v63  }
0x5f: {  	_ =	swait.ge [sflag:s24], $0x4200  }
0x60: {  	s25 =	sadd.s32 $0x1, s25;
	[sflag:s24] =	ssyncset.done $0x0  }
0x61: {  	p0 =	sne.s32 s25, s11;
	[sflag:s24] =	ssyncadd.s32 $0xFFFFBE00  }
.Ltmp1:
0x62: {  	[bflag:$0x0] =	sbarrier.arrive $0xFFFF;
	(pc) =	sbr.rel @p0 .LBB2_1-.Ltmp1, $4  }
0x63: {  	[hbm:s9], [sflag:s6] =	dma.local [spmem:s16], $0xC38  }
0x64: {  	_ =	swait.ge [sflag:s17], $0xC38  }
0x65: {  	[sflag:s17] =	ssyncset.done $0x0  }
0x66: {  	[sflag:s17] =	ssyncadd.s32 $0xFFFFF3C8  }
0x67: {  	_ =	sfence.sel $0x180000  }
0x68: {  	[bflag:$0x0] =	sbarrier.arrive $0xFFFF  }
0x69: {  	p0 =	sne.s32 s1, $0x0;
	_ =	strace $0x9000004D  }
0x6a: {  	s0 =	sadd.s32 @!p0 $0x100000, s0;
	[bflag:$0x2] =	sbarrier.arrive $0xFFFF  }
0x6b: {  	[sflag:s0] =	ssyncadd.tile.s32 @!p0 $0x1;
	_ =	shalt  }
.Lfunc_end2:
_tile_overlayer_lowered:
.L_overlay_start_2:
0x6c: {  	(tag) =	ssettag $0x2  }
0x6d: {  	s0 =	rddreg [dreg:$0x0];
	s2 =	stileid.u32  }
0x6e: {  	s1 =	rddreg [dreg:$0x1];
	p0 =	sne.s32 s2, $0x0  }
0x6f: {  	s3 =	rddreg [dreg:$0x2];
	[bflag:$0x3] =	sbarrier.arrive $0xFFFF;
	s2 =	simm.s32 @!p0 $0x1C05  }
0x70: {  	[timem:s3], [sflag:s2] =	dma.local @!p0 [hbm:s0], s1  }
0x71: {  	s0 =	simm.s32 @!p0 $0x5  }
0x72: {  	_ =	swait.ge @!p0 [sflag:s0], s1  }
0x73: {  	s1 =	ssub.s32 @!p0 $0x0, s1;
	[sflag:s0] =	ssyncset.done @!p0 $0x0  }
0x74: {  	[sflag:s0] =	ssyncadd.s32 @!p0 s1  }
0x75: {  	[bflag:$0x3] =	sbarrier.arrive $0xFFFF  }
0x76: {  	_ =	shalt  }

// kernel: kernel.15.cloned.1.call-start
scs
__scs_entry_jumppad:
0x0: {  	(pc) =	sbr.rel $0x88, $3  }
0x1: {  	(tag) =	ssettag $0x0;
	lr =	simm.s32 $0x1  }
0x2: {  	[smem:$0x3F8E] =	sst lr;
	_ =	strace $0xD0000000  }
0x3: {  	_ = 	snop  }
0x4: {  	_ = 	snop  }
0x5: {  	_ = 	snop  }
0x6: {  	_ = 	snop  }
0x7: {  	_ = 	snop  }
__scs_overlays_trampoline_lowered:
0x8: {  	[smem:$0x3F9D] =	sst s0  }
0x9: {  	[smem:$0x3F9E] =	sst s1  }
0xa: {  	[smem:$0x3F9F] =	sst s2  }
0xb: {  	[smem:$0x3FA0] =	sst s3  }
0xc: {  	[smem:$0x3FA1] =	sst s4  }
0xd: {  	[smem:$0x3FA2] =	sst s5  }
0xe: {  	[smem:$0x3FA3] =	sst s6  }
0xf: {  	[smem:$0x3FA4] =	sst s7  }
0x10: {  	[smem:$0x3FA5] =	sst s8  }
0x11: {  	[smem:$0x3FA6] =	sst s9;
	s0 =	simm.s32 @!p0 $0x0  }
0x12: {  	s1 =	sld [smem:$0x3F8C];
	s0 =	simm.s32 @p0 $0x1  }
0x13: {  	[smem:$0x3FA7] =	sst s0;
	s0 =	simm.s32 @!p1 $0x0  }
0x14: {  	s2 =	sld [smem:$0x3F8B];
	s0 =	simm.s32 @p1 $0x1  }
0x15: {  	[smem:$0x3FA8] =	sst s0;
	s0 =	simm.s32 @!p2 $0x0  }
0x16: {  	s3 =	sld [smem:$0x3FDB];
	s0 =	simm.s32 @p2 $0x1  }
0x17: {  	s4 =	simm.s32 $0x1BF5;
	[smem:$0x3FAA] =	sst s0  }
0x18: {  	s0 =	sld [smem:$0x3F8D];
	_ =	swait.ge [sflag:s4], $0x0  }
0x19: {  	s7 =	sld [smem:$0x3F8E]  }
0x1a: {  	s8 =	sadd.s32 $0xFFFFE003, lr  }
0x1b: {  	s9 =	sadd.s32 $0xFFFFFEF7, lr;
	s5 =	simm.s32 $0xFFFFFFFF;
	p2 =	slt.u32 s8, $0xFFFFF086  }
0x1c: {  	p1 =	slt.u32 s9, $0xF7A;
	s5 =	simm.s32 @!p2 $0x0  }
0x1d: {  	s5 =	simm.s32 @p1 $0x1;
	p0 =	seq.s32 s7, s2  }
0x1e: {  	s7 =	smul.u32 @!p0 $0xF7A, s2;
	p2 =	seq.s32 @!p0 s5, $0x0  }
0x1f: {  	s9 =	smul.u32 $0xF7A, s1;
	s8 =	simm.s32 @!p0 $0x1BF5;
	p2 =	por !p2, p0  }
0x20: {  	[sflag:s8] =	ssyncset.s32 @!p0 $0xFFFFF086;
	s6 =	sadd.s32 @!p0 s3, s7;
	s7 =	simm.s32 @!p0 $0x108  }
0x21: {  	s3 =	sadd.s32 s3, s9;
	s6 =	sadd.s32 @!p0 $0x88, s6;
	s7 =	simm.s32 @p2 $0x1082  }
0x22: {  	[simem:s7], [sflag:s8] =	dma.local @!p0 [hbm:s6], $0xF7A  }
0x23: {  	s9 =	sor.u32 $0xD0000000, s2;
	s6 =	simm.s32 $0x108;
	_ =	swait.ge @!p0 [sflag:s8], $0x0  }
0x24: {  	s3 =	sadd.s32 $0x88, s3;
	s6 =	simm.s32 @!p1 $0x1082;
	[sflag:s4] =	ssyncset.s32 $0xFFFFF086  }
0x25: {  	[simem:s6], [sflag:s4] =	dma.local [hbm:s3], $0xF7A  }
0x26: {  	[smem:$0x3F8E] =	sst s1;
	(tag) =	ssettag s2;
	_ =	strace s9  }
0x27: {  	s1 =	sld [smem:$0x3F9E]  }
0x28: {  	s2 =	sld [smem:$0x3F9F]  }
0x29: {  	s4 =	sld [smem:$0x3FA1]  }
0x2a: {  	p0 =	seq.s32 s5, $0x0;
	s5 =	sld [smem:$0x3FA2]  }
0x2b: {  	s6 =	sld [smem:$0x3FA3]  }
0x2c: {  	s7 =	sld [smem:$0x3FA4]  }
0x2d: {  	s3 =	simm.s32 $0x108;
	s8 =	sld [smem:$0x3FA5]  }
0x2e: {  	s3 =	simm.s32 @!p0 $0x1082;
	s9 =	sld [smem:$0x3FA6]  }
0x2f: {  	lr =	sadd.s32 s0, s3;
	s0 =	sld [smem:$0x3F9D]  }
0x30: {  	s3 =	sld [smem:$0x3FA0]  }
0x31: {  	[smem:$0x3FA9] =	sst s10  }
0x32: {  	s10 =	sld [smem:$0x3FA7];
	_ =	sdelay $0x3  }
0x33: {  	p0 =	seq.s32 s10, $0x1;
	s10 =	sld [smem:$0x3FA9];
	_ =	sdelay $0x3  }
0x34: {  	[smem:$0x3FA9] =	sst s10  }
0x35: {  	s10 =	sld [smem:$0x3FA8];
	_ =	sdelay $0x3  }
0x36: {  	p1 =	seq.s32 s10, $0x1;
	s10 =	sld [smem:$0x3FA9];
	_ =	sdelay $0x3  }
0x37: {  	[smem:$0x3FA9] =	sst s10  }
0x38: {  	s10 =	sld [smem:$0x3FAA]  }
0x39: {  	_ = 	snop;
	(pc) =	sbr.ind lr, $3  }
0x3a: {  	_ = 	snop  }
0x3b: {  	_ = 	snop  }
0x3c: {  	p2 =	seq.s32 s10, $0x1;
	s10 =	sld [smem:$0x3FA9]  }
0x3d: {  	_ =	shalt  }
0x3e: {  	_ =	shalt  }
0x3f: {  	_ =	shalt  }
0x40: {  	_ =	shalt  }
0x41: {  	_ =	shalt  }
0x42: {  	_ =	shalt  }
0x43: {  	_ =	shalt  }
0x44: {  	_ =	shalt  }
0x45: {  	_ =	shalt  }
0x46: {  	_ =	shalt  }
0x47: {  	_ =	shalt  }
0x48: {  	_ =	shalt  }
0x49: {  	_ =	shalt  }
0x4a: {  	_ =	shalt  }
0x4b: {  	_ =	shalt  }
0x4c: {  	_ =	shalt  }
0x4d: {  	_ =	shalt  }
0x4e: {  	_ =	shalt  }
0x4f: {  	_ =	shalt  }
0x50: {  	_ =	shalt  }
0x51: {  	_ =	shalt  }
0x52: {  	_ =	shalt  }
0x53: {  	_ =	shalt  }
0x54: {  	_ =	shalt  }
0x55: {  	_ =	shalt  }
0x56: {  	_ =	shalt  }
0x57: {  	_ =	shalt  }
0x58: {  	_ =	shalt  }
0x59: {  	_ =	shalt  }
0x5a: {  	_ =	shalt  }
0x5b: {  	_ =	shalt  }
0x5c: {  	_ =	shalt  }
0x5d: {  	_ =	shalt  }
0x5e: {  	_ =	shalt  }
0x5f: {  	_ =	shalt  }
0x60: {  	_ =	shalt  }
0x61: {  	_ =	shalt  }
0x62: {  	_ =	shalt  }
0x63: {  	_ =	shalt  }
0x64: {  	_ =	shalt  }
0x65: {  	_ =	shalt  }
0x66: {  	_ =	shalt  }
0x67: {  	_ =	shalt  }
0x68: {  	_ =	shalt  }
0x69: {  	_ =	shalt  }
0x6a: {  	_ =	shalt  }
0x6b: {  	_ =	shalt  }
0x6c: {  	_ =	shalt  }
0x6d: {  	_ =	shalt  }
0x6e: {  	_ =	shalt  }
0x6f: {  	_ =	shalt  }
0x70: {  	_ =	shalt  }
0x71: {  	_ =	shalt  }
0x72: {  	_ =	shalt  }
0x73: {  	_ =	shalt  }
0x74: {  	_ =	shalt  }
0x75: {  	_ =	shalt  }
0x76: {  	_ =	shalt  }
0x77: {  	_ =	shalt  }
0x78: {  	_ =	shalt  }
0x79: {  	_ =	shalt  }
0x7a: {  	_ =	shalt  }
0x7b: {  	_ =	shalt  }
0x7c: {  	_ =	shalt  }
0x7d: {  	_ =	shalt  }
0x7e: {  	_ =	shalt  }
0x7f: {  	_ =	shalt  }
0x80: {  	_ =	shalt  }
0x81: {  	_ =	shalt  }
0x82: {  	_ =	shalt  }
0x83: {  	_ =	shalt  }
0x84: {  	_ =	shalt  }
0x85: {  	_ =	shalt  }
0x86: {  	_ =	shalt  }
0x87: {  	_ =	shalt  }
.Lfunc_end0:
.L_simem_size_0:
called_computation.1_lowered:
.L_overlay_start_0:
0x88: {  	s2 =	sld [smem:$0x3FD9]  }
0x89: {  	s3 =	sld [smem:$0x3FFE];
	_ =	sdelay $0x1  }
0x8a: {  	s1 =	srdreg.scid  }
0x8b: {  	s0 =	sand.u32 $0x1, s1  }
0x8c: {  	s16 =	sshll.u32 s0, $0xA;
	s2 =	sadd.s32 s3, s2  }
0x8d: {  	s2 =	sadd.s32 s2, s16  }
0x8e: {  	[smem:$0x3FB5] =	sst s2  }
0x8f: {  	_ = 	snop  }
0x90: {  	(tm) =	ssettm $0x1  }
0x91: {  	s17 =	sld [smem:$0x3FFB];
	_ =	sdelay $0x3  }
0x92: {  	_ =	strace s17  }
0x93: {  	s2 =	sld [smem:$0x3FFC];
	_ =	sdelay $0x3  }
0x94: {  	_ =	strace s2  }
0x95: {  	s2 =	sld [smem:$0x3FFD];
	_ =	sdelay $0x3  }
0x96: {  	_ =	strace s2  }
0x97: {  	_ =	strace $0x8FFFFFFF  }
0x98: {  	s18 =	sld [smem:$0x3FDB];
	_ =	sdelay $0x1  }
0x99: {  	s19 =	simm.s32 $_scs_section_size  }
0x9a: {  	s4 =	simm.s32 $_size__tile_overlayer_lowered;
	s5 =	simm.s32 $_tile_overlayer_lowered  }
0x9b: {  	s22 =	simm.s32 $0x1BFF;
	s21 =	sshll.u32 s5, $0x1;
	s2 =	sadd.s32 s19, s18  }
0x9c: {  	s6 =	simm.s32 $0x0;
	s20 =	sshll.u32 s4, $0x1;
	s4 =	sadd.s32 s21, s2  }
0x9d: {  	[timem:s6], [sflag:s22] =	dma.local [hbm:s4], s20  }
0x9e: {  	_ =	swait.ge [sflag:s22], s20  }
0x9f: {  	s3 =	ssub.s32 $0x0, s20;
	[sflag:s22] =	ssyncset.done $0x0  }
0xa0: {  	[sflag:s22] =	ssyncadd.s32 s3;
	_ =	sdelay $0x1  }
0xa1: {  	s23 =	simm.s32 $0x1B8B  }
0xa2: {  	_ =	swait.ge [sflag:s23], $0x1  }
0xa3: {  	[sflag:s23] =	ssyncset.done $0x0  }
0xa4: {  	s25 =	simm.s32 $0x1B8E;
	s24 =	sld [smem:$0x3FFE];
	[sflag:s23] =	ssyncadd.s32 $0xFFFFFFFF  }
0xa5: {  	s26 =	simm.s32 $execute0_lowered;
	[smem:$0x3FD2] =	sst s25  }
0xa6: {  	s4 =	sshll.u32 s26, $0x1;
	_ =	strace $0x80000046;
	[dreg:$0x1] =	wrdreg $0xFFFFFFFF  }
0xa7: {  	s28 =	simm.s32 $_size_execute0_lowered;
	s2 =	sadd.s32 s2, s4;
	[dreg:$0x0] =	wrdreg $0x0  }
0xa8: {  	s4 =	sshll.u32 s28, $0x1;
	[dreg:$0x2] =	wrdreg s2  }
0xa9: {  	[dreg:$0x3] =	wrdreg s4  }
0xaa: {  	[dreg:$0x4] =	wrdreg $0xC0  }
0xab: {  	_ =	task [dreg:s6], $0x5FFFF  }
0xac: {  	[dreg:$0x1] =	wrdreg $0xFFFFFFFF  }
0xad: {  	[dreg:$0x0] =	wrdreg $0x60  }
0xae: {  	[dreg:$0x2] =	wrdreg s24  }
0xaf: {  	[dreg:$0x3] =	wrdreg $0x66000  }
0xb0: {  	[dreg:$0x4] =	wrdreg $0xA  }
0xb1: {  	_ =	task.clear_ibuf [dreg:s6], $0x5FFFF;
	_ =	strace $0x90000046  }
0xb2: {  	s29 =	simm.s32 $0xA;
	_ =	strace $0x80000048  }
0xb3: {  	_ =	swait.ge [sflag:s29], $0x1  }
0xb4: {  	[sflag:s29] =	ssyncadd.s32 $0xFFFFFFFF  }
0xb5: {  	_ =	strace $0x90000048  }
0xb6: {  	_ =	sfence  }
0xb7: {  	s30 =	sld [smem:$0x0];
	_ =	sdelay $0x2  }
0xb8: {  	s31 =	sshll.u32 s1, $0xD;
	s1 =	sshrl.u32 s1, $0x2  }
0xb9: {  	s3 =	sand.u32 $0x4000, s31;
	s1 =	sadd.s32 s1, s30  }
0xba: {  	s0 =	sor.u32 s3, s0;
	s1 =	sshll.u32 s1, $0x11  }
0xbb: {  	s0 =	sor.u32 s1, s0  }
0xbc: {  	s0 =	sadd.s32 $0x8F2B, s0  }
0xbd: {  	[sflag:s0] =	ssyncadd.remote.s32 $0x1  }
0xbe: {  	_ =	sfence.sel $0xFFFF  }
0xbf: {  	[dreg:$0x0] =	wrdreg $0xFFFFFFFF;
	(pc) =	sbr.abs _section_cstart, $3  }
0xc0: {  	[dreg:$0x1] =	wrdreg $0xFFFFFFFF  }
0xc1: {  	_ =	task.clear_ibuf [dreg:s6], $0x2FFFF;
	_ =	strace $0x9FFFFFFF  }
0xc2: {  	(tm) =	ssettm $0x7FFFFFFF  }
0xc3: {  	_ =	shalt  }
tec
execute0_lowered:
.L_overlay_start_1:
0x0: {  	(tag) =	ssettag $0x1  }
0x1: {  	s0 =	rddreg [dreg:$0x0]  }
0x2: {  	s1 =	rddreg [dreg:$0x1];
	s3 =	simm.s32 $0x0  }
0x3: {  	s4 =	srdreg.scid;
	s2 =	stileid.u32;
	s18 =	simm.s32 $0x300  }
0x4: {  	s19 =	simm.s32 $0x180;
	s20 =	simm.s32 $0x600;
	s21 =	simm.s32 $0x480  }
0x5: {  	s22 =	simm.s32 $0x1;
	s23 =	simm.s32 $0x3600;
	s24 =	simm.s32 $0x3  }
0x6: {  	s25 =	simm.s32 $0x2;
	s26 =	simm.s32 $0x4;
	[smem:$0x7FF] =	sst s3  }
0x7: {  	s8 =	sand.u32 $0x1, s4;
	s7 =	smul.u32 $0x18700, s2;
	s4 =	sadd.s32 $0x283200, s0  }
0x8: {  	s28 =	simm.s32 $0x0;
	s5 =	sadd.s32 $0x252400, s0;
	s15 =	sadd.s32 $0x2CCC00, s0  }
0x9: {  	s14 =	sadd.s32 $0x2B4000, s0;
	s12 =	smul.u32 $0xC600, s2;
	s29 =	sadd.s32 $0x2E5800, s0  }
0xa: {  	s30 =	sshll.u32 s2, $0x6;
	s17 =	smul.u32 $0x18C0, s2;
	_ =	strace $0x80000047  }
0xb: {  	s6 =	smul.u32 $0x187000, s8;
	s9 =	ssub.s32 $0x2, s8;
	[dreg:$0x3] =	wrdreg s29  }
0xc: {  	p0 =	seq.s32 s8, $0x1;
	s11 =	sshrl.u32 s9, $0x1;
	s16 =	sadd.s32 s7, s1  }
0xd: {  	s31 =	sshrl.u32 s12, $0x3;
	s6 =	sadd.s32 s7, s6;
	s11 =	ssub.s32 s9, s11  }
.Ltmp0:
0xe: {  	s7 =	sor.u32 $0x1C05, s30;
	s8 =	sadd.s32 s15, s31;
	(pc) =	sbr.rel .LBB2_1-.Ltmp0, $4  }
0xf: {  	s9 =	sadd.s32 s14, s31;
	s13 =	sadd.s32 $0x1890, s31;
	s16 =	sshrl.u32 s16, $0x3  }
0x10: {  	s10 =	sshrl.u32 s6, $0x3;
	s11 =	smax.u32 s11, $0x1;
	s12 =	sadd.s32 s14, s13  }
0x11: {  	s13 =	sadd.s32 s15, s13;
	s14 =	sadd.s32 s17, s14;
	s0 =	sadd.s32 s10, s0  }
0x12: {  	s15 =	sadd.s32 s17, s15;
	s17 =	simm.s32 $0x5;
	s10 =	sadd.s32 $0x2E8A00, s0  }
.LBB2_7:
0x13: {  	s0 =	sadd.s32 $0x1890, s31;
	[sflag:s26] =	ssyncadd.s32 $0xFFFFD000  }
0x14: {  	[tilespmem:s19], [sflag:$0x5] =	stream.linear.gather [hbm4b:s0+s3], $0x180, $0x38;
	[tilespmem:$0x1ED00] =	vst v63  }
0x15: {  	_ =	swait.ge [sflag:s17], $0x180  }
0x16: {  	s30 =	sadd.s32 s29, s14;
	[sflag:s17] =	ssyncset.done $0x0  }
0x17: {  	s2 =	sadd.s32 $0x1890, s30;
	[sflag:s17] =	ssyncadd.s32 $0xFFFFFE80  }
0x18: {  	[tilespmem:s21], [sflag:$0x5] =	stream.linear.gather [hbm4b:s2+s3], $0x180, $0x38;
	[tilespmem:$0x1ED00] =	vst v63  }
0x19: {  	_ =	swait.ge [sflag:s17], $0x180  }
0x1a: {  	[sflag:s17] =	ssyncset.done $0x0  }
0x1b: {  	[sflag:s17] =	ssyncadd.s32 $0xFFFFFE80  }
0x1c: {  	_ =	swait.ge [sflag:s22], $0x3000  }
0x1d: {  	[sflag:s22] =	ssyncset.done $0x0  }
0x1e: {  	[sflag:s22] =	ssyncadd.s32 $0xFFFFD000  }
0x1f: {  	[tilespmem:s23], [sflag:$0x2] =	stream.indirect.gather [hbm4b:s5+s19], $0x20, s19, s19, $0xb8;
	[tilespmem:$0x1ED00] =	vst v63  }
0x20: {  	_ = 	snop  }
0x21: {  	[spmem:s1] =	stream.indirect.scatter.add.f32 [tilespmem:s20], [sflag:$0x3], $0x20, s18, s19, $0xb8;
	[tilespmem:$0x1ED00] =	vst v63  }
0x22: {  	_ =	swait.ge [sflag:s24], $0x3000  }
0x23: {  	[sflag:s24] =	ssyncset.done $0x0  }
0x24: {  	s31 =	sadd.s32 $0x18C0, s31;
	[sflag:s24] =	ssyncadd.s32 $0xFFFFD000  }
0x25: {  	[tilespmem:s3], [sflag:$0x5] =	stream.linear.gather [hbm4b:s31+s3], $0x180, $0x38;
	[tilespmem:$0x1ED00] =	vst v63  }
0x26: {  	_ =	swait.ge [sflag:s17], $0x180  }
0x27: {  	[sflag:s17] =	ssyncset.done $0x0  }
0x28: {  	s0 =	sadd.s32 $0x18C0, s30;
	[sflag:s17] =	ssyncadd.s32 $0xFFFFFE80  }
0x29: {  	[tilespmem:s18], [sflag:$0x5] =	stream.linear.gather [hbm4b:s0+s3], $0x180, $0x38;
	[tilespmem:$0x1ED00] =	vst v63  }
0x2a: {  	_ =	swait.ge [sflag:s17], $0x180  }
0x2b: {  	[sflag:s17] =	ssyncset.done $0x0  }
0x2c: {  	[sflag:s17] =	ssyncadd.s32 $0xFFFFFE80  }
0x2d: {  	[tilespmem:s20], [sflag:$0x1] =	stream.indirect.gather [hbm4b:s5+s19], $0x20, s3, s19, $0xb8;
	[tilespmem:$0x1ED00] =	vst v63  }
0x2e: {  	_ =	swait.ge [sflag:s25], $0x3000  }
0x2f: {  	[sflag:s25] =	ssyncset.done $0x0  }
0x30: {  	[sflag:s25] =	ssyncadd.s32 $0xFFFFD000  }
0x31: {  	[spmem:s1] =	stream.indirect.scatter.add.f32 [tilespmem:s23], [sflag:$0x4], $0x20, s21, s19, $0xb8;
	[tilespmem:$0x1ED00] =	vst v63  }
0x32: {  	_ =	swait.ge [sflag:s26], $0x3000  }
0x33: {  	[sflag:s26] =	ssyncset.done $0x0  }
0x34: {  	s29 =	smov.u32 s5;
	[sflag:s26] =	ssyncadd.s32 $0xFFFFD000  }
.LBB2_8:
0x35: {  	[tilespmem:s19], [sflag:$0x5] =	stream.linear.gather [hbm4b:s13+s3], $0x180, $0x38;
	[tilespmem:$0x1ED00] =	vst v63  }
0x36: {  	_ =	swait.ge [sflag:s17], $0x180  }
0x37: {  	[sflag:s17] =	ssyncset.done $0x0  }
0x38: {  	[sflag:s17] =	ssyncadd.s32 $0xFFFFFE80  }
0x39: {  	[tilespmem:s21], [sflag:$0x5] =	stream.linear.gather [hbm4b:s12+s3], $0x180, $0x38;
	[tilespmem:$0x1ED00] =	vst v63  }
0x3a: {  	_ =	swait.ge [sflag:s17], $0x180  }
0x3b: {  	[sflag:s17] =	ssyncset.done $0x0  }
0x3c: {  	[sflag:s17] =	ssyncadd.s32 $0xFFFFFE80  }
0x3d: {  	_ =	swait.ge [sflag:s22], $0x3000  }
0x3e: {  	[sflag:s22] =	ssyncset.done $0x0  }
0x3f: {  	[sflag:s22] =	ssyncadd.s32 $0xFFFFD000  }
0x40: {  	[tilespmem:s23], [sflag:$0x2] =	stream.indirect.gather [hbm4b:s29+s19], $0x20, s19, s19, $0xb8;
	[tilespmem:$0x1ED00] =	vst v63  }
0x41: {  	_ = 	snop  }
0x42: {  	[spmem:s1] =	stream.indirect.scatter.add.f32 [tilespmem:s20], [sflag:$0x3], $0x20, s18, s19, $0xb8;
	[tilespmem:$0x1ED00] =	vst v63  }
0x43: {  	_ =	swait.ge [sflag:s24], $0x3000  }
0x44: {  	[sflag:s24] =	ssyncset.done $0x0  }
0x45: {  	[sflag:s24] =	ssyncadd.s32 $0xFFFFD000  }
0x46: {  	_ =	swait.ge [sflag:s25], $0x3000  }
0x47: {  	[sflag:s25] =	ssyncset.done $0x0  }
0x48: {  	[sflag:s25] =	ssyncadd.s32 $0xFFFFD000  }
0x49: {  	[spmem:s1] =	stream.indirect.scatter.add.f32 [tilespmem:s23], [sflag:$0x4], $0x20, s21, s19, $0xb8;
	[tilespmem:$0x1ED00] =	vst v63  }
0x4a: {  	_ =	swait.ge [sflag:s26], $0x3000  }
0x4b: {  	s28 =	sadd.s32 $0x1, s28;
	[sflag:s26] =	ssyncset.done $0x0  }
0x4c: {  	p1 =	sne.s32 s28, s11;
	[sflag:s26] =	ssyncadd.s32 $0xFFFFD000  }
.Ltmp1:
0x4d: {  	[bflag:$0x0] =	sbarrier.arrive $0xFFFF;
	(pc) =	sbr.rel @!p1 .LBB2_9-.Ltmp1, $4  }
0x4e: {  	[hbm:s10], [sflag:s7] =	dma.local [spmem:s16], $0x30E0  }
0x4f: {  	_ =	swait.ge [sflag:s17], $0x30E0  }
0x50: {  	[sflag:s17] =	ssyncset.done $0x0  }
0x51: {  	[sflag:s17] =	ssyncadd.s32 $0xFFFFCF20  }
.LBB2_1:
0x52: {  	s0 =	rddreg [dreg:$0x3]  }
0x53: {  	[spmem:s16], [sflag:s7] =	dma.local [hbm:s0], $0x30E0  }
0x54: {  	_ =	swait.ge [sflag:s17], $0x30E0  }
0x55: {  	[sflag:s17] =	ssyncset.done $0x0  }
0x56: {  	[sflag:s17] =	ssyncadd.s32 $0xFFFFCF20  }
0x57: {  	[bflag:$0x0] =	sbarrier.arrive $0xFFFF  }
0x58: {  	[tilespmem:s3], [sflag:$0x5] =	stream.linear.gather [hbm4b:s8+s3], $0x180, $0x38;
	[tilespmem:$0x1ED00] =	vst v63  }
0x59: {  	_ =	swait.ge [sflag:s17], $0x180  }
0x5a: {  	[sflag:s17] =	ssyncset.done $0x0  }
.Ltmp2:
0x5b: {  	[sflag:s17] =	ssyncadd.s32 $0xFFFFFE80;
	(pc) =	sbr.rel @!p0 .LBB2_2-.Ltmp2, $4  }
0x5c: {  	[tilespmem:s18], [sflag:$0x5] =	stream.linear.gather [hbm4b:s9+s3], $0x180, $0x38;
	[tilespmem:$0x1ED00] =	vst v63  }
0x5d: {  	_ =	swait.ge [sflag:s17], $0x180  }
0x5e: {  	[sflag:s17] =	ssyncset.done $0x0  }
0x5f: {  	[sflag:s17] =	ssyncadd.s32 $0xFFFFFE80  }
0x60: {  	[tilespmem:s20], [sflag:$0x1] =	stream.indirect.gather [hbm4b:s5+s19], $0x20, s3, s19, $0xb8;
	[tilespmem:$0x1ED00] =	vst v63  }
0x61: {  	s0 =	sadd.s32 $0xFFFFE7A0, s15  }
0x62: {  	s2 =	sadd.s32 $0x1890, s0  }
0x63: {  	[tilespmem:s19], [sflag:$0x5] =	stream.linear.gather [hbm4b:s2+s3], $0x180, $0x38;
	[tilespmem:$0x1ED00] =	vst v63  }
0x64: {  	_ =	swait.ge [sflag:s17], $0x180  }
0x65: {  	s30 =	sadd.s32 $0xFFFFE7A0, s14;
	[sflag:s17] =	ssyncset.done $0x0  }
0x66: {  	s6 =	sadd.s32 $0x1890, s30;
	[sflag:s17] =	ssyncadd.s32 $0xFFFFFE80  }
0x67: {  	[tilespmem:s21], [sflag:$0x5] =	stream.linear.gather [hbm4b:s6+s3], $0x180, $0x38;
	[tilespmem:$0x1ED00] =	vst v63  }
0x68: {  	_ =	swait.ge [sflag:s17], $0x180  }
0x69: {  	[sflag:s17] =	ssyncset.done $0x0  }
0x6a: {  	[sflag:s17] =	ssyncadd.s32 $0xFFFFFE80  }
0x6b: {  	_ =	swait.ge [sflag:s22], $0x3000  }
0x6c: {  	[sflag:s22] =	ssyncset.done $0x0  }
0x6d: {  	[sflag:s22] =	ssyncadd.s32 $0xFFFFD000  }
0x6e: {  	[tilespmem:s23], [sflag:$0x2] =	stream.indirect.gather [hbm4b:s5+s19], $0x20, s19, s19, $0xb8;
	[tilespmem:$0x1ED00] =	vst v63  }
0x6f: {  	_ = 	snop  }
0x70: {  	[spmem:s1] =	stream.indirect.scatter.add.f32 [tilespmem:s20], [sflag:$0x3], $0x20, s18, s19, $0xb8;
	[tilespmem:$0x1ED00] =	vst v63  }
0x71: {  	_ =	swait.ge [sflag:s24], $0x3000  }
0x72: {  	[sflag:s24] =	ssyncset.done $0x0  }
0x73: {  	s0 =	sadd.s32 $0x18C0, s0;
	[sflag:s24] =	ssyncadd.s32 $0xFFFFD000  }
0x74: {  	[tilespmem:s3], [sflag:$0x5] =	stream.linear.gather [hbm4b:s0+s3], $0x180, $0x38;
	[tilespmem:$0x1ED00] =	vst v63  }
0x75: {  	_ =	swait.ge [sflag:s17], $0x180  }
0x76: {  	[sflag:s17] =	ssyncset.done $0x0  }
0x77: {  	s30 =	sadd.s32 $0x18C0, s30;
	[sflag:s17] =	ssyncadd.s32 $0xFFFFFE80  }
0x78: {  	[tilespmem:s18], [sflag:$0x5] =	stream.linear.gather [hbm4b:s30+s3], $0x180, $0x38;
	[tilespmem:$0x1ED00] =	vst v63  }
0x79: {  	_ =	swait.ge [sflag:s17], $0x180  }
0x7a: {  	[sflag:s17] =	ssyncset.done $0x0  }
0x7b: {  	[sflag:s17] =	ssyncadd.s32 $0xFFFFFE80  }
0x7c: {  	[tilespmem:s20], [sflag:$0x1] =	stream.indirect.gather [hbm4b:s5+s19], $0x20, s3, s19, $0xb8;
	[tilespmem:$0x1ED00] =	vst v63  }
0x7d: {  	_ =	swait.ge [sflag:s25], $0x3000  }
0x7e: {  	[sflag:s25] =	ssyncset.done $0x0  }
0x7f: {  	[sflag:s25] =	ssyncadd.s32 $0xFFFFD000  }
0x80: {  	[spmem:s1] =	stream.indirect.scatter.add.f32 [tilespmem:s23], [sflag:$0x4], $0x20, s21, s19, $0xb8;
	[tilespmem:$0x1ED00] =	vst v63  }
0x81: {  	s29 =	simm.s32 $0xFFFFE800;
	_ =	swait.ge [sflag:s26], $0x3000  }
0x82: {  	s31 =	sadd.s32 $0xFFFFE800, s15;
	s0 =	simm.s32 $0xFFFFE860;
	[sflag:s26] =	ssyncset.done $0x0  }
.LBB2_6:
0x83: {  	s2 =	sadd.s32 $0x1890, s31  }
0x84: {  	[sflag:s26] =	ssyncadd.s32 $0xFFFFD000;
	s6 =	smov.u32 s0;
	s30 =	sadd.s32 $0x60, s0  }
0x85: {  	[tilespmem:s19], [sflag:$0x5] =	stream.linear.gather [hbm4b:s2+s3], $0x180, $0x38;
	[tilespmem:$0x1ED00] =	vst v63  }
0x86: {  	p1 =	sne.s32 s0, $0xFFFFFFA0;
	_ =	swait.ge [sflag:s17], $0x180  }
0x87: {  	s0 =	sadd.s32 s29, s14;
	s29 =	smov.u32 s6;
	[sflag:s17] =	ssyncset.done $0x0  }
0x88: {  	s2 =	sadd.s32 $0x1890, s0;
	[sflag:s17] =	ssyncadd.s32 $0xFFFFFE80  }
0x89: {  	[tilespmem:s21], [sflag:$0x5] =	stream.linear.gather [hbm4b:s2+s3], $0x180, $0x38;
	[tilespmem:$0x1ED00] =	vst v63  }
0x8a: {  	_ =	swait.ge [sflag:s17], $0x180  }
0x8b: {  	[sflag:s17] =	ssyncset.done $0x0  }
0x8c: {  	[sflag:s17] =	ssyncadd.s32 $0xFFFFFE80  }
0x8d: {  	_ =	swait.ge [sflag:s22], $0x3000  }
0x8e: {  	[sflag:s22] =	ssyncset.done $0x0  }
0x8f: {  	[sflag:s22] =	ssyncadd.s32 $0xFFFFD000  }
0x90: {  	[tilespmem:s23], [sflag:$0x2] =	stream.indirect.gather [hbm4b:s5+s19], $0x20, s19, s19, $0xb8;
	[tilespmem:$0x1ED00] =	vst v63  }
0x91: {  	_ = 	snop  }
0x92: {  	[spmem:s1] =	stream.indirect.scatter.add.f32 [tilespmem:s20], [sflag:$0x3], $0x20, s18, s19, $0xb8;
	[tilespmem:$0x1ED00] =	vst v63  }
0x93: {  	_ =	swait.ge [sflag:s24], $0x3000  }
0x94: {  	[sflag:s24] =	ssyncset.done $0x0  }
0x95: {  	s2 =	sadd.s32 $0x18C0, s31;
	[sflag:s24] =	ssyncadd.s32 $0xFFFFD000  }
0x96: {  	[tilespmem:s3], [sflag:$0x5] =	stream.linear.gather [hbm4b:s2+s3], $0x180, $0x38;
	[tilespmem:$0x1ED00] =	vst v63  }
0x97: {  	_ =	swait.ge [sflag:s17], $0x180  }
0x98: {  	[sflag:s17] =	ssyncset.done $0x0  }
0x99: {  	s0 =	sadd.s32 $0x18C0, s0;
	[sflag:s17] =	ssyncadd.s32 $0xFFFFFE80  }
0x9a: {  	[tilespmem:s18], [sflag:$0x5] =	stream.linear.gather [hbm4b:s0+s3], $0x180, $0x38;
	[tilespmem:$0x1ED00] =	vst v63  }
0x9b: {  	_ =	swait.ge [sflag:s17], $0x180  }
0x9c: {  	[sflag:s17] =	ssyncset.done $0x0  }
0x9d: {  	[sflag:s17] =	ssyncadd.s32 $0xFFFFFE80  }
0x9e: {  	[tilespmem:s20], [sflag:$0x1] =	stream.indirect.gather [hbm4b:s5+s19], $0x20, s3, s19, $0xb8;
	[tilespmem:$0x1ED00] =	vst v63  }
0x9f: {  	_ =	swait.ge [sflag:s25], $0x3000  }
.Ltmp3:
0xa0: {  	[sflag:s25] =	ssyncset.done $0x0;
	(pc) =	sbr.rel @p1 .LBB2_6-.Ltmp3, $4  }
0xa1: {  	[sflag:s25] =	ssyncadd.s32 $0xFFFFD000  }
0xa2: {  	[spmem:s1] =	stream.indirect.scatter.add.f32 [tilespmem:s23], [sflag:$0x4], $0x20, s21, s19, $0xb8;
	[tilespmem:$0x1ED00] =	vst v63  }
0xa3: {  	_ =	swait.ge [sflag:s26], $0x3000  }
0xa4: {  	s31 =	sadd.s32 s29, s15;
	s0 =	smov.u32 s30;
	[sflag:s26] =	ssyncset.done $0x0  }
.Ltmp4:
0xa5: {  	_ = 	snop;
	(pc) =	sbr.rel .LBB2_7-.Ltmp4, $1  }
0xa6: {  	_ =	sdelay $0x3  }
.LBB2_2:
0xa7: {  	[tilespmem:s20], [sflag:$0x1] =	stream.indirect.gather [hbm4b:s4+s19], $0x20, s3, s19, $0xb8;
	[tilespmem:$0x1ED00] =	vst v63  }
0xa8: {  	s0 =	sadd.s32 $0xFFFFE7A0, s15  }
0xa9: {  	s29 =	sadd.s32 $0x1890, s0  }
0xaa: {  	[tilespmem:s19], [sflag:$0x5] =	stream.linear.gather [hbm4b:s29+s3], $0x180, $0x38;
	[tilespmem:$0x1ED00] =	vst v63  }
0xab: {  	_ =	swait.ge [sflag:s17], $0x180  }
0xac: {  	s29 =	sadd.s32 $0xFFFFE7A0, s14;
	[sflag:s17] =	ssyncset.done $0x0  }
0xad: {  	s30 =	sadd.s32 $0x1890, s29;
	[sflag:s17] =	ssyncadd.s32 $0xFFFFFE80  }
0xae: {  	[tilespmem:s21], [sflag:$0x5] =	stream.linear.gather [hbm4b:s30+s3], $0x180, $0x38;
	[tilespmem:$0x1ED00] =	vst v63  }
0xaf: {  	_ =	swait.ge [sflag:s17], $0x180  }
0xb0: {  	[sflag:s17] =	ssyncset.done $0x0  }
0xb1: {  	[sflag:s17] =	ssyncadd.s32 $0xFFFFFE80  }
0xb2: {  	_ =	swait.ge [sflag:s22], $0x3000  }
0xb3: {  	[sflag:s22] =	ssyncset.done $0x0  }
0xb4: {  	[sflag:s22] =	ssyncadd.s32 $0xFFFFD000  }
0xb5: {  	[tilespmem:s23], [sflag:$0x2] =	stream.indirect.gather [hbm4b:s4+s19], $0x20, s19, s19, $0xb8;
	[tilespmem:$0x1ED00] =	vst v63  }
0xb6: {  	_ = 	snop  }
0xb7: {  	[spmem:s1] =	stream.indirect.scatter.add.f32 [tilespmem:s20], [sflag:$0x3], $0x20, s18, s19, $0xb8;
	[tilespmem:$0x1ED00] =	vst v63  }
0xb8: {  	_ =	swait.ge [sflag:s24], $0x3000  }
0xb9: {  	[sflag:s24] =	ssyncset.done $0x0  }
0xba: {  	s0 =	sadd.s32 $0x18C0, s0;
	[sflag:s24] =	ssyncadd.s32 $0xFFFFD000  }
0xbb: {  	[tilespmem:s3], [sflag:$0x5] =	stream.linear.gather [hbm4b:s0+s3], $0x180, $0x38;
	[tilespmem:$0x1ED00] =	vst v63  }
0xbc: {  	_ =	swait.ge [sflag:s17], $0x180  }
0xbd: {  	[sflag:s17] =	ssyncset.done $0x0  }
0xbe: {  	s6 =	sadd.s32 $0x18C0, s29;
	[sflag:s17] =	ssyncadd.s32 $0xFFFFFE80  }
0xbf: {  	[tilespmem:s18], [sflag:$0x5] =	stream.linear.gather [hbm4b:s6+s3], $0x180, $0x38;
	[tilespmem:$0x1ED00] =	vst v63  }
0xc0: {  	_ =	swait.ge [sflag:s17], $0x180  }
0xc1: {  	[sflag:s17] =	ssyncset.done $0x0  }
0xc2: {  	[sflag:s17] =	ssyncadd.s32 $0xFFFFFE80  }
0xc3: {  	[tilespmem:s20], [sflag:$0x1] =	stream.indirect.gather [hbm4b:s4+s19], $0x20, s3, s19, $0xb8;
	[tilespmem:$0x1ED00] =	vst v63  }
0xc4: {  	_ =	swait.ge [sflag:s25], $0x3000  }
0xc5: {  	[sflag:s25] =	ssyncset.done $0x0  }
0xc6: {  	[sflag:s25] =	ssyncadd.s32 $0xFFFFD000  }
0xc7: {  	[spmem:s1] =	stream.indirect.scatter.add.f32 [tilespmem:s23], [sflag:$0x4], $0x20, s21, s19, $0xb8;
	[tilespmem:$0x1ED00] =	vst v63  }
0xc8: {  	s31 =	sadd.s32 $0xFFFFE800, s15;
	_ =	swait.ge [sflag:s26], $0x3000  }
0xc9: {  	s29 =	simm.s32 $0xFFFFE800;
	s30 =	simm.s32 $0xFFFFE860;
	[sflag:s26] =	ssyncset.done $0x0  }
.LBB2_3:
0xca: {  	s2 =	sadd.s32 $0x1890, s31  }
0xcb: {  	[sflag:s26] =	ssyncadd.s32 $0xFFFFD000;
	s6 =	smov.u32 s30;
	s0 =	sadd.s32 $0x60, s30  }
0xcc: {  	[tilespmem:s19], [sflag:$0x5] =	stream.linear.gather [hbm4b:s2+s3], $0x180, $0x38;
	[tilespmem:$0x1ED00] =	vst v63  }
0xcd: {  	p1 =	seq.s32 s30, $0xFFFFFFA0;
	_ =	swait.ge [sflag:s17], $0x180  }
0xce: {  	s2 =	sadd.s32 s29, s14;
	s29 =	smov.u32 s6;
	[sflag:s17] =	ssyncset.done $0x0  }
0xcf: {  	s6 =	sadd.s32 $0x1890, s2;
	[sflag:s17] =	ssyncadd.s32 $0xFFFFFE80  }
0xd0: {  	[tilespmem:s21], [sflag:$0x5] =	stream.linear.gather [hbm4b:s6+s3], $0x180, $0x38;
	[tilespmem:$0x1ED00] =	vst v63  }
0xd1: {  	_ =	swait.ge [sflag:s17], $0x180  }
0xd2: {  	[sflag:s17] =	ssyncset.done $0x0  }
0xd3: {  	[sflag:s17] =	ssyncadd.s32 $0xFFFFFE80  }
0xd4: {  	_ =	swait.ge [sflag:s22], $0x3000  }
0xd5: {  	[sflag:s22] =	ssyncset.done $0x0  }
0xd6: {  	[sflag:s22] =	ssyncadd.s32 $0xFFFFD000  }
0xd7: {  	[tilespmem:s23], [sflag:$0x2] =	stream.indirect.gather [hbm4b:s4+s19], $0x20, s19, s19, $0xb8;
	[tilespmem:$0x1ED00] =	vst v63  }
0xd8: {  	_ = 	snop  }
0xd9: {  	[spmem:s1] =	stream.indirect.scatter.add.f32 [tilespmem:s20], [sflag:$0x3], $0x20, s18, s19, $0xb8;
	[tilespmem:$0x1ED00] =	vst v63  }
0xda: {  	_ =	swait.ge [sflag:s24], $0x3000  }
0xdb: {  	[sflag:s24] =	ssyncset.done $0x0  }
0xdc: {  	s6 =	sadd.s32 $0x18C0, s31;
	[sflag:s24] =	ssyncadd.s32 $0xFFFFD000  }
0xdd: {  	[tilespmem:s3], [sflag:$0x5] =	stream.linear.gather [hbm4b:s6+s3], $0x180, $0x38;
	[tilespmem:$0x1ED00] =	vst v63  }
0xde: {  	_ =	swait.ge [sflag:s17], $0x180  }
0xdf: {  	[sflag:s17] =	ssyncset.done $0x0  }
0xe0: {  	s2 =	sadd.s32 $0x18C0, s2;
	[sflag:s17] =	ssyncadd.s32 $0xFFFFFE80  }
0xe1: {  	[tilespmem:s18], [sflag:$0x5] =	stream.linear.gather [hbm4b:s2+s3], $0x180, $0x38;
	[tilespmem:$0x1ED00] =	vst v63  }
0xe2: {  	_ =	swait.ge [sflag:s17], $0x180  }
0xe3: {  	[sflag:s17] =	ssyncset.done $0x0  }
0xe4: {  	[sflag:s17] =	ssyncadd.s32 $0xFFFFFE80  }
0xe5: {  	[tilespmem:s20], [sflag:$0x1] =	stream.indirect.gather [hbm4b:s4+s19], $0x20, s3, s19, $0xb8;
	[tilespmem:$0x1ED00] =	vst v63  }
0xe6: {  	_ =	swait.ge [sflag:s25], $0x3000  }
.Ltmp5:
0xe7: {  	[sflag:s25] =	ssyncset.done $0x0;
	(pc) =	sbr.rel @!p1 .LBB2_3-.Ltmp5, $4  }
0xe8: {  	[sflag:s25] =	ssyncadd.s32 $0xFFFFD000  }
0xe9: {  	[spmem:s1] =	stream.indirect.scatter.add.f32 [tilespmem:s23], [sflag:$0x4], $0x20, s21, s19, $0xb8;
	[tilespmem:$0x1ED00] =	vst v63  }
0xea: {  	_ =	swait.ge [sflag:s26], $0x3000  }
0xeb: {  	s30 =	smov.u32 s0;
	s31 =	sadd.s32 s29, s15;
	[sflag:s26] =	ssyncset.done $0x0  }
0xec: {  	s0 =	sadd.s32 $0x1890, s31;
	[sflag:s26] =	ssyncadd.s32 $0xFFFFD000  }
0xed: {  	[tilespmem:s19], [sflag:$0x5] =	stream.linear.gather [hbm4b:s0+s3], $0x180, $0x38;
	[tilespmem:$0x1ED00] =	vst v63  }
0xee: {  	_ =	swait.ge [sflag:s17], $0x180  }
0xef: {  	s30 =	sadd.s32 s29, s14;
	[sflag:s17] =	ssyncset.done $0x0  }
0xf0: {  	s2 =	sadd.s32 $0x1890, s30;
	[sflag:s17] =	ssyncadd.s32 $0xFFFFFE80  }
0xf1: {  	[tilespmem:s21], [sflag:$0x5] =	stream.linear.gather [hbm4b:s2+s3], $0x180, $0x38;
	[tilespmem:$0x1ED00] =	vst v63  }
0xf2: {  	_ =	swait.ge [sflag:s17], $0x180  }
0xf3: {  	[sflag:s17] =	ssyncset.done $0x0  }
0xf4: {  	[sflag:s17] =	ssyncadd.s32 $0xFFFFFE80  }
0xf5: {  	_ =	swait.ge [sflag:s22], $0x3000  }
0xf6: {  	[sflag:s22] =	ssyncset.done $0x0  }
0xf7: {  	[sflag:s22] =	ssyncadd.s32 $0xFFFFD000  }
0xf8: {  	[tilespmem:s23], [sflag:$0x2] =	stream.indirect.gather [hbm4b:s4+s19], $0x20, s19, s19, $0xb8;
	[tilespmem:$0x1ED00] =	vst v63  }
0xf9: {  	_ = 	snop  }
0xfa: {  	[spmem:s1] =	stream.indirect.scatter.add.f32 [tilespmem:s20], [sflag:$0x3], $0x20, s18, s19, $0xb8;
	[tilespmem:$0x1ED00] =	vst v63  }
0xfb: {  	_ =	swait.ge [sflag:s24], $0x3000  }
0xfc: {  	[sflag:s24] =	ssyncset.done $0x0  }
0xfd: {  	s31 =	sadd.s32 $0x18C0, s31;
	[sflag:s24] =	ssyncadd.s32 $0xFFFFD000  }
0xfe: {  	[tilespmem:s3], [sflag:$0x5] =	stream.linear.gather [hbm4b:s31+s3], $0x180, $0x38;
	[tilespmem:$0x1ED00] =	vst v63  }
0xff: {  	_ =	swait.ge [sflag:s17], $0x180  }
0x100: {  	[sflag:s17] =	ssyncset.done $0x0  }
0x101: {  	s0 =	sadd.s32 $0x18C0, s30;
	[sflag:s17] =	ssyncadd.s32 $0xFFFFFE80  }
0x102: {  	[tilespmem:s18], [sflag:$0x5] =	stream.linear.gather [hbm4b:s0+s3], $0x180, $0x38;
	[tilespmem:$0x1ED00] =	vst v63  }
0x103: {  	_ =	swait.ge [sflag:s17], $0x180  }
0x104: {  	[sflag:s17] =	ssyncset.done $0x0  }
0x105: {  	[sflag:s17] =	ssyncadd.s32 $0xFFFFFE80  }
0x106: {  	[tilespmem:s20], [sflag:$0x1] =	stream.indirect.gather [hbm4b:s4+s19], $0x20, s3, s19, $0xb8;
	[tilespmem:$0x1ED00] =	vst v63  }
0x107: {  	_ =	swait.ge [sflag:s25], $0x3000  }
0x108: {  	[sflag:s25] =	ssyncset.done $0x0  }
.Ltmp6:
0x109: {  	[sflag:s25] =	ssyncadd.s32 $0xFFFFD000;
	(pc) =	sbr.rel .LBB2_8-.Ltmp6, $4  }
0x10a: {  	[spmem:s1] =	stream.indirect.scatter.add.f32 [tilespmem:s23], [sflag:$0x4], $0x20, s21, s19, $0xb8;
	[tilespmem:$0x1ED00] =	vst v63  }
0x10b: {  	_ =	swait.ge [sflag:s26], $0x3000  }
0x10c: {  	[sflag:s26] =	ssyncset.done $0x0  }
0x10d: {  	s29 =	smov.u32 s4;
	[sflag:s26] =	ssyncadd.s32 $0xFFFFD000  }
.LBB2_9:
0x10e: {  	_ =	sfence.sel $0x180000  }
0x10f: {  	[bflag:$0x0] =	sbarrier.arrive $0xFFFF  }
0x110: {  	_ =	strace $0x90000047  }
0x111: {  	s0 =	stileid.u32;
	[bflag:$0x2] =	sbarrier.arrive $0xFFFF  }
0x112: {  	p0 =	sne.s32 s0, $0x0;
	s0 =	rddreg [dreg:$0x2]  }
0x113: {  	s0 =	sadd.s32 @!p0 $0x100000, s0  }
0x114: {  	[sflag:s0] =	ssyncadd.tile.s32 @!p0 $0x1;
	_ =	shalt  }
.Lfunc_end2:
_tile_overlayer_lowered:
.L_overlay_start_2:
0x115: {  	(tag) =	ssettag $0x2  }
0x116: {  	s0 =	rddreg [dreg:$0x0];
	s2 =	stileid.u32  }
0x117: {  	s1 =	rddreg [dreg:$0x1];
	p0 =	sne.s32 s2, $0x0  }
0x118: {  	s3 =	rddreg [dreg:$0x2];
	[bflag:$0x3] =	sbarrier.arrive $0xFFFF;
	s2 =	simm.s32 @!p0 $0x1C05  }
0x119: {  	[timem:s3], [sflag:s2] =	dma.local @!p0 [hbm:s0], s1  }
0x11a: {  	s0 =	simm.s32 @!p0 $0x5  }
0x11b: {  	_ =	swait.ge @!p0 [sflag:s0], s1  }
0x11c: {  	s1 =	ssub.s32 @!p0 $0x0, s1;
	[sflag:s0] =	ssyncset.done @!p0 $0x0  }
0x11d: {  	[sflag:s0] =	ssyncadd.s32 @!p0 s1  }
0x11e: {  	[bflag:$0x3] =	sbarrier.arrive $0xFFFF  }
0x11f: {  	_ =	shalt  }

// kernel: kernel.18.cloned.1.call-start
scs
__scs_entry_jumppad:
0x0: {  	(pc) =	sbr.rel $0x88, $3  }
0x1: {  	(tag) =	ssettag $0x0;
	lr =	simm.s32 $0x1  }
0x2: {  	[smem:$0x3F8E] =	sst lr;
	_ =	strace $0xD0000000  }
0x3: {  	_ = 	snop  }
0x4: {  	_ = 	snop  }
0x5: {  	_ = 	snop  }
0x6: {  	_ = 	snop  }
0x7: {  	_ = 	snop  }
__scs_overlays_trampoline_lowered:
0x8: {  	[smem:$0x3F9D] =	sst s0  }
0x9: {  	[smem:$0x3F9E] =	sst s1  }
0xa: {  	[smem:$0x3F9F] =	sst s2  }
0xb: {  	[smem:$0x3FA0] =	sst s3  }
0xc: {  	[smem:$0x3FA1] =	sst s4  }
0xd: {  	[smem:$0x3FA2] =	sst s5  }
0xe: {  	[smem:$0x3FA3] =	sst s6  }
0xf: {  	[smem:$0x3FA4] =	sst s7  }
0x10: {  	[smem:$0x3FA5] =	sst s8  }
0x11: {  	[smem:$0x3FA6] =	sst s9;
	s0 =	simm.s32 @!p0 $0x0  }
0x12: {  	s1 =	sld [smem:$0x3F8C];
	s0 =	simm.s32 @p0 $0x1  }
0x13: {  	[smem:$0x3FA7] =	sst s0;
	s0 =	simm.s32 @!p1 $0x0  }
0x14: {  	s2 =	sld [smem:$0x3F8B];
	s0 =	simm.s32 @p1 $0x1  }
0x15: {  	[smem:$0x3FA8] =	sst s0;
	s0 =	simm.s32 @!p2 $0x0  }
0x16: {  	s3 =	sld [smem:$0x3FDB];
	s0 =	simm.s32 @p2 $0x1  }
0x17: {  	s4 =	simm.s32 $0x1BF5;
	[smem:$0x3FAA] =	sst s0  }
0x18: {  	s0 =	sld [smem:$0x3F8D];
	_ =	swait.ge [sflag:s4], $0x0  }
0x19: {  	s7 =	sld [smem:$0x3F8E]  }
0x1a: {  	s8 =	sadd.s32 $0xFFFFE003, lr  }
0x1b: {  	s9 =	sadd.s32 $0xFFFFFEF7, lr;
	s5 =	simm.s32 $0xFFFFFFFF;
	p2 =	slt.u32 s8, $0xFFFFF086  }
0x1c: {  	p1 =	slt.u32 s9, $0xF7A;
	s5 =	simm.s32 @!p2 $0x0  }
0x1d: {  	s5 =	simm.s32 @p1 $0x1;
	p0 =	seq.s32 s7, s2  }
0x1e: {  	s7 =	smul.u32 @!p0 $0xF7A, s2;
	p2 =	seq.s32 @!p0 s5, $0x0  }
0x1f: {  	s9 =	smul.u32 $0xF7A, s1;
	s8 =	simm.s32 @!p0 $0x1BF5;
	p2 =	por !p2, p0  }
0x20: {  	[sflag:s8] =	ssyncset.s32 @!p0 $0xFFFFF086;
	s6 =	sadd.s32 @!p0 s3, s7;
	s7 =	simm.s32 @!p0 $0x108  }
0x21: {  	s3 =	sadd.s32 s3, s9;
	s6 =	sadd.s32 @!p0 $0x88, s6;
	s7 =	simm.s32 @p2 $0x1082  }
0x22: {  	[simem:s7], [sflag:s8] =	dma.local @!p0 [hbm:s6], $0xF7A  }
0x23: {  	s9 =	sor.u32 $0xD0000000, s2;
	s6 =	simm.s32 $0x108;
	_ =	swait.ge @!p0 [sflag:s8], $0x0  }
0x24: {  	s3 =	sadd.s32 $0x88, s3;
	s6 =	simm.s32 @!p1 $0x1082;
	[sflag:s4] =	ssyncset.s32 $0xFFFFF086  }
0x25: {  	[simem:s6], [sflag:s4] =	dma.local [hbm:s3], $0xF7A  }
0x26: {  	[smem:$0x3F8E] =	sst s1;
	(tag) =	ssettag s2;
	_ =	strace s9  }
0x27: {  	s1 =	sld [smem:$0x3F9E]  }
0x28: {  	s2 =	sld [smem:$0x3F9F]  }
0x29: {  	s4 =	sld [smem:$0x3FA1]  }
0x2a: {  	p0 =	seq.s32 s5, $0x0;
	s5 =	sld [smem:$0x3FA2]  }
0x2b: {  	s6 =	sld [smem:$0x3FA3]  }
0x2c: {  	s7 =	sld [smem:$0x3FA4]  }
0x2d: {  	s3 =	simm.s32 $0x108;
	s8 =	sld [smem:$0x3FA5]  }
0x2e: {  	s3 =	simm.s32 @!p0 $0x1082;
	s9 =	sld [smem:$0x3FA6]  }
0x2f: {  	lr =	sadd.s32 s0, s3;
	s0 =	sld [smem:$0x3F9D]  }
0x30: {  	s3 =	sld [smem:$0x3FA0]  }
0x31: {  	[smem:$0x3FA9] =	sst s10  }
0x32: {  	s10 =	sld [smem:$0x3FA7];
	_ =	sdelay $0x3  }
0x33: {  	p0 =	seq.s32 s10, $0x1;
	s10 =	sld [smem:$0x3FA9];
	_ =	sdelay $0x3  }
0x34: {  	[smem:$0x3FA9] =	sst s10  }
0x35: {  	s10 =	sld [smem:$0x3FA8];
	_ =	sdelay $0x3  }
0x36: {  	p1 =	seq.s32 s10, $0x1;
	s10 =	sld [smem:$0x3FA9];
	_ =	sdelay $0x3  }
0x37: {  	[smem:$0x3FA9] =	sst s10  }
0x38: {  	s10 =	sld [smem:$0x3FAA]  }
0x39: {  	_ = 	snop;
	(pc) =	sbr.ind lr, $3  }
0x3a: {  	_ = 	snop  }
0x3b: {  	_ = 	snop  }
0x3c: {  	p2 =	seq.s32 s10, $0x1;
	s10 =	sld [smem:$0x3FA9]  }
0x3d: {  	_ =	shalt  }
0x3e: {  	_ =	shalt  }
0x3f: {  	_ =	shalt  }
0x40: {  	_ =	shalt  }
0x41: {  	_ =	shalt  }
0x42: {  	_ =	shalt  }
0x43: {  	_ =	shalt  }
0x44: {  	_ =	shalt  }
0x45: {  	_ =	shalt  }
0x46: {  	_ =	shalt  }
0x47: {  	_ =	shalt  }
0x48: {  	_ =	shalt  }
0x49: {  	_ =	shalt  }
0x4a: {  	_ =	shalt  }
0x4b: {  	_ =	shalt  }
0x4c: {  	_ =	shalt  }
0x4d: {  	_ =	shalt  }
0x4e: {  	_ =	shalt  }
0x4f: {  	_ =	shalt  }
0x50: {  	_ =	shalt  }
0x51: {  	_ =	shalt  }
0x52: {  	_ =	shalt  }
0x53: {  	_ =	shalt  }
0x54: {  	_ =	shalt  }
0x55: {  	_ =	shalt  }
0x56: {  	_ =	shalt  }
0x57: {  	_ =	shalt  }
0x58: {  	_ =	shalt  }
0x59: {  	_ =	shalt  }
0x5a: {  	_ =	shalt  }
0x5b: {  	_ =	shalt  }
0x5c: {  	_ =	shalt  }
0x5d: {  	_ =	shalt  }
0x5e: {  	_ =	shalt  }
0x5f: {  	_ =	shalt  }
0x60: {  	_ =	shalt  }
0x61: {  	_ =	shalt  }
0x62: {  	_ =	shalt  }
0x63: {  	_ =	shalt  }
0x64: {  	_ =	shalt  }
0x65: {  	_ =	shalt  }
0x66: {  	_ =	shalt  }
0x67: {  	_ =	shalt  }
0x68: {  	_ =	shalt  }
0x69: {  	_ =	shalt  }
0x6a: {  	_ =	shalt  }
0x6b: {  	_ =	shalt  }
0x6c: {  	_ =	shalt  }
0x6d: {  	_ =	shalt  }
0x6e: {  	_ =	shalt  }
0x6f: {  	_ =	shalt  }
0x70: {  	_ =	shalt  }
0x71: {  	_ =	shalt  }
0x72: {  	_ =	shalt  }
0x73: {  	_ =	shalt  }
0x74: {  	_ =	shalt  }
0x75: {  	_ =	shalt  }
0x76: {  	_ =	shalt  }
0x77: {  	_ =	shalt  }
0x78: {  	_ =	shalt  }
0x79: {  	_ =	shalt  }
0x7a: {  	_ =	shalt  }
0x7b: {  	_ =	shalt  }
0x7c: {  	_ =	shalt  }
0x7d: {  	_ =	shalt  }
0x7e: {  	_ =	shalt  }
0x7f: {  	_ =	shalt  }
0x80: {  	_ =	shalt  }
0x81: {  	_ =	shalt  }
0x82: {  	_ =	shalt  }
0x83: {  	_ =	shalt  }
0x84: {  	_ =	shalt  }
0x85: {  	_ =	shalt  }
0x86: {  	_ =	shalt  }
0x87: {  	_ =	shalt  }
.Lfunc_end0:
.L_simem_size_0:
called_computation.2_lowered:
.L_overlay_start_0:
0x88: {  	s2 =	sld [smem:$0x3FD9]  }
0x89: {  	s3 =	sld [smem:$0x3FFE];
	_ =	sdelay $0x1  }
0x8a: {  	s1 =	srdreg.scid  }
0x8b: {  	s0 =	sand.u32 $0x1, s1  }
0x8c: {  	s17 =	sshll.u32 s0, $0xA;
	s2 =	sadd.s32 s3, s2  }
0x8d: {  	s2 =	sadd.s32 s2, s17  }
0x8e: {  	[smem:$0x3FB5] =	sst s2  }
0x8f: {  	_ = 	snop  }
0x90: {  	(tm) =	ssettm $0x1  }
0x91: {  	s18 =	sld [smem:$0x3FFB];
	_ =	sdelay $0x3  }
0x92: {  	_ =	strace s18  }
0x93: {  	s2 =	sld [smem:$0x3FFC];
	_ =	sdelay $0x3  }
0x94: {  	_ =	strace s2  }
0x95: {  	s2 =	sld [smem:$0x3FFD];
	_ =	sdelay $0x3  }
0x96: {  	_ =	strace s2  }
0x97: {  	_ =	strace $0x8FFFFFFF  }
0x98: {  	s19 =	sld [smem:$0x3FDB];
	_ =	sdelay $0x1  }
0x99: {  	s20 =	simm.s32 $_scs_section_size  }
0x9a: {  	s4 =	simm.s32 $_size__tile_overlayer_lowered;
	s5 =	simm.s32 $_tile_overlayer_lowered  }
0x9b: {  	s6 =	simm.s32 $0x1BFF;
	s21 =	sshll.u32 s5, $0x1;
	s3 =	sadd.s32 s20, s19  }
0x9c: {  	s22 =	simm.s32 $0x0;
	s4 =	sshll.u32 s4, $0x1;
	s5 =	sadd.s32 s21, s3  }
0x9d: {  	[timem:s22], [sflag:s6] =	dma.local [hbm:s5], s4  }
0x9e: {  	_ =	swait.ge [sflag:s6], s4  }
0x9f: {  	s4 =	ssub.s32 $0x0, s4;
	[sflag:s6] =	ssyncset.done $0x0  }
0xa0: {  	[sflag:s6] =	ssyncadd.s32 s4;
	_ =	sdelay $0x1  }
0xa1: {  	s23 =	simm.s32 $0x1B8B  }
0xa2: {  	_ =	swait.ge [sflag:s23], $0x1  }
0xa3: {  	[sflag:s23] =	ssyncset.done $0x0  }
0xa4: {  	[sflag:s23] =	ssyncadd.s32 $0xFFFFFFFF  }
0xa5: {  	s4 =	sld [smem:$0x0]  }
0xa6: {  	s5 =	sand.u32 $0xFFFFFFFE, s1  }
0xa7: {  	p0 =	sne.s32 s1, s5  }
0xa8: {  	s5 =	sshll.u32 @p0 s5, $0xE  }
0xa9: {  	s5 =	sadd.s32 @p0 $0x11B8D, s5;
	s6 =	sshll.u32 @p0 s4, $0x11  }
0xaa: {  	s5 =	sor.u32 @p0 s6, s5  }
0xab: {  	[sflag:s5] =	ssyncadd.remote.s32 @p0 $0x1;
	_ =	sdelay $0x1  }
0xac: {  	s5 =	simm.s32 @p0 $0x1B8D  }
0xad: {  	_ =	swait.eq @p0 [sflag:s5], $0x1  }
0xae: {  	[sflag:s5] =	ssyncadd.s32 @p0 $0xFFFFFFFF  }
0xaf: {  	s6 =	sshll.u32 @!p0 s1, $0xE  }
0xb0: {  	s6 =	sor.u32 @!p0 $0x4000, s6;
	s5 =	simm.s32 @!p0 $0x1B8D  }
0xb1: {  	s4 =	sshll.u32 @!p0 s4, $0x11;
	s6 =	sadd.s32 @!p0 $0x11B8D, s6;
	_ =	swait.eq @!p0 [sflag:s5], $0x1  }
0xb2: {  	s4 =	sor.u32 @!p0 s4, s6;
	[sflag:s5] =	ssyncadd.s32 @!p0 $0xFFFFFFFF  }
0xb3: {  	s25 =	simm.s32 $0x1B8E;
	s24 =	sld [smem:$0x3FFE];
	[sflag:s4] =	ssyncadd.remote.s32 @!p0 $0x1  }
0xb4: {  	s26 =	simm.s32 $execute0_lowered;
	[smem:$0x3FD2] =	sst s25  }
0xb5: {  	s5 =	sshll.u32 s26, $0x1;
	_ =	strace $0x80000049;
	[dreg:$0x1] =	wrdreg $0xFFFFFFFF  }
0xb6: {  	s28 =	simm.s32 $_size_execute0_lowered;
	s3 =	sadd.s32 s3, s5;
	[dreg:$0x0] =	wrdreg $0x0  }
0xb7: {  	s5 =	sshll.u32 s28, $0x1;
	[dreg:$0x2] =	wrdreg s3  }
0xb8: {  	[dreg:$0x3] =	wrdreg s5  }
0xb9: {  	[dreg:$0x4] =	wrdreg $0xC0  }
0xba: {  	_ =	task [dreg:s22], $0x5FFFF  }
0xbb: {  	[dreg:$0x1] =	wrdreg $0xFFFFFFFF  }
0xbc: {  	[dreg:$0x0] =	wrdreg $0x60  }
0xbd: {  	[dreg:$0x2] =	wrdreg s24  }
0xbe: {  	[dreg:$0x3] =	wrdreg $0x129000  }
0xbf: {  	[dreg:$0x4] =	wrdreg $0xB  }
0xc0: {  	_ =	task.clear_ibuf [dreg:s22], $0x5FFFF;
	_ =	strace $0x90000049  }
0xc1: {  	s29 =	simm.s32 $0xB;
	_ =	strace $0x8000004B  }
0xc2: {  	_ =	swait.ge [sflag:s29], $0x1  }
0xc3: {  	[sflag:s29] =	ssyncadd.s32 $0xFFFFFFFF  }
0xc4: {  	_ =	strace $0x9000004B  }
0xc5: {  	_ =	sfence  }
0xc6: {  	s30 =	sld [smem:$0x0];
	_ =	sdelay $0x2  }
0xc7: {  	s31 =	sshll.u32 s1, $0xD;
	s1 =	sshrl.u32 s1, $0x2  }
0xc8: {  	s4 =	sand.u32 $0x4000, s31;
	s1 =	sadd.s32 s1, s30  }
0xc9: {  	s0 =	sor.u32 s4, s0;
	s1 =	sshll.u32 s1, $0x11  }
0xca: {  	s0 =	sor.u32 s1, s0  }
0xcb: {  	s0 =	sadd.s32 $0x8F2B, s0  }
0xcc: {  	[sflag:s0] =	ssyncadd.remote.s32 $0x1  }
0xcd: {  	_ =	sfence.sel $0xFFFF  }
0xce: {  	[dreg:$0x0] =	wrdreg $0xFFFFFFFF;
	(pc) =	sbr.abs _section_cstart, $3  }
0xcf: {  	[dreg:$0x1] =	wrdreg $0xFFFFFFFF  }
0xd0: {  	_ =	task.clear_ibuf [dreg:s22], $0x2FFFF;
	_ =	strace $0x9FFFFFFF  }
0xd1: {  	(tm) =	ssettm $0x7FFFFFFF  }
tec
execute0_lowered:
.L_overlay_start_1:
0x0: {  	(tag) =	ssettag $0x1  }
0x1: {  	s0 =	rddreg [dreg:$0x0]  }
0x2: {  	s1 =	rddreg [dreg:$0x1];
	s3 =	simm.s32 $0x0  }
0x3: {  	s2 =	srdreg.scid;
	s14 =	stileid.u32;
	s19 =	simm.s32 $0x5  }
0x4: {  	s20 =	simm.s32 $0x1080;
	s21 =	simm.s32 $0x840;
	s28 =	simm.s32 $0x2  }
0x5: {  	s29 =	simm.s32 $0x4;
	s30 =	simm.s32 $0x0;
	[smem:$0x7FF] =	sst s3  }
0x6: {  	s4 =	sadd.s32 $0x40DC00, s0;
	s2 =	sand.u32 $0x1, s2;
	s5 =	sadd.s32 $0x2CCC00, s0  }
0x7: {  	s7 =	smul.u32 $0xC380, s14;
	s6 =	sadd.s32 $0x2B4000, s0;
	s9 =	sadd.s32 $0x426400, s0  }
0x8: {  	s23 =	sshll.u32 s14, $0x6;
	_ =	strace $0x8000004A;
	s8 =	smul.u32 $0xC3800, s2  }
0x9: {  	[dreg:$0x3] =	wrdreg s9;
	s22 =	sshll.u32 s2, $0x4;
	s10 =	ssub.s32 $0x2, s2  }
0xa: {  	s2 =	smul.u32 $0x63000, s2;
	s9 =	sor.u32 s14, s22;
	s11 =	sshrl.u32 s10, $0x1  }
0xb: {  	s14 =	smul.u32 $0x6300, s14;
	s22 =	simm.s32 $0x2100;
	s8 =	sadd.s32 s7, s8  }
0xc: {  	s9 =	smul.u32 $0x6300, s9;
	s12 =	ssub.s32 s10, s11;
	s7 =	sadd.s32 s7, s1  }
0xd: {  	s8 =	sshrl.u32 s8, $0x3;
	s25 =	sadd.s32 s14, s2;
	s12 =	smax.u32 s12, $0x1  }
0xe: {  	s18 =	sshrl.u32 s7, $0x3;
	s0 =	sadd.s32 s8, s0;
	s13 =	sshrl.u32 s9, $0x3  }
0xf: {  	s8 =	sor.u32 $0x1C05, s23;
	s15 =	sadd.s32 $0x840, s25;
	s23 =	simm.s32 $0x18C0  }
0x10: {  	s9 =	sadd.s32 s5, s13;
	s24 =	sadd.s32 s6, s13;
	s11 =	sadd.s32 $0x427E00, s0  }
0x11: {  	s26 =	sadd.s32 $0xB58, s13;
	s31 =	sshrl.u32 s15, $0x3;
	[dreg:$0x4] =	wrdreg s9  }
0x12: {  	s15 =	sadd.s32 $0x1080, s25;
	s25 =	simm.s32 $0xA500;
	[dreg:$0x5] =	wrdreg s24  }
0x13: {  	s13 =	sadd.s32 s5, s26;
	s14 =	sadd.s32 s6, s26;
	s16 =	sadd.s32 s31, s6  }
0x14: {  	s17 =	sadd.s32 s31, s5;
	s24 =	simm.s32 $0x1;
	s26 =	simm.s32 $0x3  }
.LBB2_1:
0x15: {  	s0 =	rddreg [dreg:$0x3]  }
0x16: {  	[spmem:s18], [sflag:s8] =	dma.local [hbm:s0], $0x1870  }
0x17: {  	_ =	swait.ge [sflag:s19], $0x1870  }
0x18: {  	[sflag:s19] =	ssyncset.done $0x0  }
0x19: {  	[sflag:s19] =	ssyncadd.s32 $0xFFFFE790  }
0x1a: {  	[bflag:$0x0] =	sbarrier.arrive $0xFFFF  }
0x1b: {  	s10 =	rddreg [dreg:$0x4]  }
0x1c: {  	[tilespmem:s3], [sflag:$0x5] =	stream.linear.gather [hbm4b:s10+s3], $0x840, $0x38;
	[tilespmem:$0x1EC80] =	vst v63  }
0x1d: {  	_ =	swait.ge [sflag:s19], $0x840  }
0x1e: {  	[sflag:s19] =	ssyncset.done $0x0  }
0x1f: {  	s2 =	rddreg [dreg:$0x5];
	[sflag:s19] =	ssyncadd.s32 $0xFFFFF7C0  }
0x20: {  	[tilespmem:s20], [sflag:$0x5] =	stream.linear.gather [hbm4b:s2+s3], $0x840, $0x38;
	[tilespmem:$0x1EC80] =	vst v63  }
0x21: {  	_ =	swait.ge [sflag:s19], $0x840  }
0x22: {  	[sflag:s19] =	ssyncset.done $0x0  }
0x23: {  	[sflag:s19] =	ssyncadd.s32 $0xFFFFF7C0  }
0x24: {  	[tilespmem:s22], [sflag:$0x1] =	stream.indirect.gather [hbm4b:s4+s21], $0x10, s3, s21, $0xb8;
	[tilespmem:$0x1EC80] =	vst v63  }
0x25: {  	s7 =	sadd.s32 $0x0, s17  }
0x26: {  	[tilespmem:s21], [sflag:$0x5] =	stream.linear.gather [hbm4b:s7+s3], $0x840, $0x38;
	[tilespmem:$0x1EC80] =	vst v63  }
0x27: {  	_ =	swait.ge [sflag:s19], $0x840  }
0x28: {  	[sflag:s19] =	ssyncset.done $0x0  }
0x29: {  	s9 =	sadd.s32 $0x0, s16;
	[sflag:s19] =	ssyncadd.s32 $0xFFFFF7C0  }
0x2a: {  	[tilespmem:s23], [sflag:$0x5] =	stream.linear.gather [hbm4b:s9+s3], $0x840, $0x38;
	[tilespmem:$0x1EC80] =	vst v63  }
0x2b: {  	_ =	swait.ge [sflag:s19], $0x840  }
0x2c: {  	[sflag:s19] =	ssyncset.done $0x0  }
0x2d: {  	[sflag:s19] =	ssyncadd.s32 $0xFFFFF7C0  }
0x2e: {  	_ =	swait.ge [sflag:s24], $0x8400  }
0x2f: {  	[sflag:s24] =	ssyncset.done $0x0  }
0x30: {  	[sflag:s24] =	ssyncadd.s32 $0xFFFF7C00  }
0x31: {  	[tilespmem:s25], [sflag:$0x2] =	stream.indirect.gather [hbm4b:s4+s21], $0x10, s21, s21, $0xb8;
	[tilespmem:$0x1EC80] =	vst v63  }
0x32: {  	_ = 	snop  }
0x33: {  	[spmem:s1] =	stream.indirect.scatter.add.f32 [tilespmem:s22], [sflag:$0x3], $0x10, s20, s21, $0xb8;
	[tilespmem:$0x1EC80] =	vst v63  }
0x34: {  	_ =	swait.ge [sflag:s26], $0x8400  }
0x35: {  	s10 =	sshrl.u32 s15, $0x3;
	[sflag:s26] =	ssyncset.done $0x0  }
0x36: {  	s2 =	sadd.s32 s5, s10;
	[sflag:s26] =	ssyncadd.s32 $0xFFFF7C00  }
0x37: {  	[tilespmem:s3], [sflag:$0x5] =	stream.linear.gather [hbm4b:s2+s3], $0x840, $0x38;
	[tilespmem:$0x1EC80] =	vst v63  }
0x38: {  	_ =	swait.ge [sflag:s19], $0x840  }
0x39: {  	[sflag:s19] =	ssyncset.done $0x0  }
0x3a: {  	s0 =	sadd.s32 s6, s10;
	[sflag:s19] =	ssyncadd.s32 $0xFFFFF7C0  }
0x3b: {  	[tilespmem:s20], [sflag:$0x5] =	stream.linear.gather [hbm4b:s0+s3], $0x840, $0x38;
	[tilespmem:$0x1EC80] =	vst v63  }
0x3c: {  	_ =	swait.ge [sflag:s19], $0x840  }
0x3d: {  	[sflag:s19] =	ssyncset.done $0x0  }
0x3e: {  	[sflag:s19] =	ssyncadd.s32 $0xFFFFF7C0  }
0x3f: {  	[tilespmem:s22], [sflag:$0x1] =	stream.indirect.gather [hbm4b:s4+s21], $0x10, s3, s21, $0xb8;
	[tilespmem:$0x1EC80] =	vst v63  }
0x40: {  	_ =	swait.ge [sflag:s28], $0x8400  }
0x41: {  	[sflag:s28] =	ssyncset.done $0x0  }
0x42: {  	[sflag:s28] =	ssyncadd.s32 $0xFFFF7C00  }
0x43: {  	[spmem:s1] =	stream.indirect.scatter.add.f32 [tilespmem:s25], [sflag:$0x4], $0x10, s23, s21, $0xb8;
	[tilespmem:$0x1EC80] =	vst v63  }
0x44: {  	s31 =	sadd.s32 $0x1080, s15;
	_ =	swait.ge [sflag:s29], $0x8400  }
0x45: {  	s2 =	simm.s32 $0x420;
	s0 =	simm.s32 $0x210;
	[sflag:s29] =	ssyncset.done $0x0  }
.LBB2_2:
0x46: {  	s9 =	sadd.s32 s0, s17  }
0x47: {  	[sflag:s29] =	ssyncadd.s32 $0xFFFF7C00;
	s10 =	smov.u32 s2;
	s7 =	sadd.s32 $0x210, s2  }
0x48: {  	[tilespmem:s21], [sflag:$0x5] =	stream.linear.gather [hbm4b:s9+s3], $0x840, $0x38;
	[tilespmem:$0x1EC80] =	vst v63  }
0x49: {  	p0 =	sne.s32 s2, $0x840;
	_ =	swait.ge [sflag:s19], $0x840  }
0x4a: {  	[sflag:s19] =	ssyncset.done $0x0  }
0x4b: {  	s2 =	sadd.s32 s0, s16;
	s0 =	smov.u32 s10;
	[sflag:s19] =	ssyncadd.s32 $0xFFFFF7C0  }
0x4c: {  	[tilespmem:s23], [sflag:$0x5] =	stream.linear.gather [hbm4b:s2+s3], $0x840, $0x38;
	[tilespmem:$0x1EC80] =	vst v63  }
0x4d: {  	_ =	swait.ge [sflag:s19], $0x840  }
0x4e: {  	[sflag:s19] =	ssyncset.done $0x0  }
0x4f: {  	[sflag:s19] =	ssyncadd.s32 $0xFFFFF7C0  }
0x50: {  	_ =	swait.ge [sflag:s24], $0x8400  }
0x51: {  	[sflag:s24] =	ssyncset.done $0x0  }
0x52: {  	[sflag:s24] =	ssyncadd.s32 $0xFFFF7C00  }
0x53: {  	[tilespmem:s25], [sflag:$0x2] =	stream.indirect.gather [hbm4b:s4+s21], $0x10, s21, s21, $0xb8;
	[tilespmem:$0x1EC80] =	vst v63  }
0x54: {  	_ = 	snop  }
0x55: {  	[spmem:s1] =	stream.indirect.scatter.add.f32 [tilespmem:s22], [sflag:$0x3], $0x10, s20, s21, $0xb8;
	[tilespmem:$0x1EC80] =	vst v63  }
0x56: {  	_ =	swait.ge [sflag:s26], $0x8400  }
0x57: {  	s2 =	sshrl.u32 s31, $0x3;
	[sflag:s26] =	ssyncset.done $0x0  }
0x58: {  	s9 =	sadd.s32 s5, s2;
	[sflag:s26] =	ssyncadd.s32 $0xFFFF7C00  }
0x59: {  	[tilespmem:s3], [sflag:$0x5] =	stream.linear.gather [hbm4b:s9+s3], $0x840, $0x38;
	[tilespmem:$0x1EC80] =	vst v63  }
0x5a: {  	_ =	swait.ge [sflag:s19], $0x840  }
0x5b: {  	[sflag:s19] =	ssyncset.done $0x0  }
0x5c: {  	s2 =	sadd.s32 s6, s2;
	[sflag:s19] =	ssyncadd.s32 $0xFFFFF7C0  }
0x5d: {  	[tilespmem:s20], [sflag:$0x5] =	stream.linear.gather [hbm4b:s2+s3], $0x840, $0x38;
	[tilespmem:$0x1EC80] =	vst v63  }
0x5e: {  	_ =	swait.ge [sflag:s19], $0x840  }
0x5f: {  	[sflag:s19] =	ssyncset.done $0x0  }
0x60: {  	[sflag:s19] =	ssyncadd.s32 $0xFFFFF7C0  }
0x61: {  	[tilespmem:s22], [sflag:$0x1] =	stream.indirect.gather [hbm4b:s4+s21], $0x10, s3, s21, $0xb8;
	[tilespmem:$0x1EC80] =	vst v63  }
0x62: {  	_ =	swait.ge [sflag:s28], $0x8400  }
.Ltmp0:
0x63: {  	[sflag:s28] =	ssyncset.done $0x0;
	(pc) =	sbr.rel @p0 .LBB2_2-.Ltmp0, $4  }
0x64: {  	[sflag:s28] =	ssyncadd.s32 $0xFFFF7C00  }
0x65: {  	[spmem:s1] =	stream.indirect.scatter.add.f32 [tilespmem:s25], [sflag:$0x4], $0x10, s23, s21, $0xb8;
	[tilespmem:$0x1EC80] =	vst v63  }
0x66: {  	_ =	swait.ge [sflag:s29], $0x8400  }
0x67: {  	s31 =	sadd.s32 $0x1080, s31;
	s2 =	smov.u32 s7;
	[sflag:s29] =	ssyncset.done $0x0  }
0x68: {  	s2 =	sadd.s32 s0, s17;
	[sflag:s29] =	ssyncadd.s32 $0xFFFF7C00  }
0x69: {  	[tilespmem:s21], [sflag:$0x5] =	stream.linear.gather [hbm4b:s2+s3], $0x840, $0x38;
	[tilespmem:$0x1EC80] =	vst v63  }
0x6a: {  	_ =	swait.ge [sflag:s19], $0x840  }
0x6b: {  	[sflag:s19] =	ssyncset.done $0x0  }
0x6c: {  	s9 =	sadd.s32 s0, s16;
	[sflag:s19] =	ssyncadd.s32 $0xFFFFF7C0  }
0x6d: {  	[tilespmem:s23], [sflag:$0x5] =	stream.linear.gather [hbm4b:s9+s3], $0x840, $0x38;
	[tilespmem:$0x1EC80] =	vst v63  }
0x6e: {  	_ =	swait.ge [sflag:s19], $0x840  }
0x6f: {  	[sflag:s19] =	ssyncset.done $0x0  }
0x70: {  	[sflag:s19] =	ssyncadd.s32 $0xFFFFF7C0  }
0x71: {  	_ =	swait.ge [sflag:s24], $0x8400  }
0x72: {  	[sflag:s24] =	ssyncset.done $0x0  }
0x73: {  	[sflag:s24] =	ssyncadd.s32 $0xFFFF7C00  }
0x74: {  	[tilespmem:s25], [sflag:$0x2] =	stream.indirect.gather [hbm4b:s4+s21], $0x10, s21, s21, $0xb8;
	[tilespmem:$0x1EC80] =	vst v63  }
0x75: {  	_ = 	snop  }
0x76: {  	[spmem:s1] =	stream.indirect.scatter.add.f32 [tilespmem:s22], [sflag:$0x3], $0x10, s20, s21, $0xb8;
	[tilespmem:$0x1EC80] =	vst v63  }
0x77: {  	_ =	swait.ge [sflag:s26], $0x8400  }
0x78: {  	s10 =	sshrl.u32 s31, $0x3;
	[sflag:s26] =	ssyncset.done $0x0  }
0x79: {  	s31 =	sadd.s32 s5, s10;
	[sflag:s26] =	ssyncadd.s32 $0xFFFF7C00  }
0x7a: {  	[tilespmem:s3], [sflag:$0x5] =	stream.linear.gather [hbm4b:s31+s3], $0x840, $0x38;
	[tilespmem:$0x1EC80] =	vst v63  }
0x7b: {  	_ =	swait.ge [sflag:s19], $0x840  }
0x7c: {  	[sflag:s19] =	ssyncset.done $0x0  }
0x7d: {  	s0 =	sadd.s32 s6, s10;
	[sflag:s19] =	ssyncadd.s32 $0xFFFFF7C0  }
0x7e: {  	[tilespmem:s20], [sflag:$0x5] =	stream.linear.gather [hbm4b:s0+s3], $0x840, $0x38;
	[tilespmem:$0x1EC80] =	vst v63  }
0x7f: {  	_ =	swait.ge [sflag:s19], $0x840  }
0x80: {  	[sflag:s19] =	ssyncset.done $0x0  }
0x81: {  	[sflag:s19] =	ssyncadd.s32 $0xFFFFF7C0  }
0x82: {  	[tilespmem:s22], [sflag:$0x1] =	stream.indirect.gather [hbm4b:s4+s21], $0x10, s3, s21, $0xb8;
	[tilespmem:$0x1EC80] =	vst v63  }
0x83: {  	_ =	swait.ge [sflag:s28], $0x8400  }
0x84: {  	[sflag:s28] =	ssyncset.done $0x0  }
0x85: {  	[sflag:s28] =	ssyncadd.s32 $0xFFFF7C00  }
0x86: {  	[spmem:s1] =	stream.indirect.scatter.add.f32 [tilespmem:s25], [sflag:$0x4], $0x10, s23, s21, $0xb8;
	[tilespmem:$0x1EC80] =	vst v63  }
0x87: {  	_ =	swait.ge [sflag:s29], $0x8400  }
0x88: {  	[sflag:s29] =	ssyncset.done $0x0  }
0x89: {  	[sflag:s29] =	ssyncadd.s32 $0xFFFF7C00  }
0x8a: {  	[tilespmem:s21], [sflag:$0x5] =	stream.linear.gather [hbm4b:s13+s3], $0x840, $0x38;
	[tilespmem:$0x1EC80] =	vst v63  }
0x8b: {  	_ =	swait.ge [sflag:s19], $0x840  }
0x8c: {  	[sflag:s19] =	ssyncset.done $0x0  }
0x8d: {  	[sflag:s19] =	ssyncadd.s32 $0xFFFFF7C0  }
0x8e: {  	[tilespmem:s23], [sflag:$0x5] =	stream.linear.gather [hbm4b:s14+s3], $0x840, $0x38;
	[tilespmem:$0x1EC80] =	vst v63  }
0x8f: {  	_ =	swait.ge [sflag:s19], $0x840  }
0x90: {  	[sflag:s19] =	ssyncset.done $0x0  }
0x91: {  	[sflag:s19] =	ssyncadd.s32 $0xFFFFF7C0  }
0x92: {  	_ =	swait.ge [sflag:s24], $0x8400  }
0x93: {  	[sflag:s24] =	ssyncset.done $0x0  }
0x94: {  	[sflag:s24] =	ssyncadd.s32 $0xFFFF7C00  }
0x95: {  	[tilespmem:s25], [sflag:$0x2] =	stream.indirect.gather [hbm4b:s4+s21], $0x10, s21, s21, $0xb8;
	[tilespmem:$0x1EC80] =	vst v63  }
0x96: {  	_ = 	snop  }
0x97: {  	[spmem:s1] =	stream.indirect.scatter.add.f32 [tilespmem:s22], [sflag:$0x3], $0x10, s20, s21, $0xb8;
	[tilespmem:$0x1EC80] =	vst v63  }
0x98: {  	_ =	swait.ge [sflag:s26], $0x8400  }
0x99: {  	[sflag:s26] =	ssyncset.done $0x0  }
0x9a: {  	[sflag:s26] =	ssyncadd.s32 $0xFFFF7C00  }
0x9b: {  	_ =	swait.ge [sflag:s28], $0x8400  }
0x9c: {  	[sflag:s28] =	ssyncset.done $0x0  }
0x9d: {  	[sflag:s28] =	ssyncadd.s32 $0xFFFF7C00  }
0x9e: {  	[spmem:s1] =	stream.indirect.scatter.add.f32 [tilespmem:s25], [sflag:$0x4], $0x10, s23, s21, $0xb8;
	[tilespmem:$0x1EC80] =	vst v63  }
0x9f: {  	_ =	swait.ge [sflag:s29], $0x8400  }
0xa0: {  	s30 =	sadd.s32 $0x1, s30;
	[sflag:s29] =	ssyncset.done $0x0  }
0xa1: {  	p0 =	sne.s32 s30, s12;
	[sflag:s29] =	ssyncadd.s32 $0xFFFF7C00  }
.Ltmp1:
0xa2: {  	[bflag:$0x0] =	sbarrier.arrive $0xFFFF;
	(pc) =	sbr.rel @p0 .LBB2_1-.Ltmp1, $4  }
0xa3: {  	[hbm:s11], [sflag:s8] =	dma.local [spmem:s18], $0x1870  }
0xa4: {  	_ =	swait.ge [sflag:s19], $0x1870  }
0xa5: {  	[sflag:s19] =	ssyncset.done $0x0  }
0xa6: {  	[sflag:s19] =	ssyncadd.s32 $0xFFFFE790  }
0xa7: {  	_ =	sfence.sel $0x180000  }
0xa8: {  	[bflag:$0x0] =	sbarrier.arrive $0xFFFF  }
0xa9: {  	_ =	strace $0x9000004A  }
0xaa: {  	s0 =	stileid.u32;
	[bflag:$0x2] =	sbarrier.arrive $0xFFFF  }
0xab: {  	p0 =	sne.s32 s0, $0x0;
	s0 =	rddreg [dreg:$0x2]  }
0xac: {  	s0 =	sadd.s32 @!p0 $0x100000, s0  }
0xad: {  	[sflag:s0] =	ssyncadd.tile.s32 @!p0 $0x1;
	_ =	shalt  }
.Lfunc_end2:
_tile_overlayer_lowered:
.L_overlay_start_2:
0xae: {  	(tag) =	ssettag $0x2  }
0xaf: {  	s0 =	rddreg [dreg:$0x0];
	s2 =	stileid.u32  }
0xb0: {  	s1 =	rddreg [dreg:$0x1];
	p0 =	sne.s32 s2, $0x0  }
0xb1: {  	s3 =	rddreg [dreg:$0x2];
	[bflag:$0x3] =	sbarrier.arrive $0xFFFF;
	s2 =	simm.s32 @!p0 $0x1C05  }
0xb2: {  	[timem:s3], [sflag:s2] =	dma.local @!p0 [hbm:s0], s1  }
0xb3: {  	s0 =	simm.s32 @!p0 $0x5  }
0xb4: {  	_ =	swait.ge @!p0 [sflag:s0], s1  }
0xb5: {  	s1 =	ssub.s32 @!p0 $0x0, s1;
	[sflag:s0] =	ssyncset.done @!p0 $0x0  }
0xb6: {  	[sflag:s0] =	ssyncadd.s32 @!p0 s1  }
0xb7: {  	[bflag:$0x3] =	sbarrier.arrive $0xFFFF  }
0xb8: {  	_ =	shalt  }

// kernel: kernel.21.cloned.1.call-start
scs
__scs_entry_jumppad:
0x0: {  	(pc) =	sbr.rel $0x88, $3  }
0x1: {  	(tag) =	ssettag $0x0;
	lr =	simm.s32 $0x1  }
0x2: {  	[smem:$0x3F8E] =	sst lr;
	_ =	strace $0xD0000000  }
0x3: {  	_ = 	snop  }
0x4: {  	_ = 	snop  }
0x5: {  	_ = 	snop  }
0x6: {  	_ = 	snop  }
0x7: {  	_ = 	snop  }
__scs_overlays_trampoline_lowered:
0x8: {  	[smem:$0x3F9D] =	sst s0  }
0x9: {  	[smem:$0x3F9E] =	sst s1  }
0xa: {  	[smem:$0x3F9F] =	sst s2  }
0xb: {  	[smem:$0x3FA0] =	sst s3  }
0xc: {  	[smem:$0x3FA1] =	sst s4  }
0xd: {  	[smem:$0x3FA2] =	sst s5  }
0xe: {  	[smem:$0x3FA3] =	sst s6  }
0xf: {  	[smem:$0x3FA4] =	sst s7  }
0x10: {  	[smem:$0x3FA5] =	sst s8  }
0x11: {  	[smem:$0x3FA6] =	sst s9;
	s0 =	simm.s32 @!p0 $0x0  }
0x12: {  	s1 =	sld [smem:$0x3F8C];
	s0 =	simm.s32 @p0 $0x1  }
0x13: {  	[smem:$0x3FA7] =	sst s0;
	s0 =	simm.s32 @!p1 $0x0  }
0x14: {  	s2 =	sld [smem:$0x3F8B];
	s0 =	simm.s32 @p1 $0x1  }
0x15: {  	[smem:$0x3FA8] =	sst s0;
	s0 =	simm.s32 @!p2 $0x0  }
0x16: {  	s3 =	sld [smem:$0x3FDB];
	s0 =	simm.s32 @p2 $0x1  }
0x17: {  	s4 =	simm.s32 $0x1BF5;
	[smem:$0x3FAA] =	sst s0  }
0x18: {  	s0 =	sld [smem:$0x3F8D];
	_ =	swait.ge [sflag:s4], $0x0  }
0x19: {  	s7 =	sld [smem:$0x3F8E]  }
0x1a: {  	s8 =	sadd.s32 $0xFFFFE003, lr  }
0x1b: {  	s9 =	sadd.s32 $0xFFFFFEF7, lr;
	s5 =	simm.s32 $0xFFFFFFFF;
	p2 =	slt.u32 s8, $0xFFFFF086  }
0x1c: {  	p1 =	slt.u32 s9, $0xF7A;
	s5 =	simm.s32 @!p2 $0x0  }
0x1d: {  	s5 =	simm.s32 @p1 $0x1;
	p0 =	seq.s32 s7, s2  }
0x1e: {  	s7 =	smul.u32 @!p0 $0xF7A, s2;
	p2 =	seq.s32 @!p0 s5, $0x0  }
0x1f: {  	s9 =	smul.u32 $0xF7A, s1;
	s8 =	simm.s32 @!p0 $0x1BF5;
	p2 =	por !p2, p0  }
0x20: {  	[sflag:s8] =	ssyncset.s32 @!p0 $0xFFFFF086;
	s6 =	sadd.s32 @!p0 s3, s7;
	s7 =	simm.s32 @!p0 $0x108  }
0x21: {  	s3 =	sadd.s32 s3, s9;
	s6 =	sadd.s32 @!p0 $0x88, s6;
	s7 =	simm.s32 @p2 $0x1082  }
0x22: {  	[simem:s7], [sflag:s8] =	dma.local @!p0 [hbm:s6], $0xF7A  }
0x23: {  	s9 =	sor.u32 $0xD0000000, s2;
	s6 =	simm.s32 $0x108;
	_ =	swait.ge @!p0 [sflag:s8], $0x0  }
0x24: {  	s3 =	sadd.s32 $0x88, s3;
	s6 =	simm.s32 @!p1 $0x1082;
	[sflag:s4] =	ssyncset.s32 $0xFFFFF086  }
0x25: {  	[simem:s6], [sflag:s4] =	dma.local [hbm:s3], $0xF7A  }
0x26: {  	[smem:$0x3F8E] =	sst s1;
	(tag) =	ssettag s2;
	_ =	strace s9  }
0x27: {  	s1 =	sld [smem:$0x3F9E]  }
0x28: {  	s2 =	sld [smem:$0x3F9F]  }
0x29: {  	s4 =	sld [smem:$0x3FA1]  }
0x2a: {  	p0 =	seq.s32 s5, $0x0;
	s5 =	sld [smem:$0x3FA2]  }
0x2b: {  	s6 =	sld [smem:$0x3FA3]  }
0x2c: {  	s7 =	sld [smem:$0x3FA4]  }
0x2d: {  	s3 =	simm.s32 $0x108;
	s8 =	sld [smem:$0x3FA5]  }
0x2e: {  	s3 =	simm.s32 @!p0 $0x1082;
	s9 =	sld [smem:$0x3FA6]  }
0x2f: {  	lr =	sadd.s32 s0, s3;
	s0 =	sld [smem:$0x3F9D]  }
0x30: {  	s3 =	sld [smem:$0x3FA0]  }
0x31: {  	[smem:$0x3FA9] =	sst s10  }
0x32: {  	s10 =	sld [smem:$0x3FA7];
	_ =	sdelay $0x3  }
0x33: {  	p0 =	seq.s32 s10, $0x1;
	s10 =	sld [smem:$0x3FA9];
	_ =	sdelay $0x3  }
0x34: {  	[smem:$0x3FA9] =	sst s10  }
0x35: {  	s10 =	sld [smem:$0x3FA8];
	_ =	sdelay $0x3  }
0x36: {  	p1 =	seq.s32 s10, $0x1;
	s10 =	sld [smem:$0x3FA9];
	_ =	sdelay $0x3  }
0x37: {  	[smem:$0x3FA9] =	sst s10  }
0x38: {  	s10 =	sld [smem:$0x3FAA]  }
0x39: {  	_ = 	snop;
	(pc) =	sbr.ind lr, $3  }
0x3a: {  	_ = 	snop  }
0x3b: {  	_ = 	snop  }
0x3c: {  	p2 =	seq.s32 s10, $0x1;
	s10 =	sld [smem:$0x3FA9]  }
0x3d: {  	_ =	shalt  }
0x3e: {  	_ =	shalt  }
0x3f: {  	_ =	shalt  }
0x40: {  	_ =	shalt  }
0x41: {  	_ =	shalt  }
0x42: {  	_ =	shalt  }
0x43: {  	_ =	shalt  }
0x44: {  	_ =	shalt  }
0x45: {  	_ =	shalt  }
0x46: {  	_ =	shalt  }
0x47: {  	_ =	shalt  }
0x48: {  	_ =	shalt  }
0x49: {  	_ =	shalt  }
0x4a: {  	_ =	shalt  }
0x4b: {  	_ =	shalt  }
0x4c: {  	_ =	shalt  }
0x4d: {  	_ =	shalt  }
0x4e: {  	_ =	shalt  }
0x4f: {  	_ =	shalt  }
0x50: {  	_ =	shalt  }
0x51: {  	_ =	shalt  }
0x52: {  	_ =	shalt  }
0x53: {  	_ =	shalt  }
0x54: {  	_ =	shalt  }
0x55: {  	_ =	shalt  }
0x56: {  	_ =	shalt  }
0x57: {  	_ =	shalt  }
0x58: {  	_ =	shalt  }
0x59: {  	_ =	shalt  }
0x5a: {  	_ =	shalt  }
0x5b: {  	_ =	shalt  }
0x5c: {  	_ =	shalt  }
0x5d: {  	_ =	shalt  }
0x5e: {  	_ =	shalt  }
0x5f: {  	_ =	shalt  }
0x60: {  	_ =	shalt  }
0x61: {  	_ =	shalt  }
0x62: {  	_ =	shalt  }
0x63: {  	_ =	shalt  }
0x64: {  	_ =	shalt  }
0x65: {  	_ =	shalt  }
0x66: {  	_ =	shalt  }
0x67: {  	_ =	shalt  }
0x68: {  	_ =	shalt  }
0x69: {  	_ =	shalt  }
0x6a: {  	_ =	shalt  }
0x6b: {  	_ =	shalt  }
0x6c: {  	_ =	shalt  }
0x6d: {  	_ =	shalt  }
0x6e: {  	_ =	shalt  }
0x6f: {  	_ =	shalt  }
0x70: {  	_ =	shalt  }
0x71: {  	_ =	shalt  }
0x72: {  	_ =	shalt  }
0x73: {  	_ =	shalt  }
0x74: {  	_ =	shalt  }
0x75: {  	_ =	shalt  }
0x76: {  	_ =	shalt  }
0x77: {  	_ =	shalt  }
0x78: {  	_ =	shalt  }
0x79: {  	_ =	shalt  }
0x7a: {  	_ =	shalt  }
0x7b: {  	_ =	shalt  }
0x7c: {  	_ =	shalt  }
0x7d: {  	_ =	shalt  }
0x7e: {  	_ =	shalt  }
0x7f: {  	_ =	shalt  }
0x80: {  	_ =	shalt  }
0x81: {  	_ =	shalt  }
0x82: {  	_ =	shalt  }
0x83: {  	_ =	shalt  }
0x84: {  	_ =	shalt  }
0x85: {  	_ =	shalt  }
0x86: {  	_ =	shalt  }
0x87: {  	_ =	shalt  }
.Lfunc_end0:
.L_simem_size_0:
called_computation.3_lowered:
.L_overlay_start_0:
0x88: {  	s2 =	sld [smem:$0x3FD9]  }
0x89: {  	s3 =	sld [smem:$0x3FFE];
	_ =	sdelay $0x1  }
0x8a: {  	s1 =	srdreg.scid  }
0x8b: {  	s0 =	sand.u32 $0x1, s1  }
0x8c: {  	s16 =	sshll.u32 s0, $0xA;
	s2 =	sadd.s32 s3, s2  }
0x8d: {  	s2 =	sadd.s32 s2, s16  }
0x8e: {  	[smem:$0x3FB5] =	sst s2  }
0x8f: {  	_ = 	snop  }
0x90: {  	(tm) =	ssettm $0x1  }
0x91: {  	s17 =	sld [smem:$0x3FFB];
	_ =	sdelay $0x3  }
0x92: {  	_ =	strace s17  }
0x93: {  	s2 =	sld [smem:$0x3FFC];
	_ =	sdelay $0x3  }
0x94: {  	_ =	strace s2  }
0x95: {  	s2 =	sld [smem:$0x3FFD];
	_ =	sdelay $0x3  }
0x96: {  	_ =	strace s2  }
0x97: {  	_ =	strace $0x8FFFFFFF  }
0x98: {  	s18 =	sld [smem:$0x3FDB];
	_ =	sdelay $0x1  }
0x99: {  	s19 =	simm.s32 $_scs_section_size  }
0x9a: {  	s4 =	simm.s32 $_size__tile_overlayer_lowered;
	s5 =	simm.s32 $_tile_overlayer_lowered  }
0x9b: {  	s22 =	simm.s32 $0x1BFF;
	s21 =	sshll.u32 s5, $0x1;
	s2 =	sadd.s32 s19, s18  }
0x9c: {  	s6 =	simm.s32 $0x0;
	s20 =	sshll.u32 s4, $0x1;
	s4 =	sadd.s32 s21, s2  }
0x9d: {  	[timem:s6], [sflag:s22] =	dma.local [hbm:s4], s20  }
0x9e: {  	_ =	swait.ge [sflag:s22], s20  }
0x9f: {  	s3 =	ssub.s32 $0x0, s20;
	[sflag:s22] =	ssyncset.done $0x0  }
0xa0: {  	[sflag:s22] =	ssyncadd.s32 s3;
	_ =	sdelay $0x1  }
0xa1: {  	s23 =	simm.s32 $0x1B8B  }
0xa2: {  	_ =	swait.ge [sflag:s23], $0x1  }
0xa3: {  	[sflag:s23] =	ssyncset.done $0x0  }
0xa4: {  	s25 =	simm.s32 $0x1B8E;
	s24 =	sld [smem:$0x3FFE];
	[sflag:s23] =	ssyncadd.s32 $0xFFFFFFFF  }
0xa5: {  	s26 =	simm.s32 $execute0_lowered;
	[smem:$0x3FD2] =	sst s25  }
0xa6: {  	s4 =	sshll.u32 s26, $0x1;
	_ =	strace $0x8000004F;
	[dreg:$0x1] =	wrdreg $0xFFFFFFFF  }
0xa7: {  	s28 =	simm.s32 $_size_execute0_lowered;
	s2 =	sadd.s32 s2, s4;
	[dreg:$0x0] =	wrdreg $0x0  }
0xa8: {  	s4 =	sshll.u32 s28, $0x1;
	[dreg:$0x2] =	wrdreg s2  }
0xa9: {  	[dreg:$0x3] =	wrdreg s4  }
0xaa: {  	[dreg:$0x4] =	wrdreg $0xC0  }
0xab: {  	_ =	task [dreg:s6], $0x5FFFF  }
0xac: {  	[dreg:$0x1] =	wrdreg $0xFFFFFFFF  }
0xad: {  	[dreg:$0x0] =	wrdreg $0x60  }
0xae: {  	[dreg:$0x2] =	wrdreg s24  }
0xaf: {  	[dreg:$0x3] =	wrdreg $0x66000  }
0xb0: {  	[dreg:$0x4] =	wrdreg $0x9  }
0xb1: {  	_ =	task.clear_ibuf [dreg:s6], $0x5FFFF;
	_ =	strace $0x9000004F  }
0xb2: {  	s29 =	simm.s32 $0x9;
	_ =	strace $0x80000051  }
0xb3: {  	_ =	swait.ge [sflag:s29], $0x1  }
0xb4: {  	[sflag:s29] =	ssyncadd.s32 $0xFFFFFFFF  }
0xb5: {  	_ =	strace $0x90000051  }
0xb6: {  	_ =	sfence  }
0xb7: {  	s30 =	sld [smem:$0x0];
	_ =	sdelay $0x2  }
0xb8: {  	s31 =	sshll.u32 s1, $0xD;
	s1 =	sshrl.u32 s1, $0x2  }
0xb9: {  	s3 =	sand.u32 $0x4000, s31;
	s1 =	sadd.s32 s1, s30  }
0xba: {  	s0 =	sor.u32 s3, s0;
	s1 =	sshll.u32 s1, $0x11  }
0xbb: {  	s0 =	sor.u32 s1, s0  }
0xbc: {  	s0 =	sadd.s32 $0x8F2B, s0  }
0xbd: {  	[sflag:s0] =	ssyncadd.remote.s32 $0x1  }
0xbe: {  	_ =	sfence.sel $0xFFFF  }
0xbf: {  	[dreg:$0x0] =	wrdreg $0xFFFFFFFF;
	(pc) =	sbr.abs _section_cstart, $3  }
0xc0: {  	[dreg:$0x1] =	wrdreg $0xFFFFFFFF  }
0xc1: {  	_ =	task.clear_ibuf [dreg:s6], $0x2FFFF;
	_ =	strace $0x9FFFFFFF  }
0xc2: {  	(tm) =	ssettm $0x7FFFFFFF  }
0xc3: {  	_ =	shalt  }
tec
execute0_lowered:
.L_overlay_start_1:
0x0: {  	(tag) =	ssettag $0x1  }
0x1: {  	s0 =	rddreg [dreg:$0x0]  }
0x2: {  	s1 =	rddreg [dreg:$0x1];
	s3 =	simm.s32 $0x0  }
0x3: {  	s4 =	srdreg.scid;
	s2 =	stileid.u32;
	s18 =	simm.s32 $0x300  }
0x4: {  	s19 =	simm.s32 $0x180;
	s20 =	simm.s32 $0x600;
	s21 =	simm.s32 $0x480  }
0x5: {  	s22 =	simm.s32 $0x1;
	s23 =	simm.s32 $0x3600;
	s24 =	simm.s32 $0x3  }
0x6: {  	s25 =	simm.s32 $0x2;
	s26 =	simm.s32 $0x4;
	[smem:$0x7FF] =	sst s3  }
0x7: {  	s8 =	sand.u32 $0x1, s4;
	s7 =	smul.u32 $0x18700, s2;
	s4 =	sadd.s32 $0x319800, s0  }
0x8: {  	s28 =	simm.s32 $0x0;
	s5 =	sadd.s32 $0x2E8A00, s0;
	s15 =	sadd.s32 $0x2CCC00, s0  }
0x9: {  	s14 =	sadd.s32 $0x2B4000, s0;
	s12 =	smul.u32 $0xC600, s2;
	s29 =	sadd.s32 $0x2E5800, s0  }
0xa: {  	s30 =	sshll.u32 s2, $0x6;
	s17 =	smul.u32 $0x18C0, s2;
	_ =	strace $0x80000050  }
0xb: {  	s6 =	smul.u32 $0x187000, s8;
	s9 =	ssub.s32 $0x2, s8;
	[dreg:$0x3] =	wrdreg s29  }
0xc: {  	p0 =	seq.s32 s8, $0x1;
	s11 =	sshrl.u32 s9, $0x1;
	s16 =	sadd.s32 s7, s1  }
0xd: {  	s31 =	sshrl.u32 s12, $0x3;
	s6 =	sadd.s32 s7, s6;
	s11 =	ssub.s32 s9, s11  }
.Ltmp0:
0xe: {  	s7 =	sor.u32 $0x1C05, s30;
	s8 =	sadd.s32 s15, s31;
	(pc) =	sbr.rel .LBB2_1-.Ltmp0, $4  }
0xf: {  	s9 =	sadd.s32 s14, s31;
	s13 =	sadd.s32 $0x1890, s31;
	s16 =	sshrl.u32 s16, $0x3  }
0x10: {  	s10 =	sshrl.u32 s6, $0x3;
	s11 =	smax.u32 s11, $0x1;
	s12 =	sadd.s32 s14, s13  }
0x11: {  	s13 =	sadd.s32 s15, s13;
	s14 =	sadd.s32 s17, s14;
	s0 =	sadd.s32 s10, s0  }
0x12: {  	s15 =	sadd.s32 s17, s15;
	s17 =	simm.s32 $0x5;
	s10 =	sadd.s32 $0x34A600, s0  }
.LBB2_7:
0x13: {  	s0 =	sadd.s32 $0x1890, s31;
	[sflag:s26] =	ssyncadd.s32 $0xFFFFD000  }
0x14: {  	[tilespmem:s19], [sflag:$0x5] =	stream.linear.gather [hbm4b:s0+s3], $0x180, $0x38;
	[tilespmem:$0x1ED00] =	vst v63  }
0x15: {  	_ =	swait.ge [sflag:s17], $0x180  }
0x16: {  	s30 =	sadd.s32 s29, s14;
	[sflag:s17] =	ssyncset.done $0x0  }
0x17: {  	s2 =	sadd.s32 $0x1890, s30;
	[sflag:s17] =	ssyncadd.s32 $0xFFFFFE80  }
0x18: {  	[tilespmem:s21], [sflag:$0x5] =	stream.linear.gather [hbm4b:s2+s3], $0x180, $0x38;
	[tilespmem:$0x1ED00] =	vst v63  }
0x19: {  	_ =	swait.ge [sflag:s17], $0x180  }
0x1a: {  	[sflag:s17] =	ssyncset.done $0x0  }
0x1b: {  	[sflag:s17] =	ssyncadd.s32 $0xFFFFFE80  }
0x1c: {  	_ =	swait.ge [sflag:s22], $0x3000  }
0x1d: {  	[sflag:s22] =	ssyncset.done $0x0  }
0x1e: {  	[sflag:s22] =	ssyncadd.s32 $0xFFFFD000  }
0x1f: {  	[tilespmem:s23], [sflag:$0x2] =	stream.indirect.gather [hbm4b:s5+s19], $0x20, s19, s19, $0xb8;
	[tilespmem:$0x1ED00] =	vst v63  }
0x20: {  	_ = 	snop  }
0x21: {  	[spmem:s1] =	stream.indirect.scatter.add.f32 [tilespmem:s20], [sflag:$0x3], $0x20, s18, s19, $0xb8;
	[tilespmem:$0x1ED00] =	vst v63  }
0x22: {  	_ =	swait.ge [sflag:s24], $0x3000  }
0x23: {  	[sflag:s24] =	ssyncset.done $0x0  }
0x24: {  	s31 =	sadd.s32 $0x18C0, s31;
	[sflag:s24] =	ssyncadd.s32 $0xFFFFD000  }
0x25: {  	[tilespmem:s3], [sflag:$0x5] =	stream.linear.gather [hbm4b:s31+s3], $0x180, $0x38;
	[tilespmem:$0x1ED00] =	vst v63  }
0x26: {  	_ =	swait.ge [sflag:s17], $0x180  }
0x27: {  	[sflag:s17] =	ssyncset.done $0x0  }
0x28: {  	s0 =	sadd.s32 $0x18C0, s30;
	[sflag:s17] =	ssyncadd.s32 $0xFFFFFE80  }
0x29: {  	[tilespmem:s18], [sflag:$0x5] =	stream.linear.gather [hbm4b:s0+s3], $0x180, $0x38;
	[tilespmem:$0x1ED00] =	vst v63  }
0x2a: {  	_ =	swait.ge [sflag:s17], $0x180  }
0x2b: {  	[sflag:s17] =	ssyncset.done $0x0  }
0x2c: {  	[sflag:s17] =	ssyncadd.s32 $0xFFFFFE80  }
0x2d: {  	[tilespmem:s20], [sflag:$0x1] =	stream.indirect.gather [hbm4b:s5+s19], $0x20, s3, s19, $0xb8;
	[tilespmem:$0x1ED00] =	vst v63  }
0x2e: {  	_ =	swait.ge [sflag:s25], $0x3000  }
0x2f: {  	[sflag:s25] =	ssyncset.done $0x0  }
0x30: {  	[sflag:s25] =	ssyncadd.s32 $0xFFFFD000  }
0x31: {  	[spmem:s1] =	stream.indirect.scatter.add.f32 [tilespmem:s23], [sflag:$0x4], $0x20, s21, s19, $0xb8;
	[tilespmem:$0x1ED00] =	vst v63  }
0x32: {  	_ =	swait.ge [sflag:s26], $0x3000  }
0x33: {  	[sflag:s26] =	ssyncset.done $0x0  }
0x34: {  	s29 =	smov.u32 s5;
	[sflag:s26] =	ssyncadd.s32 $0xFFFFD000  }
.LBB2_8:
0x35: {  	[tilespmem:s19], [sflag:$0x5] =	stream.linear.gather [hbm4b:s13+s3], $0x180, $0x38;
	[tilespmem:$0x1ED00] =	vst v63  }
0x36: {  	_ =	swait.ge [sflag:s17], $0x180  }
0x37: {  	[sflag:s17] =	ssyncset.done $0x0  }
0x38: {  	[sflag:s17] =	ssyncadd.s32 $0xFFFFFE80  }
0x39: {  	[tilespmem:s21], [sflag:$0x5] =	stream.linear.gather [hbm4b:s12+s3], $0x180, $0x38;
	[tilespmem:$0x1ED00] =	vst v63  }
0x3a: {  	_ =	swait.ge [sflag:s17], $0x180  }
0x3b: {  	[sflag:s17] =	ssyncset.done $0x0  }
0x3c: {  	[sflag:s17] =	ssyncadd.s32 $0xFFFFFE80  }
0x3d: {  	_ =	swait.ge [sflag:s22], $0x3000  }
0x3e: {  	[sflag:s22] =	ssyncset.done $0x0  }
0x3f: {  	[sflag:s22] =	ssyncadd.s32 $0xFFFFD000  }
0x40: {  	[tilespmem:s23], [sflag:$0x2] =	stream.indirect.gather [hbm4b:s29+s19], $0x20, s19, s19, $0xb8;
	[tilespmem:$0x1ED00] =	vst v63  }
0x41: {  	_ = 	snop  }
0x42: {  	[spmem:s1] =	stream.indirect.scatter.add.f32 [tilespmem:s20], [sflag:$0x3], $0x20, s18, s19, $0xb8;
	[tilespmem:$0x1ED00] =	vst v63  }
0x43: {  	_ =	swait.ge [sflag:s24], $0x3000  }
0x44: {  	[sflag:s24] =	ssyncset.done $0x0  }
0x45: {  	[sflag:s24] =	ssyncadd.s32 $0xFFFFD000  }
0x46: {  	_ =	swait.ge [sflag:s25], $0x3000  }
0x47: {  	[sflag:s25] =	ssyncset.done $0x0  }
0x48: {  	[sflag:s25] =	ssyncadd.s32 $0xFFFFD000  }
0x49: {  	[spmem:s1] =	stream.indirect.scatter.add.f32 [tilespmem:s23], [sflag:$0x4], $0x20, s21, s19, $0xb8;
	[tilespmem:$0x1ED00] =	vst v63  }
0x4a: {  	_ =	swait.ge [sflag:s26], $0x3000  }
0x4b: {  	s28 =	sadd.s32 $0x1, s28;
	[sflag:s26] =	ssyncset.done $0x0  }
0x4c: {  	p1 =	sne.s32 s28, s11;
	[sflag:s26] =	ssyncadd.s32 $0xFFFFD000  }
.Ltmp1:
0x4d: {  	[bflag:$0x0] =	sbarrier.arrive $0xFFFF;
	(pc) =	sbr.rel @!p1 .LBB2_9-.Ltmp1, $4  }
0x4e: {  	[hbm:s10], [sflag:s7] =	dma.local [spmem:s16], $0x30E0  }
0x4f: {  	_ =	swait.ge [sflag:s17], $0x30E0  }
0x50: {  	[sflag:s17] =	ssyncset.done $0x0  }
0x51: {  	[sflag:s17] =	ssyncadd.s32 $0xFFFFCF20  }
.LBB2_1:
0x52: {  	s0 =	rddreg [dreg:$0x3]  }
0x53: {  	[spmem:s16], [sflag:s7] =	dma.local [hbm:s0], $0x30E0  }
0x54: {  	_ =	swait.ge [sflag:s17], $0x30E0  }
0x55: {  	[sflag:s17] =	ssyncset.done $0x0  }
0x56: {  	[sflag:s17] =	ssyncadd.s32 $0xFFFFCF20  }
0x57: {  	[bflag:$0x0] =	sbarrier.arrive $0xFFFF  }
0x58: {  	[tilespmem:s3], [sflag:$0x5] =	stream.linear.gather [hbm4b:s8+s3], $0x180, $0x38;
	[tilespmem:$0x1ED00] =	vst v63  }
0x59: {  	_ =	swait.ge [sflag:s17], $0x180  }
0x5a: {  	[sflag:s17] =	ssyncset.done $0x0  }
.Ltmp2:
0x5b: {  	[sflag:s17] =	ssyncadd.s32 $0xFFFFFE80;
	(pc) =	sbr.rel @!p0 .LBB2_2-.Ltmp2, $4  }
0x5c: {  	[tilespmem:s18], [sflag:$0x5] =	stream.linear.gather [hbm4b:s9+s3], $0x180, $0x38;
	[tilespmem:$0x1ED00] =	vst v63  }
0x5d: {  	_ =	swait.ge [sflag:s17], $0x180  }
0x5e: {  	[sflag:s17] =	ssyncset.done $0x0  }
0x5f: {  	[sflag:s17] =	ssyncadd.s32 $0xFFFFFE80  }
0x60: {  	[tilespmem:s20], [sflag:$0x1] =	stream.indirect.gather [hbm4b:s5+s19], $0x20, s3, s19, $0xb8;
	[tilespmem:$0x1ED00] =	vst v63  }
0x61: {  	s0 =	sadd.s32 $0xFFFFE7A0, s15  }
0x62: {  	s2 =	sadd.s32 $0x1890, s0  }
0x63: {  	[tilespmem:s19], [sflag:$0x5] =	stream.linear.gather [hbm4b:s2+s3], $0x180, $0x38;
	[tilespmem:$0x1ED00] =	vst v63  }
0x64: {  	_ =	swait.ge [sflag:s17], $0x180  }
0x65: {  	s30 =	sadd.s32 $0xFFFFE7A0, s14;
	[sflag:s17] =	ssyncset.done $0x0  }
0x66: {  	s6 =	sadd.s32 $0x1890, s30;
	[sflag:s17] =	ssyncadd.s32 $0xFFFFFE80  }
0x67: {  	[tilespmem:s21], [sflag:$0x5] =	stream.linear.gather [hbm4b:s6+s3], $0x180, $0x38;
	[tilespmem:$0x1ED00] =	vst v63  }
0x68: {  	_ =	swait.ge [sflag:s17], $0x180  }
0x69: {  	[sflag:s17] =	ssyncset.done $0x0  }
0x6a: {  	[sflag:s17] =	ssyncadd.s32 $0xFFFFFE80  }
0x6b: {  	_ =	swait.ge [sflag:s22], $0x3000  }
0x6c: {  	[sflag:s22] =	ssyncset.done $0x0  }
0x6d: {  	[sflag:s22] =	ssyncadd.s32 $0xFFFFD000  }
0x6e: {  	[tilespmem:s23], [sflag:$0x2] =	stream.indirect.gather [hbm4b:s5+s19], $0x20, s19, s19, $0xb8;
	[tilespmem:$0x1ED00] =	vst v63  }
0x6f: {  	_ = 	snop  }
0x70: {  	[spmem:s1] =	stream.indirect.scatter.add.f32 [tilespmem:s20], [sflag:$0x3], $0x20, s18, s19, $0xb8;
	[tilespmem:$0x1ED00] =	vst v63  }
0x71: {  	_ =	swait.ge [sflag:s24], $0x3000  }
0x72: {  	[sflag:s24] =	ssyncset.done $0x0  }
0x73: {  	s0 =	sadd.s32 $0x18C0, s0;
	[sflag:s24] =	ssyncadd.s32 $0xFFFFD000  }
0x74: {  	[tilespmem:s3], [sflag:$0x5] =	stream.linear.gather [hbm4b:s0+s3], $0x180, $0x38;
	[tilespmem:$0x1ED00] =	vst v63  }
0x75: {  	_ =	swait.ge [sflag:s17], $0x180  }
0x76: {  	[sflag:s17] =	ssyncset.done $0x0  }
0x77: {  	s30 =	sadd.s32 $0x18C0, s30;
	[sflag:s17] =	ssyncadd.s32 $0xFFFFFE80  }
0x78: {  	[tilespmem:s18], [sflag:$0x5] =	stream.linear.gather [hbm4b:s30+s3], $0x180, $0x38;
	[tilespmem:$0x1ED00] =	vst v63  }
0x79: {  	_ =	swait.ge [sflag:s17], $0x180  }
0x7a: {  	[sflag:s17] =	ssyncset.done $0x0  }
0x7b: {  	[sflag:s17] =	ssyncadd.s32 $0xFFFFFE80  }
0x7c: {  	[tilespmem:s20], [sflag:$0x1] =	stream.indirect.gather [hbm4b:s5+s19], $0x20, s3, s19, $0xb8;
	[tilespmem:$0x1ED00] =	vst v63  }
0x7d: {  	_ =	swait.ge [sflag:s25], $0x3000  }
0x7e: {  	[sflag:s25] =	ssyncset.done $0x0  }
0x7f: {  	[sflag:s25] =	ssyncadd.s32 $0xFFFFD000  }
0x80: {  	[spmem:s1] =	stream.indirect.scatter.add.f32 [tilespmem:s23], [sflag:$0x4], $0x20, s21, s19, $0xb8;
	[tilespmem:$0x1ED00] =	vst v63  }
0x81: {  	s29 =	simm.s32 $0xFFFFE800;
	_ =	swait.ge [sflag:s26], $0x3000  }
0x82: {  	s31 =	sadd.s32 $0xFFFFE800, s15;
	s0 =	simm.s32 $0xFFFFE860;
	[sflag:s26] =	ssyncset.done $0x0  }
.LBB2_6:
0x83: {  	s2 =	sadd.s32 $0x1890, s31  }
0x84: {  	[sflag:s26] =	ssyncadd.s32 $0xFFFFD000;
	s6 =	smov.u32 s0;
	s30 =	sadd.s32 $0x60, s0  }
0x85: {  	[tilespmem:s19], [sflag:$0x5] =	stream.linear.gather [hbm4b:s2+s3], $0x180, $0x38;
	[tilespmem:$0x1ED00] =	vst v63  }
0x86: {  	p1 =	sne.s32 s0, $0xFFFFFFA0;
	_ =	swait.ge [sflag:s17], $0x180  }
0x87: {  	s0 =	sadd.s32 s29, s14;
	s29 =	smov.u32 s6;
	[sflag:s17] =	ssyncset.done $0x0  }
0x88: {  	s2 =	sadd.s32 $0x1890, s0;
	[sflag:s17] =	ssyncadd.s32 $0xFFFFFE80  }
0x89: {  	[tilespmem:s21], [sflag:$0x5] =	stream.linear.gather [hbm4b:s2+s3], $0x180, $0x38;
	[tilespmem:$0x1ED00] =	vst v63  }
0x8a: {  	_ =	swait.ge [sflag:s17], $0x180  }
0x8b: {  	[sflag:s17] =	ssyncset.done $0x0  }
0x8c: {  	[sflag:s17] =	ssyncadd.s32 $0xFFFFFE80  }
0x8d: {  	_ =	swait.ge [sflag:s22], $0x3000  }
0x8e: {  	[sflag:s22] =	ssyncset.done $0x0  }
0x8f: {  	[sflag:s22] =	ssyncadd.s32 $0xFFFFD000  }
0x90: {  	[tilespmem:s23], [sflag:$0x2] =	stream.indirect.gather [hbm4b:s5+s19], $0x20, s19, s19, $0xb8;
	[tilespmem:$0x1ED00] =	vst v63  }
0x91: {  	_ = 	snop  }
0x92: {  	[spmem:s1] =	stream.indirect.scatter.add.f32 [tilespmem:s20], [sflag:$0x3], $0x20, s18, s19, $0xb8;
	[tilespmem:$0x1ED00] =	vst v63  }
0x93: {  	_ =	swait.ge [sflag:s24], $0x3000  }
0x94: {  	[sflag:s24] =	ssyncset.done $0x0  }
0x95: {  	s2 =	sadd.s32 $0x18C0, s31;
	[sflag:s24] =	ssyncadd.s32 $0xFFFFD000  }
0x96: {  	[tilespmem:s3], [sflag:$0x5] =	stream.linear.gather [hbm4b:s2+s3], $0x180, $0x38;
	[tilespmem:$0x1ED00] =	vst v63  }
0x97: {  	_ =	swait.ge [sflag:s17], $0x180  }
0x98: {  	[sflag:s17] =	ssyncset.done $0x0  }
0x99: {  	s0 =	sadd.s32 $0x18C0, s0;
	[sflag:s17] =	ssyncadd.s32 $0xFFFFFE80  }
0x9a: {  	[tilespmem:s18], [sflag:$0x5] =	stream.linear.gather [hbm4b:s0+s3], $0x180, $0x38;
	[tilespmem:$0x1ED00] =	vst v63  }
0x9b: {  	_ =	swait.ge [sflag:s17], $0x180  }
0x9c: {  	[sflag:s17] =	ssyncset.done $0x0  }
0x9d: {  	[sflag:s17] =	ssyncadd.s32 $0xFFFFFE80  }
0x9e: {  	[tilespmem:s20], [sflag:$0x1] =	stream.indirect.gather [hbm4b:s5+s19], $0x20, s3, s19, $0xb8;
	[tilespmem:$0x1ED00] =	vst v63  }
0x9f: {  	_ =	swait.ge [sflag:s25], $0x3000  }
.Ltmp3:
0xa0: {  	[sflag:s25] =	ssyncset.done $0x0;
	(pc) =	sbr.rel @p1 .LBB2_6-.Ltmp3, $4  }
0xa1: {  	[sflag:s25] =	ssyncadd.s32 $0xFFFFD000  }
0xa2: {  	[spmem:s1] =	stream.indirect.scatter.add.f32 [tilespmem:s23], [sflag:$0x4], $0x20, s21, s19, $0xb8;
	[tilespmem:$0x1ED00] =	vst v63  }
0xa3: {  	_ =	swait.ge [sflag:s26], $0x3000  }
0xa4: {  	s31 =	sadd.s32 s29, s15;
	s0 =	smov.u32 s30;
	[sflag:s26] =	ssyncset.done $0x0  }
.Ltmp4:
0xa5: {  	_ = 	snop;
	(pc) =	sbr.rel .LBB2_7-.Ltmp4, $1  }
0xa6: {  	_ =	sdelay $0x3  }
.LBB2_2:
0xa7: {  	[tilespmem:s20], [sflag:$0x1] =	stream.indirect.gather [hbm4b:s4+s19], $0x20, s3, s19, $0xb8;
	[tilespmem:$0x1ED00] =	vst v63  }
0xa8: {  	s0 =	sadd.s32 $0xFFFFE7A0, s15  }
0xa9: {  	s29 =	sadd.s32 $0x1890, s0  }
0xaa: {  	[tilespmem:s19], [sflag:$0x5] =	stream.linear.gather [hbm4b:s29+s3], $0x180, $0x38;
	[tilespmem:$0x1ED00] =	vst v63  }
0xab: {  	_ =	swait.ge [sflag:s17], $0x180  }
0xac: {  	s29 =	sadd.s32 $0xFFFFE7A0, s14;
	[sflag:s17] =	ssyncset.done $0x0  }
0xad: {  	s30 =	sadd.s32 $0x1890, s29;
	[sflag:s17] =	ssyncadd.s32 $0xFFFFFE80  }
0xae: {  	[tilespmem:s21], [sflag:$0x5] =	stream.linear.gather [hbm4b:s30+s3], $0x180, $0x38;
	[tilespmem:$0x1ED00] =	vst v63  }
0xaf: {  	_ =	swait.ge [sflag:s17], $0x180  }
0xb0: {  	[sflag:s17] =	ssyncset.done $0x0  }
0xb1: {  	[sflag:s17] =	ssyncadd.s32 $0xFFFFFE80  }
0xb2: {  	_ =	swait.ge [sflag:s22], $0x3000  }
0xb3: {  	[sflag:s22] =	ssyncset.done $0x0  }
0xb4: {  	[sflag:s22] =	ssyncadd.s32 $0xFFFFD000  }
0xb5: {  	[tilespmem:s23], [sflag:$0x2] =	stream.indirect.gather [hbm4b:s4+s19], $0x20, s19, s19, $0xb8;
	[tilespmem:$0x1ED00] =	vst v63  }
0xb6: {  	_ = 	snop  }
0xb7: {  	[spmem:s1] =	stream.indirect.scatter.add.f32 [tilespmem:s20], [sflag:$0x3], $0x20, s18, s19, $0xb8;
	[tilespmem:$0x1ED00] =	vst v63  }
0xb8: {  	_ =	swait.ge [sflag:s24], $0x3000  }
0xb9: {  	[sflag:s24] =	ssyncset.done $0x0  }
0xba: {  	s0 =	sadd.s32 $0x18C0, s0;
	[sflag:s24] =	ssyncadd.s32 $0xFFFFD000  }
0xbb: {  	[tilespmem:s3], [sflag:$0x5] =	stream.linear.gather [hbm4b:s0+s3], $0x180, $0x38;
	[tilespmem:$0x1ED00] =	vst v63  }
0xbc: {  	_ =	swait.ge [sflag:s17], $0x180  }
0xbd: {  	[sflag:s17] =	ssyncset.done $0x0  }
0xbe: {  	s6 =	sadd.s32 $0x18C0, s29;
	[sflag:s17] =	ssyncadd.s32 $0xFFFFFE80  }
0xbf: {  	[tilespmem:s18], [sflag:$0x5] =	stream.linear.gather [hbm4b:s6+s3], $0x180, $0x38;
	[tilespmem:$0x1ED00] =	vst v63  }
0xc0: {  	_ =	swait.ge [sflag:s17], $0x180  }
0xc1: {  	[sflag:s17] =	ssyncset.done $0x0  }
0xc2: {  	[sflag:s17] =	ssyncadd.s32 $0xFFFFFE80  }
0xc3: {  	[tilespmem:s20], [sflag:$0x1] =	stream.indirect.gather [hbm4b:s4+s19], $0x20, s3, s19, $0xb8;
	[tilespmem:$0x1ED00] =	vst v63  }
0xc4: {  	_ =	swait.ge [sflag:s25], $0x3000  }
0xc5: {  	[sflag:s25] =	ssyncset.done $0x0  }
0xc6: {  	[sflag:s25] =	ssyncadd.s32 $0xFFFFD000  }
0xc7: {  	[spmem:s1] =	stream.indirect.scatter.add.f32 [tilespmem:s23], [sflag:$0x4], $0x20, s21, s19, $0xb8;
	[tilespmem:$0x1ED00] =	vst v63  }
0xc8: {  	s31 =	sadd.s32 $0xFFFFE800, s15;
	_ =	swait.ge [sflag:s26], $0x3000  }
0xc9: {  	s29 =	simm.s32 $0xFFFFE800;
	s30 =	simm.s32 $0xFFFFE860;
	[sflag:s26] =	ssyncset.done $0x0  }
.LBB2_3:
0xca: {  	s2 =	sadd.s32 $0x1890, s31  }
0xcb: {  	[sflag:s26] =	ssyncadd.s32 $0xFFFFD000;
	s6 =	smov.u32 s30;
	s0 =	sadd.s32 $0x60, s30  }
0xcc: {  	[tilespmem:s19], [sflag:$0x5] =	stream.linear.gather [hbm4b:s2+s3], $0x180, $0x38;
	[tilespmem:$0x1ED00] =	vst v63  }
0xcd: {  	p1 =	seq.s32 s30, $0xFFFFFFA0;
	_ =	swait.ge [sflag:s17], $0x180  }
0xce: {  	s2 =	sadd.s32 s29, s14;
	s29 =	smov.u32 s6;
	[sflag:s17] =	ssyncset.done $0x0  }
0xcf: {  	s6 =	sadd.s32 $0x1890, s2;
	[sflag:s17] =	ssyncadd.s32 $0xFFFFFE80  }
0xd0: {  	[tilespmem:s21], [sflag:$0x5] =	stream.linear.gather [hbm4b:s6+s3], $0x180, $0x38;
	[tilespmem:$0x1ED00] =	vst v63  }
0xd1: {  	_ =	swait.ge [sflag:s17], $0x180  }
0xd2: {  	[sflag:s17] =	ssyncset.done $0x0  }
0xd3: {  	[sflag:s17] =	ssyncadd.s32 $0xFFFFFE80  }
0xd4: {  	_ =	swait.ge [sflag:s22], $0x3000  }
0xd5: {  	[sflag:s22] =	ssyncset.done $0x0  }
0xd6: {  	[sflag:s22] =	ssyncadd.s32 $0xFFFFD000  }
0xd7: {  	[tilespmem:s23], [sflag:$0x2] =	stream.indirect.gather [hbm4b:s4+s19], $0x20, s19, s19, $0xb8;
	[tilespmem:$0x1ED00] =	vst v63  }
0xd8: {  	_ = 	snop  }
0xd9: {  	[spmem:s1] =	stream.indirect.scatter.add.f32 [tilespmem:s20], [sflag:$0x3], $0x20, s18, s19, $0xb8;
	[tilespmem:$0x1ED00] =	vst v63  }
0xda: {  	_ =	swait.ge [sflag:s24], $0x3000  }
0xdb: {  	[sflag:s24] =	ssyncset.done $0x0  }
0xdc: {  	s6 =	sadd.s32 $0x18C0, s31;
	[sflag:s24] =	ssyncadd.s32 $0xFFFFD000  }
0xdd: {  	[tilespmem:s3], [sflag:$0x5] =	stream.linear.gather [hbm4b:s6+s3], $0x180, $0x38;
	[tilespmem:$0x1ED00] =	vst v63  }
0xde: {  	_ =	swait.ge [sflag:s17], $0x180  }
0xdf: {  	[sflag:s17] =	ssyncset.done $0x0  }
0xe0: {  	s2 =	sadd.s32 $0x18C0, s2;
	[sflag:s17] =	ssyncadd.s32 $0xFFFFFE80  }
0xe1: {  	[tilespmem:s18], [sflag:$0x5] =	stream.linear.gather [hbm4b:s2+s3], $0x180, $0x38;
	[tilespmem:$0x1ED00] =	vst v63  }
0xe2: {  	_ =	swait.ge [sflag:s17], $0x180  }
0xe3: {  	[sflag:s17] =	ssyncset.done $0x0  }
0xe4: {  	[sflag:s17] =	ssyncadd.s32 $0xFFFFFE80  }
0xe5: {  	[tilespmem:s20], [sflag:$0x1] =	stream.indirect.gather [hbm4b:s4+s19], $0x20, s3, s19, $0xb8;
	[tilespmem:$0x1ED00] =	vst v63  }
0xe6: {  	_ =	swait.ge [sflag:s25], $0x3000  }
.Ltmp5:
0xe7: {  	[sflag:s25] =	ssyncset.done $0x0;
	(pc) =	sbr.rel @!p1 .LBB2_3-.Ltmp5, $4  }
0xe8: {  	[sflag:s25] =	ssyncadd.s32 $0xFFFFD000  }
0xe9: {  	[spmem:s1] =	stream.indirect.scatter.add.f32 [tilespmem:s23], [sflag:$0x4], $0x20, s21, s19, $0xb8;
	[tilespmem:$0x1ED00] =	vst v63  }
0xea: {  	_ =	swait.ge [sflag:s26], $0x3000  }
0xeb: {  	s30 =	smov.u32 s0;
	s31 =	sadd.s32 s29, s15;
	[sflag:s26] =	ssyncset.done $0x0  }
0xec: {  	s0 =	sadd.s32 $0x1890, s31;
	[sflag:s26] =	ssyncadd.s32 $0xFFFFD000  }
0xed: {  	[tilespmem:s19], [sflag:$0x5] =	stream.linear.gather [hbm4b:s0+s3], $0x180, $0x38;
	[tilespmem:$0x1ED00] =	vst v63  }
0xee: {  	_ =	swait.ge [sflag:s17], $0x180  }
0xef: {  	s30 =	sadd.s32 s29, s14;
	[sflag:s17] =	ssyncset.done $0x0  }
0xf0: {  	s2 =	sadd.s32 $0x1890, s30;
	[sflag:s17] =	ssyncadd.s32 $0xFFFFFE80  }
0xf1: {  	[tilespmem:s21], [sflag:$0x5] =	stream.linear.gather [hbm4b:s2+s3], $0x180, $0x38;
	[tilespmem:$0x1ED00] =	vst v63  }
0xf2: {  	_ =	swait.ge [sflag:s17], $0x180  }
0xf3: {  	[sflag:s17] =	ssyncset.done $0x0  }
0xf4: {  	[sflag:s17] =	ssyncadd.s32 $0xFFFFFE80  }
0xf5: {  	_ =	swait.ge [sflag:s22], $0x3000  }
0xf6: {  	[sflag:s22] =	ssyncset.done $0x0  }
0xf7: {  	[sflag:s22] =	ssyncadd.s32 $0xFFFFD000  }
0xf8: {  	[tilespmem:s23], [sflag:$0x2] =	stream.indirect.gather [hbm4b:s4+s19], $0x20, s19, s19, $0xb8;
	[tilespmem:$0x1ED00] =	vst v63  }
0xf9: {  	_ = 	snop  }
0xfa: {  	[spmem:s1] =	stream.indirect.scatter.add.f32 [tilespmem:s20], [sflag:$0x3], $0x20, s18, s19, $0xb8;
	[tilespmem:$0x1ED00] =	vst v63  }
0xfb: {  	_ =	swait.ge [sflag:s24], $0x3000  }
0xfc: {  	[sflag:s24] =	ssyncset.done $0x0  }
0xfd: {  	s31 =	sadd.s32 $0x18C0, s31;
	[sflag:s24] =	ssyncadd.s32 $0xFFFFD000  }
0xfe: {  	[tilespmem:s3], [sflag:$0x5] =	stream.linear.gather [hbm4b:s31+s3], $0x180, $0x38;
	[tilespmem:$0x1ED00] =	vst v63  }
0xff: {  	_ =	swait.ge [sflag:s17], $0x180  }
0x100: {  	[sflag:s17] =	ssyncset.done $0x0  }
0x101: {  	s0 =	sadd.s32 $0x18C0, s30;
	[sflag:s17] =	ssyncadd.s32 $0xFFFFFE80  }
0x102: {  	[tilespmem:s18], [sflag:$0x5] =	stream.linear.gather [hbm4b:s0+s3], $0x180, $0x38;
	[tilespmem:$0x1ED00] =	vst v63  }
0x103: {  	_ =	swait.ge [sflag:s17], $0x180  }
0x104: {  	[sflag:s17] =	ssyncset.done $0x0  }
0x105: {  	[sflag:s17] =	ssyncadd.s32 $0xFFFFFE80  }
0x106: {  	[tilespmem:s20], [sflag:$0x1] =	stream.indirect.gather [hbm4b:s4+s19], $0x20, s3, s19, $0xb8;
	[tilespmem:$0x1ED00] =	vst v63  }
0x107: {  	_ =	swait.ge [sflag:s25], $0x3000  }
0x108: {  	[sflag:s25] =	ssyncset.done $0x0  }
.Ltmp6:
0x109: {  	[sflag:s25] =	ssyncadd.s32 $0xFFFFD000;
	(pc) =	sbr.rel .LBB2_8-.Ltmp6, $4  }
0x10a: {  	[spmem:s1] =	stream.indirect.scatter.add.f32 [tilespmem:s23], [sflag:$0x4], $0x20, s21, s19, $0xb8;
	[tilespmem:$0x1ED00] =	vst v63  }
0x10b: {  	_ =	swait.ge [sflag:s26], $0x3000  }
0x10c: {  	[sflag:s26] =	ssyncset.done $0x0  }
0x10d: {  	s29 =	smov.u32 s4;
	[sflag:s26] =	ssyncadd.s32 $0xFFFFD000  }
.LBB2_9:
0x10e: {  	_ =	sfence.sel $0x180000  }
0x10f: {  	[bflag:$0x0] =	sbarrier.arrive $0xFFFF  }
0x110: {  	_ =	strace $0x90000050  }
0x111: {  	s0 =	stileid.u32;
	[bflag:$0x2] =	sbarrier.arrive $0xFFFF  }
0x112: {  	p0 =	sne.s32 s0, $0x0;
	s0 =	rddreg [dreg:$0x2]  }
0x113: {  	s0 =	sadd.s32 @!p0 $0x100000, s0  }
0x114: {  	[sflag:s0] =	ssyncadd.tile.s32 @!p0 $0x1;
	_ =	shalt  }
.Lfunc_end2:
_tile_overlayer_lowered:
.L_overlay_start_2:
0x115: {  	(tag) =	ssettag $0x2  }
0x116: {  	s0 =	rddreg [dreg:$0x0];
	s2 =	stileid.u32  }
0x117: {  	s1 =	rddreg [dreg:$0x1];
	p0 =	sne.s32 s2, $0x0  }
0x118: {  	s3 =	rddreg [dreg:$0x2];
	[bflag:$0x3] =	sbarrier.arrive $0xFFFF;
	s2 =	simm.s32 @!p0 $0x1C05  }
0x119: {  	[timem:s3], [sflag:s2] =	dma.local @!p0 [hbm:s0], s1  }
0x11a: {  	s0 =	simm.s32 @!p0 $0x5  }
0x11b: {  	_ =	swait.ge @!p0 [sflag:s0], s1  }
0x11c: {  	s1 =	ssub.s32 @!p0 $0x0, s1;
	[sflag:s0] =	ssyncset.done @!p0 $0x0  }
0x11d: {  	[sflag:s0] =	ssyncadd.s32 @!p0 s1  }
0x11e: {  	[bflag:$0x3] =	sbarrier.arrive $0xFFFF  }
0x11f: {  	_ =	shalt  }

// kernel: kernel.24.cloned.1.call-start
scs
__scs_entry_jumppad:
0x0: {  	(pc) =	sbr.rel $0x88, $3  }
0x1: {  	(tag) =	ssettag $0x0;
	lr =	simm.s32 $0x1  }
0x2: {  	[smem:$0x3F8E] =	sst lr;
	_ =	strace $0xD0000000  }
0x3: {  	_ = 	snop  }
0x4: {  	_ = 	snop  }
0x5: {  	_ = 	snop  }
0x6: {  	_ = 	snop  }
0x7: {  	_ = 	snop  }
__scs_overlays_trampoline_lowered:
0x8: {  	[smem:$0x3F9D] =	sst s0  }
0x9: {  	[smem:$0x3F9E] =	sst s1  }
0xa: {  	[smem:$0x3F9F] =	sst s2  }
0xb: {  	[smem:$0x3FA0] =	sst s3  }
0xc: {  	[smem:$0x3FA1] =	sst s4  }
0xd: {  	[smem:$0x3FA2] =	sst s5  }
0xe: {  	[smem:$0x3FA3] =	sst s6  }
0xf: {  	[smem:$0x3FA4] =	sst s7  }
0x10: {  	[smem:$0x3FA5] =	sst s8  }
0x11: {  	[smem:$0x3FA6] =	sst s9;
	s0 =	simm.s32 @!p0 $0x0  }
0x12: {  	s1 =	sld [smem:$0x3F8C];
	s0 =	simm.s32 @p0 $0x1  }
0x13: {  	[smem:$0x3FA7] =	sst s0;
	s0 =	simm.s32 @!p1 $0x0  }
0x14: {  	s2 =	sld [smem:$0x3F8B];
	s0 =	simm.s32 @p1 $0x1  }
0x15: {  	[smem:$0x3FA8] =	sst s0;
	s0 =	simm.s32 @!p2 $0x0  }
0x16: {  	s3 =	sld [smem:$0x3FDB];
	s0 =	simm.s32 @p2 $0x1  }
0x17: {  	s4 =	simm.s32 $0x1BF5;
	[smem:$0x3FAA] =	sst s0  }
0x18: {  	s0 =	sld [smem:$0x3F8D];
	_ =	swait.ge [sflag:s4], $0x0  }
0x19: {  	s7 =	sld [smem:$0x3F8E]  }
0x1a: {  	s8 =	sadd.s32 $0xFFFFE003, lr  }
0x1b: {  	s9 =	sadd.s32 $0xFFFFFEF7, lr;
	s5 =	simm.s32 $0xFFFFFFFF;
	p2 =	slt.u32 s8, $0xFFFFF086  }
0x1c: {  	p1 =	slt.u32 s9, $0xF7A;
	s5 =	simm.s32 @!p2 $0x0  }
0x1d: {  	s5 =	simm.s32 @p1 $0x1;
	p0 =	seq.s32 s7, s2  }
0x1e: {  	s7 =	smul.u32 @!p0 $0xF7A, s2;
	p2 =	seq.s32 @!p0 s5, $0x0  }
0x1f: {  	s9 =	smul.u32 $0xF7A, s1;
	s8 =	simm.s32 @!p0 $0x1BF5;
	p2 =	por !p2, p0  }
0x20: {  	[sflag:s8] =	ssyncset.s32 @!p0 $0xFFFFF086;
	s6 =	sadd.s32 @!p0 s3, s7;
	s7 =	simm.s32 @!p0 $0x108  }
0x21: {  	s3 =	sadd.s32 s3, s9;
	s6 =	sadd.s32 @!p0 $0x88, s6;
	s7 =	simm.s32 @p2 $0x1082  }
0x22: {  	[simem:s7], [sflag:s8] =	dma.local @!p0 [hbm:s6], $0xF7A  }
0x23: {  	s9 =	sor.u32 $0xD0000000, s2;
	s6 =	simm.s32 $0x108;
	_ =	swait.ge @!p0 [sflag:s8], $0x0  }
0x24: {  	s3 =	sadd.s32 $0x88, s3;
	s6 =	simm.s32 @!p1 $0x1082;
	[sflag:s4] =	ssyncset.s32 $0xFFFFF086  }
0x25: {  	[simem:s6], [sflag:s4] =	dma.local [hbm:s3], $0xF7A  }
0x26: {  	[smem:$0x3F8E] =	sst s1;
	(tag) =	ssettag s2;
	_ =	strace s9  }
0x27: {  	s1 =	sld [smem:$0x3F9E]  }
0x28: {  	s2 =	sld [smem:$0x3F9F]  }
0x29: {  	s4 =	sld [smem:$0x3FA1]  }
0x2a: {  	p0 =	seq.s32 s5, $0x0;
	s5 =	sld [smem:$0x3FA2]  }
0x2b: {  	s6 =	sld [smem:$0x3FA3]  }
0x2c: {  	s7 =	sld [smem:$0x3FA4]  }
0x2d: {  	s3 =	simm.s32 $0x108;
	s8 =	sld [smem:$0x3FA5]  }
0x2e: {  	s3 =	simm.s32 @!p0 $0x1082;
	s9 =	sld [smem:$0x3FA6]  }
0x2f: {  	lr =	sadd.s32 s0, s3;
	s0 =	sld [smem:$0x3F9D]  }
0x30: {  	s3 =	sld [smem:$0x3FA0]  }
0x31: {  	[smem:$0x3FA9] =	sst s10  }
0x32: {  	s10 =	sld [smem:$0x3FA7];
	_ =	sdelay $0x3  }
0x33: {  	p0 =	seq.s32 s10, $0x1;
	s10 =	sld [smem:$0x3FA9];
	_ =	sdelay $0x3  }
0x34: {  	[smem:$0x3FA9] =	sst s10  }
0x35: {  	s10 =	sld [smem:$0x3FA8];
	_ =	sdelay $0x3  }
0x36: {  	p1 =	seq.s32 s10, $0x1;
	s10 =	sld [smem:$0x3FA9];
	_ =	sdelay $0x3  }
0x37: {  	[smem:$0x3FA9] =	sst s10  }
0x38: {  	s10 =	sld [smem:$0x3FAA]  }
0x39: {  	_ = 	snop;
	(pc) =	sbr.ind lr, $3  }
0x3a: {  	_ = 	snop  }
0x3b: {  	_ = 	snop  }
0x3c: {  	p2 =	seq.s32 s10, $0x1;
	s10 =	sld [smem:$0x3FA9]  }
0x3d: {  	_ =	shalt  }
0x3e: {  	_ =	shalt  }
0x3f: {  	_ =	shalt  }
0x40: {  	_ =	shalt  }
0x41: {  	_ =	shalt  }
0x42: {  	_ =	shalt  }
0x43: {  	_ =	shalt  }
0x44: {  	_ =	shalt  }
0x45: {  	_ =	shalt  }
0x46: {  	_ =	shalt  }
0x47: {  	_ =	shalt  }
0x48: {  	_ =	shalt  }
0x49: {  	_ =	shalt  }
0x4a: {  	_ =	shalt  }
0x4b: {  	_ =	shalt  }
0x4c: {  	_ =	shalt  }
0x4d: {  	_ =	shalt  }
0x4e: {  	_ =	shalt  }
0x4f: {  	_ =	shalt  }
0x50: {  	_ =	shalt  }
0x51: {  	_ =	shalt  }
0x52: {  	_ =	shalt  }
0x53: {  	_ =	shalt  }
0x54: {  	_ =	shalt  }
0x55: {  	_ =	shalt  }
0x56: {  	_ =	shalt  }
0x57: {  	_ =	shalt  }
0x58: {  	_ =	shalt  }
0x59: {  	_ =	shalt  }
0x5a: {  	_ =	shalt  }
0x5b: {  	_ =	shalt  }
0x5c: {  	_ =	shalt  }
0x5d: {  	_ =	shalt  }
0x5e: {  	_ =	shalt  }
0x5f: {  	_ =	shalt  }
0x60: {  	_ =	shalt  }
0x61: {  	_ =	shalt  }
0x62: {  	_ =	shalt  }
0x63: {  	_ =	shalt  }
0x64: {  	_ =	shalt  }
0x65: {  	_ =	shalt  }
0x66: {  	_ =	shalt  }
0x67: {  	_ =	shalt  }
0x68: {  	_ =	shalt  }
0x69: {  	_ =	shalt  }
0x6a: {  	_ =	shalt  }
0x6b: {  	_ =	shalt  }
0x6c: {  	_ =	shalt  }
0x6d: {  	_ =	shalt  }
0x6e: {  	_ =	shalt  }
0x6f: {  	_ =	shalt  }
0x70: {  	_ =	shalt  }
0x71: {  	_ =	shalt  }
0x72: {  	_ =	shalt  }
0x73: {  	_ =	shalt  }
0x74: {  	_ =	shalt  }
0x75: {  	_ =	shalt  }
0x76: {  	_ =	shalt  }
0x77: {  	_ =	shalt  }
0x78: {  	_ =	shalt  }
0x79: {  	_ =	shalt  }
0x7a: {  	_ =	shalt  }
0x7b: {  	_ =	shalt  }
0x7c: {  	_ =	shalt  }
0x7d: {  	_ =	shalt  }
0x7e: {  	_ =	shalt  }
0x7f: {  	_ =	shalt  }
0x80: {  	_ =	shalt  }
0x81: {  	_ =	shalt  }
0x82: {  	_ =	shalt  }
0x83: {  	_ =	shalt  }
0x84: {  	_ =	shalt  }
0x85: {  	_ =	shalt  }
0x86: {  	_ =	shalt  }
0x87: {  	_ =	shalt  }
.Lfunc_end0:
.L_simem_size_0:
called_computation.4_lowered:
.L_overlay_start_0:
0x88: {  	s2 =	sld [smem:$0x3FD9]  }
0x89: {  	s3 =	sld [smem:$0x3FFE];
	_ =	sdelay $0x1  }
0x8a: {  	s1 =	srdreg.scid  }
0x8b: {  	s0 =	sand.u32 $0x1, s1  }
0x8c: {  	s17 =	sshll.u32 s0, $0xA;
	s2 =	sadd.s32 s3, s2  }
0x8d: {  	s2 =	sadd.s32 s2, s17  }
0x8e: {  	[smem:$0x3FB5] =	sst s2  }
0x8f: {  	_ = 	snop  }
0x90: {  	(tm) =	ssettm $0x1  }
0x91: {  	s18 =	sld [smem:$0x3FFB];
	_ =	sdelay $0x3  }
0x92: {  	_ =	strace s18  }
0x93: {  	s2 =	sld [smem:$0x3FFC];
	_ =	sdelay $0x3  }
0x94: {  	_ =	strace s2  }
0x95: {  	s2 =	sld [smem:$0x3FFD];
	_ =	sdelay $0x3  }
0x96: {  	_ =	strace s2  }
0x97: {  	_ =	strace $0x8FFFFFFF  }
0x98: {  	s19 =	sld [smem:$0x3FDB];
	_ =	sdelay $0x1  }
0x99: {  	s20 =	simm.s32 $_scs_section_size  }
0x9a: {  	s4 =	simm.s32 $_size__tile_overlayer_lowered;
	s5 =	simm.s32 $_tile_overlayer_lowered  }
0x9b: {  	s6 =	simm.s32 $0x1BFF;
	s21 =	sshll.u32 s5, $0x1;
	s3 =	sadd.s32 s20, s19  }
0x9c: {  	s22 =	simm.s32 $0x0;
	s4 =	sshll.u32 s4, $0x1;
	s5 =	sadd.s32 s21, s3  }
0x9d: {  	[timem:s22], [sflag:s6] =	dma.local [hbm:s5], s4  }
0x9e: {  	_ =	swait.ge [sflag:s6], s4  }
0x9f: {  	s4 =	ssub.s32 $0x0, s4;
	[sflag:s6] =	ssyncset.done $0x0  }
0xa0: {  	[sflag:s6] =	ssyncadd.s32 s4;
	_ =	sdelay $0x1  }
0xa1: {  	s23 =	simm.s32 $0x1B8B  }
0xa2: {  	_ =	swait.ge [sflag:s23], $0x1  }
0xa3: {  	[sflag:s23] =	ssyncset.done $0x0  }
0xa4: {  	[sflag:s23] =	ssyncadd.s32 $0xFFFFFFFF  }
0xa5: {  	s4 =	sld [smem:$0x0]  }
0xa6: {  	s5 =	sand.u32 $0xFFFFFFFE, s1  }
0xa7: {  	p0 =	sne.s32 s1, s5  }
0xa8: {  	s5 =	sshll.u32 @p0 s5, $0xE  }
0xa9: {  	s5 =	sadd.s32 @p0 $0x11B8D, s5;
	s6 =	sshll.u32 @p0 s4, $0x11  }
0xaa: {  	s5 =	sor.u32 @p0 s6, s5  }
0xab: {  	[sflag:s5] =	ssyncadd.remote.s32 @p0 $0x1;
	_ =	sdelay $0x1  }
0xac: {  	s5 =	simm.s32 @p0 $0x1B8D  }
0xad: {  	_ =	swait.eq @p0 [sflag:s5], $0x1  }
0xae: {  	[sflag:s5] =	ssyncadd.s32 @p0 $0xFFFFFFFF  }
0xaf: {  	s6 =	sshll.u32 @!p0 s1, $0xE  }
0xb0: {  	s6 =	sor.u32 @!p0 $0x4000, s6;
	s5 =	simm.s32 @!p0 $0x1B8D  }
0xb1: {  	s4 =	sshll.u32 @!p0 s4, $0x11;
	s6 =	sadd.s32 @!p0 $0x11B8D, s6;
	_ =	swait.eq @!p0 [sflag:s5], $0x1  }
0xb2: {  	s4 =	sor.u32 @!p0 s4, s6;
	[sflag:s5] =	ssyncadd.s32 @!p0 $0xFFFFFFFF  }
0xb3: {  	s25 =	simm.s32 $0x1B8E;
	s24 =	sld [smem:$0x3FFE];
	[sflag:s4] =	ssyncadd.remote.s32 @!p0 $0x1  }
0xb4: {  	s26 =	simm.s32 $execute0_lowered;
	[smem:$0x3FD2] =	sst s25  }
0xb5: {  	s5 =	sshll.u32 s26, $0x1;
	_ =	strace $0x80000052;
	[dreg:$0x1] =	wrdreg $0xFFFFFFFF  }
0xb6: {  	s28 =	simm.s32 $_size_execute0_lowered;
	s3 =	sadd.s32 s3, s5;
	[dreg:$0x0] =	wrdreg $0x0  }
0xb7: {  	s5 =	sshll.u32 s28, $0x1;
	[dreg:$0x2] =	wrdreg s3  }
0xb8: {  	[dreg:$0x3] =	wrdreg s5  }
0xb9: {  	[dreg:$0x4] =	wrdreg $0xC0  }
0xba: {  	_ =	task [dreg:s22], $0x5FFFF  }
0xbb: {  	[dreg:$0x1] =	wrdreg $0xFFFFFFFF  }
0xbc: {  	[dreg:$0x0] =	wrdreg $0x60  }
0xbd: {  	[dreg:$0x2] =	wrdreg s24  }
0xbe: {  	[dreg:$0x3] =	wrdreg $0x129000  }
0xbf: {  	[dreg:$0x4] =	wrdreg $0xA  }
0xc0: {  	_ =	task.clear_ibuf [dreg:s22], $0x5FFFF;
	_ =	strace $0x90000052  }
0xc1: {  	s29 =	simm.s32 $0xA;
	_ =	strace $0x80000054  }
0xc2: {  	_ =	swait.ge [sflag:s29], $0x1  }
0xc3: {  	[sflag:s29] =	ssyncadd.s32 $0xFFFFFFFF  }
0xc4: {  	_ =	strace $0x90000054  }
0xc5: {  	_ =	sfence  }
0xc6: {  	s30 =	sld [smem:$0x0];
	_ =	sdelay $0x2  }
0xc7: {  	s31 =	sshll.u32 s1, $0xD;
	s1 =	sshrl.u32 s1, $0x2  }
0xc8: {  	s4 =	sand.u32 $0x4000, s31;
	s1 =	sadd.s32 s1, s30  }
0xc9: {  	s0 =	sor.u32 s4, s0;
	s1 =	sshll.u32 s1, $0x11  }
0xca: {  	s0 =	sor.u32 s1, s0  }
0xcb: {  	s0 =	sadd.s32 $0x8F2B, s0  }
0xcc: {  	[sflag:s0] =	ssyncadd.remote.s32 $0x1  }
0xcd: {  	_ =	sfence.sel $0xFFFF  }
0xce: {  	[dreg:$0x0] =	wrdreg $0xFFFFFFFF;
	(pc) =	sbr.abs _section_cstart, $3  }
0xcf: {  	[dreg:$0x1] =	wrdreg $0xFFFFFFFF  }
0xd0: {  	_ =	task.clear_ibuf [dreg:s22], $0x2FFFF;
	_ =	strace $0x9FFFFFFF  }
0xd1: {  	(tm) =	ssettm $0x7FFFFFFF  }
tec
execute0_lowered:
.L_overlay_start_1:
0x0: {  	(tag) =	ssettag $0x1  }
0x1: {  	s0 =	rddreg [dreg:$0x0]  }
0x2: {  	s1 =	rddreg [dreg:$0x1];
	s3 =	simm.s32 $0x0  }
0x3: {  	s2 =	srdreg.scid;
	s14 =	stileid.u32;
	s19 =	simm.s32 $0x5  }
0x4: {  	s20 =	simm.s32 $0x1080;
	s21 =	simm.s32 $0x840;
	s28 =	simm.s32 $0x2  }
0x5: {  	s29 =	simm.s32 $0x4;
	s30 =	simm.s32 $0x0;
	[smem:$0x7FF] =	sst s3  }
0x6: {  	s4 =	sadd.s32 $0x3AC200, s0;
	s2 =	sand.u32 $0x1, s2;
	s5 =	sadd.s32 $0x2CCC00, s0  }
0x7: {  	s7 =	smul.u32 $0xC380, s14;
	s6 =	sadd.s32 $0x2B4000, s0;
	s9 =	sadd.s32 $0x426400, s0  }
0x8: {  	s23 =	sshll.u32 s14, $0x6;
	_ =	strace $0x80000053;
	s8 =	smul.u32 $0xC3800, s2  }
0x9: {  	[dreg:$0x3] =	wrdreg s9;
	s22 =	sshll.u32 s2, $0x4;
	s10 =	ssub.s32 $0x2, s2  }
0xa: {  	s2 =	smul.u32 $0x63000, s2;
	s9 =	sor.u32 s14, s22;
	s11 =	sshrl.u32 s10, $0x1  }
0xb: {  	s14 =	smul.u32 $0x6300, s14;
	s22 =	simm.s32 $0x2100;
	s8 =	sadd.s32 s7, s8  }
0xc: {  	s9 =	smul.u32 $0x6300, s9;
	s12 =	ssub.s32 s10, s11;
	s7 =	sadd.s32 s7, s1  }
0xd: {  	s8 =	sshrl.u32 s8, $0x3;
	s25 =	sadd.s32 s14, s2;
	s12 =	smax.u32 s12, $0x1  }
0xe: {  	s18 =	sshrl.u32 s7, $0x3;
	s0 =	sadd.s32 s8, s0;
	s13 =	sshrl.u32 s9, $0x3  }
0xf: {  	s8 =	sor.u32 $0x1C05, s23;
	s15 =	sadd.s32 $0x840, s25;
	s23 =	simm.s32 $0x18C0  }
0x10: {  	s9 =	sadd.s32 s5, s13;
	s24 =	sadd.s32 s6, s13;
	s11 =	sadd.s32 $0x3C4A00, s0  }
0x11: {  	s26 =	sadd.s32 $0xB58, s13;
	s31 =	sshrl.u32 s15, $0x3;
	[dreg:$0x4] =	wrdreg s9  }
0x12: {  	s15 =	sadd.s32 $0x1080, s25;
	s25 =	simm.s32 $0xA500;
	[dreg:$0x5] =	wrdreg s24  }
0x13: {  	s13 =	sadd.s32 s5, s26;
	s14 =	sadd.s32 s6, s26;
	s16 =	sadd.s32 s31, s6  }
0x14: {  	s17 =	sadd.s32 s31, s5;
	s24 =	simm.s32 $0x1;
	s26 =	simm.s32 $0x3  }
.LBB2_1:
0x15: {  	s0 =	rddreg [dreg:$0x3]  }
0x16: {  	[spmem:s18], [sflag:s8] =	dma.local [hbm:s0], $0x1870  }
0x17: {  	_ =	swait.ge [sflag:s19], $0x1870  }
0x18: {  	[sflag:s19] =	ssyncset.done $0x0  }
0x19: {  	[sflag:s19] =	ssyncadd.s32 $0xFFFFE790  }
0x1a: {  	[bflag:$0x0] =	sbarrier.arrive $0xFFFF  }
0x1b: {  	s10 =	rddreg [dreg:$0x4]  }
0x1c: {  	[tilespmem:s3], [sflag:$0x5] =	stream.linear.gather [hbm4b:s10+s3], $0x840, $0x38;
	[tilespmem:$0x1EC80] =	vst v63  }
0x1d: {  	_ =	swait.ge [sflag:s19], $0x840  }
0x1e: {  	[sflag:s19] =	ssyncset.done $0x0  }
0x1f: {  	s2 =	rddreg [dreg:$0x5];
	[sflag:s19] =	ssyncadd.s32 $0xFFFFF7C0  }
0x20: {  	[tilespmem:s20], [sflag:$0x5] =	stream.linear.gather [hbm4b:s2+s3], $0x840, $0x38;
	[tilespmem:$0x1EC80] =	vst v63  }
0x21: {  	_ =	swait.ge [sflag:s19], $0x840  }
0x22: {  	[sflag:s19] =	ssyncset.done $0x0  }
0x23: {  	[sflag:s19] =	ssyncadd.s32 $0xFFFFF7C0  }
0x24: {  	[tilespmem:s22], [sflag:$0x1] =	stream.indirect.gather [hbm4b:s4+s21], $0x10, s3, s21, $0xb8;
	[tilespmem:$0x1EC80] =	vst v63  }
0x25: {  	s7 =	sadd.s32 $0x0, s17  }
0x26: {  	[tilespmem:s21], [sflag:$0x5] =	stream.linear.gather [hbm4b:s7+s3], $0x840, $0x38;
	[tilespmem:$0x1EC80] =	vst v63  }
0x27: {  	_ =	swait.ge [sflag:s19], $0x840  }
0x28: {  	[sflag:s19] =	ssyncset.done $0x0  }
0x29: {  	s9 =	sadd.s32 $0x0, s16;
	[sflag:s19] =	ssyncadd.s32 $0xFFFFF7C0  }
0x2a: {  	[tilespmem:s23], [sflag:$0x5] =	stream.linear.gather [hbm4b:s9+s3], $0x840, $0x38;
	[tilespmem:$0x1EC80] =	vst v63  }
0x2b: {  	_ =	swait.ge [sflag:s19], $0x840  }
0x2c: {  	[sflag:s19] =	ssyncset.done $0x0  }
0x2d: {  	[sflag:s19] =	ssyncadd.s32 $0xFFFFF7C0  }
0x2e: {  	_ =	swait.ge [sflag:s24], $0x8400  }
0x2f: {  	[sflag:s24] =	ssyncset.done $0x0  }
0x30: {  	[sflag:s24] =	ssyncadd.s32 $0xFFFF7C00  }
0x31: {  	[tilespmem:s25], [sflag:$0x2] =	stream.indirect.gather [hbm4b:s4+s21], $0x10, s21, s21, $0xb8;
	[tilespmem:$0x1EC80] =	vst v63  }
0x32: {  	_ = 	snop  }
0x33: {  	[spmem:s1] =	stream.indirect.scatter.add.f32 [tilespmem:s22], [sflag:$0x3], $0x10, s20, s21, $0xb8;
	[tilespmem:$0x1EC80] =	vst v63  }
0x34: {  	_ =	swait.ge [sflag:s26], $0x8400  }
0x35: {  	s10 =	sshrl.u32 s15, $0x3;
	[sflag:s26] =	ssyncset.done $0x0  }
0x36: {  	s2 =	sadd.s32 s5, s10;
	[sflag:s26] =	ssyncadd.s32 $0xFFFF7C00  }
0x37: {  	[tilespmem:s3], [sflag:$0x5] =	stream.linear.gather [hbm4b:s2+s3], $0x840, $0x38;
	[tilespmem:$0x1EC80] =	vst v63  }
0x38: {  	_ =	swait.ge [sflag:s19], $0x840  }
0x39: {  	[sflag:s19] =	ssyncset.done $0x0  }
0x3a: {  	s0 =	sadd.s32 s6, s10;
	[sflag:s19] =	ssyncadd.s32 $0xFFFFF7C0  }
0x3b: {  	[tilespmem:s20], [sflag:$0x5] =	stream.linear.gather [hbm4b:s0+s3], $0x840, $0x38;
	[tilespmem:$0x1EC80] =	vst v63  }
0x3c: {  	_ =	swait.ge [sflag:s19], $0x840  }
0x3d: {  	[sflag:s19] =	ssyncset.done $0x0  }
0x3e: {  	[sflag:s19] =	ssyncadd.s32 $0xFFFFF7C0  }
0x3f: {  	[tilespmem:s22], [sflag:$0x1] =	stream.indirect.gather [hbm4b:s4+s21], $0x10, s3, s21, $0xb8;
	[tilespmem:$0x1EC80] =	vst v63  }
0x40: {  	_ =	swait.ge [sflag:s28], $0x8400  }
0x41: {  	[sflag:s28] =	ssyncset.done $0x0  }
0x42: {  	[sflag:s28] =	ssyncadd.s32 $0xFFFF7C00  }
0x43: {  	[spmem:s1] =	stream.indirect.scatter.add.f32 [tilespmem:s25], [sflag:$0x4], $0x10, s23, s21, $0xb8;
	[tilespmem:$0x1EC80] =	vst v63  }
0x44: {  	s31 =	sadd.s32 $0x1080, s15;
	_ =	swait.ge [sflag:s29], $0x8400  }
0x45: {  	s2 =	simm.s32 $0x420;
	s0 =	simm.s32 $0x210;
	[sflag:s29] =	ssyncset.done $0x0  }
.LBB2_2:
0x46: {  	s9 =	sadd.s32 s0, s17  }
0x47: {  	[sflag:s29] =	ssyncadd.s32 $0xFFFF7C00;
	s10 =	smov.u32 s2;
	s7 =	sadd.s32 $0x210, s2  }
0x48: {  	[tilespmem:s21], [sflag:$0x5] =	stream.linear.gather [hbm4b:s9+s3], $0x840, $0x38;
	[tilespmem:$0x1EC80] =	vst v63  }
0x49: {  	p0 =	sne.s32 s2, $0x840;
	_ =	swait.ge [sflag:s19], $0x840  }
0x4a: {  	[sflag:s19] =	ssyncset.done $0x0  }
0x4b: {  	s2 =	sadd.s32 s0, s16;
	s0 =	smov.u32 s10;
	[sflag:s19] =	ssyncadd.s32 $0xFFFFF7C0  }
0x4c: {  	[tilespmem:s23], [sflag:$0x5] =	stream.linear.gather [hbm4b:s2+s3], $0x840, $0x38;
	[tilespmem:$0x1EC80] =	vst v63  }
0x4d: {  	_ =	swait.ge [sflag:s19], $0x840  }
0x4e: {  	[sflag:s19] =	ssyncset.done $0x0  }
0x4f: {  	[sflag:s19] =	ssyncadd.s32 $0xFFFFF7C0  }
0x50: {  	_ =	swait.ge [sflag:s24], $0x8400  }
0x51: {  	[sflag:s24] =	ssyncset.done $0x0  }
0x52: {  	[sflag:s24] =	ssyncadd.s32 $0xFFFF7C00  }
0x53: {  	[tilespmem:s25], [sflag:$0x2] =	stream.indirect.gather [hbm4b:s4+s21], $0x10, s21, s21, $0xb8;
	[tilespmem:$0x1EC80] =	vst v63  }
0x54: {  	_ = 	snop  }
0x55: {  	[spmem:s1] =	stream.indirect.scatter.add.f32 [tilespmem:s22], [sflag:$0x3], $0x10, s20, s21, $0xb8;
	[tilespmem:$0x1EC80] =	vst v63  }
0x56: {  	_ =	swait.ge [sflag:s26], $0x8400  }
0x57: {  	s2 =	sshrl.u32 s31, $0x3;
	[sflag:s26] =	ssyncset.done $0x0  }
0x58: {  	s9 =	sadd.s32 s5, s2;
	[sflag:s26] =	ssyncadd.s32 $0xFFFF7C00  }
0x59: {  	[tilespmem:s3], [sflag:$0x5] =	stream.linear.gather [hbm4b:s9+s3], $0x840, $0x38;
	[tilespmem:$0x1EC80] =	vst v63  }
0x5a: {  	_ =	swait.ge [sflag:s19], $0x840  }
0x5b: {  	[sflag:s19] =	ssyncset.done $0x0  }
0x5c: {  	s2 =	sadd.s32 s6, s2;
	[sflag:s19] =	ssyncadd.s32 $0xFFFFF7C0  }
0x5d: {  	[tilespmem:s20], [sflag:$0x5] =	stream.linear.gather [hbm4b:s2+s3], $0x840, $0x38;
	[tilespmem:$0x1EC80] =	vst v63  }
0x5e: {  	_ =	swait.ge [sflag:s19], $0x840  }
0x5f: {  	[sflag:s19] =	ssyncset.done $0x0  }
0x60: {  	[sflag:s19] =	ssyncadd.s32 $0xFFFFF7C0  }
0x61: {  	[tilespmem:s22], [sflag:$0x1] =	stream.indirect.gather [hbm4b:s4+s21], $0x10, s3, s21, $0xb8;
	[tilespmem:$0x1EC80] =	vst v63  }
0x62: {  	_ =	swait.ge [sflag:s28], $0x8400  }
.Ltmp0:
0x63: {  	[sflag:s28] =	ssyncset.done $0x0;
	(pc) =	sbr.rel @p0 .LBB2_2-.Ltmp0, $4  }
0x64: {  	[sflag:s28] =	ssyncadd.s32 $0xFFFF7C00  }
0x65: {  	[spmem:s1] =	stream.indirect.scatter.add.f32 [tilespmem:s25], [sflag:$0x4], $0x10, s23, s21, $0xb8;
	[tilespmem:$0x1EC80] =	vst v63  }
0x66: {  	_ =	swait.ge [sflag:s29], $0x8400  }
0x67: {  	s31 =	sadd.s32 $0x1080, s31;
	s2 =	smov.u32 s7;
	[sflag:s29] =	ssyncset.done $0x0  }
0x68: {  	s2 =	sadd.s32 s0, s17;
	[sflag:s29] =	ssyncadd.s32 $0xFFFF7C00  }
0x69: {  	[tilespmem:s21], [sflag:$0x5] =	stream.linear.gather [hbm4b:s2+s3], $0x840, $0x38;
	[tilespmem:$0x1EC80] =	vst v63  }
0x6a: {  	_ =	swait.ge [sflag:s19], $0x840  }
0x6b: {  	[sflag:s19] =	ssyncset.done $0x0  }
0x6c: {  	s9 =	sadd.s32 s0, s16;
	[sflag:s19] =	ssyncadd.s32 $0xFFFFF7C0  }
0x6d: {  	[tilespmem:s23], [sflag:$0x5] =	stream.linear.gather [hbm4b:s9+s3], $0x840, $0x38;
	[tilespmem:$0x1EC80] =	vst v63  }
0x6e: {  	_ =	swait.ge [sflag:s19], $0x840  }
0x6f: {  	[sflag:s19] =	ssyncset.done $0x0  }
0x70: {  	[sflag:s19] =	ssyncadd.s32 $0xFFFFF7C0  }
0x71: {  	_ =	swait.ge [sflag:s24], $0x8400  }
0x72: {  	[sflag:s24] =	ssyncset.done $0x0  }
0x73: {  	[sflag:s24] =	ssyncadd.s32 $0xFFFF7C00  }
0x74: {  	[tilespmem:s25], [sflag:$0x2] =	stream.indirect.gather [hbm4b:s4+s21], $0x10, s21, s21, $0xb8;
	[tilespmem:$0x1EC80] =	vst v63  }
0x75: {  	_ = 	snop  }
0x76: {  	[spmem:s1] =	stream.indirect.scatter.add.f32 [tilespmem:s22], [sflag:$0x3], $0x10, s20, s21, $0xb8;
	[tilespmem:$0x1EC80] =	vst v63  }
0x77: {  	_ =	swait.ge [sflag:s26], $0x8400  }
0x78: {  	s10 =	sshrl.u32 s31, $0x3;
	[sflag:s26] =	ssyncset.done $0x0  }
0x79: {  	s31 =	sadd.s32 s5, s10;
	[sflag:s26] =	ssyncadd.s32 $0xFFFF7C00  }
0x7a: {  	[tilespmem:s3], [sflag:$0x5] =	stream.linear.gather [hbm4b:s31+s3], $0x840, $0x38;
	[tilespmem:$0x1EC80] =	vst v63  }
0x7b: {  	_ =	swait.ge [sflag:s19], $0x840  }
0x7c: {  	[sflag:s19] =	ssyncset.done $0x0  }
0x7d: {  	s0 =	sadd.s32 s6, s10;
	[sflag:s19] =	ssyncadd.s32 $0xFFFFF7C0  }
0x7e: {  	[tilespmem:s20], [sflag:$0x5] =	stream.linear.gather [hbm4b:s0+s3], $0x840, $0x38;
	[tilespmem:$0x1EC80] =	vst v63  }
0x7f: {  	_ =	swait.ge [sflag:s19], $0x840  }
0x80: {  	[sflag:s19] =	ssyncset.done $0x0  }
0x81: {  	[sflag:s19] =	ssyncadd.s32 $0xFFFFF7C0  }
0x82: {  	[tilespmem:s22], [sflag:$0x1] =	stream.indirect.gather [hbm4b:s4+s21], $0x10, s3, s21, $0xb8;
	[tilespmem:$0x1EC80] =	vst v63  }
0x83: {  	_ =	swait.ge [sflag:s28], $0x8400  }
0x84: {  	[sflag:s28] =	ssyncset.done $0x0  }
0x85: {  	[sflag:s28] =	ssyncadd.s32 $0xFFFF7C00  }
0x86: {  	[spmem:s1] =	stream.indirect.scatter.add.f32 [tilespmem:s25], [sflag:$0x4], $0x10, s23, s21, $0xb8;
	[tilespmem:$0x1EC80] =	vst v63  }
0x87: {  	_ =	swait.ge [sflag:s29], $0x8400  }
0x88: {  	[sflag:s29] =	ssyncset.done $0x0  }
0x89: {  	[sflag:s29] =	ssyncadd.s32 $0xFFFF7C00  }
0x8a: {  	[tilespmem:s21], [sflag:$0x5] =	stream.linear.gather [hbm4b:s13+s3], $0x840, $0x38;
	[tilespmem:$0x1EC80] =	vst v63  }
0x8b: {  	_ =	swait.ge [sflag:s19], $0x840  }
0x8c: {  	[sflag:s19] =	ssyncset.done $0x0  }
0x8d: {  	[sflag:s19] =	ssyncadd.s32 $0xFFFFF7C0  }
0x8e: {  	[tilespmem:s23], [sflag:$0x5] =	stream.linear.gather [hbm4b:s14+s3], $0x840, $0x38;
	[tilespmem:$0x1EC80] =	vst v63  }
0x8f: {  	_ =	swait.ge [sflag:s19], $0x840  }
0x90: {  	[sflag:s19] =	ssyncset.done $0x0  }
0x91: {  	[sflag:s19] =	ssyncadd.s32 $0xFFFFF7C0  }
0x92: {  	_ =	swait.ge [sflag:s24], $0x8400  }
0x93: {  	[sflag:s24] =	ssyncset.done $0x0  }
0x94: {  	[sflag:s24] =	ssyncadd.s32 $0xFFFF7C00  }
0x95: {  	[tilespmem:s25], [sflag:$0x2] =	stream.indirect.gather [hbm4b:s4+s21], $0x10, s21, s21, $0xb8;
	[tilespmem:$0x1EC80] =	vst v63  }
0x96: {  	_ = 	snop  }
0x97: {  	[spmem:s1] =	stream.indirect.scatter.add.f32 [tilespmem:s22], [sflag:$0x3], $0x10, s20, s21, $0xb8;
	[tilespmem:$0x1EC80] =	vst v63  }
0x98: {  	_ =	swait.ge [sflag:s26], $0x8400  }
0x99: {  	[sflag:s26] =	ssyncset.done $0x0  }
0x9a: {  	[sflag:s26] =	ssyncadd.s32 $0xFFFF7C00  }
0x9b: {  	_ =	swait.ge [sflag:s28], $0x8400  }
0x9c: {  	[sflag:s28] =	ssyncset.done $0x0  }
0x9d: {  	[sflag:s28] =	ssyncadd.s32 $0xFFFF7C00  }
0x9e: {  	[spmem:s1] =	stream.indirect.scatter.add.f32 [tilespmem:s25], [sflag:$0x4], $0x10, s23, s21, $0xb8;
	[tilespmem:$0x1EC80] =	vst v63  }
0x9f: {  	_ =	swait.ge [sflag:s29], $0x8400  }
0xa0: {  	s30 =	sadd.s32 $0x1, s30;
	[sflag:s29] =	ssyncset.done $0x0  }
0xa1: {  	p0 =	sne.s32 s30, s12;
	[sflag:s29] =	ssyncadd.s32 $0xFFFF7C00  }
.Ltmp1:
0xa2: {  	[bflag:$0x0] =	sbarrier.arrive $0xFFFF;
	(pc) =	sbr.rel @p0 .LBB2_1-.Ltmp1, $4  }
0xa3: {  	[hbm:s11], [sflag:s8] =	dma.local [spmem:s18], $0x1870  }
0xa4: {  	_ =	swait.ge [sflag:s19], $0x1870  }
0xa5: {  	[sflag:s19] =	ssyncset.done $0x0  }
0xa6: {  	[sflag:s19] =	ssyncadd.s32 $0xFFFFE790  }
0xa7: {  	_ =	sfence.sel $0x180000  }
0xa8: {  	[bflag:$0x0] =	sbarrier.arrive $0xFFFF  }
0xa9: {  	_ =	strace $0x90000053  }
0xaa: {  	s0 =	stileid.u32;
	[bflag:$0x2] =	sbarrier.arrive $0xFFFF  }
0xab: {  	p0 =	sne.s32 s0, $0x0;
	s0 =	rddreg [dreg:$0x2]  }
0xac: {  	s0 =	sadd.s32 @!p0 $0x100000, s0  }
0xad: {  	[sflag:s0] =	ssyncadd.tile.s32 @!p0 $0x1;
	_ =	shalt  }
.Lfunc_end2:
_tile_overlayer_lowered:
.L_overlay_start_2:
0xae: {  	(tag) =	ssettag $0x2  }
0xaf: {  	s0 =	rddreg [dreg:$0x0];
	s2 =	stileid.u32  }
0xb0: {  	s1 =	rddreg [dreg:$0x1];
	p0 =	sne.s32 s2, $0x0  }
0xb1: {  	s3 =	rddreg [dreg:$0x2];
	[bflag:$0x3] =	sbarrier.arrive $0xFFFF;
	s2 =	simm.s32 @!p0 $0x1C05  }
0xb2: {  	[timem:s3], [sflag:s2] =	dma.local @!p0 [hbm:s0], s1  }
0xb3: {  	s0 =	simm.s32 @!p0 $0x5  }
0xb4: {  	_ =	swait.ge @!p0 [sflag:s0], s1  }
0xb5: {  	s1 =	ssub.s32 @!p0 $0x0, s1;
	[sflag:s0] =	ssyncset.done @!p0 $0x0  }
0xb6: {  	[sflag:s0] =	ssyncadd.s32 @!p0 s1  }
0xb7: {  	[bflag:$0x3] =	sbarrier.arrive $0xFFFF  }
0xb8: {  	_ =	shalt  }

// kernel: kernel.27.cloned.1.call-start
scs
__scs_entry_jumppad:
0x0: {  	(pc) =	sbr.rel $0x88, $3  }
0x1: {  	(tag) =	ssettag $0x0;
	lr =	simm.s32 $0x1  }
0x2: {  	[smem:$0x3F8E] =	sst lr;
	_ =	strace $0xD0000000  }
0x3: {  	_ = 	snop  }
0x4: {  	_ = 	snop  }
0x5: {  	_ = 	snop  }
0x6: {  	_ = 	snop  }
0x7: {  	_ = 	snop  }
__scs_overlays_trampoline_lowered:
0x8: {  	[smem:$0x3F9D] =	sst s0  }
0x9: {  	[smem:$0x3F9E] =	sst s1  }
0xa: {  	[smem:$0x3F9F] =	sst s2  }
0xb: {  	[smem:$0x3FA0] =	sst s3  }
0xc: {  	[smem:$0x3FA1] =	sst s4  }
0xd: {  	[smem:$0x3FA2] =	sst s5  }
0xe: {  	[smem:$0x3FA3] =	sst s6  }
0xf: {  	[smem:$0x3FA4] =	sst s7  }
0x10: {  	[smem:$0x3FA5] =	sst s8  }
0x11: {  	[smem:$0x3FA6] =	sst s9;
	s0 =	simm.s32 @!p0 $0x0  }
0x12: {  	s1 =	sld [smem:$0x3F8C];
	s0 =	simm.s32 @p0 $0x1  }
0x13: {  	[smem:$0x3FA7] =	sst s0;
	s0 =	simm.s32 @!p1 $0x0  }
0x14: {  	s2 =	sld [smem:$0x3F8B];
	s0 =	simm.s32 @p1 $0x1  }
0x15: {  	[smem:$0x3FA8] =	sst s0;
	s0 =	simm.s32 @!p2 $0x0  }
0x16: {  	s3 =	sld [smem:$0x3FDB];
	s0 =	simm.s32 @p2 $0x1  }
0x17: {  	s4 =	simm.s32 $0x1BF5;
	[smem:$0x3FAA] =	sst s0  }
0x18: {  	s0 =	sld [smem:$0x3F8D];
	_ =	swait.ge [sflag:s4], $0x0  }
0x19: {  	s7 =	sld [smem:$0x3F8E]  }
0x1a: {  	s8 =	sadd.s32 $0xFFFFE003, lr  }
0x1b: {  	s9 =	sadd.s32 $0xFFFFFEF7, lr;
	s5 =	simm.s32 $0xFFFFFFFF;
	p2 =	slt.u32 s8, $0xFFFFF086  }
0x1c: {  	p1 =	slt.u32 s9, $0xF7A;
	s5 =	simm.s32 @!p2 $0x0  }
0x1d: {  	s5 =	simm.s32 @p1 $0x1;
	p0 =	seq.s32 s7, s2  }
0x1e: {  	s7 =	smul.u32 @!p0 $0xF7A, s2;
	p2 =	seq.s32 @!p0 s5, $0x0  }
0x1f: {  	s9 =	smul.u32 $0xF7A, s1;
	s8 =	simm.s32 @!p0 $0x1BF5;
	p2 =	por !p2, p0  }
0x20: {  	[sflag:s8] =	ssyncset.s32 @!p0 $0xFFFFF086;
	s6 =	sadd.s32 @!p0 s3, s7;
	s7 =	simm.s32 @!p0 $0x108  }
0x21: {  	s3 =	sadd.s32 s3, s9;
	s6 =	sadd.s32 @!p0 $0x88, s6;
	s7 =	simm.s32 @p2 $0x1082  }
0x22: {  	[simem:s7], [sflag:s8] =	dma.local @!p0 [hbm:s6], $0xF7A  }
0x23: {  	s9 =	sor.u32 $0xD0000000, s2;
	s6 =	simm.s32 $0x108;
	_ =	swait.ge @!p0 [sflag:s8], $0x0  }
0x24: {  	s3 =	sadd.s32 $0x88, s3;
	s6 =	simm.s32 @!p1 $0x1082;
	[sflag:s4] =	ssyncset.s32 $0xFFFFF086  }
0x25: {  	[simem:s6], [sflag:s4] =	dma.local [hbm:s3], $0xF7A  }
0x26: {  	[smem:$0x3F8E] =	sst s1;
	(tag) =	ssettag s2;
	_ =	strace s9  }
0x27: {  	s1 =	sld [smem:$0x3F9E]  }
0x28: {  	s2 =	sld [smem:$0x3F9F]  }
0x29: {  	s4 =	sld [smem:$0x3FA1]  }
0x2a: {  	p0 =	seq.s32 s5, $0x0;
	s5 =	sld [smem:$0x3FA2]  }
0x2b: {  	s6 =	sld [smem:$0x3FA3]  }
0x2c: {  	s7 =	sld [smem:$0x3FA4]  }
0x2d: {  	s3 =	simm.s32 $0x108;
	s8 =	sld [smem:$0x3FA5]  }
0x2e: {  	s3 =	simm.s32 @!p0 $0x1082;
	s9 =	sld [smem:$0x3FA6]  }
0x2f: {  	lr =	sadd.s32 s0, s3;
	s0 =	sld [smem:$0x3F9D]  }
0x30: {  	s3 =	sld [smem:$0x3FA0]  }
0x31: {  	[smem:$0x3FA9] =	sst s10  }
0x32: {  	s10 =	sld [smem:$0x3FA7];
	_ =	sdelay $0x3  }
0x33: {  	p0 =	seq.s32 s10, $0x1;
	s10 =	sld [smem:$0x3FA9];
	_ =	sdelay $0x3  }
0x34: {  	[smem:$0x3FA9] =	sst s10  }
0x35: {  	s10 =	sld [smem:$0x3FA8];
	_ =	sdelay $0x3  }
0x36: {  	p1 =	seq.s32 s10, $0x1;
	s10 =	sld [smem:$0x3FA9];
	_ =	sdelay $0x3  }
0x37: {  	[smem:$0x3FA9] =	sst s10  }
0x38: {  	s10 =	sld [smem:$0x3FAA]  }
0x39: {  	_ = 	snop;
	(pc) =	sbr.ind lr, $3  }
0x3a: {  	_ = 	snop  }
0x3b: {  	_ = 	snop  }
0x3c: {  	p2 =	seq.s32 s10, $0x1;
	s10 =	sld [smem:$0x3FA9]  }
0x3d: {  	_ =	shalt  }
0x3e: {  	_ =	shalt  }
0x3f: {  	_ =	shalt  }
0x40: {  	_ =	shalt  }
0x41: {  	_ =	shalt  }
0x42: {  	_ =	shalt  }
0x43: {  	_ =	shalt  }
0x44: {  	_ =	shalt  }
0x45: {  	_ =	shalt  }
0x46: {  	_ =	shalt  }
0x47: {  	_ =	shalt  }
0x48: {  	_ =	shalt  }
0x49: {  	_ =	shalt  }
0x4a: {  	_ =	shalt  }
0x4b: {  	_ =	shalt  }
0x4c: {  	_ =	shalt  }
0x4d: {  	_ =	shalt  }
0x4e: {  	_ =	shalt  }
0x4f: {  	_ =	shalt  }
0x50: {  	_ =	shalt  }
0x51: {  	_ =	shalt  }
0x52: {  	_ =	shalt  }
0x53: {  	_ =	shalt  }
0x54: {  	_ =	shalt  }
0x55: {  	_ =	shalt  }
0x56: {  	_ =	shalt  }
0x57: {  	_ =	shalt  }
0x58: {  	_ =	shalt  }
0x59: {  	_ =	shalt  }
0x5a: {  	_ =	shalt  }
0x5b: {  	_ =	shalt  }
0x5c: {  	_ =	shalt  }
0x5d: {  	_ =	shalt  }
0x5e: {  	_ =	shalt  }
0x5f: {  	_ =	shalt  }
0x60: {  	_ =	shalt  }
0x61: {  	_ =	shalt  }
0x62: {  	_ =	shalt  }
0x63: {  	_ =	shalt  }
0x64: {  	_ =	shalt  }
0x65: {  	_ =	shalt  }
0x66: {  	_ =	shalt  }
0x67: {  	_ =	shalt  }
0x68: {  	_ =	shalt  }
0x69: {  	_ =	shalt  }
0x6a: {  	_ =	shalt  }
0x6b: {  	_ =	shalt  }
0x6c: {  	_ =	shalt  }
0x6d: {  	_ =	shalt  }
0x6e: {  	_ =	shalt  }
0x6f: {  	_ =	shalt  }
0x70: {  	_ =	shalt  }
0x71: {  	_ =	shalt  }
0x72: {  	_ =	shalt  }
0x73: {  	_ =	shalt  }
0x74: {  	_ =	shalt  }
0x75: {  	_ =	shalt  }
0x76: {  	_ =	shalt  }
0x77: {  	_ =	shalt  }
0x78: {  	_ =	shalt  }
0x79: {  	_ =	shalt  }
0x7a: {  	_ =	shalt  }
0x7b: {  	_ =	shalt  }
0x7c: {  	_ =	shalt  }
0x7d: {  	_ =	shalt  }
0x7e: {  	_ =	shalt  }
0x7f: {  	_ =	shalt  }
0x80: {  	_ =	shalt  }
0x81: {  	_ =	shalt  }
0x82: {  	_ =	shalt  }
0x83: {  	_ =	shalt  }
0x84: {  	_ =	shalt  }
0x85: {  	_ =	shalt  }
0x86: {  	_ =	shalt  }
0x87: {  	_ =	shalt  }
.Lfunc_end0:
.L_simem_size_0:
called_computation.5_lowered:
.L_overlay_start_0:
0x88: {  	s2 =	sld [smem:$0x3FD9]  }
0x89: {  	s3 =	sld [smem:$0x3FFE];
	_ =	sdelay $0x1  }
0x8a: {  	s1 =	srdreg.scid  }
0x8b: {  	s0 =	sand.u32 $0x1, s1  }
0x8c: {  	s17 =	sshll.u32 s0, $0xA;
	s2 =	sadd.s32 s3, s2  }
0x8d: {  	s2 =	sadd.s32 s2, s17  }
0x8e: {  	[smem:$0x3FB5] =	sst s2  }
0x8f: {  	_ = 	snop  }
0x90: {  	(tm) =	ssettm $0x1  }
0x91: {  	s18 =	sld [smem:$0x3FFB];
	_ =	sdelay $0x3  }
0x92: {  	_ =	strace s18  }
0x93: {  	s2 =	sld [smem:$0x3FFC];
	_ =	sdelay $0x3  }
0x94: {  	_ =	strace s2  }
0x95: {  	s2 =	sld [smem:$0x3FFD];
	_ =	sdelay $0x3  }
0x96: {  	_ =	strace s2  }
0x97: {  	_ =	strace $0x8FFFFFFF  }
0x98: {  	s19 =	sld [smem:$0x3FDB];
	_ =	sdelay $0x1  }
0x99: {  	s20 =	simm.s32 $_scs_section_size  }
0x9a: {  	s4 =	simm.s32 $_size__tile_overlayer_lowered;
	s5 =	simm.s32 $_tile_overlayer_lowered  }
0x9b: {  	s6 =	simm.s32 $0x1BFF;
	s21 =	sshll.u32 s5, $0x1;
	s3 =	sadd.s32 s20, s19  }
0x9c: {  	s22 =	simm.s32 $0x0;
	s4 =	sshll.u32 s4, $0x1;
	s5 =	sadd.s32 s21, s3  }
0x9d: {  	[timem:s22], [sflag:s6] =	dma.local [hbm:s5], s4  }
0x9e: {  	_ =	swait.ge [sflag:s6], s4  }
0x9f: {  	s4 =	ssub.s32 $0x0, s4;
	[sflag:s6] =	ssyncset.done $0x0  }
0xa0: {  	[sflag:s6] =	ssyncadd.s32 s4;
	_ =	sdelay $0x1  }
0xa1: {  	s23 =	simm.s32 $0x1B8B  }
0xa2: {  	_ =	swait.ge [sflag:s23], $0x1  }
0xa3: {  	[sflag:s23] =	ssyncset.done $0x0  }
0xa4: {  	[sflag:s23] =	ssyncadd.s32 $0xFFFFFFFF  }
0xa5: {  	s4 =	sld [smem:$0x0]  }
0xa6: {  	s5 =	sand.u32 $0xFFFFFFFE, s1  }
0xa7: {  	p0 =	sne.s32 s1, s5  }
0xa8: {  	s5 =	sshll.u32 @p0 s5, $0xE  }
0xa9: {  	s5 =	sadd.s32 @p0 $0x11B8D, s5;
	s6 =	sshll.u32 @p0 s4, $0x11  }
0xaa: {  	s5 =	sor.u32 @p0 s6, s5  }
0xab: {  	[sflag:s5] =	ssyncadd.remote.s32 @p0 $0x1;
	_ =	sdelay $0x1  }
0xac: {  	s5 =	simm.s32 @p0 $0x1B8D  }
0xad: {  	_ =	swait.eq @p0 [sflag:s5], $0x1  }
0xae: {  	[sflag:s5] =	ssyncadd.s32 @p0 $0xFFFFFFFF  }
0xaf: {  	s6 =	sshll.u32 @!p0 s1, $0xE  }
0xb0: {  	s6 =	sor.u32 @!p0 $0x4000, s6;
	s5 =	simm.s32 @!p0 $0x1B8D  }
0xb1: {  	s4 =	sshll.u32 @!p0 s4, $0x11;
	s6 =	sadd.s32 @!p0 $0x11B8D, s6;
	_ =	swait.eq @!p0 [sflag:s5], $0x1  }
0xb2: {  	s4 =	sor.u32 @!p0 s4, s6;
	[sflag:s5] =	ssyncadd.s32 @!p0 $0xFFFFFFFF  }
0xb3: {  	s25 =	simm.s32 $0x1B8E;
	s24 =	sld [smem:$0x3FFE];
	[sflag:s4] =	ssyncadd.remote.s32 @!p0 $0x1  }
0xb4: {  	s26 =	simm.s32 $execute0_lowered;
	[smem:$0x3FD2] =	sst s25  }
0xb5: {  	s5 =	sshll.u32 s26, $0x1;
	_ =	strace $0x80000058;
	[dreg:$0x1] =	wrdreg $0xFFFFFFFF  }
0xb6: {  	s28 =	simm.s32 $_size_execute0_lowered;
	s3 =	sadd.s32 s3, s5;
	[dreg:$0x0] =	wrdreg $0x0  }
0xb7: {  	s5 =	sshll.u32 s28, $0x1;
	[dreg:$0x2] =	wrdreg s3  }
0xb8: {  	[dreg:$0x3] =	wrdreg s5  }
0xb9: {  	[dreg:$0x4] =	wrdreg $0xC0  }
0xba: {  	_ =	task [dreg:s22], $0x5FFFF  }
0xbb: {  	[dreg:$0x1] =	wrdreg $0xFFFFFFFF  }
0xbc: {  	[dreg:$0x0] =	wrdreg $0x60  }
0xbd: {  	[dreg:$0x2] =	wrdreg s24  }
0xbe: {  	[dreg:$0x3] =	wrdreg $0x66000  }
0xbf: {  	[dreg:$0x4] =	wrdreg $0x9  }
0xc0: {  	_ =	task.clear_ibuf [dreg:s22], $0x5FFFF;
	_ =	strace $0x90000058  }
0xc1: {  	s29 =	simm.s32 $0x9;
	_ =	strace $0x8000005A  }
0xc2: {  	_ =	swait.ge [sflag:s29], $0x1  }
0xc3: {  	[sflag:s29] =	ssyncadd.s32 $0xFFFFFFFF  }
0xc4: {  	_ =	strace $0x9000005A  }
0xc5: {  	_ =	sfence  }
0xc6: {  	s30 =	sld [smem:$0x0];
	_ =	sdelay $0x2  }
0xc7: {  	s31 =	sshll.u32 s1, $0xD;
	s1 =	sshrl.u32 s1, $0x2  }
0xc8: {  	s4 =	sand.u32 $0x4000, s31;
	s1 =	sadd.s32 s1, s30  }
0xc9: {  	s0 =	sor.u32 s4, s0;
	s1 =	sshll.u32 s1, $0x11  }
0xca: {  	s0 =	sor.u32 s1, s0  }
0xcb: {  	s0 =	sadd.s32 $0x8F2B, s0  }
0xcc: {  	[sflag:s0] =	ssyncadd.remote.s32 $0x1  }
0xcd: {  	_ =	sfence.sel $0xFFFF  }
0xce: {  	[dreg:$0x0] =	wrdreg $0xFFFFFFFF;
	(pc) =	sbr.abs _section_cstart, $3  }
0xcf: {  	[dreg:$0x1] =	wrdreg $0xFFFFFFFF  }
0xd0: {  	_ =	task.clear_ibuf [dreg:s22], $0x2FFFF;
	_ =	strace $0x9FFFFFFF  }
0xd1: {  	(tm) =	ssettm $0x7FFFFFFF  }
tec
execute0_lowered:
.L_overlay_start_1:
0x0: {  	(tag) =	ssettag $0x1  }
0x1: {  	s0 =	rddreg [dreg:$0x0]  }
0x2: {  	s1 =	rddreg [dreg:$0x1];
	s3 =	simm.s32 $0x0  }
0x3: {  	s4 =	srdreg.scid;
	s2 =	stileid.u32;
	s18 =	simm.s32 $0x300  }
0x4: {  	s19 =	simm.s32 $0x180;
	s20 =	simm.s32 $0x600;
	s21 =	simm.s32 $0x480  }
0x5: {  	s22 =	simm.s32 $0x1;
	s23 =	simm.s32 $0x3600;
	s24 =	simm.s32 $0x3  }
0x6: {  	s25 =	simm.s32 $0x2;
	s26 =	simm.s32 $0x4;
	s28 =	simm.s32 $0x0  }
0x7: {  	[smem:$0x7FF] =	sst s3;
	s8 =	sand.u32 $0x1, s4;
	s4 =	sadd.s32 $0x3DCE00, s0  }
0x8: {  	s7 =	smul.u32 $0x18700, s2;
	s5 =	sadd.s32 $0x3AC000, s0;
	s15 =	sadd.s32 $0x2CCC00, s0  }
0x9: {  	s14 =	sadd.s32 $0x2B4000, s0;
	s12 =	smul.u32 $0xC600, s2;
	s29 =	sadd.s32 $0x2E5800, s0  }
0xa: {  	s30 =	sshll.u32 s2, $0x6;
	s17 =	smul.u32 $0x18C0, s2;
	_ =	strace $0x80000059  }
0xb: {  	s6 =	smul.u32 $0x187000, s8;
	s9 =	ssub.s32 $0x2, s8;
	[dreg:$0x3] =	wrdreg s29  }
0xc: {  	p0 =	seq.s32 s8, $0x1;
	s11 =	sshrl.u32 s9, $0x1;
	s16 =	sadd.s32 s7, s1  }
0xd: {  	s31 =	sshrl.u32 s12, $0x3;
	s6 =	sadd.s32 s7, s6;
	s11 =	ssub.s32 s9, s11  }
.Ltmp0:
0xe: {  	s7 =	sor.u32 $0x1C05, s30;
	s8 =	sadd.s32 s15, s31;
	(pc) =	sbr.rel .LBB2_1-.Ltmp0, $4  }
0xf: {  	s9 =	sadd.s32 s14, s31;
	s13 =	sadd.s32 $0x1890, s31;
	s16 =	sshrl.u32 s16, $0x3  }
0x10: {  	s10 =	sshrl.u32 s6, $0x3;
	s11 =	smax.u32 s11, $0x1;
	s12 =	sadd.s32 s14, s13  }
0x11: {  	s13 =	sadd.s32 s15, s13;
	s14 =	sadd.s32 s17, s14;
	s0 =	sadd.s32 s10, s0  }
0x12: {  	s15 =	sadd.s32 s17, s15;
	s17 =	simm.s32 $0x5;
	s10 =	sadd.s32 $0xCB800, s0  }
.LBB2_7:
0x13: {  	s0 =	sadd.s32 $0x1890, s31;
	[sflag:s26] =	ssyncadd.s32 $0xFFFFD000  }
0x14: {  	[tilespmem:s19], [sflag:$0x5] =	stream.linear.gather [hbm4b:s0+s3], $0x180, $0x38;
	[tilespmem:$0x1ED00] =	vst v63  }
0x15: {  	_ =	swait.ge [sflag:s17], $0x180  }
0x16: {  	s30 =	sadd.s32 s29, s14;
	[sflag:s17] =	ssyncset.done $0x0  }
0x17: {  	s2 =	sadd.s32 $0x1890, s30;
	[sflag:s17] =	ssyncadd.s32 $0xFFFFFE80  }
0x18: {  	[tilespmem:s21], [sflag:$0x5] =	stream.linear.gather [hbm4b:s2+s3], $0x180, $0x38;
	[tilespmem:$0x1ED00] =	vst v63  }
0x19: {  	_ =	swait.ge [sflag:s17], $0x180  }
0x1a: {  	[sflag:s17] =	ssyncset.done $0x0  }
0x1b: {  	[sflag:s17] =	ssyncadd.s32 $0xFFFFFE80  }
0x1c: {  	_ =	swait.ge [sflag:s22], $0x3000  }
0x1d: {  	[sflag:s22] =	ssyncset.done $0x0  }
0x1e: {  	[sflag:s22] =	ssyncadd.s32 $0xFFFFD000  }
0x1f: {  	[tilespmem:s23], [sflag:$0x2] =	stream.indirect.gather [hbm4b:s5+s19], $0x20, s19, s19, $0xb8;
	[tilespmem:$0x1ED00] =	vst v63  }
0x20: {  	_ = 	snop  }
0x21: {  	[spmem:s1] =	stream.indirect.scatter.add.f32 [tilespmem:s20], [sflag:$0x3], $0x20, s18, s19, $0xb8;
	[tilespmem:$0x1ED00] =	vst v63  }
0x22: {  	_ =	swait.ge [sflag:s24], $0x3000  }
0x23: {  	[sflag:s24] =	ssyncset.done $0x0  }
0x24: {  	s31 =	sadd.s32 $0x18C0, s31;
	[sflag:s24] =	ssyncadd.s32 $0xFFFFD000  }
0x25: {  	[tilespmem:s3], [sflag:$0x5] =	stream.linear.gather [hbm4b:s31+s3], $0x180, $0x38;
	[tilespmem:$0x1ED00] =	vst v63  }
0x26: {  	_ =	swait.ge [sflag:s17], $0x180  }
0x27: {  	[sflag:s17] =	ssyncset.done $0x0  }
0x28: {  	s0 =	sadd.s32 $0x18C0, s30;
	[sflag:s17] =	ssyncadd.s32 $0xFFFFFE80  }
0x29: {  	[tilespmem:s18], [sflag:$0x5] =	stream.linear.gather [hbm4b:s0+s3], $0x180, $0x38;
	[tilespmem:$0x1ED00] =	vst v63  }
0x2a: {  	_ =	swait.ge [sflag:s17], $0x180  }
0x2b: {  	[sflag:s17] =	ssyncset.done $0x0  }
0x2c: {  	[sflag:s17] =	ssyncadd.s32 $0xFFFFFE80  }
0x2d: {  	[tilespmem:s20], [sflag:$0x1] =	stream.indirect.gather [hbm4b:s5+s19], $0x20, s3, s19, $0xb8;
	[tilespmem:$0x1ED00] =	vst v63  }
0x2e: {  	_ =	swait.ge [sflag:s25], $0x3000  }
0x2f: {  	[sflag:s25] =	ssyncset.done $0x0  }
0x30: {  	[sflag:s25] =	ssyncadd.s32 $0xFFFFD000  }
0x31: {  	[spmem:s1] =	stream.indirect.scatter.add.f32 [tilespmem:s23], [sflag:$0x4], $0x20, s21, s19, $0xb8;
	[tilespmem:$0x1ED00] =	vst v63  }
0x32: {  	_ =	swait.ge [sflag:s26], $0x3000  }
0x33: {  	[sflag:s26] =	ssyncset.done $0x0  }
0x34: {  	s29 =	smov.u32 s5;
	[sflag:s26] =	ssyncadd.s32 $0xFFFFD000  }
.LBB2_8:
0x35: {  	[tilespmem:s19], [sflag:$0x5] =	stream.linear.gather [hbm4b:s13+s3], $0x180, $0x38;
	[tilespmem:$0x1ED00] =	vst v63  }
0x36: {  	_ =	swait.ge [sflag:s17], $0x180  }
0x37: {  	[sflag:s17] =	ssyncset.done $0x0  }
0x38: {  	[sflag:s17] =	ssyncadd.s32 $0xFFFFFE80  }
0x39: {  	[tilespmem:s21], [sflag:$0x5] =	stream.linear.gather [hbm4b:s12+s3], $0x180, $0x38;
	[tilespmem:$0x1ED00] =	vst v63  }
0x3a: {  	_ =	swait.ge [sflag:s17], $0x180  }
0x3b: {  	[sflag:s17] =	ssyncset.done $0x0  }
0x3c: {  	[sflag:s17] =	ssyncadd.s32 $0xFFFFFE80  }
0x3d: {  	_ =	swait.ge [sflag:s22], $0x3000  }
0x3e: {  	[sflag:s22] =	ssyncset.done $0x0  }
0x3f: {  	[sflag:s22] =	ssyncadd.s32 $0xFFFFD000  }
0x40: {  	[tilespmem:s23], [sflag:$0x2] =	stream.indirect.gather [hbm4b:s29+s19], $0x20, s19, s19, $0xb8;
	[tilespmem:$0x1ED00] =	vst v63  }
0x41: {  	_ = 	snop  }
0x42: {  	[spmem:s1] =	stream.indirect.scatter.add.f32 [tilespmem:s20], [sflag:$0x3], $0x20, s18, s19, $0xb8;
	[tilespmem:$0x1ED00] =	vst v63  }
0x43: {  	_ =	swait.ge [sflag:s24], $0x3000  }
0x44: {  	[sflag:s24] =	ssyncset.done $0x0  }
0x45: {  	[sflag:s24] =	ssyncadd.s32 $0xFFFFD000  }
0x46: {  	_ =	swait.ge [sflag:s25], $0x3000  }
0x47: {  	[sflag:s25] =	ssyncset.done $0x0  }
0x48: {  	[sflag:s25] =	ssyncadd.s32 $0xFFFFD000  }
0x49: {  	[spmem:s1] =	stream.indirect.scatter.add.f32 [tilespmem:s23], [sflag:$0x4], $0x20, s21, s19, $0xb8;
	[tilespmem:$0x1ED00] =	vst v63  }
0x4a: {  	_ =	swait.ge [sflag:s26], $0x3000  }
0x4b: {  	s28 =	sadd.s32 $0x1, s28;
	[sflag:s26] =	ssyncset.done $0x0  }
0x4c: {  	p1 =	sne.s32 s28, s11;
	[sflag:s26] =	ssyncadd.s32 $0xFFFFD000  }
.Ltmp1:
0x4d: {  	[bflag:$0x0] =	sbarrier.arrive $0xFFFF;
	(pc) =	sbr.rel @!p1 .LBB2_9-.Ltmp1, $4  }
0x4e: {  	[hbm:s10], [sflag:s7] =	dma.local [spmem:s16], $0x30E0  }
0x4f: {  	_ =	swait.ge [sflag:s17], $0x30E0  }
0x50: {  	[sflag:s17] =	ssyncset.done $0x0  }
0x51: {  	[sflag:s17] =	ssyncadd.s32 $0xFFFFCF20  }
.LBB2_1:
0x52: {  	s0 =	rddreg [dreg:$0x3]  }
0x53: {  	[spmem:s16], [sflag:s7] =	dma.local [hbm:s0], $0x30E0  }
0x54: {  	_ =	swait.ge [sflag:s17], $0x30E0  }
0x55: {  	[sflag:s17] =	ssyncset.done $0x0  }
0x56: {  	[sflag:s17] =	ssyncadd.s32 $0xFFFFCF20  }
0x57: {  	[bflag:$0x0] =	sbarrier.arrive $0xFFFF  }
0x58: {  	[tilespmem:s3], [sflag:$0x5] =	stream.linear.gather [hbm4b:s8+s3], $0x180, $0x38;
	[tilespmem:$0x1ED00] =	vst v63  }
0x59: {  	_ =	swait.ge [sflag:s17], $0x180  }
0x5a: {  	[sflag:s17] =	ssyncset.done $0x0  }
.Ltmp2:
0x5b: {  	[sflag:s17] =	ssyncadd.s32 $0xFFFFFE80;
	(pc) =	sbr.rel @!p0 .LBB2_2-.Ltmp2, $4  }
0x5c: {  	[tilespmem:s18], [sflag:$0x5] =	stream.linear.gather [hbm4b:s9+s3], $0x180, $0x38;
	[tilespmem:$0x1ED00] =	vst v63  }
0x5d: {  	_ =	swait.ge [sflag:s17], $0x180  }
0x5e: {  	[sflag:s17] =	ssyncset.done $0x0  }
0x5f: {  	[sflag:s17] =	ssyncadd.s32 $0xFFFFFE80  }
0x60: {  	[tilespmem:s20], [sflag:$0x1] =	stream.indirect.gather [hbm4b:s5+s19], $0x20, s3, s19, $0xb8;
	[tilespmem:$0x1ED00] =	vst v63  }
0x61: {  	s0 =	sadd.s32 $0xFFFFE7A0, s15  }
0x62: {  	s2 =	sadd.s32 $0x1890, s0  }
0x63: {  	[tilespmem:s19], [sflag:$0x5] =	stream.linear.gather [hbm4b:s2+s3], $0x180, $0x38;
	[tilespmem:$0x1ED00] =	vst v63  }
0x64: {  	_ =	swait.ge [sflag:s17], $0x180  }
0x65: {  	s30 =	sadd.s32 $0xFFFFE7A0, s14;
	[sflag:s17] =	ssyncset.done $0x0  }
0x66: {  	s6 =	sadd.s32 $0x1890, s30;
	[sflag:s17] =	ssyncadd.s32 $0xFFFFFE80  }
0x67: {  	[tilespmem:s21], [sflag:$0x5] =	stream.linear.gather [hbm4b:s6+s3], $0x180, $0x38;
	[tilespmem:$0x1ED00] =	vst v63  }
0x68: {  	_ =	swait.ge [sflag:s17], $0x180  }
0x69: {  	[sflag:s17] =	ssyncset.done $0x0  }
0x6a: {  	[sflag:s17] =	ssyncadd.s32 $0xFFFFFE80  }
0x6b: {  	_ =	swait.ge [sflag:s22], $0x3000  }
0x6c: {  	[sflag:s22] =	ssyncset.done $0x0  }
0x6d: {  	[sflag:s22] =	ssyncadd.s32 $0xFFFFD000  }
0x6e: {  	[tilespmem:s23], [sflag:$0x2] =	stream.indirect.gather [hbm4b:s5+s19], $0x20, s19, s19, $0xb8;
	[tilespmem:$0x1ED00] =	vst v63  }
0x6f: {  	_ = 	snop  }
0x70: {  	[spmem:s1] =	stream.indirect.scatter.add.f32 [tilespmem:s20], [sflag:$0x3], $0x20, s18, s19, $0xb8;
	[tilespmem:$0x1ED00] =	vst v63  }
0x71: {  	_ =	swait.ge [sflag:s24], $0x3000  }
0x72: {  	[sflag:s24] =	ssyncset.done $0x0  }
0x73: {  	s0 =	sadd.s32 $0x18C0, s0;
	[sflag:s24] =	ssyncadd.s32 $0xFFFFD000  }
0x74: {  	[tilespmem:s3], [sflag:$0x5] =	stream.linear.gather [hbm4b:s0+s3], $0x180, $0x38;
	[tilespmem:$0x1ED00] =	vst v63  }
0x75: {  	_ =	swait.ge [sflag:s17], $0x180  }
0x76: {  	[sflag:s17] =	ssyncset.done $0x0  }
0x77: {  	s30 =	sadd.s32 $0x18C0, s30;
	[sflag:s17] =	ssyncadd.s32 $0xFFFFFE80  }
0x78: {  	[tilespmem:s18], [sflag:$0x5] =	stream.linear.gather [hbm4b:s30+s3], $0x180, $0x38;
	[tilespmem:$0x1ED00] =	vst v63  }
0x79: {  	_ =	swait.ge [sflag:s17], $0x180  }
0x7a: {  	[sflag:s17] =	ssyncset.done $0x0  }
0x7b: {  	[sflag:s17] =	ssyncadd.s32 $0xFFFFFE80  }
0x7c: {  	[tilespmem:s20], [sflag:$0x1] =	stream.indirect.gather [hbm4b:s5+s19], $0x20, s3, s19, $0xb8;
	[tilespmem:$0x1ED00] =	vst v63  }
0x7d: {  	_ =	swait.ge [sflag:s25], $0x3000  }
0x7e: {  	[sflag:s25] =	ssyncset.done $0x0  }
0x7f: {  	[sflag:s25] =	ssyncadd.s32 $0xFFFFD000  }
0x80: {  	[spmem:s1] =	stream.indirect.scatter.add.f32 [tilespmem:s23], [sflag:$0x4], $0x20, s21, s19, $0xb8;
	[tilespmem:$0x1ED00] =	vst v63  }
0x81: {  	s29 =	simm.s32 $0xFFFFE800;
	_ =	swait.ge [sflag:s26], $0x3000  }
0x82: {  	s31 =	sadd.s32 $0xFFFFE800, s15;
	s0 =	simm.s32 $0xFFFFE860;
	[sflag:s26] =	ssyncset.done $0x0  }
.LBB2_6:
0x83: {  	s2 =	sadd.s32 $0x1890, s31  }
0x84: {  	[sflag:s26] =	ssyncadd.s32 $0xFFFFD000;
	s6 =	smov.u32 s0;
	s30 =	sadd.s32 $0x60, s0  }
0x85: {  	[tilespmem:s19], [sflag:$0x5] =	stream.linear.gather [hbm4b:s2+s3], $0x180, $0x38;
	[tilespmem:$0x1ED00] =	vst v63  }
0x86: {  	p1 =	sne.s32 s0, $0xFFFFFFA0;
	_ =	swait.ge [sflag:s17], $0x180  }
0x87: {  	s0 =	sadd.s32 s29, s14;
	s29 =	smov.u32 s6;
	[sflag:s17] =	ssyncset.done $0x0  }
0x88: {  	s2 =	sadd.s32 $0x1890, s0;
	[sflag:s17] =	ssyncadd.s32 $0xFFFFFE80  }
0x89: {  	[tilespmem:s21], [sflag:$0x5] =	stream.linear.gather [hbm4b:s2+s3], $0x180, $0x38;
	[tilespmem:$0x1ED00] =	vst v63  }
0x8a: {  	_ =	swait.ge [sflag:s17], $0x180  }
0x8b: {  	[sflag:s17] =	ssyncset.done $0x0  }
0x8c: {  	[sflag:s17] =	ssyncadd.s32 $0xFFFFFE80  }
0x8d: {  	_ =	swait.ge [sflag:s22], $0x3000  }
0x8e: {  	[sflag:s22] =	ssyncset.done $0x0  }
0x8f: {  	[sflag:s22] =	ssyncadd.s32 $0xFFFFD000  }
0x90: {  	[tilespmem:s23], [sflag:$0x2] =	stream.indirect.gather [hbm4b:s5+s19], $0x20, s19, s19, $0xb8;
	[tilespmem:$0x1ED00] =	vst v63  }
0x91: {  	_ = 	snop  }
0x92: {  	[spmem:s1] =	stream.indirect.scatter.add.f32 [tilespmem:s20], [sflag:$0x3], $0x20, s18, s19, $0xb8;
	[tilespmem:$0x1ED00] =	vst v63  }
0x93: {  	_ =	swait.ge [sflag:s24], $0x3000  }
0x94: {  	[sflag:s24] =	ssyncset.done $0x0  }
0x95: {  	s2 =	sadd.s32 $0x18C0, s31;
	[sflag:s24] =	ssyncadd.s32 $0xFFFFD000  }
0x96: {  	[tilespmem:s3], [sflag:$0x5] =	stream.linear.gather [hbm4b:s2+s3], $0x180, $0x38;
	[tilespmem:$0x1ED00] =	vst v63  }
0x97: {  	_ =	swait.ge [sflag:s17], $0x180  }
0x98: {  	[sflag:s17] =	ssyncset.done $0x0  }
0x99: {  	s0 =	sadd.s32 $0x18C0, s0;
	[sflag:s17] =	ssyncadd.s32 $0xFFFFFE80  }
0x9a: {  	[tilespmem:s18], [sflag:$0x5] =	stream.linear.gather [hbm4b:s0+s3], $0x180, $0x38;
	[tilespmem:$0x1ED00] =	vst v63  }
0x9b: {  	_ =	swait.ge [sflag:s17], $0x180  }
0x9c: {  	[sflag:s17] =	ssyncset.done $0x0  }
0x9d: {  	[sflag:s17] =	ssyncadd.s32 $0xFFFFFE80  }
0x9e: {  	[tilespmem:s20], [sflag:$0x1] =	stream.indirect.gather [hbm4b:s5+s19], $0x20, s3, s19, $0xb8;
	[tilespmem:$0x1ED00] =	vst v63  }
0x9f: {  	_ =	swait.ge [sflag:s25], $0x3000  }
.Ltmp3:
0xa0: {  	[sflag:s25] =	ssyncset.done $0x0;
	(pc) =	sbr.rel @p1 .LBB2_6-.Ltmp3, $4  }
0xa1: {  	[sflag:s25] =	ssyncadd.s32 $0xFFFFD000  }
0xa2: {  	[spmem:s1] =	stream.indirect.scatter.add.f32 [tilespmem:s23], [sflag:$0x4], $0x20, s21, s19, $0xb8;
	[tilespmem:$0x1ED00] =	vst v63  }
0xa3: {  	_ =	swait.ge [sflag:s26], $0x3000  }
0xa4: {  	s31 =	sadd.s32 s29, s15;
	s0 =	smov.u32 s30;
	[sflag:s26] =	ssyncset.done $0x0  }
.Ltmp4:
0xa5: {  	_ = 	snop;
	(pc) =	sbr.rel .LBB2_7-.Ltmp4, $1  }
0xa6: {  	_ =	sdelay $0x3  }
.LBB2_2:
0xa7: {  	[tilespmem:s20], [sflag:$0x1] =	stream.indirect.gather [hbm4b:s4+s19], $0x20, s3, s19, $0xb8;
	[tilespmem:$0x1ED00] =	vst v63  }
0xa8: {  	s0 =	sadd.s32 $0xFFFFE7A0, s15  }
0xa9: {  	s29 =	sadd.s32 $0x1890, s0  }
0xaa: {  	[tilespmem:s19], [sflag:$0x5] =	stream.linear.gather [hbm4b:s29+s3], $0x180, $0x38;
	[tilespmem:$0x1ED00] =	vst v63  }
0xab: {  	_ =	swait.ge [sflag:s17], $0x180  }
0xac: {  	s29 =	sadd.s32 $0xFFFFE7A0, s14;
	[sflag:s17] =	ssyncset.done $0x0  }
0xad: {  	s30 =	sadd.s32 $0x1890, s29;
	[sflag:s17] =	ssyncadd.s32 $0xFFFFFE80  }
0xae: {  	[tilespmem:s21], [sflag:$0x5] =	stream.linear.gather [hbm4b:s30+s3], $0x180, $0x38;
	[tilespmem:$0x1ED00] =	vst v63  }
0xaf: {  	_ =	swait.ge [sflag:s17], $0x180  }
0xb0: {  	[sflag:s17] =	ssyncset.done $0x0  }
0xb1: {  	[sflag:s17] =	ssyncadd.s32 $0xFFFFFE80  }
0xb2: {  	_ =	swait.ge [sflag:s22], $0x3000  }
0xb3: {  	[sflag:s22] =	ssyncset.done $0x0  }
0xb4: {  	[sflag:s22] =	ssyncadd.s32 $0xFFFFD000  }
0xb5: {  	[tilespmem:s23], [sflag:$0x2] =	stream.indirect.gather [hbm4b:s4+s19], $0x20, s19, s19, $0xb8;
	[tilespmem:$0x1ED00] =	vst v63  }
0xb6: {  	_ = 	snop  }
0xb7: {  	[spmem:s1] =	stream.indirect.scatter.add.f32 [tilespmem:s20], [sflag:$0x3], $0x20, s18, s19, $0xb8;
	[tilespmem:$0x1ED00] =	vst v63  }
0xb8: {  	_ =	swait.ge [sflag:s24], $0x3000  }
0xb9: {  	[sflag:s24] =	ssyncset.done $0x0  }
0xba: {  	s0 =	sadd.s32 $0x18C0, s0;
	[sflag:s24] =	ssyncadd.s32 $0xFFFFD000  }
0xbb: {  	[tilespmem:s3], [sflag:$0x5] =	stream.linear.gather [hbm4b:s0+s3], $0x180, $0x38;
	[tilespmem:$0x1ED00] =	vst v63  }
0xbc: {  	_ =	swait.ge [sflag:s17], $0x180  }
0xbd: {  	[sflag:s17] =	ssyncset.done $0x0  }
0xbe: {  	s6 =	sadd.s32 $0x18C0, s29;
	[sflag:s17] =	ssyncadd.s32 $0xFFFFFE80  }
0xbf: {  	[tilespmem:s18], [sflag:$0x5] =	stream.linear.gather [hbm4b:s6+s3], $0x180, $0x38;
	[tilespmem:$0x1ED00] =	vst v63  }
0xc0: {  	_ =	swait.ge [sflag:s17], $0x180  }
0xc1: {  	[sflag:s17] =	ssyncset.done $0x0  }
0xc2: {  	[sflag:s17] =	ssyncadd.s32 $0xFFFFFE80  }
0xc3: {  	[tilespmem:s20], [sflag:$0x1] =	stream.indirect.gather [hbm4b:s4+s19], $0x20, s3, s19, $0xb8;
	[tilespmem:$0x1ED00] =	vst v63  }
0xc4: {  	_ =	swait.ge [sflag:s25], $0x3000  }
0xc5: {  	[sflag:s25] =	ssyncset.done $0x0  }
0xc6: {  	[sflag:s25] =	ssyncadd.s32 $0xFFFFD000  }
0xc7: {  	[spmem:s1] =	stream.indirect.scatter.add.f32 [tilespmem:s23], [sflag:$0x4], $0x20, s21, s19, $0xb8;
	[tilespmem:$0x1ED00] =	vst v63  }
0xc8: {  	s31 =	sadd.s32 $0xFFFFE800, s15;
	_ =	swait.ge [sflag:s26], $0x3000  }
0xc9: {  	s29 =	simm.s32 $0xFFFFE800;
	s30 =	simm.s32 $0xFFFFE860;
	[sflag:s26] =	ssyncset.done $0x0  }
.LBB2_3:
0xca: {  	s2 =	sadd.s32 $0x1890, s31  }
0xcb: {  	[sflag:s26] =	ssyncadd.s32 $0xFFFFD000;
	s6 =	smov.u32 s30;
	s0 =	sadd.s32 $0x60, s30  }
0xcc: {  	[tilespmem:s19], [sflag:$0x5] =	stream.linear.gather [hbm4b:s2+s3], $0x180, $0x38;
	[tilespmem:$0x1ED00] =	vst v63  }
0xcd: {  	p1 =	seq.s32 s30, $0xFFFFFFA0;
	_ =	swait.ge [sflag:s17], $0x180  }
0xce: {  	s2 =	sadd.s32 s29, s14;
	s29 =	smov.u32 s6;
	[sflag:s17] =	ssyncset.done $0x0  }
0xcf: {  	s6 =	sadd.s32 $0x1890, s2;
	[sflag:s17] =	ssyncadd.s32 $0xFFFFFE80  }
0xd0: {  	[tilespmem:s21], [sflag:$0x5] =	stream.linear.gather [hbm4b:s6+s3], $0x180, $0x38;
	[tilespmem:$0x1ED00] =	vst v63  }
0xd1: {  	_ =	swait.ge [sflag:s17], $0x180  }
0xd2: {  	[sflag:s17] =	ssyncset.done $0x0  }
0xd3: {  	[sflag:s17] =	ssyncadd.s32 $0xFFFFFE80  }
0xd4: {  	_ =	swait.ge [sflag:s22], $0x3000  }
0xd5: {  	[sflag:s22] =	ssyncset.done $0x0  }
0xd6: {  	[sflag:s22] =	ssyncadd.s32 $0xFFFFD000  }
0xd7: {  	[tilespmem:s23], [sflag:$0x2] =	stream.indirect.gather [hbm4b:s4+s19], $0x20, s19, s19, $0xb8;
	[tilespmem:$0x1ED00] =	vst v63  }
0xd8: {  	_ = 	snop  }
0xd9: {  	[spmem:s1] =	stream.indirect.scatter.add.f32 [tilespmem:s20], [sflag:$0x3], $0x20, s18, s19, $0xb8;
	[tilespmem:$0x1ED00] =	vst v63  }
0xda: {  	_ =	swait.ge [sflag:s24], $0x3000  }
0xdb: {  	[sflag:s24] =	ssyncset.done $0x0  }
0xdc: {  	s6 =	sadd.s32 $0x18C0, s31;
	[sflag:s24] =	ssyncadd.s32 $0xFFFFD000  }
0xdd: {  	[tilespmem:s3], [sflag:$0x5] =	stream.linear.gather [hbm4b:s6+s3], $0x180, $0x38;
	[tilespmem:$0x1ED00] =	vst v63  }
0xde: {  	_ =	swait.ge [sflag:s17], $0x180  }
0xdf: {  	[sflag:s17] =	ssyncset.done $0x0  }
0xe0: {  	s2 =	sadd.s32 $0x18C0, s2;
	[sflag:s17] =	ssyncadd.s32 $0xFFFFFE80  }
0xe1: {  	[tilespmem:s18], [sflag:$0x5] =	stream.linear.gather [hbm4b:s2+s3], $0x180, $0x38;
	[tilespmem:$0x1ED00] =	vst v63  }
0xe2: {  	_ =	swait.ge [sflag:s17], $0x180  }
0xe3: {  	[sflag:s17] =	ssyncset.done $0x0  }
0xe4: {  	[sflag:s17] =	ssyncadd.s32 $0xFFFFFE80  }
0xe5: {  	[tilespmem:s20], [sflag:$0x1] =	stream.indirect.gather [hbm4b:s4+s19], $0x20, s3, s19, $0xb8;
	[tilespmem:$0x1ED00] =	vst v63  }
0xe6: {  	_ =	swait.ge [sflag:s25], $0x3000  }
.Ltmp5:
0xe7: {  	[sflag:s25] =	ssyncset.done $0x0;
	(pc) =	sbr.rel @!p1 .LBB2_3-.Ltmp5, $4  }
0xe8: {  	[sflag:s25] =	ssyncadd.s32 $0xFFFFD000  }
0xe9: {  	[spmem:s1] =	stream.indirect.scatter.add.f32 [tilespmem:s23], [sflag:$0x4], $0x20, s21, s19, $0xb8;
	[tilespmem:$0x1ED00] =	vst v63  }
0xea: {  	_ =	swait.ge [sflag:s26], $0x3000  }
0xeb: {  	s30 =	smov.u32 s0;
	s31 =	sadd.s32 s29, s15;
	[sflag:s26] =	ssyncset.done $0x0  }
0xec: {  	s0 =	sadd.s32 $0x1890, s31;
	[sflag:s26] =	ssyncadd.s32 $0xFFFFD000  }
0xed: {  	[tilespmem:s19], [sflag:$0x5] =	stream.linear.gather [hbm4b:s0+s3], $0x180, $0x38;
	[tilespmem:$0x1ED00] =	vst v63  }
0xee: {  	_ =	swait.ge [sflag:s17], $0x180  }
0xef: {  	s30 =	sadd.s32 s29, s14;
	[sflag:s17] =	ssyncset.done $0x0  }
0xf0: {  	s2 =	sadd.s32 $0x1890, s30;
	[sflag:s17] =	ssyncadd.s32 $0xFFFFFE80  }
0xf1: {  	[tilespmem:s21], [sflag:$0x5] =	stream.linear.gather [hbm4b:s2+s3], $0x180, $0x38;
	[tilespmem:$0x1ED00] =	vst v63  }
0xf2: {  	_ =	swait.ge [sflag:s17], $0x180  }
0xf3: {  	[sflag:s17] =	ssyncset.done $0x0  }
0xf4: {  	[sflag:s17] =	ssyncadd.s32 $0xFFFFFE80  }
0xf5: {  	_ =	swait.ge [sflag:s22], $0x3000  }
0xf6: {  	[sflag:s22] =	ssyncset.done $0x0  }
0xf7: {  	[sflag:s22] =	ssyncadd.s32 $0xFFFFD000  }
0xf8: {  	[tilespmem:s23], [sflag:$0x2] =	stream.indirect.gather [hbm4b:s4+s19], $0x20, s19, s19, $0xb8;
	[tilespmem:$0x1ED00] =	vst v63  }
0xf9: {  	_ = 	snop  }
0xfa: {  	[spmem:s1] =	stream.indirect.scatter.add.f32 [tilespmem:s20], [sflag:$0x3], $0x20, s18, s19, $0xb8;
	[tilespmem:$0x1ED00] =	vst v63  }
0xfb: {  	_ =	swait.ge [sflag:s24], $0x3000  }
0xfc: {  	[sflag:s24] =	ssyncset.done $0x0  }
0xfd: {  	s31 =	sadd.s32 $0x18C0, s31;
	[sflag:s24] =	ssyncadd.s32 $0xFFFFD000  }
0xfe: {  	[tilespmem:s3], [sflag:$0x5] =	stream.linear.gather [hbm4b:s31+s3], $0x180, $0x38;
	[tilespmem:$0x1ED00] =	vst v63  }
0xff: {  	_ =	swait.ge [sflag:s17], $0x180  }
0x100: {  	[sflag:s17] =	ssyncset.done $0x0  }
0x101: {  	s0 =	sadd.s32 $0x18C0, s30;
	[sflag:s17] =	ssyncadd.s32 $0xFFFFFE80  }
0x102: {  	[tilespmem:s18], [sflag:$0x5] =	stream.linear.gather [hbm4b:s0+s3], $0x180, $0x38;
	[tilespmem:$0x1ED00] =	vst v63  }
0x103: {  	_ =	swait.ge [sflag:s17], $0x180  }
0x104: {  	[sflag:s17] =	ssyncset.done $0x0  }
0x105: {  	[sflag:s17] =	ssyncadd.s32 $0xFFFFFE80  }
0x106: {  	[tilespmem:s20], [sflag:$0x1] =	stream.indirect.gather [hbm4b:s4+s19], $0x20, s3, s19, $0xb8;
	[tilespmem:$0x1ED00] =	vst v63  }
0x107: {  	_ =	swait.ge [sflag:s25], $0x3000  }
0x108: {  	[sflag:s25] =	ssyncset.done $0x0  }
.Ltmp6:
0x109: {  	[sflag:s25] =	ssyncadd.s32 $0xFFFFD000;
	(pc) =	sbr.rel .LBB2_8-.Ltmp6, $4  }
0x10a: {  	[spmem:s1] =	stream.indirect.scatter.add.f32 [tilespmem:s23], [sflag:$0x4], $0x20, s21, s19, $0xb8;
	[tilespmem:$0x1ED00] =	vst v63  }
0x10b: {  	_ =	swait.ge [sflag:s26], $0x3000  }
0x10c: {  	[sflag:s26] =	ssyncset.done $0x0  }
0x10d: {  	s29 =	smov.u32 s4;
	[sflag:s26] =	ssyncadd.s32 $0xFFFFD000  }
.LBB2_9:
0x10e: {  	_ =	sfence.sel $0x180000  }
0x10f: {  	[bflag:$0x0] =	sbarrier.arrive $0xFFFF  }
0x110: {  	_ =	strace $0x90000059  }
0x111: {  	s0 =	stileid.u32;
	[bflag:$0x2] =	sbarrier.arrive $0xFFFF  }
0x112: {  	p0 =	sne.s32 s0, $0x0;
	s0 =	rddreg [dreg:$0x2]  }
0x113: {  	s0 =	sadd.s32 @!p0 $0x100000, s0  }
0x114: {  	[sflag:s0] =	ssyncadd.tile.s32 @!p0 $0x1;
	_ =	shalt  }
.Lfunc_end2:
_tile_overlayer_lowered:
.L_overlay_start_2:
0x115: {  	(tag) =	ssettag $0x2  }
0x116: {  	s0 =	rddreg [dreg:$0x0];
	s2 =	stileid.u32  }
0x117: {  	s1 =	rddreg [dreg:$0x1];
	p0 =	sne.s32 s2, $0x0  }
0x118: {  	s3 =	rddreg [dreg:$0x2];
	[bflag:$0x3] =	sbarrier.arrive $0xFFFF;
	s2 =	simm.s32 @!p0 $0x1C05  }
0x119: {  	[timem:s3], [sflag:s2] =	dma.local @!p0 [hbm:s0], s1  }
0x11a: {  	s0 =	simm.s32 @!p0 $0x5  }
0x11b: {  	_ =	swait.ge @!p0 [sflag:s0], s1  }
0x11c: {  	s1 =	ssub.s32 @!p0 $0x0, s1;
	[sflag:s0] =	ssyncset.done @!p0 $0x0  }
0x11d: {  	[sflag:s0] =	ssyncadd.s32 @!p0 s1  }
0x11e: {  	[bflag:$0x3] =	sbarrier.arrive $0xFFFF  }
0x11f: {  	_ =	shalt  }

// kernel: kernel.30.cloned.1.call-start
scs
__scs_entry_jumppad:
0x0: {  	(pc) =	sbr.rel $0x88, $3  }
0x1: {  	(tag) =	ssettag $0x0;
	lr =	simm.s32 $0x1  }
0x2: {  	[smem:$0x3F8E] =	sst lr;
	_ =	strace $0xD0000000  }
0x3: {  	_ = 	snop  }
0x4: {  	_ = 	snop  }
0x5: {  	_ = 	snop  }
0x6: {  	_ = 	snop  }
0x7: {  	_ = 	snop  }
__scs_overlays_trampoline_lowered:
0x8: {  	[smem:$0x3F9D] =	sst s0  }
0x9: {  	[smem:$0x3F9E] =	sst s1  }
0xa: {  	[smem:$0x3F9F] =	sst s2  }
0xb: {  	[smem:$0x3FA0] =	sst s3  }
0xc: {  	[smem:$0x3FA1] =	sst s4  }
0xd: {  	[smem:$0x3FA2] =	sst s5  }
0xe: {  	[smem:$0x3FA3] =	sst s6  }
0xf: {  	[smem:$0x3FA4] =	sst s7  }
0x10: {  	[smem:$0x3FA5] =	sst s8  }
0x11: {  	[smem:$0x3FA6] =	sst s9;
	s0 =	simm.s32 @!p0 $0x0  }
0x12: {  	s1 =	sld [smem:$0x3F8C];
	s0 =	simm.s32 @p0 $0x1  }
0x13: {  	[smem:$0x3FA7] =	sst s0;
	s0 =	simm.s32 @!p1 $0x0  }
0x14: {  	s2 =	sld [smem:$0x3F8B];
	s0 =	simm.s32 @p1 $0x1  }
0x15: {  	[smem:$0x3FA8] =	sst s0;
	s0 =	simm.s32 @!p2 $0x0  }
0x16: {  	s3 =	sld [smem:$0x3FDB];
	s0 =	simm.s32 @p2 $0x1  }
0x17: {  	s4 =	simm.s32 $0x1BF5;
	[smem:$0x3FAA] =	sst s0  }
0x18: {  	s0 =	sld [smem:$0x3F8D];
	_ =	swait.ge [sflag:s4], $0x0  }
0x19: {  	s7 =	sld [smem:$0x3F8E]  }
0x1a: {  	s8 =	sadd.s32 $0xFFFFE003, lr  }
0x1b: {  	s9 =	sadd.s32 $0xFFFFFEF7, lr;
	s5 =	simm.s32 $0xFFFFFFFF;
	p2 =	slt.u32 s8, $0xFFFFF086  }
0x1c: {  	p1 =	slt.u32 s9, $0xF7A;
	s5 =	simm.s32 @!p2 $0x0  }
0x1d: {  	s5 =	simm.s32 @p1 $0x1;
	p0 =	seq.s32 s7, s2  }
0x1e: {  	s7 =	smul.u32 @!p0 $0xF7A, s2;
	p2 =	seq.s32 @!p0 s5, $0x0  }
0x1f: {  	s9 =	smul.u32 $0xF7A, s1;
	s8 =	simm.s32 @!p0 $0x1BF5;
	p2 =	por !p2, p0  }
0x20: {  	[sflag:s8] =	ssyncset.s32 @!p0 $0xFFFFF086;
	s6 =	sadd.s32 @!p0 s3, s7;
	s7 =	simm.s32 @!p0 $0x108  }
0x21: {  	s3 =	sadd.s32 s3, s9;
	s6 =	sadd.s32 @!p0 $0x88, s6;
	s7 =	simm.s32 @p2 $0x1082  }
0x22: {  	[simem:s7], [sflag:s8] =	dma.local @!p0 [hbm:s6], $0xF7A  }
0x23: {  	s9 =	sor.u32 $0xD0000000, s2;
	s6 =	simm.s32 $0x108;
	_ =	swait.ge @!p0 [sflag:s8], $0x0  }
0x24: {  	s3 =	sadd.s32 $0x88, s3;
	s6 =	simm.s32 @!p1 $0x1082;
	[sflag:s4] =	ssyncset.s32 $0xFFFFF086  }
0x25: {  	[simem:s6], [sflag:s4] =	dma.local [hbm:s3], $0xF7A  }
0x26: {  	[smem:$0x3F8E] =	sst s1;
	(tag) =	ssettag s2;
	_ =	strace s9  }
0x27: {  	s1 =	sld [smem:$0x3F9E]  }
0x28: {  	s2 =	sld [smem:$0x3F9F]  }
0x29: {  	s4 =	sld [smem:$0x3FA1]  }
0x2a: {  	p0 =	seq.s32 s5, $0x0;
	s5 =	sld [smem:$0x3FA2]  }
0x2b: {  	s6 =	sld [smem:$0x3FA3]  }
0x2c: {  	s7 =	sld [smem:$0x3FA4]  }
0x2d: {  	s3 =	simm.s32 $0x108;
	s8 =	sld [smem:$0x3FA5]  }
0x2e: {  	s3 =	simm.s32 @!p0 $0x1082;
	s9 =	sld [smem:$0x3FA6]  }
0x2f: {  	lr =	sadd.s32 s0, s3;
	s0 =	sld [smem:$0x3F9D]  }
0x30: {  	s3 =	sld [smem:$0x3FA0]  }
0x31: {  	[smem:$0x3FA9] =	sst s10  }
0x32: {  	s10 =	sld [smem:$0x3FA7];
	_ =	sdelay $0x3  }
0x33: {  	p0 =	seq.s32 s10, $0x1;
	s10 =	sld [smem:$0x3FA9];
	_ =	sdelay $0x3  }
0x34: {  	[smem:$0x3FA9] =	sst s10  }
0x35: {  	s10 =	sld [smem:$0x3FA8];
	_ =	sdelay $0x3  }
0x36: {  	p1 =	seq.s32 s10, $0x1;
	s10 =	sld [smem:$0x3FA9];
	_ =	sdelay $0x3  }
0x37: {  	[smem:$0x3FA9] =	sst s10  }
0x38: {  	s10 =	sld [smem:$0x3FAA]  }
0x39: {  	_ = 	snop;
	(pc) =	sbr.ind lr, $3  }
0x3a: {  	_ = 	snop  }
0x3b: {  	_ = 	snop  }
0x3c: {  	p2 =	seq.s32 s10, $0x1;
	s10 =	sld [smem:$0x3FA9]  }
0x3d: {  	_ =	shalt  }
0x3e: {  	_ =	shalt  }
0x3f: {  	_ =	shalt  }
0x40: {  	_ =	shalt  }
0x41: {  	_ =	shalt  }
0x42: {  	_ =	shalt  }
0x43: {  	_ =	shalt  }
0x44: {  	_ =	shalt  }
0x45: {  	_ =	shalt  }
0x46: {  	_ =	shalt  }
0x47: {  	_ =	shalt  }
0x48: {  	_ =	shalt  }
0x49: {  	_ =	shalt  }
0x4a: {  	_ =	shalt  }
0x4b: {  	_ =	shalt  }
0x4c: {  	_ =	shalt  }
0x4d: {  	_ =	shalt  }
0x4e: {  	_ =	shalt  }
0x4f: {  	_ =	shalt  }
0x50: {  	_ =	shalt  }
0x51: {  	_ =	shalt  }
0x52: {  	_ =	shalt  }
0x53: {  	_ =	shalt  }
0x54: {  	_ =	shalt  }
0x55: {  	_ =	shalt  }
0x56: {  	_ =	shalt  }
0x57: {  	_ =	shalt  }
0x58: {  	_ =	shalt  }
0x59: {  	_ =	shalt  }
0x5a: {  	_ =	shalt  }
0x5b: {  	_ =	shalt  }
0x5c: {  	_ =	shalt  }
0x5d: {  	_ =	shalt  }
0x5e: {  	_ =	shalt  }
0x5f: {  	_ =	shalt  }
0x60: {  	_ =	shalt  }
0x61: {  	_ =	shalt  }
0x62: {  	_ =	shalt  }
0x63: {  	_ =	shalt  }
0x64: {  	_ =	shalt  }
0x65: {  	_ =	shalt  }
0x66: {  	_ =	shalt  }
0x67: {  	_ =	shalt  }
0x68: {  	_ =	shalt  }
0x69: {  	_ =	shalt  }
0x6a: {  	_ =	shalt  }
0x6b: {  	_ =	shalt  }
0x6c: {  	_ =	shalt  }
0x6d: {  	_ =	shalt  }
0x6e: {  	_ =	shalt  }
0x6f: {  	_ =	shalt  }
0x70: {  	_ =	shalt  }
0x71: {  	_ =	shalt  }
0x72: {  	_ =	shalt  }
0x73: {  	_ =	shalt  }
0x74: {  	_ =	shalt  }
0x75: {  	_ =	shalt  }
0x76: {  	_ =	shalt  }
0x77: {  	_ =	shalt  }
0x78: {  	_ =	shalt  }
0x79: {  	_ =	shalt  }
0x7a: {  	_ =	shalt  }
0x7b: {  	_ =	shalt  }
0x7c: {  	_ =	shalt  }
0x7d: {  	_ =	shalt  }
0x7e: {  	_ =	shalt  }
0x7f: {  	_ =	shalt  }
0x80: {  	_ =	shalt  }
0x81: {  	_ =	shalt  }
0x82: {  	_ =	shalt  }
0x83: {  	_ =	shalt  }
0x84: {  	_ =	shalt  }
0x85: {  	_ =	shalt  }
0x86: {  	_ =	shalt  }
0x87: {  	_ =	shalt  }
.Lfunc_end0:
.L_simem_size_0:
called_computation.6_lowered:
.L_overlay_start_0:
0x88: {  	s2 =	sld [smem:$0x3FD9]  }
0x89: {  	s3 =	sld [smem:$0x3FFE];
	_ =	sdelay $0x1  }
0x8a: {  	s1 =	srdreg.scid  }
0x8b: {  	s0 =	sand.u32 $0x1, s1  }
0x8c: {  	s16 =	sshll.u32 s0, $0xA;
	s2 =	sadd.s32 s3, s2  }
0x8d: {  	s2 =	sadd.s32 s2, s16  }
0x8e: {  	[smem:$0x3FB5] =	sst s2  }
0x8f: {  	_ = 	snop  }
0x90: {  	(tm) =	ssettm $0x1  }
0x91: {  	s17 =	sld [smem:$0x3FFB];
	_ =	sdelay $0x3  }
0x92: {  	_ =	strace s17  }
0x93: {  	s2 =	sld [smem:$0x3FFC];
	_ =	sdelay $0x3  }
0x94: {  	_ =	strace s2  }
0x95: {  	s2 =	sld [smem:$0x3FFD];
	_ =	sdelay $0x3  }
0x96: {  	_ =	strace s2  }
0x97: {  	_ =	strace $0x8FFFFFFF  }
0x98: {  	s18 =	sld [smem:$0x3FDB];
	_ =	sdelay $0x1  }
0x99: {  	s19 =	simm.s32 $_scs_section_size  }
0x9a: {  	s4 =	simm.s32 $_size__tile_overlayer_lowered;
	s5 =	simm.s32 $_tile_overlayer_lowered  }
0x9b: {  	s22 =	simm.s32 $0x1BFF;
	s21 =	sshll.u32 s5, $0x1;
	s2 =	sadd.s32 s19, s18  }
0x9c: {  	s6 =	simm.s32 $0x0;
	s20 =	sshll.u32 s4, $0x1;
	s4 =	sadd.s32 s21, s2  }
0x9d: {  	[timem:s6], [sflag:s22] =	dma.local [hbm:s4], s20  }
0x9e: {  	_ =	swait.ge [sflag:s22], s20  }
0x9f: {  	s3 =	ssub.s32 $0x0, s20;
	[sflag:s22] =	ssyncset.done $0x0  }
0xa0: {  	[sflag:s22] =	ssyncadd.s32 s3;
	_ =	sdelay $0x1  }
0xa1: {  	s23 =	simm.s32 $0x1B8B  }
0xa2: {  	_ =	swait.ge [sflag:s23], $0x1  }
0xa3: {  	[sflag:s23] =	ssyncset.done $0x0  }
0xa4: {  	s25 =	simm.s32 $0x1B8E;
	s24 =	sld [smem:$0x3FFE];
	[sflag:s23] =	ssyncadd.s32 $0xFFFFFFFF  }
0xa5: {  	s26 =	simm.s32 $execute0_lowered;
	[smem:$0x3FD2] =	sst s25  }
0xa6: {  	s4 =	sshll.u32 s26, $0x1;
	_ =	strace $0x80000055;
	[dreg:$0x1] =	wrdreg $0xFFFFFFFF  }
0xa7: {  	s28 =	simm.s32 $_size_execute0_lowered;
	s2 =	sadd.s32 s2, s4;
	[dreg:$0x0] =	wrdreg $0x0  }
0xa8: {  	s4 =	sshll.u32 s28, $0x1;
	[dreg:$0x2] =	wrdreg s2  }
0xa9: {  	[dreg:$0x3] =	wrdreg s4  }
0xaa: {  	[dreg:$0x4] =	wrdreg $0xC0  }
0xab: {  	_ =	task [dreg:s6], $0x5FFFF  }
0xac: {  	[dreg:$0x1] =	wrdreg $0xFFFFFFFF  }
0xad: {  	[dreg:$0x0] =	wrdreg $0x60  }
0xae: {  	[dreg:$0x2] =	wrdreg s24  }
0xaf: {  	[dreg:$0x3] =	wrdreg $0x129000  }
0xb0: {  	[dreg:$0x4] =	wrdreg $0xA  }
0xb1: {  	_ =	task.clear_ibuf [dreg:s6], $0x5FFFF;
	_ =	strace $0x90000055  }
0xb2: {  	s29 =	simm.s32 $0xA;
	_ =	strace $0x80000057  }
0xb3: {  	_ =	swait.ge [sflag:s29], $0x1  }
0xb4: {  	[sflag:s29] =	ssyncadd.s32 $0xFFFFFFFF  }
0xb5: {  	_ =	strace $0x90000057  }
0xb6: {  	_ =	sfence  }
0xb7: {  	s30 =	sld [smem:$0x0];
	_ =	sdelay $0x2  }
0xb8: {  	s31 =	sshll.u32 s1, $0xD;
	s1 =	sshrl.u32 s1, $0x2  }
0xb9: {  	s3 =	sand.u32 $0x4000, s31;
	s1 =	sadd.s32 s1, s30  }
0xba: {  	s0 =	sor.u32 s3, s0;
	s1 =	sshll.u32 s1, $0x11  }
0xbb: {  	s0 =	sor.u32 s1, s0  }
0xbc: {  	s0 =	sadd.s32 $0x8F2B, s0  }
0xbd: {  	[sflag:s0] =	ssyncadd.remote.s32 $0x1  }
0xbe: {  	_ =	sfence.sel $0xFFFF  }
0xbf: {  	[dreg:$0x0] =	wrdreg $0xFFFFFFFF;
	(pc) =	sbr.abs _section_cstart, $3  }
0xc0: {  	[dreg:$0x1] =	wrdreg $0xFFFFFFFF  }
0xc1: {  	_ =	task.clear_ibuf [dreg:s6], $0x2FFFF;
	_ =	strace $0x9FFFFFFF  }
0xc2: {  	(tm) =	ssettm $0x7FFFFFFF  }
0xc3: {  	_ =	shalt  }
tec
execute0_lowered:
.L_overlay_start_1:
0x0: {  	(tag) =	ssettag $0x1  }
0x1: {  	s0 =	rddreg [dreg:$0x0]  }
0x2: {  	s1 =	rddreg [dreg:$0x1];
	s3 =	simm.s32 $0x0  }
0x3: {  	s2 =	srdreg.scid;
	s14 =	stileid.u32;
	s19 =	simm.s32 $0x5  }
0x4: {  	s20 =	simm.s32 $0x1080;
	s21 =	simm.s32 $0x840;
	s28 =	simm.s32 $0x2  }
0x5: {  	s29 =	simm.s32 $0x4;
	s30 =	simm.s32 $0x0;
	[smem:$0x7FF] =	sst s3  }
0x6: {  	s2 =	sand.u32 $0x1, s2;
	s7 =	smul.u32 $0xC380, s14;
	s5 =	sadd.s32 $0x2CCC00, s0  }
0x7: {  	s4 =	sadd.s32 $0x7F9000, s0;
	s6 =	sadd.s32 $0x2B4000, s0;
	s9 =	sadd.s32 $0x426400, s0  }
0x8: {  	s23 =	sshll.u32 s14, $0x6;
	_ =	strace $0x80000056;
	s8 =	smul.u32 $0xC3800, s2  }
0x9: {  	[dreg:$0x3] =	wrdreg s9;
	s22 =	sshll.u32 s2, $0x4;
	s10 =	ssub.s32 $0x2, s2  }
0xa: {  	s2 =	smul.u32 $0x63000, s2;
	s9 =	sor.u32 s14, s22;
	s11 =	sshrl.u32 s10, $0x1  }
0xb: {  	s14 =	smul.u32 $0x6300, s14;
	s22 =	simm.s32 $0x2100;
	s8 =	sadd.s32 s7, s8  }
0xc: {  	s9 =	smul.u32 $0x6300, s9;
	s12 =	ssub.s32 s10, s11;
	s7 =	sadd.s32 s7, s1  }
0xd: {  	s8 =	sshrl.u32 s8, $0x3;
	s25 =	sadd.s32 s14, s2;
	s12 =	smax.u32 s12, $0x1  }
0xe: {  	s18 =	sshrl.u32 s7, $0x3;
	s0 =	sadd.s32 s8, s0;
	s13 =	sshrl.u32 s9, $0x3  }
0xf: {  	s8 =	sor.u32 $0x1C05, s23;
	s15 =	sadd.s32 $0x840, s25;
	s23 =	simm.s32 $0x18C0  }
0x10: {  	s9 =	sadd.s32 s5, s13;
	s24 =	sadd.s32 s6, s13;
	s11 =	sadd.s32 $0x811800, s0  }
0x11: {  	s26 =	sadd.s32 $0xB58, s13;
	s31 =	sshrl.u32 s15, $0x3;
	[dreg:$0x4] =	wrdreg s9  }
0x12: {  	s15 =	sadd.s32 $0x1080, s25;
	s25 =	simm.s32 $0xA500;
	[dreg:$0x5] =	wrdreg s24  }
0x13: {  	s13 =	sadd.s32 s5, s26;
	s14 =	sadd.s32 s6, s26;
	s16 =	sadd.s32 s31, s6  }
0x14: {  	s17 =	sadd.s32 s31, s5;
	s24 =	simm.s32 $0x1;
	s26 =	simm.s32 $0x3  }
.LBB2_1:
0x15: {  	s0 =	rddreg [dreg:$0x3]  }
0x16: {  	[spmem:s18], [sflag:s8] =	dma.local [hbm:s0], $0x1870  }
0x17: {  	_ =	swait.ge [sflag:s19], $0x1870  }
0x18: {  	[sflag:s19] =	ssyncset.done $0x0  }
0x19: {  	[sflag:s19] =	ssyncadd.s32 $0xFFFFE790  }
0x1a: {  	[bflag:$0x0] =	sbarrier.arrive $0xFFFF  }
0x1b: {  	s10 =	rddreg [dreg:$0x4]  }
0x1c: {  	[tilespmem:s3], [sflag:$0x5] =	stream.linear.gather [hbm4b:s10+s3], $0x840, $0x38;
	[tilespmem:$0x1EC80] =	vst v63  }
0x1d: {  	_ =	swait.ge [sflag:s19], $0x840  }
0x1e: {  	[sflag:s19] =	ssyncset.done $0x0  }
0x1f: {  	s2 =	rddreg [dreg:$0x5];
	[sflag:s19] =	ssyncadd.s32 $0xFFFFF7C0  }
0x20: {  	[tilespmem:s20], [sflag:$0x5] =	stream.linear.gather [hbm4b:s2+s3], $0x840, $0x38;
	[tilespmem:$0x1EC80] =	vst v63  }
0x21: {  	_ =	swait.ge [sflag:s19], $0x840  }
0x22: {  	[sflag:s19] =	ssyncset.done $0x0  }
0x23: {  	[sflag:s19] =	ssyncadd.s32 $0xFFFFF7C0  }
0x24: {  	[tilespmem:s22], [sflag:$0x1] =	stream.indirect.gather [hbm4b:s4+s21], $0x10, s3, s21, $0xb8;
	[tilespmem:$0x1EC80] =	vst v63  }
0x25: {  	s7 =	sadd.s32 $0x0, s17  }
0x26: {  	[tilespmem:s21], [sflag:$0x5] =	stream.linear.gather [hbm4b:s7+s3], $0x840, $0x38;
	[tilespmem:$0x1EC80] =	vst v63  }
0x27: {  	_ =	swait.ge [sflag:s19], $0x840  }
0x28: {  	[sflag:s19] =	ssyncset.done $0x0  }
0x29: {  	s9 =	sadd.s32 $0x0, s16;
	[sflag:s19] =	ssyncadd.s32 $0xFFFFF7C0  }
0x2a: {  	[tilespmem:s23], [sflag:$0x5] =	stream.linear.gather [hbm4b:s9+s3], $0x840, $0x38;
	[tilespmem:$0x1EC80] =	vst v63  }
0x2b: {  	_ =	swait.ge [sflag:s19], $0x840  }
0x2c: {  	[sflag:s19] =	ssyncset.done $0x0  }
0x2d: {  	[sflag:s19] =	ssyncadd.s32 $0xFFFFF7C0  }
0x2e: {  	_ =	swait.ge [sflag:s24], $0x8400  }
0x2f: {  	[sflag:s24] =	ssyncset.done $0x0  }
0x30: {  	[sflag:s24] =	ssyncadd.s32 $0xFFFF7C00  }
0x31: {  	[tilespmem:s25], [sflag:$0x2] =	stream.indirect.gather [hbm4b:s4+s21], $0x10, s21, s21, $0xb8;
	[tilespmem:$0x1EC80] =	vst v63  }
0x32: {  	_ = 	snop  }
0x33: {  	[spmem:s1] =	stream.indirect.scatter.add.f32 [tilespmem:s22], [sflag:$0x3], $0x10, s20, s21, $0xb8;
	[tilespmem:$0x1EC80] =	vst v63  }
0x34: {  	_ =	swait.ge [sflag:s26], $0x8400  }
0x35: {  	s10 =	sshrl.u32 s15, $0x3;
	[sflag:s26] =	ssyncset.done $0x0  }
0x36: {  	s2 =	sadd.s32 s5, s10;
	[sflag:s26] =	ssyncadd.s32 $0xFFFF7C00  }
0x37: {  	[tilespmem:s3], [sflag:$0x5] =	stream.linear.gather [hbm4b:s2+s3], $0x840, $0x38;
	[tilespmem:$0x1EC80] =	vst v63  }
0x38: {  	_ =	swait.ge [sflag:s19], $0x840  }
0x39: {  	[sflag:s19] =	ssyncset.done $0x0  }
0x3a: {  	s0 =	sadd.s32 s6, s10;
	[sflag:s19] =	ssyncadd.s32 $0xFFFFF7C0  }
0x3b: {  	[tilespmem:s20], [sflag:$0x5] =	stream.linear.gather [hbm4b:s0+s3], $0x840, $0x38;
	[tilespmem:$0x1EC80] =	vst v63  }
0x3c: {  	_ =	swait.ge [sflag:s19], $0x840  }
0x3d: {  	[sflag:s19] =	ssyncset.done $0x0  }
0x3e: {  	[sflag:s19] =	ssyncadd.s32 $0xFFFFF7C0  }
0x3f: {  	[tilespmem:s22], [sflag:$0x1] =	stream.indirect.gather [hbm4b:s4+s21], $0x10, s3, s21, $0xb8;
	[tilespmem:$0x1EC80] =	vst v63  }
0x40: {  	_ =	swait.ge [sflag:s28], $0x8400  }
0x41: {  	[sflag:s28] =	ssyncset.done $0x0  }
0x42: {  	[sflag:s28] =	ssyncadd.s32 $0xFFFF7C00  }
0x43: {  	[spmem:s1] =	stream.indirect.scatter.add.f32 [tilespmem:s25], [sflag:$0x4], $0x10, s23, s21, $0xb8;
	[tilespmem:$0x1EC80] =	vst v63  }
0x44: {  	s31 =	sadd.s32 $0x1080, s15;
	_ =	swait.ge [sflag:s29], $0x8400  }
0x45: {  	s2 =	simm.s32 $0x420;
	s0 =	simm.s32 $0x210;
	[sflag:s29] =	ssyncset.done $0x0  }
.LBB2_2:
0x46: {  	s9 =	sadd.s32 s0, s17  }
0x47: {  	[sflag:s29] =	ssyncadd.s32 $0xFFFF7C00;
	s10 =	smov.u32 s2;
	s7 =	sadd.s32 $0x210, s2  }
0x48: {  	[tilespmem:s21], [sflag:$0x5] =	stream.linear.gather [hbm4b:s9+s3], $0x840, $0x38;
	[tilespmem:$0x1EC80] =	vst v63  }
0x49: {  	p0 =	sne.s32 s2, $0x840;
	_ =	swait.ge [sflag:s19], $0x840  }
0x4a: {  	[sflag:s19] =	ssyncset.done $0x0  }
0x4b: {  	s2 =	sadd.s32 s0, s16;
	s0 =	smov.u32 s10;
	[sflag:s19] =	ssyncadd.s32 $0xFFFFF7C0  }
0x4c: {  	[tilespmem:s23], [sflag:$0x5] =	stream.linear.gather [hbm4b:s2+s3], $0x840, $0x38;
	[tilespmem:$0x1EC80] =	vst v63  }
0x4d: {  	_ =	swait.ge [sflag:s19], $0x840  }
0x4e: {  	[sflag:s19] =	ssyncset.done $0x0  }
0x4f: {  	[sflag:s19] =	ssyncadd.s32 $0xFFFFF7C0  }
0x50: {  	_ =	swait.ge [sflag:s24], $0x8400  }
0x51: {  	[sflag:s24] =	ssyncset.done $0x0  }
0x52: {  	[sflag:s24] =	ssyncadd.s32 $0xFFFF7C00  }
0x53: {  	[tilespmem:s25], [sflag:$0x2] =	stream.indirect.gather [hbm4b:s4+s21], $0x10, s21, s21, $0xb8;
	[tilespmem:$0x1EC80] =	vst v63  }
0x54: {  	_ = 	snop  }
0x55: {  	[spmem:s1] =	stream.indirect.scatter.add.f32 [tilespmem:s22], [sflag:$0x3], $0x10, s20, s21, $0xb8;
	[tilespmem:$0x1EC80] =	vst v63  }
0x56: {  	_ =	swait.ge [sflag:s26], $0x8400  }
0x57: {  	s2 =	sshrl.u32 s31, $0x3;
	[sflag:s26] =	ssyncset.done $0x0  }
0x58: {  	s9 =	sadd.s32 s5, s2;
	[sflag:s26] =	ssyncadd.s32 $0xFFFF7C00  }
0x59: {  	[tilespmem:s3], [sflag:$0x5] =	stream.linear.gather [hbm4b:s9+s3], $0x840, $0x38;
	[tilespmem:$0x1EC80] =	vst v63  }
0x5a: {  	_ =	swait.ge [sflag:s19], $0x840  }
0x5b: {  	[sflag:s19] =	ssyncset.done $0x0  }
0x5c: {  	s2 =	sadd.s32 s6, s2;
	[sflag:s19] =	ssyncadd.s32 $0xFFFFF7C0  }
0x5d: {  	[tilespmem:s20], [sflag:$0x5] =	stream.linear.gather [hbm4b:s2+s3], $0x840, $0x38;
	[tilespmem:$0x1EC80] =	vst v63  }
0x5e: {  	_ =	swait.ge [sflag:s19], $0x840  }
0x5f: {  	[sflag:s19] =	ssyncset.done $0x0  }
0x60: {  	[sflag:s19] =	ssyncadd.s32 $0xFFFFF7C0  }
0x61: {  	[tilespmem:s22], [sflag:$0x1] =	stream.indirect.gather [hbm4b:s4+s21], $0x10, s3, s21, $0xb8;
	[tilespmem:$0x1EC80] =	vst v63  }
0x62: {  	_ =	swait.ge [sflag:s28], $0x8400  }
.Ltmp0:
0x63: {  	[sflag:s28] =	ssyncset.done $0x0;
	(pc) =	sbr.rel @p0 .LBB2_2-.Ltmp0, $4  }
0x64: {  	[sflag:s28] =	ssyncadd.s32 $0xFFFF7C00  }
0x65: {  	[spmem:s1] =	stream.indirect.scatter.add.f32 [tilespmem:s25], [sflag:$0x4], $0x10, s23, s21, $0xb8;
	[tilespmem:$0x1EC80] =	vst v63  }
0x66: {  	_ =	swait.ge [sflag:s29], $0x8400  }
0x67: {  	s31 =	sadd.s32 $0x1080, s31;
	s2 =	smov.u32 s7;
	[sflag:s29] =	ssyncset.done $0x0  }
0x68: {  	s2 =	sadd.s32 s0, s17;
	[sflag:s29] =	ssyncadd.s32 $0xFFFF7C00  }
0x69: {  	[tilespmem:s21], [sflag:$0x5] =	stream.linear.gather [hbm4b:s2+s3], $0x840, $0x38;
	[tilespmem:$0x1EC80] =	vst v63  }
0x6a: {  	_ =	swait.ge [sflag:s19], $0x840  }
0x6b: {  	[sflag:s19] =	ssyncset.done $0x0  }
0x6c: {  	s9 =	sadd.s32 s0, s16;
	[sflag:s19] =	ssyncadd.s32 $0xFFFFF7C0  }
0x6d: {  	[tilespmem:s23], [sflag:$0x5] =	stream.linear.gather [hbm4b:s9+s3], $0x840, $0x38;
	[tilespmem:$0x1EC80] =	vst v63  }
0x6e: {  	_ =	swait.ge [sflag:s19], $0x840  }
0x6f: {  	[sflag:s19] =	ssyncset.done $0x0  }
0x70: {  	[sflag:s19] =	ssyncadd.s32 $0xFFFFF7C0  }
0x71: {  	_ =	swait.ge [sflag:s24], $0x8400  }
0x72: {  	[sflag:s24] =	ssyncset.done $0x0  }
0x73: {  	[sflag:s24] =	ssyncadd.s32 $0xFFFF7C00  }
0x74: {  	[tilespmem:s25], [sflag:$0x2] =	stream.indirect.gather [hbm4b:s4+s21], $0x10, s21, s21, $0xb8;
	[tilespmem:$0x1EC80] =	vst v63  }
0x75: {  	_ = 	snop  }
0x76: {  	[spmem:s1] =	stream.indirect.scatter.add.f32 [tilespmem:s22], [sflag:$0x3], $0x10, s20, s21, $0xb8;
	[tilespmem:$0x1EC80] =	vst v63  }
0x77: {  	_ =	swait.ge [sflag:s26], $0x8400  }
0x78: {  	s10 =	sshrl.u32 s31, $0x3;
	[sflag:s26] =	ssyncset.done $0x0  }
0x79: {  	s31 =	sadd.s32 s5, s10;
	[sflag:s26] =	ssyncadd.s32 $0xFFFF7C00  }
0x7a: {  	[tilespmem:s3], [sflag:$0x5] =	stream.linear.gather [hbm4b:s31+s3], $0x840, $0x38;
	[tilespmem:$0x1EC80] =	vst v63  }
0x7b: {  	_ =	swait.ge [sflag:s19], $0x840  }
0x7c: {  	[sflag:s19] =	ssyncset.done $0x0  }
0x7d: {  	s0 =	sadd.s32 s6, s10;
	[sflag:s19] =	ssyncadd.s32 $0xFFFFF7C0  }
0x7e: {  	[tilespmem:s20], [sflag:$0x5] =	stream.linear.gather [hbm4b:s0+s3], $0x840, $0x38;
	[tilespmem:$0x1EC80] =	vst v63  }
0x7f: {  	_ =	swait.ge [sflag:s19], $0x840  }
0x80: {  	[sflag:s19] =	ssyncset.done $0x0  }
0x81: {  	[sflag:s19] =	ssyncadd.s32 $0xFFFFF7C0  }
0x82: {  	[tilespmem:s22], [sflag:$0x1] =	stream.indirect.gather [hbm4b:s4+s21], $0x10, s3, s21, $0xb8;
	[tilespmem:$0x1EC80] =	vst v63  }
0x83: {  	_ =	swait.ge [sflag:s28], $0x8400  }
0x84: {  	[sflag:s28] =	ssyncset.done $0x0  }
0x85: {  	[sflag:s28] =	ssyncadd.s32 $0xFFFF7C00  }
0x86: {  	[spmem:s1] =	stream.indirect.scatter.add.f32 [tilespmem:s25], [sflag:$0x4], $0x10, s23, s21, $0xb8;
	[tilespmem:$0x1EC80] =	vst v63  }
0x87: {  	_ =	swait.ge [sflag:s29], $0x8400  }
0x88: {  	[sflag:s29] =	ssyncset.done $0x0  }
0x89: {  	[sflag:s29] =	ssyncadd.s32 $0xFFFF7C00  }
0x8a: {  	[tilespmem:s21], [sflag:$0x5] =	stream.linear.gather [hbm4b:s13+s3], $0x840, $0x38;
	[tilespmem:$0x1EC80] =	vst v63  }
0x8b: {  	_ =	swait.ge [sflag:s19], $0x840  }
0x8c: {  	[sflag:s19] =	ssyncset.done $0x0  }
0x8d: {  	[sflag:s19] =	ssyncadd.s32 $0xFFFFF7C0  }
0x8e: {  	[tilespmem:s23], [sflag:$0x5] =	stream.linear.gather [hbm4b:s14+s3], $0x840, $0x38;
	[tilespmem:$0x1EC80] =	vst v63  }
0x8f: {  	_ =	swait.ge [sflag:s19], $0x840  }
0x90: {  	[sflag:s19] =	ssyncset.done $0x0  }
0x91: {  	[sflag:s19] =	ssyncadd.s32 $0xFFFFF7C0  }
0x92: {  	_ =	swait.ge [sflag:s24], $0x8400  }
0x93: {  	[sflag:s24] =	ssyncset.done $0x0  }
0x94: {  	[sflag:s24] =	ssyncadd.s32 $0xFFFF7C00  }
0x95: {  	[tilespmem:s25], [sflag:$0x2] =	stream.indirect.gather [hbm4b:s4+s21], $0x10, s21, s21, $0xb8;
	[tilespmem:$0x1EC80] =	vst v63  }
0x96: {  	_ = 	snop  }
0x97: {  	[spmem:s1] =	stream.indirect.scatter.add.f32 [tilespmem:s22], [sflag:$0x3], $0x10, s20, s21, $0xb8;
	[tilespmem:$0x1EC80] =	vst v63  }
0x98: {  	_ =	swait.ge [sflag:s26], $0x8400  }
0x99: {  	[sflag:s26] =	ssyncset.done $0x0  }
0x9a: {  	[sflag:s26] =	ssyncadd.s32 $0xFFFF7C00  }
0x9b: {  	_ =	swait.ge [sflag:s28], $0x8400  }
0x9c: {  	[sflag:s28] =	ssyncset.done $0x0  }
0x9d: {  	[sflag:s28] =	ssyncadd.s32 $0xFFFF7C00  }
0x9e: {  	[spmem:s1] =	stream.indirect.scatter.add.f32 [tilespmem:s25], [sflag:$0x4], $0x10, s23, s21, $0xb8;
	[tilespmem:$0x1EC80] =	vst v63  }
0x9f: {  	_ =	swait.ge [sflag:s29], $0x8400  }
0xa0: {  	s30 =	sadd.s32 $0x1, s30;
	[sflag:s29] =	ssyncset.done $0x0  }
0xa1: {  	p0 =	sne.s32 s30, s12;
	[sflag:s29] =	ssyncadd.s32 $0xFFFF7C00  }
.Ltmp1:
0xa2: {  	[bflag:$0x0] =	sbarrier.arrive $0xFFFF;
	(pc) =	sbr.rel @p0 .LBB2_1-.Ltmp1, $4  }
0xa3: {  	[hbm:s11], [sflag:s8] =	dma.local [spmem:s18], $0x1870  }
0xa4: {  	_ =	swait.ge [sflag:s19], $0x1870  }
0xa5: {  	[sflag:s19] =	ssyncset.done $0x0  }
0xa6: {  	[sflag:s19] =	ssyncadd.s32 $0xFFFFE790  }
0xa7: {  	_ =	sfence.sel $0x180000  }
0xa8: {  	[bflag:$0x0] =	sbarrier.arrive $0xFFFF  }
0xa9: {  	_ =	strace $0x90000056  }
0xaa: {  	s0 =	stileid.u32;
	[bflag:$0x2] =	sbarrier.arrive $0xFFFF  }
0xab: {  	p0 =	sne.s32 s0, $0x0;
	s0 =	rddreg [dreg:$0x2]  }
0xac: {  	s0 =	sadd.s32 @!p0 $0x100000, s0  }
0xad: {  	[sflag:s0] =	ssyncadd.tile.s32 @!p0 $0x1;
	_ =	shalt  }
.Lfunc_end2:
_tile_overlayer_lowered:
.L_overlay_start_2:
0xae: {  	(tag) =	ssettag $0x2  }
0xaf: {  	s0 =	rddreg [dreg:$0x0];
	s2 =	stileid.u32  }
0xb0: {  	s1 =	rddreg [dreg:$0x1];
	p0 =	sne.s32 s2, $0x0  }
0xb1: {  	s3 =	rddreg [dreg:$0x2];
	[bflag:$0x3] =	sbarrier.arrive $0xFFFF;
	s2 =	simm.s32 @!p0 $0x1C05  }
0xb2: {  	[timem:s3], [sflag:s2] =	dma.local @!p0 [hbm:s0], s1  }
0xb3: {  	s0 =	simm.s32 @!p0 $0x5  }
0xb4: {  	_ =	swait.ge @!p0 [sflag:s0], s1  }
0xb5: {  	s1 =	ssub.s32 @!p0 $0x0, s1;
	[sflag:s0] =	ssyncset.done @!p0 $0x0  }
0xb6: {  	[sflag:s0] =	ssyncadd.s32 @!p0 s1  }
0xb7: {  	[bflag:$0x3] =	sbarrier.arrive $0xFFFF  }
0xb8: {  	_ =	shalt  }

</sc_bundles>
